<compile_context>
chip_gen: v7x
topology: tpu7x:2x2x1
jax: 0.10.2.dev20260603
libtpu: 0.0.44.dev20260713+nightly
codegen_flags: <defaults>
</compile_context>

<pallas_src>
import functools

import jax
import jax.numpy as jnp
from jax import lax
from jax.experimental import pallas as pl
from jax.experimental.pallas import tpu as pltpu
from jax.experimental.pallas import tpu_sc as plsc

NC = 2
NS = 16
NW = NC * NS
L = 16
CE = 16384
NBUF = 4
BIG = 1 << 30


def _round_up(x, m):
    return (x + m - 1) // m * m


@functools.partial(jax.jit, static_argnums=(4, 5, 6))
def _gather_sc(p0_br, p1, idx0, idx1, pw0, n1p, n0):
    B0 = p0_br.shape[0]
    B1 = p1.shape[0]
    last0 = n0 - (NW - 1) * pw0
    nchunk = p0_br.shape[1]
    ncol = p0_br.shape[3]
    ngrp = pw0 // L
    mesh = plsc.VectorSubcoreMesh(core_axis_name="c", subcore_axis_name="s")

    @functools.partial(
        pl.kernel,
        mesh=mesh,
        out_type=[
            jax.ShapeDtypeStruct((B0, NW * pw0), jnp.float32),
            jax.ShapeDtypeStruct((B1, n1p), jnp.float32),
        ],
        scratch_types=[
            pltpu.VMEM((pw0 + 144,), jnp.int32),
            pltpu.VMEM((NBUF * 8, ncol), jnp.float32),
            pltpu.VMEM((pw0,), jnp.float32),
            pltpu.VMEM((pw0,), jnp.float32),
            pltpu.VMEM((nchunk,), jnp.int32),
            pltpu.VMEM((nchunk,), jnp.int32),
            pltpu.VMEM((B1, ncol), jnp.float32),
            pltpu.VMEM((n1p,), jnp.int32),
            pltpu.VMEM((n1p,), jnp.float32),
            pltpu.SemaphoreType.DMA,
            pltpu.SemaphoreType.DMA,
        ],
        compiler_params=pltpu.CompilerParams(
            use_tc_tiling_on_sc=True, needs_layout_passes=False),
    )
    def body(p0, p1r, i0, i1, out0, out1, idx_v, ring_v, pack0, pack1,
             gfirst_v, glast_v, p1_v, idx1_v, vals1_v, gsem, ssem):
        wid = lax.axis_index("c") * NS + lax.axis_index("s")
        base = wid * pw0
        iota = lax.iota(jnp.int32, L)
        idx_v[pl.ds(112, L)] = jnp.full((L,), -1, jnp.int32)

        def sread(ref, i):
            return jnp.max(plsc.load_gather(
                ref, [jnp.full((L,), i, jnp.int32)]))

        @pl.when(wid < NW - 1)
        def _stage_full():
            pltpu.sync_copy(i0.at[pl.ds(base, pw0)], idx_v.at[pl.ds(128, pw0)])

        @pl.when(wid == NW - 1)
        def _stage_tail():
            last0r = _round_up(last0, 128)
            pltpu.sync_copy(i0.at[pl.ds(base, last0r)],
                            idx_v.at[pl.ds(128, last0r)])
            lastv = sread(idx_v, 128 + last0 - 1)
            fillv = jnp.full((L,), 0, jnp.int32) + lastv

            def fill(t, _):
                idx_v[pl.ds(128 + last0 + t * L, L)] = fillv
                return 0

            lax.fori_loop(0, (pw0 - last0 + L - 1) // L, fill, 0)

        def init_tab(t, _):
            gfirst_v[pl.ds(t * L, L)] = jnp.full((L,), BIG, jnp.int32)
            glast_v[pl.ds(t * L, L)] = jnp.full((L,), -1, jnp.int32)
            return 0

        lax.fori_loop(0, nchunk // L, init_tab, 0)

        def scan_groups(s, _):
            v = idx_v[pl.ds(128 + s * L, L)]
            pv = idx_v[pl.ds(127 + s * L, L)]
            c = v >> 14
            newc = c != (pv >> 14)
            ingrp = newc | (iota == 0)
            plsc.store_scatter(gfirst_v, [c], jnp.full((L,), s, jnp.int32),
                               mask=newc)
            plsc.store_scatter(glast_v, [c], jnp.full((L,), s, jnp.int32),
                               mask=ingrp)
            return 0

        lax.fori_loop(0, ngrp, scan_groups, 0)

        c_lo = sread(idx_v, 128) >> 14
        c_hi = sread(idx_v, 128 + pw0 - 1) >> 14
        nblk = c_hi - c_lo + 1

        packs = (pack0, pack1)

        def store_out(b_, pack, wait):
            cp = pltpu.make_async_copy(
                pack, out0.at[b_].at[pl.ds(base, pw0)], ssem)
            cp.wait() if wait else cp.start()

        def fire(k):
            c = c_lo + k
            slot = (c & jnp.int32(NBUF - 1)) * 8
            pltpu.async_copy(
                p0.at[cur_b].at[c],
                ring_v.at[pl.ds(slot, 8)], gsem)

        def drain(k):
            c = c_lo + k
            slot = (c & jnp.int32(NBUF - 1)) * 8
            pltpu.make_async_copy(
                p0.at[cur_b].at[c],
                ring_v.at[pl.ds(slot, 8)], gsem).wait()

        for b in range(B0):
            cur_b = b
            pack_v = packs[b & 1]
            fire(0)

            @pl.when(nblk > 1)
            def _pro():
                fire(1)

            @pl.when(nblk > 2)
            def _pro2():
                fire(2)

            if b >= 2:
                store_out(b - 2, pack_v, wait=True)

            def step(k, _):
                @pl.when(k + 3 < nblk)
                def _():
                    fire(k + 3)
                c = c_lo + k
                glo = sread(gfirst_v, c)
                ghi = sread(glast_v, c)
                glo = jnp.minimum(glo, ghi + 1)
                drain(k)

                def addrs(v):
                    return [(v >> 11) & jnp.int32(NBUF * 8 - 1),
                            v & jnp.int32(ncol - 1)]

                def masked_expand(g):
                    v = idx_v[pl.ds(128 + g * L, L)]
                    m = (v >> 14) == c
                    vals = plsc.load_gather(ring_v, addrs(v), mask=m)
                    prev = pack_v[pl.ds(g * L, L)]
                    pack_v[pl.ds(g * L, L)] = jnp.where(m, vals, prev)

                masked_expand(glo)

                @pl.when(ghi > glo)
                def _():
                    masked_expand(ghi)

                def fast_expand(g, _):
                    v = idx_v[pl.ds(128 + g * L, L)]
                    pack_v[pl.ds(g * L, L)] = plsc.load_gather(
                        ring_v, addrs(v))
                    return 0

                lax.fori_loop(glo + 1, jnp.maximum(ghi, glo + 1),
                              fast_expand, 0)
                return 0

            lax.fori_loop(0, nblk, step, 0)
            store_out(b, pack_v, wait=False)

        store_out(B0 - 2, packs[(B0 - 2) & 1], wait=True)
        store_out(B0 - 1, packs[(B0 - 1) & 1], wait=True)

        @pl.when(wid < B1)
        def _small():
            pltpu.sync_copy(i1.at[pl.ds(0, n1p)], idx1_v)
            pltpu.sync_copy(p1r, p1_v)

            def small_g(t, _):
                j = idx1_v[pl.ds(t * L, L)]
                vals1_v[pl.ds(t * L, L)] = plsc.load_gather(
                    p1_v, [jnp.full((L,), wid, jnp.int32), j])
                return 0

            lax.fori_loop(0, n1p // L, small_g, 0)
            pltpu.sync_copy(vals1_v, out1.at[wid])

    return body(p0_br, p1, idx0, idx1)


def kernel(params_0, params_1, idx_0, idx_1):
    B0 = params_0.shape[0]
    n0 = idx_0.shape[0]
    n1 = idx_1.shape[0]
    pw0 = _round_up(_round_up(n0, NW) // NW, 128)
    n1p = _round_up(n1, 128)

    p0_br = params_0.reshape(B0, 256, 8, 2048)
    idx0p = jnp.zeros((_round_up(n0, 128),), jnp.int32).at[:n0].set(
        idx_0.astype(jnp.int32))
    idx1p = jnp.zeros((n1p,), jnp.int32).at[:n1].set(idx_1.astype(jnp.int32))
    out0p, out1p = _gather_sc(p0_br, params_1, idx0p, idx1p, pw0, n1p, n0)
    return (out0p[:, :n0], out1p[:, :n1])

# --- scband reference (transcript-rebuilt; emitter-appended) ---
"""Pipeline reference for scband-gradient-selector-14302241095964 (READ-ONLY COPY).

The authoritative reference and input builder live on the scoring server;
editing this copy changes nothing except your own understanding.
"""

import jax, jax.numpy as jnp
import numpy as np


def _make_indices(shape, prob, seed):
    # Faithful to torch init: r = rand_like(p); k = int(prob * numel);
    # mask = r <= kth-smallest(r); indices of selected (flattened) entries.
    rng = np.random.default_rng(seed)
    n = int(np.prod(shape))
    r = rng.random(n)
    k = int(prob * n)
    thresh = np.partition(r, k - 1)[k - 1]
    mask = r <= thresh
    return np.nonzero(mask)[0].astype(np.int64)


def setup_inputs(seed: int = 0) -> dict:
    key = jax.random.key(seed)
    k0, k1 = jax.random.split(key)
    B = 8
    params_0 = jax.random.normal(k0, (B, 2048, 2048), dtype=jnp.float32)
    params_1 = jax.random.normal(k1, (B, 2048), dtype=jnp.float32)
    # buffers built in __init__ (indices_0, indices_1), stored as flat int indices
    idx_0 = jnp.asarray(_make_indices((2048, 2048), 0.1, 1))
    idx_1 = jnp.asarray(_make_indices((2048,), 0.1, 2))
    return {"params_0": params_0, "params_1": params_1, "idx_0": idx_0, "idx_1": idx_1}


def reference(params_0, params_1, idx_0, idx_1):
    # batched=True path: p[:, mask] for each (param, mask) pair.
    # Boolean advanced indexing over trailing dims == flatten trailing dims
    # then gather the flat indices where the mask is True.
    B0 = params_0.shape[0]
    out_0 = jnp.take(params_0.reshape(B0, -1), idx_0, axis=1)
    B1 = params_1.shape[0]
    out_1 = jnp.take(params_1.reshape(B1, -1), idx_1, axis=1)
    return (out_0, out_1)

if __name__ == "__main__":
    import jax
    _d = setup_inputs()
    print(jax.jit(kernel)(*tuple(_d.values())))

</pallas_src>

<mosaic_0001>
#map = affine_map<(d0, d1) -> (0, 0, 0, 0)>
#map1 = affine_map<(d0, d1) -> (0, 0)>
#map2 = affine_map<(d0, d1) -> (0)>
module attributes {stable_mosaic.version = 14 : i64} {
  func.func @body(%arg0: i32, %arg1: i32, %arg2: memref<8x256x8x2048xf32, #tpu.memory_space<hbm>>, %arg3: memref<8x2048xf32, #tpu.memory_space<hbm>>, %arg4: memref<419456xi32, #tpu.memory_space<hbm>>, %arg5: memref<256xi32, #tpu.memory_space<hbm>>, %arg6: memref<8x421888xf32, #tpu.memory_space<hbm>>, %arg7: memref<8x256xf32, #tpu.memory_space<hbm>>, %arg8: memref<13328xi32, #tpu.memory_space<vmem>>, %arg9: memref<32x2048xf32, #tpu.memory_space<vmem>>, %arg10: memref<13184xf32, #tpu.memory_space<vmem>>, %arg11: memref<13184xf32, #tpu.memory_space<vmem>>, %arg12: memref<256xi32, #tpu.memory_space<vmem>>, %arg13: memref<256xi32, #tpu.memory_space<vmem>>, %arg14: memref<8x2048xf32, #tpu.memory_space<vmem>>, %arg15: memref<256xi32, #tpu.memory_space<vmem>>, %arg16: memref<256xf32, #tpu.memory_space<vmem>>, %arg17: memref<!tpu.dma_semaphore, #tpu.memory_space<semaphore_mem>>, %arg18: memref<!tpu.dma_semaphore, #tpu.memory_space<semaphore_mem>>) attributes {dimension_semantics = [#tpu.dimension_semantics<core_parallel>, #tpu.dimension_semantics<subcore_parallel>], iteration_bounds = array<i64: 2, 16>, scalar_prefetch = 0 : i64, scratch_operands = 11 : i64, tpu.core_type = #tpu.core_type<sc_vector_subcore>, window_params = [{transform_indices = #map}, {transform_indices = #map1}, {transform_indices = #map2}, {transform_indices = #map2}, {transform_indices = #map1}, {transform_indices = #map1}]} {
    %mul3A = arith.constant 16 : i32
    %mul3A_0 = arith.muli %arg0, %mul3A : i32
    %add3A = arith.addi %mul3A_0, %arg1 : i32
    %mul3A_1 = arith.constant 13184 : i32
    %mul3A_2 = arith.muli %add3A, %mul3A_1 : i32
    %iota3A = tpu.iota {dimensions = array<i32: 0>} : vector<16xi32>
    %broadcast_in_dim3A = arith.constant -1 : i32
    %broadcast_in_dim3A_3 = vector.broadcast %broadcast_in_dim3A : i32 to vector<16xi32>
    %swap3A = arith.constant 112 : index
    %swap3A_4 = tpu.vector_load %arg8[%swap3A] {strides = array<i32>} : memref<13328xi32, #tpu.memory_space<vmem>>, vector<16xi32>,
    tpu.vector_store %arg8[%swap3A], %broadcast_in_dim3A_3 {strides = array<i32>} : memref<13328xi32, #tpu.memory_space<vmem>>, vector<16xi32>,
    %lt3A = arith.constant 31 : i32
    %lt3A_5 = arith.cmpi slt, %add3A, %lt3A : i32
    %convert_element_type3A = arith.extui %lt3A_5 : i1 to i32
    %cond3A = arith.constant 0 : i32
    %cond3A_6 = arith.cmpi ne, %convert_element_type3A, %cond3A : i32
    scf.if %cond3A_6 {
      "tpu.region"() ({
        %run_scoped3A = tpu.sem_alloc : memref<!tpu.dma_semaphore, #tpu.memory_space<semaphore_mem>>
        %dma_start3A_601 = arith.constant 128 : i32
        %dma_start3A_602 = tpu.memref_slice %arg8[%dma_start3A_601] : memref<13328xi32, #tpu.memory_space<vmem>> -> memref<13184xi32, #tpu.memory_space<vmem>>
        %dma_start3A_603 = tpu.memref_slice %arg4[%mul3A_2] : memref<419456xi32, #tpu.memory_space<hbm>> -> memref<13184xi32, #tpu.memory_space<hbm>>
        %dma_start3A_604 = arith.constant 128 : i32
        %dma_start3A_605 = tpu.memref_slice %arg8[%dma_start3A_604] : memref<13328xi32, #tpu.memory_space<vmem>> -> memref<13184xi32, #tpu.memory_space<vmem>>
        %dma_start3A_606 = tpu.memref_slice %arg4[%mul3A_2] : memref<419456xi32, #tpu.memory_space<hbm>> -> memref<13184xi32, #tpu.memory_space<hbm>>
        tpu.enqueue_dma source(%dma_start3A_606 : memref<13184xi32, #tpu.memory_space<hbm>>) target(%dma_start3A_605 : memref<13184xi32, #tpu.memory_space<vmem>>) target_semaphore(%run_scoped3A : memref<!tpu.dma_semaphore, #tpu.memory_space<semaphore_mem>>)
        %dma_wait3A_607 = arith.constant 128 : i32
        %dma_wait3A_608 = tpu.memref_slice %arg8[%dma_wait3A_607] : memref<13328xi32, #tpu.memory_space<vmem>> -> memref<13184xi32, #tpu.memory_space<vmem>>
        %dma_wait3A_609 = tpu.memref_slice %arg4[%mul3A_2] : memref<419456xi32, #tpu.memory_space<hbm>> -> memref<13184xi32, #tpu.memory_space<hbm>>
        %dma_wait3A_610 = arith.constant 128 : i32
        %dma_wait3A_611 = tpu.memref_slice %arg8[%dma_wait3A_610] : memref<13328xi32, #tpu.memory_space<vmem>> -> memref<13184xi32, #tpu.memory_space<vmem>>
        %dma_wait3A_612 = tpu.memref_slice %arg4[%mul3A_2] : memref<419456xi32, #tpu.memory_space<hbm>> -> memref<13184xi32, #tpu.memory_space<hbm>>
        tpu.wait_dma2 semaphore(%run_scoped3A : memref<!tpu.dma_semaphore, #tpu.memory_space<semaphore_mem>>) src(%dma_wait3A_612 : memref<13184xi32, #tpu.memory_space<hbm>>) dst(%dma_wait3A_611 : memref<13184xi32, #tpu.memory_space<vmem>>)
        tpu.yield
      }) : () -> ()
    } else {
    }
    %eq3A = arith.constant 31 : i32
    %eq3A_7 = arith.cmpi eq, %add3A, %eq3A : i32
    %convert_element_type3A_8 = arith.extui %eq3A_7 : i1 to i32
    %cond3A_9 = arith.constant 0 : i32
    %cond3A_10 = arith.cmpi ne, %convert_element_type3A_8, %cond3A_9 : i32
    scf.if %cond3A_10 {
      "tpu.region"() ({
        %run_scoped3A = tpu.sem_alloc : memref<!tpu.dma_semaphore, #tpu.memory_space<semaphore_mem>>
        %dma_start3A_623 = arith.constant 128 : i32
        %dma_start3A_624 = tpu.memref_slice %arg8[%dma_start3A_623] : memref<13328xi32, #tpu.memory_space<vmem>> -> memref<10752xi32, #tpu.memory_space<vmem>>
        %dma_start3A_625 = tpu.memref_slice %arg4[%mul3A_2] : memref<419456xi32, #tpu.memory_space<hbm>> -> memref<10752xi32, #tpu.memory_space<hbm>>
        %dma_start3A_626 = arith.constant 128 : i32
        %dma_start3A_627 = tpu.memref_slice %arg8[%dma_start3A_626] : memref<13328xi32, #tpu.memory_space<vmem>> -> memref<10752xi32, #tpu.memory_space<vmem>>
        %dma_start3A_628 = tpu.memref_slice %arg4[%mul3A_2] : memref<419456xi32, #tpu.memory_space<hbm>> -> memref<10752xi32, #tpu.memory_space<hbm>>
        tpu.enqueue_dma source(%dma_start3A_628 : memref<10752xi32, #tpu.memory_space<hbm>>) target(%dma_start3A_627 : memref<10752xi32, #tpu.memory_space<vmem>>) target_semaphore(%run_scoped3A : memref<!tpu.dma_semaphore, #tpu.memory_space<semaphore_mem>>)
        %dma_wait3A_629 = arith.constant 128 : i32
        %dma_wait3A_630 = tpu.memref_slice %arg8[%dma_wait3A_629] : memref<13328xi32, #tpu.memory_space<vmem>> -> memref<10752xi32, #tpu.memory_space<vmem>>
        %dma_wait3A_631 = tpu.memref_slice %arg4[%mul3A_2] : memref<419456xi32, #tpu.memory_space<hbm>> -> memref<10752xi32, #tpu.memory_space<hbm>>
        %dma_wait3A_632 = arith.constant 128 : i32
        %dma_wait3A_633 = tpu.memref_slice %arg8[%dma_wait3A_632] : memref<13328xi32, #tpu.memory_space<vmem>> -> memref<10752xi32, #tpu.memory_space<vmem>>
        %dma_wait3A_634 = tpu.memref_slice %arg4[%mul3A_2] : memref<419456xi32, #tpu.memory_space<hbm>> -> memref<10752xi32, #tpu.memory_space<hbm>>
        tpu.wait_dma2 semaphore(%run_scoped3A : memref<!tpu.dma_semaphore, #tpu.memory_space<semaphore_mem>>) src(%dma_wait3A_634 : memref<10752xi32, #tpu.memory_space<hbm>>) dst(%dma_wait3A_633 : memref<10752xi32, #tpu.memory_space<vmem>>)
        tpu.yield
      }) : () -> ()
      %broadcast_in_dim3A_601 = arith.constant 10853 : i32
      %broadcast_in_dim3A_602 = vector.broadcast %broadcast_in_dim3A_601 : i32 to vector<16xi32>
      %gather3A_603 = tpu.vector_load_idx %arg8[%broadcast_in_dim3A_602] : memref<13328xi32, #tpu.memory_space<vmem>>[vector<16xi32>], vector<16xi32>,
      %reduce_max3A_604 = arith.constant true
      %reduce_max3A_605 = vector.broadcast %reduce_max3A_604 : i1 to vector<16xi1>
      %reduce_max3A_606 = arith.constant -2147483648 : i32
      %reduce_max3A_607 = vector.broadcast %reduce_max3A_606 : i32 to vector<16xi32>
      %reduce_max3A_608 = arith.xori %gather3A_603, %reduce_max3A_607 : vector<16xi32>
      %reduce_max3A_609 = tpu.scan <max>, %reduce_max3A_608 masked %reduce_max3A_605 : vector<16xi32>, vector<16xi1> -> vector<16xi32>
      %reduce_max3A_610 = arith.xori %reduce_max3A_609, %reduce_max3A_607 : vector<16xi32>
      %reduce_max3A_611 = vector.extract %reduce_max3A_610[15] : i32 from vector<16xi32>
      %broadcast_in_dim3A_612 = arith.constant 0 : i32
      %broadcast_in_dim3A_613 = vector.broadcast %broadcast_in_dim3A_612 : i32 to vector<16xi32>
      %add3A_614 = vector.broadcast %reduce_max3A_611 : i32 to vector<16xi32>
      %add3A_615 = arith.addi %broadcast_in_dim3A_613, %add3A_614 : vector<16xi32>
      %scan3A_616 = arith.constant 0 : i32
      %scan3A_617 = arith.constant 0 : i32
      %scan3A_618 = arith.constant 154 : i32
      %scan3A_619 = arith.addi %scan3A_617, %scan3A_618 : i32
      %scan3A_620 = arith.constant 1 : i32
      %scan3A_621 = scf.for %scan3A_623 = %scan3A_617 to %scan3A_619 step %scan3A_620 iter_args(%scan3A_624 = %scan3A_616) -> (i32)  : i32 {
        %mul3A_625 = arith.constant 16 : i32
        %mul3A_626 = arith.muli %scan3A_623, %mul3A_625 : i32
        %add3A_627 = arith.constant 10854 : i32
        %add3A_628 = arith.addi %add3A_627, %mul3A_626 : i32
        %swap3A_629 = arith.index_cast %add3A_628 : i32 to index
        %swap3A_630 = tpu.vector_load %arg8[%swap3A_629] {strides = array<i32>} : memref<13328xi32, #tpu.memory_space<vmem>>, vector<16xi32>,
        tpu.vector_store %arg8[%swap3A_629], %add3A_615 {strides = array<i32>} : memref<13328xi32, #tpu.memory_space<vmem>>, vector<16xi32>,
        %scan3A_631 = arith.constant 0 : i32
        scf.yield %scan3A_631 : i32
      }
      %scan3A_622 = arith.constant 154 : i32
    } else {
    }
    %scan3A = arith.constant 0 : i32
    %scan3A_11 = arith.constant 0 : i32
    %scan3A_12 = arith.constant 16 : i32
    %scan3A_13 = arith.addi %scan3A_11, %scan3A_12 : i32
    %scan3A_14 = arith.constant 1 : i32
    %scan3A_15 = scf.for %scan3A_601 = %scan3A_11 to %scan3A_13 step %scan3A_14 iter_args(%scan3A_602 = %scan3A) -> (i32)  : i32 {
      %broadcast_in_dim3A_603 = arith.constant 1073741824 : i32
      %broadcast_in_dim3A_604 = vector.broadcast %broadcast_in_dim3A_603 : i32 to vector<16xi32>
      %mul3A_605 = arith.constant 16 : i32
      %mul3A_606 = arith.muli %scan3A_601, %mul3A_605 : i32
      %swap3A_607 = arith.index_cast %mul3A_606 : i32 to index
      %swap3A_608 = tpu.vector_load %arg12[%swap3A_607] {strides = array<i32>} : memref<256xi32, #tpu.memory_space<vmem>>, vector<16xi32>,
      tpu.vector_store %arg12[%swap3A_607], %broadcast_in_dim3A_604 {strides = array<i32>} : memref<256xi32, #tpu.memory_space<vmem>>, vector<16xi32>,
      %broadcast_in_dim3A_609 = arith.constant -1 : i32
      %broadcast_in_dim3A_610 = vector.broadcast %broadcast_in_dim3A_609 : i32 to vector<16xi32>
      %mul3A_611 = arith.constant 16 : i32
      %mul3A_612 = arith.muli %scan3A_601, %mul3A_611 : i32
      %swap3A_613 = arith.index_cast %mul3A_612 : i32 to index
      %swap3A_614 = tpu.vector_load %arg13[%swap3A_613] {strides = array<i32>} : memref<256xi32, #tpu.memory_space<vmem>>, vector<16xi32>,
      tpu.vector_store %arg13[%swap3A_613], %broadcast_in_dim3A_610 {strides = array<i32>} : memref<256xi32, #tpu.memory_space<vmem>>, vector<16xi32>,
      %scan3A_615 = arith.constant 0 : i32
      scf.yield %scan3A_615 : i32
    }
    %scan3A_16 = arith.constant 16 : i32
    %scan3A_17 = arith.constant 0 : i32
    %scan3A_18 = arith.constant 0 : i32
    %scan3A_19 = arith.constant 824 : i32
    %scan3A_20 = arith.addi %scan3A_18, %scan3A_19 : i32
    %scan3A_21 = arith.constant 1 : i32
    %scan3A_22 = scf.for %scan3A_601 = %scan3A_18 to %scan3A_20 step %scan3A_21 iter_args(%scan3A_602 = %scan3A_17) -> (i32)  : i32 {
      %mul3A_603 = arith.constant 16 : i32
      %mul3A_604 = arith.muli %scan3A_601, %mul3A_603 : i32
      %add3A_605 = arith.constant 128 : i32
      %add3A_606 = arith.addi %add3A_605, %mul3A_604 : i32
      %get3A = arith.index_cast %add3A_606 : i32 to index
      %get3A_607 = tpu.vector_load %arg8[%get3A] {strides = array<i32>} : memref<13328xi32, #tpu.memory_space<vmem>>, vector<16xi32>,
      %mul3A_608 = arith.constant 16 : i32
      %mul3A_609 = arith.muli %scan3A_601, %mul3A_608 : i32
      %add3A_610 = arith.constant 127 : i32
      %add3A_611 = arith.addi %add3A_610, %mul3A_609 : i32
      %get3A_612 = arith.index_cast %add3A_611 : i32 to index
      %get3A_613 = tpu.vector_load %arg8[%get3A_612] {strides = array<i32>} : memref<13328xi32, #tpu.memory_space<vmem>>, vector<16xi32>,
      %shift_right_arithmetic3A_614 = arith.constant 14 : i32
      %shift_right_arithmetic3A_615 = vector.broadcast %shift_right_arithmetic3A_614 : i32 to vector<16xi32>
      %shift_right_arithmetic3A_616 = arith.shrsi %get3A_607, %shift_right_arithmetic3A_615 : vector<16xi32>
      %shift_right_arithmetic3A_617 = arith.constant 14 : i32
      %shift_right_arithmetic3A_618 = vector.broadcast %shift_right_arithmetic3A_617 : i32 to vector<16xi32>
      %shift_right_arithmetic3A_619 = arith.shrsi %get3A_613, %shift_right_arithmetic3A_618 : vector<16xi32>
      %ne3A = arith.cmpi ne, %shift_right_arithmetic3A_616, %shift_right_arithmetic3A_619 : vector<16xi32>
      %eq3A_620 = arith.constant 0 : i32
      %eq3A_621 = vector.broadcast %eq3A_620 : i32 to vector<16xi32>
      %eq3A_622 = arith.cmpi eq, %iota3A, %eq3A_621 : vector<16xi32>
      %or3A = arith.ori %ne3A, %eq3A_622 : vector<16xi1>
      %broadcast_in_dim3A_623 = vector.broadcast %scan3A_601 : i32 to vector<16xi32>
      tpu.vector_store_idx %arg12[%shift_right_arithmetic3A_616], %broadcast_in_dim3A_623 masked %ne3A : memref<256xi32, #tpu.memory_space<vmem>>[vector<16xi32>], vector<16xi32>, vector<16xi1>
      %broadcast_in_dim3A_624 = vector.broadcast %scan3A_601 : i32 to vector<16xi32>
      tpu.vector_store_idx %arg13[%shift_right_arithmetic3A_616], %broadcast_in_dim3A_624 masked %or3A : memref<256xi32, #tpu.memory_space<vmem>>[vector<16xi32>], vector<16xi32>, vector<16xi1>
      %scan3A_625 = arith.constant 0 : i32
      scf.yield %scan3A_625 : i32
    }
    %scan3A_23 = arith.constant 824 : i32
    %broadcast_in_dim3A_24 = arith.constant 128 : i32
    %broadcast_in_dim3A_25 = vector.broadcast %broadcast_in_dim3A_24 : i32 to vector<16xi32>
    %gather3A = tpu.vector_load_idx %arg8[%broadcast_in_dim3A_25] : memref<13328xi32, #tpu.memory_space<vmem>>[vector<16xi32>], vector<16xi32>,
    %reduce_max3A = arith.constant true
    %reduce_max3A_26 = vector.broadcast %reduce_max3A : i1 to vector<16xi1>
    %reduce_max3A_27 = arith.constant -2147483648 : i32
    %reduce_max3A_28 = vector.broadcast %reduce_max3A_27 : i32 to vector<16xi32>
    %reduce_max3A_29 = arith.xori %gather3A, %reduce_max3A_28 : vector<16xi32>
    %reduce_max3A_30 = tpu.scan <max>, %reduce_max3A_29 masked %reduce_max3A_26 : vector<16xi32>, vector<16xi1> -> vector<16xi32>
    %reduce_max3A_31 = arith.xori %reduce_max3A_30, %reduce_max3A_28 : vector<16xi32>
    %reduce_max3A_32 = vector.extract %reduce_max3A_31[15] : i32 from vector<16xi32>
    %shift_right_arithmetic3A = arith.constant 14 : i32
    %shift_right_arithmetic3A_33 = arith.shrsi %reduce_max3A_32, %shift_right_arithmetic3A : i32
    %broadcast_in_dim3A_34 = arith.constant 13311 : i32
    %broadcast_in_dim3A_35 = vector.broadcast %broadcast_in_dim3A_34 : i32 to vector<16xi32>
    %gather3A_36 = tpu.vector_load_idx %arg8[%broadcast_in_dim3A_35] : memref<13328xi32, #tpu.memory_space<vmem>>[vector<16xi32>], vector<16xi32>,
    %reduce_max3A_37 = arith.constant true
    %reduce_max3A_38 = vector.broadcast %reduce_max3A_37 : i1 to vector<16xi1>
    %reduce_max3A_39 = arith.constant -2147483648 : i32
    %reduce_max3A_40 = vector.broadcast %reduce_max3A_39 : i32 to vector<16xi32>
    %reduce_max3A_41 = arith.xori %gather3A_36, %reduce_max3A_40 : vector<16xi32>
    %reduce_max3A_42 = tpu.scan <max>, %reduce_max3A_41 masked %reduce_max3A_38 : vector<16xi32>, vector<16xi1> -> vector<16xi32>
    %reduce_max3A_43 = arith.xori %reduce_max3A_42, %reduce_max3A_40 : vector<16xi32>
    %reduce_max3A_44 = vector.extract %reduce_max3A_43[15] : i32 from vector<16xi32>
    %shift_right_arithmetic3A_45 = arith.constant 14 : i32
    %shift_right_arithmetic3A_46 = arith.shrsi %reduce_max3A_44, %shift_right_arithmetic3A_45 : i32
    %sub3A = arith.subi %shift_right_arithmetic3A_46, %shift_right_arithmetic3A_33 : i32
    %add3A_47 = arith.constant 1 : i32
    %add3A_48 = arith.addi %sub3A, %add3A_47 : i32
    %add3A_49 = arith.constant 0 : i32
    %add3A_50 = arith.addi %shift_right_arithmetic3A_33, %add3A_49 : i32
    %and3A = arith.constant 3 : i32
    %and3A_51 = arith.andi %add3A_50, %and3A : i32
    %mul3A_52 = arith.constant 8 : i32
    %mul3A_53 = arith.muli %and3A_51, %mul3A_52 : i32
    %dma_start3A = arith.constant 0 : i32
    %dma_start3A_54 = arith.constant 0 : i32
    %dma_start3A_55 = tpu.memref_slice %arg9[%mul3A_53, %dma_start3A_54] : memref<32x2048xf32, #tpu.memory_space<vmem>> -> memref<8x2048xf32, #tpu.memory_space<vmem>>
    %dma_start3A_56 = arith.constant 0 : i32
    %dma_start3A_57 = arith.constant 0 : i32
    %dma_start3A_58 = arith.constant 0 : i32
    %dma_start3A_59 = tpu.memref_slice %arg2[%dma_start3A, %dma_start3A_56, %dma_start3A_57, %dma_start3A_58] : memref<8x256x8x2048xf32, #tpu.memory_space<hbm>> -> memref<1x256x8x2048xf32, #tpu.memory_space<hbm>>
    %dma_start3A_60 = tpu.memref_squeeze %dma_start3A_59 : memref<1x256x8x2048xf32, #tpu.memory_space<hbm>> -> memref<256x8x2048xf32, #tpu.memory_space<hbm>>
    %dma_start3A_61 = arith.constant 0 : i32
    %dma_start3A_62 = arith.constant 0 : i32
    %dma_start3A_63 = tpu.memref_slice %dma_start3A_60[%add3A_50, %dma_start3A_61, %dma_start3A_62] : memref<256x8x2048xf32, #tpu.memory_space<hbm>> -> memref<1x8x2048xf32, #tpu.memory_space<hbm>>
    %dma_start3A_64 = tpu.memref_squeeze %dma_start3A_63 : memref<1x8x2048xf32, #tpu.memory_space<hbm>> -> memref<8x2048xf32, #tpu.memory_space<hbm>>
    %dma_start3A_65 = arith.constant 0 : i32
    %dma_start3A_66 = tpu.memref_slice %arg9[%mul3A_53, %dma_start3A_65] : memref<32x2048xf32, #tpu.memory_space<vmem>> -> memref<8x2048xf32, #tpu.memory_space<vmem>>
    %dma_start3A_67 = arith.constant 0 : i32
    %dma_start3A_68 = arith.constant 0 : i32
    %dma_start3A_69 = arith.constant 0 : i32
    %dma_start3A_70 = tpu.memref_slice %arg2[%dma_start3A, %dma_start3A_67, %dma_start3A_68, %dma_start3A_69] : memref<8x256x8x2048xf32, #tpu.memory_space<hbm>> -> memref<1x256x8x2048xf32, #tpu.memory_space<hbm>>
    %dma_start3A_71 = tpu.memref_squeeze %dma_start3A_70 : memref<1x256x8x2048xf32, #tpu.memory_space<hbm>> -> memref<256x8x2048xf32, #tpu.memory_space<hbm>>
    %dma_start3A_72 = arith.constant 0 : i32
    %dma_start3A_73 = arith.constant 0 : i32
    %dma_start3A_74 = tpu.memref_slice %dma_start3A_71[%add3A_50, %dma_start3A_72, %dma_start3A_73] : memref<256x8x2048xf32, #tpu.memory_space<hbm>> -> memref<1x8x2048xf32, #tpu.memory_space<hbm>>
    %dma_start3A_75 = tpu.memref_squeeze %dma_start3A_74 : memref<1x8x2048xf32, #tpu.memory_space<hbm>> -> memref<8x2048xf32, #tpu.memory_space<hbm>>
    tpu.enqueue_dma source(%dma_start3A_75 : memref<8x2048xf32, #tpu.memory_space<hbm>>) target(%dma_start3A_66 : memref<8x2048xf32, #tpu.memory_space<vmem>>) target_semaphore(%arg17 : memref<!tpu.dma_semaphore, #tpu.memory_space<semaphore_mem>>)
    %gt3A = arith.constant 1 : i32
    %gt3A_76 = arith.cmpi sgt, %add3A_48, %gt3A : i32
    %convert_element_type3A_77 = arith.extui %gt3A_76 : i1 to i32
    %cond3A_78 = arith.constant 0 : i32
    %cond3A_79 = arith.cmpi ne, %convert_element_type3A_77, %cond3A_78 : i32
    scf.if %cond3A_79 {
      %add3A_601 = arith.constant 1 : i32
      %add3A_602 = arith.addi %shift_right_arithmetic3A_33, %add3A_601 : i32
      %and3A_603 = arith.constant 3 : i32
      %and3A_604 = arith.andi %add3A_602, %and3A_603 : i32
      %mul3A_605 = arith.constant 8 : i32
      %mul3A_606 = arith.muli %and3A_604, %mul3A_605 : i32
      %dma_start3A_607 = arith.constant 0 : i32
      %dma_start3A_608 = arith.constant 0 : i32
      %dma_start3A_609 = tpu.memref_slice %arg9[%mul3A_606, %dma_start3A_608] : memref<32x2048xf32, #tpu.memory_space<vmem>> -> memref<8x2048xf32, #tpu.memory_space<vmem>>
      %dma_start3A_610 = arith.constant 0 : i32
      %dma_start3A_611 = arith.constant 0 : i32
      %dma_start3A_612 = arith.constant 0 : i32
      %dma_start3A_613 = tpu.memref_slice %arg2[%dma_start3A_607, %dma_start3A_610, %dma_start3A_611, %dma_start3A_612] : memref<8x256x8x2048xf32, #tpu.memory_space<hbm>> -> memref<1x256x8x2048xf32, #tpu.memory_space<hbm>>
      %dma_start3A_614 = tpu.memref_squeeze %dma_start3A_613 : memref<1x256x8x2048xf32, #tpu.memory_space<hbm>> -> memref<256x8x2048xf32, #tpu.memory_space<hbm>>
      %dma_start3A_615 = arith.constant 0 : i32
      %dma_start3A_616 = arith.constant 0 : i32
      %dma_start3A_617 = tpu.memref_slice %dma_start3A_614[%add3A_602, %dma_start3A_615, %dma_start3A_616] : memref<256x8x2048xf32, #tpu.memory_space<hbm>> -> memref<1x8x2048xf32, #tpu.memory_space<hbm>>
      %dma_start3A_618 = tpu.memref_squeeze %dma_start3A_617 : memref<1x8x2048xf32, #tpu.memory_space<hbm>> -> memref<8x2048xf32, #tpu.memory_space<hbm>>
      %dma_start3A_619 = arith.constant 0 : i32
      %dma_start3A_620 = tpu.memref_slice %arg9[%mul3A_606, %dma_start3A_619] : memref<32x2048xf32, #tpu.memory_space<vmem>> -> memref<8x2048xf32, #tpu.memory_space<vmem>>
      %dma_start3A_621 = arith.constant 0 : i32
      %dma_start3A_622 = arith.constant 0 : i32
      %dma_start3A_623 = arith.constant 0 : i32
      %dma_start3A_624 = tpu.memref_slice %arg2[%dma_start3A_607, %dma_start3A_621, %dma_start3A_622, %dma_start3A_623] : memref<8x256x8x2048xf32, #tpu.memory_space<hbm>> -> memref<1x256x8x2048xf32, #tpu.memory_space<hbm>>
      %dma_start3A_625 = tpu.memref_squeeze %dma_start3A_624 : memref<1x256x8x2048xf32, #tpu.memory_space<hbm>> -> memref<256x8x2048xf32, #tpu.memory_space<hbm>>
      %dma_start3A_626 = arith.constant 0 : i32
      %dma_start3A_627 = arith.constant 0 : i32
      %dma_start3A_628 = tpu.memref_slice %dma_start3A_625[%add3A_602, %dma_start3A_626, %dma_start3A_627] : memref<256x8x2048xf32, #tpu.memory_space<hbm>> -> memref<1x8x2048xf32, #tpu.memory_space<hbm>>
      %dma_start3A_629 = tpu.memref_squeeze %dma_start3A_628 : memref<1x8x2048xf32, #tpu.memory_space<hbm>> -> memref<8x2048xf32, #tpu.memory_space<hbm>>
      tpu.enqueue_dma source(%dma_start3A_629 : memref<8x2048xf32, #tpu.memory_space<hbm>>) target(%dma_start3A_620 : memref<8x2048xf32, #tpu.memory_space<vmem>>) target_semaphore(%arg17 : memref<!tpu.dma_semaphore, #tpu.memory_space<semaphore_mem>>)
    } else {
    }
    %gt3A_80 = arith.constant 2 : i32
    %gt3A_81 = arith.cmpi sgt, %add3A_48, %gt3A_80 : i32
    %convert_element_type3A_82 = arith.extui %gt3A_81 : i1 to i32
    %cond3A_83 = arith.constant 0 : i32
    %cond3A_84 = arith.cmpi ne, %convert_element_type3A_82, %cond3A_83 : i32
    scf.if %cond3A_84 {
      %add3A_601 = arith.constant 2 : i32
      %add3A_602 = arith.addi %shift_right_arithmetic3A_33, %add3A_601 : i32
      %and3A_603 = arith.constant 3 : i32
      %and3A_604 = arith.andi %add3A_602, %and3A_603 : i32
      %mul3A_605 = arith.constant 8 : i32
      %mul3A_606 = arith.muli %and3A_604, %mul3A_605 : i32
      %dma_start3A_607 = arith.constant 0 : i32
      %dma_start3A_608 = arith.constant 0 : i32
      %dma_start3A_609 = tpu.memref_slice %arg9[%mul3A_606, %dma_start3A_608] : memref<32x2048xf32, #tpu.memory_space<vmem>> -> memref<8x2048xf32, #tpu.memory_space<vmem>>
      %dma_start3A_610 = arith.constant 0 : i32
      %dma_start3A_611 = arith.constant 0 : i32
      %dma_start3A_612 = arith.constant 0 : i32
      %dma_start3A_613 = tpu.memref_slice %arg2[%dma_start3A_607, %dma_start3A_610, %dma_start3A_611, %dma_start3A_612] : memref<8x256x8x2048xf32, #tpu.memory_space<hbm>> -> memref<1x256x8x2048xf32, #tpu.memory_space<hbm>>
      %dma_start3A_614 = tpu.memref_squeeze %dma_start3A_613 : memref<1x256x8x2048xf32, #tpu.memory_space<hbm>> -> memref<256x8x2048xf32, #tpu.memory_space<hbm>>
      %dma_start3A_615 = arith.constant 0 : i32
      %dma_start3A_616 = arith.constant 0 : i32
      %dma_start3A_617 = tpu.memref_slice %dma_start3A_614[%add3A_602, %dma_start3A_615, %dma_start3A_616] : memref<256x8x2048xf32, #tpu.memory_space<hbm>> -> memref<1x8x2048xf32, #tpu.memory_space<hbm>>
      %dma_start3A_618 = tpu.memref_squeeze %dma_start3A_617 : memref<1x8x2048xf32, #tpu.memory_space<hbm>> -> memref<8x2048xf32, #tpu.memory_space<hbm>>
      %dma_start3A_619 = arith.constant 0 : i32
      %dma_start3A_620 = tpu.memref_slice %arg9[%mul3A_606, %dma_start3A_619] : memref<32x2048xf32, #tpu.memory_space<vmem>> -> memref<8x2048xf32, #tpu.memory_space<vmem>>
      %dma_start3A_621 = arith.constant 0 : i32
      %dma_start3A_622 = arith.constant 0 : i32
      %dma_start3A_623 = arith.constant 0 : i32
      %dma_start3A_624 = tpu.memref_slice %arg2[%dma_start3A_607, %dma_start3A_621, %dma_start3A_622, %dma_start3A_623] : memref<8x256x8x2048xf32, #tpu.memory_space<hbm>> -> memref<1x256x8x2048xf32, #tpu.memory_space<hbm>>
      %dma_start3A_625 = tpu.memref_squeeze %dma_start3A_624 : memref<1x256x8x2048xf32, #tpu.memory_space<hbm>> -> memref<256x8x2048xf32, #tpu.memory_space<hbm>>
      %dma_start3A_626 = arith.constant 0 : i32
      %dma_start3A_627 = arith.constant 0 : i32
      %dma_start3A_628 = tpu.memref_slice %dma_start3A_625[%add3A_602, %dma_start3A_626, %dma_start3A_627] : memref<256x8x2048xf32, #tpu.memory_space<hbm>> -> memref<1x8x2048xf32, #tpu.memory_space<hbm>>
      %dma_start3A_629 = tpu.memref_squeeze %dma_start3A_628 : memref<1x8x2048xf32, #tpu.memory_space<hbm>> -> memref<8x2048xf32, #tpu.memory_space<hbm>>
      tpu.enqueue_dma source(%dma_start3A_629 : memref<8x2048xf32, #tpu.memory_space<hbm>>) target(%dma_start3A_620 : memref<8x2048xf32, #tpu.memory_space<vmem>>) target_semaphore(%arg17 : memref<!tpu.dma_semaphore, #tpu.memory_space<semaphore_mem>>)
    } else {
    }
    %while3A = arith.constant 0 : i32
    %while3A_85 = arith.constant 0 : i32
    %while3A_86 = arith.subi %add3A_48, %while3A : i32
    %while3A_87 = arith.addi %while3A, %while3A_86 : i32
    %while3A_88 = arith.constant 1 : i32
    %while3A_89 = arith.divsi %while3A_86, %while3A_88 : i32
    %while3A_90 = arith.muli %while3A_89, %while3A_88 : i32
    %while3A_91 = arith.addi %while3A, %while3A_90 : i32
    %while3A_92 = arith.constant 1 : i32
    %while3A_93 = scf.for %while3A_601 = %while3A to %while3A_91 step %while3A_92 iter_args(%while3A_602 = %while3A_85) -> (i32)  : i32 {
      %add3A_603 = arith.constant 3 : i32
      %add3A_604 = arith.addi %while3A_601, %add3A_603 : i32
      %lt3A_605 = arith.cmpi slt, %add3A_604, %add3A_48 : i32
      %convert_element_type3A_606 = arith.extui %lt3A_605 : i1 to i32
      %cond3A_607 = arith.constant 0 : i32
      %cond3A_608 = arith.cmpi ne, %convert_element_type3A_606, %cond3A_607 : i32
      scf.if %cond3A_608 {
        %add3A_708 = arith.constant 3 : i32
        %add3A_709 = arith.addi %while3A_601, %add3A_708 : i32
        %add3A_710 = arith.addi %shift_right_arithmetic3A_33, %add3A_709 : i32
        %and3A_711 = arith.constant 3 : i32
        %and3A_712 = arith.andi %add3A_710, %and3A_711 : i32
        %mul3A_713 = arith.constant 8 : i32
        %mul3A_714 = arith.muli %and3A_712, %mul3A_713 : i32
        %dma_start3A_715 = arith.constant 0 : i32
        %dma_start3A_716 = arith.constant 0 : i32
        %dma_start3A_717 = tpu.memref_slice %arg9[%mul3A_714, %dma_start3A_716] : memref<32x2048xf32, #tpu.memory_space<vmem>> -> memref<8x2048xf32, #tpu.memory_space<vmem>>
        %dma_start3A_718 = arith.constant 0 : i32
        %dma_start3A_719 = arith.constant 0 : i32
        %dma_start3A_720 = arith.constant 0 : i32
        %dma_start3A_721 = tpu.memref_slice %arg2[%dma_start3A_715, %dma_start3A_718, %dma_start3A_719, %dma_start3A_720] : memref<8x256x8x2048xf32, #tpu.memory_space<hbm>> -> memref<1x256x8x2048xf32, #tpu.memory_space<hbm>>
        %dma_start3A_722 = tpu.memref_squeeze %dma_start3A_721 : memref<1x256x8x2048xf32, #tpu.memory_space<hbm>> -> memref<256x8x2048xf32, #tpu.memory_space<hbm>>
        %dma_start3A_723 = arith.constant 0 : i32
        %dma_start3A_724 = arith.constant 0 : i32
        %dma_start3A_725 = tpu.memref_slice %dma_start3A_722[%add3A_710, %dma_start3A_723, %dma_start3A_724] : memref<256x8x2048xf32, #tpu.memory_space<hbm>> -> memref<1x8x2048xf32, #tpu.memory_space<hbm>>
        %dma_start3A_726 = tpu.memref_squeeze %dma_start3A_725 : memref<1x8x2048xf32, #tpu.memory_space<hbm>> -> memref<8x2048xf32, #tpu.memory_space<hbm>>
        %dma_start3A_727 = arith.constant 0 : i32
        %dma_start3A_728 = tpu.memref_slice %arg9[%mul3A_714, %dma_start3A_727] : memref<32x2048xf32, #tpu.memory_space<vmem>> -> memref<8x2048xf32, #tpu.memory_space<vmem>>
        %dma_start3A_729 = arith.constant 0 : i32
        %dma_start3A_730 = arith.constant 0 : i32
        %dma_start3A_731 = arith.constant 0 : i32
        %dma_start3A_732 = tpu.memref_slice %arg2[%dma_start3A_715, %dma_start3A_729, %dma_start3A_730, %dma_start3A_731] : memref<8x256x8x2048xf32, #tpu.memory_space<hbm>> -> memref<1x256x8x2048xf32, #tpu.memory_space<hbm>>
        %dma_start3A_733 = tpu.memref_squeeze %dma_start3A_732 : memref<1x256x8x2048xf32, #tpu.memory_space<hbm>> -> memref<256x8x2048xf32, #tpu.memory_space<hbm>>
        %dma_start3A_734 = arith.constant 0 : i32
        %dma_start3A_735 = arith.constant 0 : i32
        %dma_start3A_736 = tpu.memref_slice %dma_start3A_733[%add3A_710, %dma_start3A_734, %dma_start3A_735] : memref<256x8x2048xf32, #tpu.memory_space<hbm>> -> memref<1x8x2048xf32, #tpu.memory_space<hbm>>
        %dma_start3A_737 = tpu.memref_squeeze %dma_start3A_736 : memref<1x8x2048xf32, #tpu.memory_space<hbm>> -> memref<8x2048xf32, #tpu.memory_space<hbm>>
        tpu.enqueue_dma source(%dma_start3A_737 : memref<8x2048xf32, #tpu.memory_space<hbm>>) target(%dma_start3A_728 : memref<8x2048xf32, #tpu.memory_space<vmem>>) target_semaphore(%arg17 : memref<!tpu.dma_semaphore, #tpu.memory_space<semaphore_mem>>)
      } else {
      }
      %add3A_609 = arith.addi %shift_right_arithmetic3A_33, %while3A_601 : i32
      %broadcast_in_dim3A_610 = vector.broadcast %add3A_609 : i32 to vector<16xi32>
      %gather3A_611 = tpu.vector_load_idx %arg12[%broadcast_in_dim3A_610] : memref<256xi32, #tpu.memory_space<vmem>>[vector<16xi32>], vector<16xi32>,
      %reduce_max3A_612 = arith.constant true
      %reduce_max3A_613 = vector.broadcast %reduce_max3A_612 : i1 to vector<16xi1>
      %reduce_max3A_614 = arith.constant -2147483648 : i32
      %reduce_max3A_615 = vector.broadcast %reduce_max3A_614 : i32 to vector<16xi32>
      %reduce_max3A_616 = arith.xori %gather3A_611, %reduce_max3A_615 : vector<16xi32>
      %reduce_max3A_617 = tpu.scan <max>, %reduce_max3A_616 masked %reduce_max3A_613 : vector<16xi32>, vector<16xi1> -> vector<16xi32>
      %reduce_max3A_618 = arith.xori %reduce_max3A_617, %reduce_max3A_615 : vector<16xi32>
      %reduce_max3A_619 = vector.extract %reduce_max3A_618[15] : i32 from vector<16xi32>
      %broadcast_in_dim3A_620 = vector.broadcast %add3A_609 : i32 to vector<16xi32>
      %gather3A_621 = tpu.vector_load_idx %arg13[%broadcast_in_dim3A_620] : memref<256xi32, #tpu.memory_space<vmem>>[vector<16xi32>], vector<16xi32>,
      %reduce_max3A_622 = arith.constant true
      %reduce_max3A_623 = vector.broadcast %reduce_max3A_622 : i1 to vector<16xi1>
      %reduce_max3A_624 = arith.constant -2147483648 : i32
      %reduce_max3A_625 = vector.broadcast %reduce_max3A_624 : i32 to vector<16xi32>
      %reduce_max3A_626 = arith.xori %gather3A_621, %reduce_max3A_625 : vector<16xi32>
      %reduce_max3A_627 = tpu.scan <max>, %reduce_max3A_626 masked %reduce_max3A_623 : vector<16xi32>, vector<16xi1> -> vector<16xi32>
      %reduce_max3A_628 = arith.xori %reduce_max3A_627, %reduce_max3A_625 : vector<16xi32>
      %reduce_max3A_629 = vector.extract %reduce_max3A_628[15] : i32 from vector<16xi32>
      %add3A_630 = arith.constant 1 : i32
      %add3A_631 = arith.addi %reduce_max3A_629, %add3A_630 : i32
      %min3A = arith.minsi %reduce_max3A_619, %add3A_631 : i32
      %add3A_632 = arith.addi %shift_right_arithmetic3A_33, %while3A_601 : i32
      %and3A_633 = arith.constant 3 : i32
      %and3A_634 = arith.andi %add3A_632, %and3A_633 : i32
      %mul3A_635 = arith.constant 8 : i32
      %mul3A_636 = arith.muli %and3A_634, %mul3A_635 : i32
      %dma_wait3A_637 = arith.constant 0 : i32
      %dma_wait3A_638 = arith.constant 0 : i32
      %dma_wait3A_639 = tpu.memref_slice %arg9[%mul3A_636, %dma_wait3A_638] : memref<32x2048xf32, #tpu.memory_space<vmem>> -> memref<8x2048xf32, #tpu.memory_space<vmem>>
      %dma_wait3A_640 = arith.constant 0 : i32
      %dma_wait3A_641 = arith.constant 0 : i32
      %dma_wait3A_642 = arith.constant 0 : i32
      %dma_wait3A_643 = tpu.memref_slice %arg2[%dma_wait3A_637, %dma_wait3A_640, %dma_wait3A_641, %dma_wait3A_642] : memref<8x256x8x2048xf32, #tpu.memory_space<hbm>> -> memref<1x256x8x2048xf32, #tpu.memory_space<hbm>>
      %dma_wait3A_644 = tpu.memref_squeeze %dma_wait3A_643 : memref<1x256x8x2048xf32, #tpu.memory_space<hbm>> -> memref<256x8x2048xf32, #tpu.memory_space<hbm>>
      %dma_wait3A_645 = arith.constant 0 : i32
      %dma_wait3A_646 = arith.constant 0 : i32
      %dma_wait3A_647 = tpu.memref_slice %dma_wait3A_644[%add3A_632, %dma_wait3A_645, %dma_wait3A_646] : memref<256x8x2048xf32, #tpu.memory_space<hbm>> -> memref<1x8x2048xf32, #tpu.memory_space<hbm>>
      %dma_wait3A_648 = tpu.memref_squeeze %dma_wait3A_647 : memref<1x8x2048xf32, #tpu.memory_space<hbm>> -> memref<8x2048xf32, #tpu.memory_space<hbm>>
      %dma_wait3A_649 = arith.constant 0 : i32
      %dma_wait3A_650 = tpu.memref_slice %arg9[%mul3A_636, %dma_wait3A_649] : memref<32x2048xf32, #tpu.memory_space<vmem>> -> memref<8x2048xf32, #tpu.memory_space<vmem>>
      %dma_wait3A_651 = arith.constant 0 : i32
      %dma_wait3A_652 = arith.constant 0 : i32
      %dma_wait3A_653 = arith.constant 0 : i32
      %dma_wait3A_654 = tpu.memref_slice %arg2[%dma_wait3A_637, %dma_wait3A_651, %dma_wait3A_652, %dma_wait3A_653] : memref<8x256x8x2048xf32, #tpu.memory_space<hbm>> -> memref<1x256x8x2048xf32, #tpu.memory_space<hbm>>
      %dma_wait3A_655 = tpu.memref_squeeze %dma_wait3A_654 : memref<1x256x8x2048xf32, #tpu.memory_space<hbm>> -> memref<256x8x2048xf32, #tpu.memory_space<hbm>>
      %dma_wait3A_656 = arith.constant 0 : i32
      %dma_wait3A_657 = arith.constant 0 : i32
      %dma_wait3A_658 = tpu.memref_slice %dma_wait3A_655[%add3A_632, %dma_wait3A_656, %dma_wait3A_657] : memref<256x8x2048xf32, #tpu.memory_space<hbm>> -> memref<1x8x2048xf32, #tpu.memory_space<hbm>>
      %dma_wait3A_659 = tpu.memref_squeeze %dma_wait3A_658 : memref<1x8x2048xf32, #tpu.memory_space<hbm>> -> memref<8x2048xf32, #tpu.memory_space<hbm>>
      tpu.wait_dma2 semaphore(%arg17 : memref<!tpu.dma_semaphore, #tpu.memory_space<semaphore_mem>>) src(%dma_wait3A_659 : memref<8x2048xf32, #tpu.memory_space<hbm>>) dst(%dma_wait3A_650 : memref<8x2048xf32, #tpu.memory_space<vmem>>)
      %mul3A_660 = arith.constant 16 : i32
      %mul3A_661 = arith.muli %min3A, %mul3A_660 : i32
      %add3A_662 = arith.constant 128 : i32
      %add3A_663 = arith.addi %add3A_662, %mul3A_661 : i32
      %get3A = arith.index_cast %add3A_663 : i32 to index
      %get3A_664 = tpu.vector_load %arg8[%get3A] {strides = array<i32>} : memref<13328xi32, #tpu.memory_space<vmem>>, vector<16xi32>,
      %shift_right_arithmetic3A_665 = arith.constant 14 : i32
      %shift_right_arithmetic3A_666 = vector.broadcast %shift_right_arithmetic3A_665 : i32 to vector<16xi32>
      %shift_right_arithmetic3A_667 = arith.shrsi %get3A_664, %shift_right_arithmetic3A_666 : vector<16xi32>
      %eq3A_668 = vector.broadcast %add3A_609 : i32 to vector<16xi32>
      %eq3A_669 = arith.cmpi eq, %shift_right_arithmetic3A_667, %eq3A_668 : vector<16xi32>
      %shift_right_arithmetic3A_670 = arith.constant 11 : i32
      %shift_right_arithmetic3A_671 = vector.broadcast %shift_right_arithmetic3A_670 : i32 to vector<16xi32>
      %shift_right_arithmetic3A_672 = arith.shrsi %get3A_664, %shift_right_arithmetic3A_671 : vector<16xi32>
      %and3A_673 = arith.constant 31 : i32
      %and3A_674 = vector.broadcast %and3A_673 : i32 to vector<16xi32>
      %and3A_675 = arith.andi %shift_right_arithmetic3A_672, %and3A_674 : vector<16xi32>
      %and3A_676 = arith.constant 2047 : i32
      %and3A_677 = vector.broadcast %and3A_676 : i32 to vector<16xi32>
      %and3A_678 = arith.andi %get3A_664, %and3A_677 : vector<16xi32>
      %gather3A_679 = tpu.vector_load_idx %arg9[%and3A_675, %and3A_678] masked %eq3A_669 : memref<32x2048xf32, #tpu.memory_space<vmem>>[vector<16xi32>, vector<16xi32>], vector<16xf32>, vector<16xi1>
      %mul3A_680 = arith.constant 16 : i32
      %mul3A_681 = arith.muli %min3A, %mul3A_680 : i32
      %get3A_682 = arith.index_cast %mul3A_681 : i32 to index
      %get3A_683 = tpu.vector_load %arg10[%get3A_682] {strides = array<i32>} : memref<13184xf32, #tpu.memory_space<vmem>>, vector<16xf32>,
      %select_n3A = arith.select %eq3A_669, %gather3A_679, %get3A_683 : vector<16xi1>, vector<16xf32>
      %mul3A_684 = arith.constant 16 : i32
      %mul3A_685 = arith.muli %min3A, %mul3A_684 : i32
      %swap3A_686 = arith.index_cast %mul3A_685 : i32 to index
      %swap3A_687 = tpu.vector_load %arg10[%swap3A_686] {strides = array<i32>} : memref<13184xf32, #tpu.memory_space<vmem>>, vector<16xf32>,
      tpu.vector_store %arg10[%swap3A_686], %select_n3A {strides = array<i32>} : memref<13184xf32, #tpu.memory_space<vmem>>, vector<16xf32>,
      %gt3A_688 = arith.cmpi sgt, %reduce_max3A_629, %min3A : i32
      %convert_element_type3A_689 = arith.extui %gt3A_688 : i1 to i32
      %cond3A_690 = arith.constant 0 : i32
      %cond3A_691 = arith.cmpi ne, %convert_element_type3A_689, %cond3A_690 : i32
      scf.if %cond3A_691 {
        %mul3A_708 = arith.constant 16 : i32
        %mul3A_709 = arith.muli %reduce_max3A_629, %mul3A_708 : i32
        %add3A_710 = arith.constant 128 : i32
        %add3A_711 = arith.addi %add3A_710, %mul3A_709 : i32
        %get3A_712 = arith.index_cast %add3A_711 : i32 to index
        %get3A_713 = tpu.vector_load %arg8[%get3A_712] {strides = array<i32>} : memref<13328xi32, #tpu.memory_space<vmem>>, vector<16xi32>,
        %shift_right_arithmetic3A_714 = arith.constant 14 : i32
        %shift_right_arithmetic3A_715 = vector.broadcast %shift_right_arithmetic3A_714 : i32 to vector<16xi32>
        %shift_right_arithmetic3A_716 = arith.shrsi %get3A_713, %shift_right_arithmetic3A_715 : vector<16xi32>
        %eq3A_717 = vector.broadcast %add3A_609 : i32 to vector<16xi32>
        %eq3A_718 = arith.cmpi eq, %shift_right_arithmetic3A_716, %eq3A_717 : vector<16xi32>
        %shift_right_arithmetic3A_719 = arith.constant 11 : i32
        %shift_right_arithmetic3A_720 = vector.broadcast %shift_right_arithmetic3A_719 : i32 to vector<16xi32>
        %shift_right_arithmetic3A_721 = arith.shrsi %get3A_713, %shift_right_arithmetic3A_720 : vector<16xi32>
        %and3A_722 = arith.constant 31 : i32
        %and3A_723 = vector.broadcast %and3A_722 : i32 to vector<16xi32>
        %and3A_724 = arith.andi %shift_right_arithmetic3A_721, %and3A_723 : vector<16xi32>
        %and3A_725 = arith.constant 2047 : i32
        %and3A_726 = vector.broadcast %and3A_725 : i32 to vector<16xi32>
        %and3A_727 = arith.andi %get3A_713, %and3A_726 : vector<16xi32>
        %gather3A_728 = tpu.vector_load_idx %arg9[%and3A_724, %and3A_727] masked %eq3A_718 : memref<32x2048xf32, #tpu.memory_space<vmem>>[vector<16xi32>, vector<16xi32>], vector<16xf32>, vector<16xi1>
        %mul3A_729 = arith.constant 16 : i32
        %mul3A_730 = arith.muli %reduce_max3A_629, %mul3A_729 : i32
        %get3A_731 = arith.index_cast %mul3A_730 : i32 to index
        %get3A_732 = tpu.vector_load %arg10[%get3A_731] {strides = array<i32>} : memref<13184xf32, #tpu.memory_space<vmem>>, vector<16xf32>,
        %select_n3A_733 = arith.select %eq3A_718, %gather3A_728, %get3A_732 : vector<16xi1>, vector<16xf32>
        %mul3A_734 = arith.constant 16 : i32
        %mul3A_735 = arith.muli %reduce_max3A_629, %mul3A_734 : i32
        %swap3A_736 = arith.index_cast %mul3A_735 : i32 to index
        %swap3A_737 = tpu.vector_load %arg10[%swap3A_736] {strides = array<i32>} : memref<13184xf32, #tpu.memory_space<vmem>>, vector<16xf32>,
        tpu.vector_store %arg10[%swap3A_736], %select_n3A_733 {strides = array<i32>} : memref<13184xf32, #tpu.memory_space<vmem>>, vector<16xf32>,
      } else {
      }
      %add3A_692 = arith.constant 1 : i32
      %add3A_693 = arith.addi %min3A, %add3A_692 : i32
      %add3A_694 = arith.constant 1 : i32
      %add3A_695 = arith.addi %min3A, %add3A_694 : i32
      %max3A = arith.maxsi %reduce_max3A_629, %add3A_695 : i32
      %while3A_696 = arith.constant 0 : i32
      %while3A_697 = arith.subi %max3A, %add3A_693 : i32
      %while3A_698 = arith.addi %add3A_693, %while3A_697 : i32
      %while3A_699 = arith.constant 1 : i32
      %while3A_700 = arith.divsi %while3A_697, %while3A_699 : i32
      %while3A_701 = arith.muli %while3A_700, %while3A_699 : i32
      %while3A_702 = arith.addi %add3A_693, %while3A_701 : i32
      %while3A_703 = arith.constant 1 : i32
      %while3A_704 = scf.for %while3A_708 = %add3A_693 to %while3A_702 step %while3A_703 iter_args(%while3A_709 = %while3A_696) -> (i32)  : i32 {
        %mul3A_710 = arith.constant 16 : i32
        %mul3A_711 = arith.muli %while3A_708, %mul3A_710 : i32
        %add3A_712 = arith.constant 128 : i32
        %add3A_713 = arith.addi %add3A_712, %mul3A_711 : i32
        %get3A_714 = arith.index_cast %add3A_713 : i32 to index
        %get3A_715 = tpu.vector_load %arg8[%get3A_714] {strides = array<i32>} : memref<13328xi32, #tpu.memory_space<vmem>>, vector<16xi32>,
        %shift_right_arithmetic3A_716 = arith.constant 11 : i32
        %shift_right_arithmetic3A_717 = vector.broadcast %shift_right_arithmetic3A_716 : i32 to vector<16xi32>
        %shift_right_arithmetic3A_718 = arith.shrsi %get3A_715, %shift_right_arithmetic3A_717 : vector<16xi32>
        %and3A_719 = arith.constant 31 : i32
        %and3A_720 = vector.broadcast %and3A_719 : i32 to vector<16xi32>
        %and3A_721 = arith.andi %shift_right_arithmetic3A_718, %and3A_720 : vector<16xi32>
        %and3A_722 = arith.constant 2047 : i32
        %and3A_723 = vector.broadcast %and3A_722 : i32 to vector<16xi32>
        %and3A_724 = arith.andi %get3A_715, %and3A_723 : vector<16xi32>
        %gather3A_725 = tpu.vector_load_idx %arg9[%and3A_721, %and3A_724] : memref<32x2048xf32, #tpu.memory_space<vmem>>[vector<16xi32>, vector<16xi32>], vector<16xf32>,
        %mul3A_726 = arith.constant 16 : i32
        %mul3A_727 = arith.muli %while3A_708, %mul3A_726 : i32
        %swap3A_728 = arith.index_cast %mul3A_727 : i32 to index
        %swap3A_729 = tpu.vector_load %arg10[%swap3A_728] {strides = array<i32>} : memref<13184xf32, #tpu.memory_space<vmem>>, vector<16xf32>,
        tpu.vector_store %arg10[%swap3A_728], %gather3A_725 {strides = array<i32>} : memref<13184xf32, #tpu.memory_space<vmem>>, vector<16xf32>,
        %while3A_730 = arith.constant 0 : i32
        scf.yield %while3A_730 : i32
      }
      %while3A_705 = arith.constant 1 : i32
      %while3A_706 = scf.for %while3A_708 = %while3A_702 to %while3A_698 step %while3A_705 iter_args(%while3A_709 = %while3A_704) -> (i32)  : i32 {
        %mul3A_710 = arith.constant 16 : i32
        %mul3A_711 = arith.muli %while3A_708, %mul3A_710 : i32
        %add3A_712 = arith.constant 128 : i32
        %add3A_713 = arith.addi %add3A_712, %mul3A_711 : i32
        %get3A_714 = arith.index_cast %add3A_713 : i32 to index
        %get3A_715 = tpu.vector_load %arg8[%get3A_714] {strides = array<i32>} : memref<13328xi32, #tpu.memory_space<vmem>>, vector<16xi32>,
        %shift_right_arithmetic3A_716 = arith.constant 11 : i32
        %shift_right_arithmetic3A_717 = vector.broadcast %shift_right_arithmetic3A_716 : i32 to vector<16xi32>
        %shift_right_arithmetic3A_718 = arith.shrsi %get3A_715, %shift_right_arithmetic3A_717 : vector<16xi32>
        %and3A_719 = arith.constant 31 : i32
        %and3A_720 = vector.broadcast %and3A_719 : i32 to vector<16xi32>
        %and3A_721 = arith.andi %shift_right_arithmetic3A_718, %and3A_720 : vector<16xi32>
        %and3A_722 = arith.constant 2047 : i32
        %and3A_723 = vector.broadcast %and3A_722 : i32 to vector<16xi32>
        %and3A_724 = arith.andi %get3A_715, %and3A_723 : vector<16xi32>
        %gather3A_725 = tpu.vector_load_idx %arg9[%and3A_721, %and3A_724] : memref<32x2048xf32, #tpu.memory_space<vmem>>[vector<16xi32>, vector<16xi32>], vector<16xf32>,
        %mul3A_726 = arith.constant 16 : i32
        %mul3A_727 = arith.muli %while3A_708, %mul3A_726 : i32
        %swap3A_728 = arith.index_cast %mul3A_727 : i32 to index
        %swap3A_729 = tpu.vector_load %arg10[%swap3A_728] {strides = array<i32>} : memref<13184xf32, #tpu.memory_space<vmem>>, vector<16xf32>,
        tpu.vector_store %arg10[%swap3A_728], %gather3A_725 {strides = array<i32>} : memref<13184xf32, #tpu.memory_space<vmem>>, vector<16xf32>,
        %while3A_730 = arith.constant 0 : i32
        scf.yield %while3A_730 : i32
      }
      %while3A_707 = arith.constant 0 : i32
      scf.yield %while3A_707 : i32
    }
    %while3A_94 = arith.constant 1 : i32
    %while3A_95 = scf.for %while3A_601 = %while3A_91 to %while3A_87 step %while3A_94 iter_args(%while3A_602 = %while3A_93) -> (i32)  : i32 {
      %add3A_603 = arith.constant 3 : i32
      %add3A_604 = arith.addi %while3A_601, %add3A_603 : i32
      %lt3A_605 = arith.cmpi slt, %add3A_604, %add3A_48 : i32
      %convert_element_type3A_606 = arith.extui %lt3A_605 : i1 to i32
      %cond3A_607 = arith.constant 0 : i32
      %cond3A_608 = arith.cmpi ne, %convert_element_type3A_606, %cond3A_607 : i32
      scf.if %cond3A_608 {
        %add3A_708 = arith.constant 3 : i32
        %add3A_709 = arith.addi %while3A_601, %add3A_708 : i32
        %add3A_710 = arith.addi %shift_right_arithmetic3A_33, %add3A_709 : i32
        %and3A_711 = arith.constant 3 : i32
        %and3A_712 = arith.andi %add3A_710, %and3A_711 : i32
        %mul3A_713 = arith.constant 8 : i32
        %mul3A_714 = arith.muli %and3A_712, %mul3A_713 : i32
        %dma_start3A_715 = arith.constant 0 : i32
        %dma_start3A_716 = arith.constant 0 : i32
        %dma_start3A_717 = tpu.memref_slice %arg9[%mul3A_714, %dma_start3A_716] : memref<32x2048xf32, #tpu.memory_space<vmem>> -> memref<8x2048xf32, #tpu.memory_space<vmem>>
        %dma_start3A_718 = arith.constant 0 : i32
        %dma_start3A_719 = arith.constant 0 : i32
        %dma_start3A_720 = arith.constant 0 : i32
        %dma_start3A_721 = tpu.memref_slice %arg2[%dma_start3A_715, %dma_start3A_718, %dma_start3A_719, %dma_start3A_720] : memref<8x256x8x2048xf32, #tpu.memory_space<hbm>> -> memref<1x256x8x2048xf32, #tpu.memory_space<hbm>>
        %dma_start3A_722 = tpu.memref_squeeze %dma_start3A_721 : memref<1x256x8x2048xf32, #tpu.memory_space<hbm>> -> memref<256x8x2048xf32, #tpu.memory_space<hbm>>
        %dma_start3A_723 = arith.constant 0 : i32
        %dma_start3A_724 = arith.constant 0 : i32
        %dma_start3A_725 = tpu.memref_slice %dma_start3A_722[%add3A_710, %dma_start3A_723, %dma_start3A_724] : memref<256x8x2048xf32, #tpu.memory_space<hbm>> -> memref<1x8x2048xf32, #tpu.memory_space<hbm>>
        %dma_start3A_726 = tpu.memref_squeeze %dma_start3A_725 : memref<1x8x2048xf32, #tpu.memory_space<hbm>> -> memref<8x2048xf32, #tpu.memory_space<hbm>>
        %dma_start3A_727 = arith.constant 0 : i32
        %dma_start3A_728 = tpu.memref_slice %arg9[%mul3A_714, %dma_start3A_727] : memref<32x2048xf32, #tpu.memory_space<vmem>> -> memref<8x2048xf32, #tpu.memory_space<vmem>>
        %dma_start3A_729 = arith.constant 0 : i32
        %dma_start3A_730 = arith.constant 0 : i32
        %dma_start3A_731 = arith.constant 0 : i32
        %dma_start3A_732 = tpu.memref_slice %arg2[%dma_start3A_715, %dma_start3A_729, %dma_start3A_730, %dma_start3A_731] : memref<8x256x8x2048xf32, #tpu.memory_space<hbm>> -> memref<1x256x8x2048xf32, #tpu.memory_space<hbm>>
        %dma_start3A_733 = tpu.memref_squeeze %dma_start3A_732 : memref<1x256x8x2048xf32, #tpu.memory_space<hbm>> -> memref<256x8x2048xf32, #tpu.memory_space<hbm>>
        %dma_start3A_734 = arith.constant 0 : i32
        %dma_start3A_735 = arith.constant 0 : i32
        %dma_start3A_736 = tpu.memref_slice %dma_start3A_733[%add3A_710, %dma_start3A_734, %dma_start3A_735] : memref<256x8x2048xf32, #tpu.memory_space<hbm>> -> memref<1x8x2048xf32, #tpu.memory_space<hbm>>
        %dma_start3A_737 = tpu.memref_squeeze %dma_start3A_736 : memref<1x8x2048xf32, #tpu.memory_space<hbm>> -> memref<8x2048xf32, #tpu.memory_space<hbm>>
        tpu.enqueue_dma source(%dma_start3A_737 : memref<8x2048xf32, #tpu.memory_space<hbm>>) target(%dma_start3A_728 : memref<8x2048xf32, #tpu.memory_space<vmem>>) target_semaphore(%arg17 : memref<!tpu.dma_semaphore, #tpu.memory_space<semaphore_mem>>)
      } else {
      }
      %add3A_609 = arith.addi %shift_right_arithmetic3A_33, %while3A_601 : i32
      %broadcast_in_dim3A_610 = vector.broadcast %add3A_609 : i32 to vector<16xi32>
      %gather3A_611 = tpu.vector_load_idx %arg12[%broadcast_in_dim3A_610] : memref<256xi32, #tpu.memory_space<vmem>>[vector<16xi32>], vector<16xi32>,
      %reduce_max3A_612 = arith.constant true
      %reduce_max3A_613 = vector.broadcast %reduce_max3A_612 : i1 to vector<16xi1>
      %reduce_max3A_614 = arith.constant -2147483648 : i32
      %reduce_max3A_615 = vector.broadcast %reduce_max3A_614 : i32 to vector<16xi32>
      %reduce_max3A_616 = arith.xori %gather3A_611, %reduce_max3A_615 : vector<16xi32>
      %reduce_max3A_617 = tpu.scan <max>, %reduce_max3A_616 masked %reduce_max3A_613 : vector<16xi32>, vector<16xi1> -> vector<16xi32>
      %reduce_max3A_618 = arith.xori %reduce_max3A_617, %reduce_max3A_615 : vector<16xi32>
      %reduce_max3A_619 = vector.extract %reduce_max3A_618[15] : i32 from vector<16xi32>
      %broadcast_in_dim3A_620 = vector.broadcast %add3A_609 : i32 to vector<16xi32>
      %gather3A_621 = tpu.vector_load_idx %arg13[%broadcast_in_dim3A_620] : memref<256xi32, #tpu.memory_space<vmem>>[vector<16xi32>], vector<16xi32>,
      %reduce_max3A_622 = arith.constant true
      %reduce_max3A_623 = vector.broadcast %reduce_max3A_622 : i1 to vector<16xi1>
      %reduce_max3A_624 = arith.constant -2147483648 : i32
      %reduce_max3A_625 = vector.broadcast %reduce_max3A_624 : i32 to vector<16xi32>
      %reduce_max3A_626 = arith.xori %gather3A_621, %reduce_max3A_625 : vector<16xi32>
      %reduce_max3A_627 = tpu.scan <max>, %reduce_max3A_626 masked %reduce_max3A_623 : vector<16xi32>, vector<16xi1> -> vector<16xi32>
      %reduce_max3A_628 = arith.xori %reduce_max3A_627, %reduce_max3A_625 : vector<16xi32>
      %reduce_max3A_629 = vector.extract %reduce_max3A_628[15] : i32 from vector<16xi32>
      %add3A_630 = arith.constant 1 : i32
      %add3A_631 = arith.addi %reduce_max3A_629, %add3A_630 : i32
      %min3A = arith.minsi %reduce_max3A_619, %add3A_631 : i32
      %add3A_632 = arith.addi %shift_right_arithmetic3A_33, %while3A_601 : i32
      %and3A_633 = arith.constant 3 : i32
      %and3A_634 = arith.andi %add3A_632, %and3A_633 : i32
      %mul3A_635 = arith.constant 8 : i32
      %mul3A_636 = arith.muli %and3A_634, %mul3A_635 : i32
      %dma_wait3A_637 = arith.constant 0 : i32
      %dma_wait3A_638 = arith.constant 0 : i32
      %dma_wait3A_639 = tpu.memref_slice %arg9[%mul3A_636, %dma_wait3A_638] : memref<32x2048xf32, #tpu.memory_space<vmem>> -> memref<8x2048xf32, #tpu.memory_space<vmem>>
      %dma_wait3A_640 = arith.constant 0 : i32
      %dma_wait3A_641 = arith.constant 0 : i32
      %dma_wait3A_642 = arith.constant 0 : i32
      %dma_wait3A_643 = tpu.memref_slice %arg2[%dma_wait3A_637, %dma_wait3A_640, %dma_wait3A_641, %dma_wait3A_642] : memref<8x256x8x2048xf32, #tpu.memory_space<hbm>> -> memref<1x256x8x2048xf32, #tpu.memory_space<hbm>>
      %dma_wait3A_644 = tpu.memref_squeeze %dma_wait3A_643 : memref<1x256x8x2048xf32, #tpu.memory_space<hbm>> -> memref<256x8x2048xf32, #tpu.memory_space<hbm>>
      %dma_wait3A_645 = arith.constant 0 : i32
      %dma_wait3A_646 = arith.constant 0 : i32
      %dma_wait3A_647 = tpu.memref_slice %dma_wait3A_644[%add3A_632, %dma_wait3A_645, %dma_wait3A_646] : memref<256x8x2048xf32, #tpu.memory_space<hbm>> -> memref<1x8x2048xf32, #tpu.memory_space<hbm>>
      %dma_wait3A_648 = tpu.memref_squeeze %dma_wait3A_647 : memref<1x8x2048xf32, #tpu.memory_space<hbm>> -> memref<8x2048xf32, #tpu.memory_space<hbm>>
      %dma_wait3A_649 = arith.constant 0 : i32
      %dma_wait3A_650 = tpu.memref_slice %arg9[%mul3A_636, %dma_wait3A_649] : memref<32x2048xf32, #tpu.memory_space<vmem>> -> memref<8x2048xf32, #tpu.memory_space<vmem>>
      %dma_wait3A_651 = arith.constant 0 : i32
      %dma_wait3A_652 = arith.constant 0 : i32
      %dma_wait3A_653 = arith.constant 0 : i32
      %dma_wait3A_654 = tpu.memref_slice %arg2[%dma_wait3A_637, %dma_wait3A_651, %dma_wait3A_652, %dma_wait3A_653] : memref<8x256x8x2048xf32, #tpu.memory_space<hbm>> -> memref<1x256x8x2048xf32, #tpu.memory_space<hbm>>
      %dma_wait3A_655 = tpu.memref_squeeze %dma_wait3A_654 : memref<1x256x8x2048xf32, #tpu.memory_space<hbm>> -> memref<256x8x2048xf32, #tpu.memory_space<hbm>>
      %dma_wait3A_656 = arith.constant 0 : i32
      %dma_wait3A_657 = arith.constant 0 : i32
      %dma_wait3A_658 = tpu.memref_slice %dma_wait3A_655[%add3A_632, %dma_wait3A_656, %dma_wait3A_657] : memref<256x8x2048xf32, #tpu.memory_space<hbm>> -> memref<1x8x2048xf32, #tpu.memory_space<hbm>>
      %dma_wait3A_659 = tpu.memref_squeeze %dma_wait3A_658 : memref<1x8x2048xf32, #tpu.memory_space<hbm>> -> memref<8x2048xf32, #tpu.memory_space<hbm>>
      tpu.wait_dma2 semaphore(%arg17 : memref<!tpu.dma_semaphore, #tpu.memory_space<semaphore_mem>>) src(%dma_wait3A_659 : memref<8x2048xf32, #tpu.memory_space<hbm>>) dst(%dma_wait3A_650 : memref<8x2048xf32, #tpu.memory_space<vmem>>)
      %mul3A_660 = arith.constant 16 : i32
      %mul3A_661 = arith.muli %min3A, %mul3A_660 : i32
      %add3A_662 = arith.constant 128 : i32
      %add3A_663 = arith.addi %add3A_662, %mul3A_661 : i32
      %get3A = arith.index_cast %add3A_663 : i32 to index
      %get3A_664 = tpu.vector_load %arg8[%get3A] {strides = array<i32>} : memref<13328xi32, #tpu.memory_space<vmem>>, vector<16xi32>,
      %shift_right_arithmetic3A_665 = arith.constant 14 : i32
      %shift_right_arithmetic3A_666 = vector.broadcast %shift_right_arithmetic3A_665 : i32 to vector<16xi32>
      %shift_right_arithmetic3A_667 = arith.shrsi %get3A_664, %shift_right_arithmetic3A_666 : vector<16xi32>
      %eq3A_668 = vector.broadcast %add3A_609 : i32 to vector<16xi32>
      %eq3A_669 = arith.cmpi eq, %shift_right_arithmetic3A_667, %eq3A_668 : vector<16xi32>
      %shift_right_arithmetic3A_670 = arith.constant 11 : i32
      %shift_right_arithmetic3A_671 = vector.broadcast %shift_right_arithmetic3A_670 : i32 to vector<16xi32>
      %shift_right_arithmetic3A_672 = arith.shrsi %get3A_664, %shift_right_arithmetic3A_671 : vector<16xi32>
      %and3A_673 = arith.constant 31 : i32
      %and3A_674 = vector.broadcast %and3A_673 : i32 to vector<16xi32>
      %and3A_675 = arith.andi %shift_right_arithmetic3A_672, %and3A_674 : vector<16xi32>
      %and3A_676 = arith.constant 2047 : i32
      %and3A_677 = vector.broadcast %and3A_676 : i32 to vector<16xi32>
      %and3A_678 = arith.andi %get3A_664, %and3A_677 : vector<16xi32>
      %gather3A_679 = tpu.vector_load_idx %arg9[%and3A_675, %and3A_678] masked %eq3A_669 : memref<32x2048xf32, #tpu.memory_space<vmem>>[vector<16xi32>, vector<16xi32>], vector<16xf32>, vector<16xi1>
      %mul3A_680 = arith.constant 16 : i32
      %mul3A_681 = arith.muli %min3A, %mul3A_680 : i32
      %get3A_682 = arith.index_cast %mul3A_681 : i32 to index
      %get3A_683 = tpu.vector_load %arg10[%get3A_682] {strides = array<i32>} : memref<13184xf32, #tpu.memory_space<vmem>>, vector<16xf32>,
      %select_n3A = arith.select %eq3A_669, %gather3A_679, %get3A_683 : vector<16xi1>, vector<16xf32>
      %mul3A_684 = arith.constant 16 : i32
      %mul3A_685 = arith.muli %min3A, %mul3A_684 : i32
      %swap3A_686 = arith.index_cast %mul3A_685 : i32 to index
      %swap3A_687 = tpu.vector_load %arg10[%swap3A_686] {strides = array<i32>} : memref<13184xf32, #tpu.memory_space<vmem>>, vector<16xf32>,
      tpu.vector_store %arg10[%swap3A_686], %select_n3A {strides = array<i32>} : memref<13184xf32, #tpu.memory_space<vmem>>, vector<16xf32>,
      %gt3A_688 = arith.cmpi sgt, %reduce_max3A_629, %min3A : i32
      %convert_element_type3A_689 = arith.extui %gt3A_688 : i1 to i32
      %cond3A_690 = arith.constant 0 : i32
      %cond3A_691 = arith.cmpi ne, %convert_element_type3A_689, %cond3A_690 : i32
      scf.if %cond3A_691 {
        %mul3A_708 = arith.constant 16 : i32
        %mul3A_709 = arith.muli %reduce_max3A_629, %mul3A_708 : i32
        %add3A_710 = arith.constant 128 : i32
        %add3A_711 = arith.addi %add3A_710, %mul3A_709 : i32
        %get3A_712 = arith.index_cast %add3A_711 : i32 to index
        %get3A_713 = tpu.vector_load %arg8[%get3A_712] {strides = array<i32>} : memref<13328xi32, #tpu.memory_space<vmem>>, vector<16xi32>,
        %shift_right_arithmetic3A_714 = arith.constant 14 : i32
        %shift_right_arithmetic3A_715 = vector.broadcast %shift_right_arithmetic3A_714 : i32 to vector<16xi32>
        %shift_right_arithmetic3A_716 = arith.shrsi %get3A_713, %shift_right_arithmetic3A_715 : vector<16xi32>
        %eq3A_717 = vector.broadcast %add3A_609 : i32 to vector<16xi32>
        %eq3A_718 = arith.cmpi eq, %shift_right_arithmetic3A_716, %eq3A_717 : vector<16xi32>
        %shift_right_arithmetic3A_719 = arith.constant 11 : i32
        %shift_right_arithmetic3A_720 = vector.broadcast %shift_right_arithmetic3A_719 : i32 to vector<16xi32>
        %shift_right_arithmetic3A_721 = arith.shrsi %get3A_713, %shift_right_arithmetic3A_720 : vector<16xi32>
        %and3A_722 = arith.constant 31 : i32
        %and3A_723 = vector.broadcast %and3A_722 : i32 to vector<16xi32>
        %and3A_724 = arith.andi %shift_right_arithmetic3A_721, %and3A_723 : vector<16xi32>
        %and3A_725 = arith.constant 2047 : i32
        %and3A_726 = vector.broadcast %and3A_725 : i32 to vector<16xi32>
        %and3A_727 = arith.andi %get3A_713, %and3A_726 : vector<16xi32>
        %gather3A_728 = tpu.vector_load_idx %arg9[%and3A_724, %and3A_727] masked %eq3A_718 : memref<32x2048xf32, #tpu.memory_space<vmem>>[vector<16xi32>, vector<16xi32>], vector<16xf32>, vector<16xi1>
        %mul3A_729 = arith.constant 16 : i32
        %mul3A_730 = arith.muli %reduce_max3A_629, %mul3A_729 : i32
        %get3A_731 = arith.index_cast %mul3A_730 : i32 to index
        %get3A_732 = tpu.vector_load %arg10[%get3A_731] {strides = array<i32>} : memref<13184xf32, #tpu.memory_space<vmem>>, vector<16xf32>,
        %select_n3A_733 = arith.select %eq3A_718, %gather3A_728, %get3A_732 : vector<16xi1>, vector<16xf32>
        %mul3A_734 = arith.constant 16 : i32
        %mul3A_735 = arith.muli %reduce_max3A_629, %mul3A_734 : i32
        %swap3A_736 = arith.index_cast %mul3A_735 : i32 to index
        %swap3A_737 = tpu.vector_load %arg10[%swap3A_736] {strides = array<i32>} : memref<13184xf32, #tpu.memory_space<vmem>>, vector<16xf32>,
        tpu.vector_store %arg10[%swap3A_736], %select_n3A_733 {strides = array<i32>} : memref<13184xf32, #tpu.memory_space<vmem>>, vector<16xf32>,
      } else {
      }
      %add3A_692 = arith.constant 1 : i32
      %add3A_693 = arith.addi %min3A, %add3A_692 : i32
      %add3A_694 = arith.constant 1 : i32
      %add3A_695 = arith.addi %min3A, %add3A_694 : i32
      %max3A = arith.maxsi %reduce_max3A_629, %add3A_695 : i32
      %while3A_696 = arith.constant 0 : i32
      %while3A_697 = arith.subi %max3A, %add3A_693 : i32
      %while3A_698 = arith.addi %add3A_693, %while3A_697 : i32
      %while3A_699 = arith.constant 1 : i32
      %while3A_700 = arith.divsi %while3A_697, %while3A_699 : i32
      %while3A_701 = arith.muli %while3A_700, %while3A_699 : i32
      %while3A_702 = arith.addi %add3A_693, %while3A_701 : i32
      %while3A_703 = arith.constant 1 : i32
      %while3A_704 = scf.for %while3A_708 = %add3A_693 to %while3A_702 step %while3A_703 iter_args(%while3A_709 = %while3A_696) -> (i32)  : i32 {
        %mul3A_710 = arith.constant 16 : i32
        %mul3A_711 = arith.muli %while3A_708, %mul3A_710 : i32
        %add3A_712 = arith.constant 128 : i32
        %add3A_713 = arith.addi %add3A_712, %mul3A_711 : i32
        %get3A_714 = arith.index_cast %add3A_713 : i32 to index
        %get3A_715 = tpu.vector_load %arg8[%get3A_714] {strides = array<i32>} : memref<13328xi32, #tpu.memory_space<vmem>>, vector<16xi32>,
        %shift_right_arithmetic3A_716 = arith.constant 11 : i32
        %shift_right_arithmetic3A_717 = vector.broadcast %shift_right_arithmetic3A_716 : i32 to vector<16xi32>
        %shift_right_arithmetic3A_718 = arith.shrsi %get3A_715, %shift_right_arithmetic3A_717 : vector<16xi32>
        %and3A_719 = arith.constant 31 : i32
        %and3A_720 = vector.broadcast %and3A_719 : i32 to vector<16xi32>
        %and3A_721 = arith.andi %shift_right_arithmetic3A_718, %and3A_720 : vector<16xi32>
        %and3A_722 = arith.constant 2047 : i32
        %and3A_723 = vector.broadcast %and3A_722 : i32 to vector<16xi32>
        %and3A_724 = arith.andi %get3A_715, %and3A_723 : vector<16xi32>
        %gather3A_725 = tpu.vector_load_idx %arg9[%and3A_721, %and3A_724] : memref<32x2048xf32, #tpu.memory_space<vmem>>[vector<16xi32>, vector<16xi32>], vector<16xf32>,
        %mul3A_726 = arith.constant 16 : i32
        %mul3A_727 = arith.muli %while3A_708, %mul3A_726 : i32
        %swap3A_728 = arith.index_cast %mul3A_727 : i32 to index
        %swap3A_729 = tpu.vector_load %arg10[%swap3A_728] {strides = array<i32>} : memref<13184xf32, #tpu.memory_space<vmem>>, vector<16xf32>,
        tpu.vector_store %arg10[%swap3A_728], %gather3A_725 {strides = array<i32>} : memref<13184xf32, #tpu.memory_space<vmem>>, vector<16xf32>,
        %while3A_730 = arith.constant 0 : i32
        scf.yield %while3A_730 : i32
      }
      %while3A_705 = arith.constant 1 : i32
      %while3A_706 = scf.for %while3A_708 = %while3A_702 to %while3A_698 step %while3A_705 iter_args(%while3A_709 = %while3A_704) -> (i32)  : i32 {
        %mul3A_710 = arith.constant 16 : i32
        %mul3A_711 = arith.muli %while3A_708, %mul3A_710 : i32
        %add3A_712 = arith.constant 128 : i32
        %add3A_713 = arith.addi %add3A_712, %mul3A_711 : i32
        %get3A_714 = arith.index_cast %add3A_713 : i32 to index
        %get3A_715 = tpu.vector_load %arg8[%get3A_714] {strides = array<i32>} : memref<13328xi32, #tpu.memory_space<vmem>>, vector<16xi32>,
        %shift_right_arithmetic3A_716 = arith.constant 11 : i32
        %shift_right_arithmetic3A_717 = vector.broadcast %shift_right_arithmetic3A_716 : i32 to vector<16xi32>
        %shift_right_arithmetic3A_718 = arith.shrsi %get3A_715, %shift_right_arithmetic3A_717 : vector<16xi32>
        %and3A_719 = arith.constant 31 : i32
        %and3A_720 = vector.broadcast %and3A_719 : i32 to vector<16xi32>
        %and3A_721 = arith.andi %shift_right_arithmetic3A_718, %and3A_720 : vector<16xi32>
        %and3A_722 = arith.constant 2047 : i32
        %and3A_723 = vector.broadcast %and3A_722 : i32 to vector<16xi32>
        %and3A_724 = arith.andi %get3A_715, %and3A_723 : vector<16xi32>
        %gather3A_725 = tpu.vector_load_idx %arg9[%and3A_721, %and3A_724] : memref<32x2048xf32, #tpu.memory_space<vmem>>[vector<16xi32>, vector<16xi32>], vector<16xf32>,
        %mul3A_726 = arith.constant 16 : i32
        %mul3A_727 = arith.muli %while3A_708, %mul3A_726 : i32
        %swap3A_728 = arith.index_cast %mul3A_727 : i32 to index
        %swap3A_729 = tpu.vector_load %arg10[%swap3A_728] {strides = array<i32>} : memref<13184xf32, #tpu.memory_space<vmem>>, vector<16xf32>,
        tpu.vector_store %arg10[%swap3A_728], %gather3A_725 {strides = array<i32>} : memref<13184xf32, #tpu.memory_space<vmem>>, vector<16xf32>,
        %while3A_730 = arith.constant 0 : i32
        scf.yield %while3A_730 : i32
      }
      %while3A_707 = arith.constant 0 : i32
      scf.yield %while3A_707 : i32
    }
    %dma_start3A_96 = arith.constant 0 : i32
    %dma_start3A_97 = arith.constant 0 : i32
    %dma_start3A_98 = tpu.memref_slice %arg6[%dma_start3A_96, %dma_start3A_97] : memref<8x421888xf32, #tpu.memory_space<hbm>> -> memref<1x421888xf32, #tpu.memory_space<hbm>>
    %dma_start3A_99 = tpu.memref_squeeze %dma_start3A_98 : memref<1x421888xf32, #tpu.memory_space<hbm>> -> memref<421888xf32, #tpu.memory_space<hbm>>
    %dma_start3A_100 = tpu.memref_slice %dma_start3A_99[%mul3A_2] : memref<421888xf32, #tpu.memory_space<hbm>> -> memref<13184xf32, #tpu.memory_space<hbm>>
    %dma_start3A_101 = arith.constant 0 : i32
    %dma_start3A_102 = tpu.memref_slice %arg6[%dma_start3A_96, %dma_start3A_101] : memref<8x421888xf32, #tpu.memory_space<hbm>> -> memref<1x421888xf32, #tpu.memory_space<hbm>>
    %dma_start3A_103 = tpu.memref_squeeze %dma_start3A_102 : memref<1x421888xf32, #tpu.memory_space<hbm>> -> memref<421888xf32, #tpu.memory_space<hbm>>
    %dma_start3A_104 = tpu.memref_slice %dma_start3A_103[%mul3A_2] : memref<421888xf32, #tpu.memory_space<hbm>> -> memref<13184xf32, #tpu.memory_space<hbm>>
    tpu.enqueue_dma source(%arg10 : memref<13184xf32, #tpu.memory_space<vmem>>) target(%dma_start3A_104 : memref<13184xf32, #tpu.memory_space<hbm>>) target_semaphore(%arg18 : memref<!tpu.dma_semaphore, #tpu.memory_space<semaphore_mem>>)
    %add3A_105 = arith.constant 0 : i32
    %add3A_106 = arith.addi %shift_right_arithmetic3A_33, %add3A_105 : i32
    %and3A_107 = arith.constant 3 : i32
    %and3A_108 = arith.andi %add3A_106, %and3A_107 : i32
    %mul3A_109 = arith.constant 8 : i32
    %mul3A_110 = arith.muli %and3A_108, %mul3A_109 : i32
    %dma_start3A_111 = arith.constant 1 : i32
    %dma_start3A_112 = arith.constant 0 : i32
    %dma_start3A_113 = tpu.memref_slice %arg9[%mul3A_110, %dma_start3A_112] : memref<32x2048xf32, #tpu.memory_space<vmem>> -> memref<8x2048xf32, #tpu.memory_space<vmem>>
    %dma_start3A_114 = arith.constant 0 : i32
    %dma_start3A_115 = arith.constant 0 : i32
    %dma_start3A_116 = arith.constant 0 : i32
    %dma_start3A_117 = tpu.memref_slice %arg2[%dma_start3A_111, %dma_start3A_114, %dma_start3A_115, %dma_start3A_116] : memref<8x256x8x2048xf32, #tpu.memory_space<hbm>> -> memref<1x256x8x2048xf32, #tpu.memory_space<hbm>>
    %dma_start3A_118 = tpu.memref_squeeze %dma_start3A_117 : memref<1x256x8x2048xf32, #tpu.memory_space<hbm>> -> memref<256x8x2048xf32, #tpu.memory_space<hbm>>
    %dma_start3A_119 = arith.constant 0 : i32
    %dma_start3A_120 = arith.constant 0 : i32
    %dma_start3A_121 = tpu.memref_slice %dma_start3A_118[%add3A_106, %dma_start3A_119, %dma_start3A_120] : memref<256x8x2048xf32, #tpu.memory_space<hbm>> -> memref<1x8x2048xf32, #tpu.memory_space<hbm>>
    %dma_start3A_122 = tpu.memref_squeeze %dma_start3A_121 : memref<1x8x2048xf32, #tpu.memory_space<hbm>> -> memref<8x2048xf32, #tpu.memory_space<hbm>>
    %dma_start3A_123 = arith.constant 0 : i32
    %dma_start3A_124 = tpu.memref_slice %arg9[%mul3A_110, %dma_start3A_123] : memref<32x2048xf32, #tpu.memory_space<vmem>> -> memref<8x2048xf32, #tpu.memory_space<vmem>>
    %dma_start3A_125 = arith.constant 0 : i32
    %dma_start3A_126 = arith.constant 0 : i32
    %dma_start3A_127 = arith.constant 0 : i32
    %dma_start3A_128 = tpu.memref_slice %arg2[%dma_start3A_111, %dma_start3A_125, %dma_start3A_126, %dma_start3A_127] : memref<8x256x8x2048xf32, #tpu.memory_space<hbm>> -> memref<1x256x8x2048xf32, #tpu.memory_space<hbm>>
    %dma_start3A_129 = tpu.memref_squeeze %dma_start3A_128 : memref<1x256x8x2048xf32, #tpu.memory_space<hbm>> -> memref<256x8x2048xf32, #tpu.memory_space<hbm>>
    %dma_start3A_130 = arith.constant 0 : i32
    %dma_start3A_131 = arith.constant 0 : i32
    %dma_start3A_132 = tpu.memref_slice %dma_start3A_129[%add3A_106, %dma_start3A_130, %dma_start3A_131] : memref<256x8x2048xf32, #tpu.memory_space<hbm>> -> memref<1x8x2048xf32, #tpu.memory_space<hbm>>
    %dma_start3A_133 = tpu.memref_squeeze %dma_start3A_132 : memref<1x8x2048xf32, #tpu.memory_space<hbm>> -> memref<8x2048xf32, #tpu.memory_space<hbm>>
    tpu.enqueue_dma source(%dma_start3A_133 : memref<8x2048xf32, #tpu.memory_space<hbm>>) target(%dma_start3A_124 : memref<8x2048xf32, #tpu.memory_space<vmem>>) target_semaphore(%arg17 : memref<!tpu.dma_semaphore, #tpu.memory_space<semaphore_mem>>)
    %gt3A_134 = arith.constant 1 : i32
    %gt3A_135 = arith.cmpi sgt, %add3A_48, %gt3A_134 : i32
    %convert_element_type3A_136 = arith.extui %gt3A_135 : i1 to i32
    %cond3A_137 = arith.constant 0 : i32
    %cond3A_138 = arith.cmpi ne, %convert_element_type3A_136, %cond3A_137 : i32
    scf.if %cond3A_138 {
      %add3A_601 = arith.constant 1 : i32
      %add3A_602 = arith.addi %shift_right_arithmetic3A_33, %add3A_601 : i32
      %and3A_603 = arith.constant 3 : i32
      %and3A_604 = arith.andi %add3A_602, %and3A_603 : i32
      %mul3A_605 = arith.constant 8 : i32
      %mul3A_606 = arith.muli %and3A_604, %mul3A_605 : i32
      %dma_start3A_607 = arith.constant 1 : i32
      %dma_start3A_608 = arith.constant 0 : i32
      %dma_start3A_609 = tpu.memref_slice %arg9[%mul3A_606, %dma_start3A_608] : memref<32x2048xf32, #tpu.memory_space<vmem>> -> memref<8x2048xf32, #tpu.memory_space<vmem>>
      %dma_start3A_610 = arith.constant 0 : i32
      %dma_start3A_611 = arith.constant 0 : i32
      %dma_start3A_612 = arith.constant 0 : i32
      %dma_start3A_613 = tpu.memref_slice %arg2[%dma_start3A_607, %dma_start3A_610, %dma_start3A_611, %dma_start3A_612] : memref<8x256x8x2048xf32, #tpu.memory_space<hbm>> -> memref<1x256x8x2048xf32, #tpu.memory_space<hbm>>
      %dma_start3A_614 = tpu.memref_squeeze %dma_start3A_613 : memref<1x256x8x2048xf32, #tpu.memory_space<hbm>> -> memref<256x8x2048xf32, #tpu.memory_space<hbm>>
      %dma_start3A_615 = arith.constant 0 : i32
      %dma_start3A_616 = arith.constant 0 : i32
      %dma_start3A_617 = tpu.memref_slice %dma_start3A_614[%add3A_602, %dma_start3A_615, %dma_start3A_616] : memref<256x8x2048xf32, #tpu.memory_space<hbm>> -> memref<1x8x2048xf32, #tpu.memory_space<hbm>>
      %dma_start3A_618 = tpu.memref_squeeze %dma_start3A_617 : memref<1x8x2048xf32, #tpu.memory_space<hbm>> -> memref<8x2048xf32, #tpu.memory_space<hbm>>
      %dma_start3A_619 = arith.constant 0 : i32
      %dma_start3A_620 = tpu.memref_slice %arg9[%mul3A_606, %dma_start3A_619] : memref<32x2048xf32, #tpu.memory_space<vmem>> -> memref<8x2048xf32, #tpu.memory_space<vmem>>
      %dma_start3A_621 = arith.constant 0 : i32
      %dma_start3A_622 = arith.constant 0 : i32
      %dma_start3A_623 = arith.constant 0 : i32
      %dma_start3A_624 = tpu.memref_slice %arg2[%dma_start3A_607, %dma_start3A_621, %dma_start3A_622, %dma_start3A_623] : memref<8x256x8x2048xf32, #tpu.memory_space<hbm>> -> memref<1x256x8x2048xf32, #tpu.memory_space<hbm>>
      %dma_start3A_625 = tpu.memref_squeeze %dma_start3A_624 : memref<1x256x8x2048xf32, #tpu.memory_space<hbm>> -> memref<256x8x2048xf32, #tpu.memory_space<hbm>>
      %dma_start3A_626 = arith.constant 0 : i32
      %dma_start3A_627 = arith.constant 0 : i32
      %dma_start3A_628 = tpu.memref_slice %dma_start3A_625[%add3A_602, %dma_start3A_626, %dma_start3A_627] : memref<256x8x2048xf32, #tpu.memory_space<hbm>> -> memref<1x8x2048xf32, #tpu.memory_space<hbm>>
      %dma_start3A_629 = tpu.memref_squeeze %dma_start3A_628 : memref<1x8x2048xf32, #tpu.memory_space<hbm>> -> memref<8x2048xf32, #tpu.memory_space<hbm>>
      tpu.enqueue_dma source(%dma_start3A_629 : memref<8x2048xf32, #tpu.memory_space<hbm>>) target(%dma_start3A_620 : memref<8x2048xf32, #tpu.memory_space<vmem>>) target_semaphore(%arg17 : memref<!tpu.dma_semaphore, #tpu.memory_space<semaphore_mem>>)
    } else {
    }
    %gt3A_139 = arith.constant 2 : i32
    %gt3A_140 = arith.cmpi sgt, %add3A_48, %gt3A_139 : i32
    %convert_element_type3A_141 = arith.extui %gt3A_140 : i1 to i32
    %cond3A_142 = arith.constant 0 : i32
    %cond3A_143 = arith.cmpi ne, %convert_element_type3A_141, %cond3A_142 : i32
    scf.if %cond3A_143 {
      %add3A_601 = arith.constant 2 : i32
      %add3A_602 = arith.addi %shift_right_arithmetic3A_33, %add3A_601 : i32
      %and3A_603 = arith.constant 3 : i32
      %and3A_604 = arith.andi %add3A_602, %and3A_603 : i32
      %mul3A_605 = arith.constant 8 : i32
      %mul3A_606 = arith.muli %and3A_604, %mul3A_605 : i32
      %dma_start3A_607 = arith.constant 1 : i32
      %dma_start3A_608 = arith.constant 0 : i32
      %dma_start3A_609 = tpu.memref_slice %arg9[%mul3A_606, %dma_start3A_608] : memref<32x2048xf32, #tpu.memory_space<vmem>> -> memref<8x2048xf32, #tpu.memory_space<vmem>>
      %dma_start3A_610 = arith.constant 0 : i32
      %dma_start3A_611 = arith.constant 0 : i32
      %dma_start3A_612 = arith.constant 0 : i32
      %dma_start3A_613 = tpu.memref_slice %arg2[%dma_start3A_607, %dma_start3A_610, %dma_start3A_611, %dma_start3A_612] : memref<8x256x8x2048xf32, #tpu.memory_space<hbm>> -> memref<1x256x8x2048xf32, #tpu.memory_space<hbm>>
      %dma_start3A_614 = tpu.memref_squeeze %dma_start3A_613 : memref<1x256x8x2048xf32, #tpu.memory_space<hbm>> -> memref<256x8x2048xf32, #tpu.memory_space<hbm>>
      %dma_start3A_615 = arith.constant 0 : i32
      %dma_start3A_616 = arith.constant 0 : i32
      %dma_start3A_617 = tpu.memref_slice %dma_start3A_614[%add3A_602, %dma_start3A_615, %dma_start3A_616] : memref<256x8x2048xf32, #tpu.memory_space<hbm>> -> memref<1x8x2048xf32, #tpu.memory_space<hbm>>
      %dma_start3A_618 = tpu.memref_squeeze %dma_start3A_617 : memref<1x8x2048xf32, #tpu.memory_space<hbm>> -> memref<8x2048xf32, #tpu.memory_space<hbm>>
      %dma_start3A_619 = arith.constant 0 : i32
      %dma_start3A_620 = tpu.memref_slice %arg9[%mul3A_606, %dma_start3A_619] : memref<32x2048xf32, #tpu.memory_space<vmem>> -> memref<8x2048xf32, #tpu.memory_space<vmem>>
      %dma_start3A_621 = arith.constant 0 : i32
      %dma_start3A_622 = arith.constant 0 : i32
      %dma_start3A_623 = arith.constant 0 : i32
      %dma_start3A_624 = tpu.memref_slice %arg2[%dma_start3A_607, %dma_start3A_621, %dma_start3A_622, %dma_start3A_623] : memref<8x256x8x2048xf32, #tpu.memory_space<hbm>> -> memref<1x256x8x2048xf32, #tpu.memory_space<hbm>>
      %dma_start3A_625 = tpu.memref_squeeze %dma_start3A_624 : memref<1x256x8x2048xf32, #tpu.memory_space<hbm>> -> memref<256x8x2048xf32, #tpu.memory_space<hbm>>
      %dma_start3A_626 = arith.constant 0 : i32
      %dma_start3A_627 = arith.constant 0 : i32
      %dma_start3A_628 = tpu.memref_slice %dma_start3A_625[%add3A_602, %dma_start3A_626, %dma_start3A_627] : memref<256x8x2048xf32, #tpu.memory_space<hbm>> -> memref<1x8x2048xf32, #tpu.memory_space<hbm>>
      %dma_start3A_629 = tpu.memref_squeeze %dma_start3A_628 : memref<1x8x2048xf32, #tpu.memory_space<hbm>> -> memref<8x2048xf32, #tpu.memory_space<hbm>>
      tpu.enqueue_dma source(%dma_start3A_629 : memref<8x2048xf32, #tpu.memory_space<hbm>>) target(%dma_start3A_620 : memref<8x2048xf32, #tpu.memory_space<vmem>>) target_semaphore(%arg17 : memref<!tpu.dma_semaphore, #tpu.memory_space<semaphore_mem>>)
    } else {
    }
    %while3A_144 = arith.constant 0 : i32
    %while3A_145 = arith.constant 0 : i32
    %while3A_146 = arith.subi %add3A_48, %while3A_144 : i32
    %while3A_147 = arith.addi %while3A_144, %while3A_146 : i32
    %while3A_148 = arith.constant 1 : i32
    %while3A_149 = arith.divsi %while3A_146, %while3A_148 : i32
    %while3A_150 = arith.muli %while3A_149, %while3A_148 : i32
    %while3A_151 = arith.addi %while3A_144, %while3A_150 : i32
    %while3A_152 = arith.constant 1 : i32
    %while3A_153 = scf.for %while3A_601 = %while3A_144 to %while3A_151 step %while3A_152 iter_args(%while3A_602 = %while3A_145) -> (i32)  : i32 {
      %add3A_603 = arith.constant 3 : i32
      %add3A_604 = arith.addi %while3A_601, %add3A_603 : i32
      %lt3A_605 = arith.cmpi slt, %add3A_604, %add3A_48 : i32
      %convert_element_type3A_606 = arith.extui %lt3A_605 : i1 to i32
      %cond3A_607 = arith.constant 0 : i32
      %cond3A_608 = arith.cmpi ne, %convert_element_type3A_606, %cond3A_607 : i32
      scf.if %cond3A_608 {
        %add3A_708 = arith.constant 3 : i32
        %add3A_709 = arith.addi %while3A_601, %add3A_708 : i32
        %add3A_710 = arith.addi %shift_right_arithmetic3A_33, %add3A_709 : i32
        %and3A_711 = arith.constant 3 : i32
        %and3A_712 = arith.andi %add3A_710, %and3A_711 : i32
        %mul3A_713 = arith.constant 8 : i32
        %mul3A_714 = arith.muli %and3A_712, %mul3A_713 : i32
        %dma_start3A_715 = arith.constant 1 : i32
        %dma_start3A_716 = arith.constant 0 : i32
        %dma_start3A_717 = tpu.memref_slice %arg9[%mul3A_714, %dma_start3A_716] : memref<32x2048xf32, #tpu.memory_space<vmem>> -> memref<8x2048xf32, #tpu.memory_space<vmem>>
        %dma_start3A_718 = arith.constant 0 : i32
        %dma_start3A_719 = arith.constant 0 : i32
        %dma_start3A_720 = arith.constant 0 : i32
        %dma_start3A_721 = tpu.memref_slice %arg2[%dma_start3A_715, %dma_start3A_718, %dma_start3A_719, %dma_start3A_720] : memref<8x256x8x2048xf32, #tpu.memory_space<hbm>> -> memref<1x256x8x2048xf32, #tpu.memory_space<hbm>>
        %dma_start3A_722 = tpu.memref_squeeze %dma_start3A_721 : memref<1x256x8x2048xf32, #tpu.memory_space<hbm>> -> memref<256x8x2048xf32, #tpu.memory_space<hbm>>
        %dma_start3A_723 = arith.constant 0 : i32
        %dma_start3A_724 = arith.constant 0 : i32
        %dma_start3A_725 = tpu.memref_slice %dma_start3A_722[%add3A_710, %dma_start3A_723, %dma_start3A_724] : memref<256x8x2048xf32, #tpu.memory_space<hbm>> -> memref<1x8x2048xf32, #tpu.memory_space<hbm>>
        %dma_start3A_726 = tpu.memref_squeeze %dma_start3A_725 : memref<1x8x2048xf32, #tpu.memory_space<hbm>> -> memref<8x2048xf32, #tpu.memory_space<hbm>>
        %dma_start3A_727 = arith.constant 0 : i32
        %dma_start3A_728 = tpu.memref_slice %arg9[%mul3A_714, %dma_start3A_727] : memref<32x2048xf32, #tpu.memory_space<vmem>> -> memref<8x2048xf32, #tpu.memory_space<vmem>>
        %dma_start3A_729 = arith.constant 0 : i32
        %dma_start3A_730 = arith.constant 0 : i32
        %dma_start3A_731 = arith.constant 0 : i32
        %dma_start3A_732 = tpu.memref_slice %arg2[%dma_start3A_715, %dma_start3A_729, %dma_start3A_730, %dma_start3A_731] : memref<8x256x8x2048xf32, #tpu.memory_space<hbm>> -> memref<1x256x8x2048xf32, #tpu.memory_space<hbm>>
        %dma_start3A_733 = tpu.memref_squeeze %dma_start3A_732 : memref<1x256x8x2048xf32, #tpu.memory_space<hbm>> -> memref<256x8x2048xf32, #tpu.memory_space<hbm>>
        %dma_start3A_734 = arith.constant 0 : i32
        %dma_start3A_735 = arith.constant 0 : i32
        %dma_start3A_736 = tpu.memref_slice %dma_start3A_733[%add3A_710, %dma_start3A_734, %dma_start3A_735] : memref<256x8x2048xf32, #tpu.memory_space<hbm>> -> memref<1x8x2048xf32, #tpu.memory_space<hbm>>
        %dma_start3A_737 = tpu.memref_squeeze %dma_start3A_736 : memref<1x8x2048xf32, #tpu.memory_space<hbm>> -> memref<8x2048xf32, #tpu.memory_space<hbm>>
        tpu.enqueue_dma source(%dma_start3A_737 : memref<8x2048xf32, #tpu.memory_space<hbm>>) target(%dma_start3A_728 : memref<8x2048xf32, #tpu.memory_space<vmem>>) target_semaphore(%arg17 : memref<!tpu.dma_semaphore, #tpu.memory_space<semaphore_mem>>)
      } else {
      }
      %add3A_609 = arith.addi %shift_right_arithmetic3A_33, %while3A_601 : i32
      %broadcast_in_dim3A_610 = vector.broadcast %add3A_609 : i32 to vector<16xi32>
      %gather3A_611 = tpu.vector_load_idx %arg12[%broadcast_in_dim3A_610] : memref<256xi32, #tpu.memory_space<vmem>>[vector<16xi32>], vector<16xi32>,
      %reduce_max3A_612 = arith.constant true
      %reduce_max3A_613 = vector.broadcast %reduce_max3A_612 : i1 to vector<16xi1>
      %reduce_max3A_614 = arith.constant -2147483648 : i32
      %reduce_max3A_615 = vector.broadcast %reduce_max3A_614 : i32 to vector<16xi32>
      %reduce_max3A_616 = arith.xori %gather3A_611, %reduce_max3A_615 : vector<16xi32>
      %reduce_max3A_617 = tpu.scan <max>, %reduce_max3A_616 masked %reduce_max3A_613 : vector<16xi32>, vector<16xi1> -> vector<16xi32>
      %reduce_max3A_618 = arith.xori %reduce_max3A_617, %reduce_max3A_615 : vector<16xi32>
      %reduce_max3A_619 = vector.extract %reduce_max3A_618[15] : i32 from vector<16xi32>
      %broadcast_in_dim3A_620 = vector.broadcast %add3A_609 : i32 to vector<16xi32>
      %gather3A_621 = tpu.vector_load_idx %arg13[%broadcast_in_dim3A_620] : memref<256xi32, #tpu.memory_space<vmem>>[vector<16xi32>], vector<16xi32>,
      %reduce_max3A_622 = arith.constant true
      %reduce_max3A_623 = vector.broadcast %reduce_max3A_622 : i1 to vector<16xi1>
      %reduce_max3A_624 = arith.constant -2147483648 : i32
      %reduce_max3A_625 = vector.broadcast %reduce_max3A_624 : i32 to vector<16xi32>
      %reduce_max3A_626 = arith.xori %gather3A_621, %reduce_max3A_625 : vector<16xi32>
      %reduce_max3A_627 = tpu.scan <max>, %reduce_max3A_626 masked %reduce_max3A_623 : vector<16xi32>, vector<16xi1> -> vector<16xi32>
      %reduce_max3A_628 = arith.xori %reduce_max3A_627, %reduce_max3A_625 : vector<16xi32>
      %reduce_max3A_629 = vector.extract %reduce_max3A_628[15] : i32 from vector<16xi32>
      %add3A_630 = arith.constant 1 : i32
      %add3A_631 = arith.addi %reduce_max3A_629, %add3A_630 : i32
      %min3A = arith.minsi %reduce_max3A_619, %add3A_631 : i32
      %add3A_632 = arith.addi %shift_right_arithmetic3A_33, %while3A_601 : i32
      %and3A_633 = arith.constant 3 : i32
      %and3A_634 = arith.andi %add3A_632, %and3A_633 : i32
      %mul3A_635 = arith.constant 8 : i32
      %mul3A_636 = arith.muli %and3A_634, %mul3A_635 : i32
      %dma_wait3A_637 = arith.constant 1 : i32
      %dma_wait3A_638 = arith.constant 0 : i32
      %dma_wait3A_639 = tpu.memref_slice %arg9[%mul3A_636, %dma_wait3A_638] : memref<32x2048xf32, #tpu.memory_space<vmem>> -> memref<8x2048xf32, #tpu.memory_space<vmem>>
      %dma_wait3A_640 = arith.constant 0 : i32
      %dma_wait3A_641 = arith.constant 0 : i32
      %dma_wait3A_642 = arith.constant 0 : i32
      %dma_wait3A_643 = tpu.memref_slice %arg2[%dma_wait3A_637, %dma_wait3A_640, %dma_wait3A_641, %dma_wait3A_642] : memref<8x256x8x2048xf32, #tpu.memory_space<hbm>> -> memref<1x256x8x2048xf32, #tpu.memory_space<hbm>>
      %dma_wait3A_644 = tpu.memref_squeeze %dma_wait3A_643 : memref<1x256x8x2048xf32, #tpu.memory_space<hbm>> -> memref<256x8x2048xf32, #tpu.memory_space<hbm>>
      %dma_wait3A_645 = arith.constant 0 : i32
      %dma_wait3A_646 = arith.constant 0 : i32
      %dma_wait3A_647 = tpu.memref_slice %dma_wait3A_644[%add3A_632, %dma_wait3A_645, %dma_wait3A_646] : memref<256x8x2048xf32, #tpu.memory_space<hbm>> -> memref<1x8x2048xf32, #tpu.memory_space<hbm>>
      %dma_wait3A_648 = tpu.memref_squeeze %dma_wait3A_647 : memref<1x8x2048xf32, #tpu.memory_space<hbm>> -> memref<8x2048xf32, #tpu.memory_space<hbm>>
      %dma_wait3A_649 = arith.constant 0 : i32
      %dma_wait3A_650 = tpu.memref_slice %arg9[%mul3A_636, %dma_wait3A_649] : memref<32x2048xf32, #tpu.memory_space<vmem>> -> memref<8x2048xf32, #tpu.memory_space<vmem>>
      %dma_wait3A_651 = arith.constant 0 : i32
      %dma_wait3A_652 = arith.constant 0 : i32
      %dma_wait3A_653 = arith.constant 0 : i32
      %dma_wait3A_654 = tpu.memref_slice %arg2[%dma_wait3A_637, %dma_wait3A_651, %dma_wait3A_652, %dma_wait3A_653] : memref<8x256x8x2048xf32, #tpu.memory_space<hbm>> -> memref<1x256x8x2048xf32, #tpu.memory_space<hbm>>
      %dma_wait3A_655 = tpu.memref_squeeze %dma_wait3A_654 : memref<1x256x8x2048xf32, #tpu.memory_space<hbm>> -> memref<256x8x2048xf32, #tpu.memory_space<hbm>>
      %dma_wait3A_656 = arith.constant 0 : i32
      %dma_wait3A_657 = arith.constant 0 : i32
      %dma_wait3A_658 = tpu.memref_slice %dma_wait3A_655[%add3A_632, %dma_wait3A_656, %dma_wait3A_657] : memref<256x8x2048xf32, #tpu.memory_space<hbm>> -> memref<1x8x2048xf32, #tpu.memory_space<hbm>>
      %dma_wait3A_659 = tpu.memref_squeeze %dma_wait3A_658 : memref<1x8x2048xf32, #tpu.memory_space<hbm>> -> memref<8x2048xf32, #tpu.memory_space<hbm>>
      tpu.wait_dma2 semaphore(%arg17 : memref<!tpu.dma_semaphore, #tpu.memory_space<semaphore_mem>>) src(%dma_wait3A_659 : memref<8x2048xf32, #tpu.memory_space<hbm>>) dst(%dma_wait3A_650 : memref<8x2048xf32, #tpu.memory_space<vmem>>)
      %mul3A_660 = arith.constant 16 : i32
      %mul3A_661 = arith.muli %min3A, %mul3A_660 : i32
      %add3A_662 = arith.constant 128 : i32
      %add3A_663 = arith.addi %add3A_662, %mul3A_661 : i32
      %get3A = arith.index_cast %add3A_663 : i32 to index
      %get3A_664 = tpu.vector_load %arg8[%get3A] {strides = array<i32>} : memref<13328xi32, #tpu.memory_space<vmem>>, vector<16xi32>,
      %shift_right_arithmetic3A_665 = arith.constant 14 : i32
      %shift_right_arithmetic3A_666 = vector.broadcast %shift_right_arithmetic3A_665 : i32 to vector<16xi32>
      %shift_right_arithmetic3A_667 = arith.shrsi %get3A_664, %shift_right_arithmetic3A_666 : vector<16xi32>
      %eq3A_668 = vector.broadcast %add3A_609 : i32 to vector<16xi32>
      %eq3A_669 = arith.cmpi eq, %shift_right_arithmetic3A_667, %eq3A_668 : vector<16xi32>
      %shift_right_arithmetic3A_670 = arith.constant 11 : i32
      %shift_right_arithmetic3A_671 = vector.broadcast %shift_right_arithmetic3A_670 : i32 to vector<16xi32>
      %shift_right_arithmetic3A_672 = arith.shrsi %get3A_664, %shift_right_arithmetic3A_671 : vector<16xi32>
      %and3A_673 = arith.constant 31 : i32
      %and3A_674 = vector.broadcast %and3A_673 : i32 to vector<16xi32>
      %and3A_675 = arith.andi %shift_right_arithmetic3A_672, %and3A_674 : vector<16xi32>
      %and3A_676 = arith.constant 2047 : i32
      %and3A_677 = vector.broadcast %and3A_676 : i32 to vector<16xi32>
      %and3A_678 = arith.andi %get3A_664, %and3A_677 : vector<16xi32>
      %gather3A_679 = tpu.vector_load_idx %arg9[%and3A_675, %and3A_678] masked %eq3A_669 : memref<32x2048xf32, #tpu.memory_space<vmem>>[vector<16xi32>, vector<16xi32>], vector<16xf32>, vector<16xi1>
      %mul3A_680 = arith.constant 16 : i32
      %mul3A_681 = arith.muli %min3A, %mul3A_680 : i32
      %get3A_682 = arith.index_cast %mul3A_681 : i32 to index
      %get3A_683 = tpu.vector_load %arg11[%get3A_682] {strides = array<i32>} : memref<13184xf32, #tpu.memory_space<vmem>>, vector<16xf32>,
      %select_n3A = arith.select %eq3A_669, %gather3A_679, %get3A_683 : vector<16xi1>, vector<16xf32>
      %mul3A_684 = arith.constant 16 : i32
      %mul3A_685 = arith.muli %min3A, %mul3A_684 : i32
      %swap3A_686 = arith.index_cast %mul3A_685 : i32 to index
      %swap3A_687 = tpu.vector_load %arg11[%swap3A_686] {strides = array<i32>} : memref<13184xf32, #tpu.memory_space<vmem>>, vector<16xf32>,
      tpu.vector_store %arg11[%swap3A_686], %select_n3A {strides = array<i32>} : memref<13184xf32, #tpu.memory_space<vmem>>, vector<16xf32>,
      %gt3A_688 = arith.cmpi sgt, %reduce_max3A_629, %min3A : i32
      %convert_element_type3A_689 = arith.extui %gt3A_688 : i1 to i32
      %cond3A_690 = arith.constant 0 : i32
      %cond3A_691 = arith.cmpi ne, %convert_element_type3A_689, %cond3A_690 : i32
      scf.if %cond3A_691 {
        %mul3A_708 = arith.constant 16 : i32
        %mul3A_709 = arith.muli %reduce_max3A_629, %mul3A_708 : i32
        %add3A_710 = arith.constant 128 : i32
        %add3A_711 = arith.addi %add3A_710, %mul3A_709 : i32
        %get3A_712 = arith.index_cast %add3A_711 : i32 to index
        %get3A_713 = tpu.vector_load %arg8[%get3A_712] {strides = array<i32>} : memref<13328xi32, #tpu.memory_space<vmem>>, vector<16xi32>,
        %shift_right_arithmetic3A_714 = arith.constant 14 : i32
        %shift_right_arithmetic3A_715 = vector.broadcast %shift_right_arithmetic3A_714 : i32 to vector<16xi32>
        %shift_right_arithmetic3A_716 = arith.shrsi %get3A_713, %shift_right_arithmetic3A_715 : vector<16xi32>
        %eq3A_717 = vector.broadcast %add3A_609 : i32 to vector<16xi32>
        %eq3A_718 = arith.cmpi eq, %shift_right_arithmetic3A_716, %eq3A_717 : vector<16xi32>
        %shift_right_arithmetic3A_719 = arith.constant 11 : i32
        %shift_right_arithmetic3A_720 = vector.broadcast %shift_right_arithmetic3A_719 : i32 to vector<16xi32>
        %shift_right_arithmetic3A_721 = arith.shrsi %get3A_713, %shift_right_arithmetic3A_720 : vector<16xi32>
        %and3A_722 = arith.constant 31 : i32
        %and3A_723 = vector.broadcast %and3A_722 : i32 to vector<16xi32>
        %and3A_724 = arith.andi %shift_right_arithmetic3A_721, %and3A_723 : vector<16xi32>
        %and3A_725 = arith.constant 2047 : i32
        %and3A_726 = vector.broadcast %and3A_725 : i32 to vector<16xi32>
        %and3A_727 = arith.andi %get3A_713, %and3A_726 : vector<16xi32>
        %gather3A_728 = tpu.vector_load_idx %arg9[%and3A_724, %and3A_727] masked %eq3A_718 : memref<32x2048xf32, #tpu.memory_space<vmem>>[vector<16xi32>, vector<16xi32>], vector<16xf32>, vector<16xi1>
        %mul3A_729 = arith.constant 16 : i32
        %mul3A_730 = arith.muli %reduce_max3A_629, %mul3A_729 : i32
        %get3A_731 = arith.index_cast %mul3A_730 : i32 to index
        %get3A_732 = tpu.vector_load %arg11[%get3A_731] {strides = array<i32>} : memref<13184xf32, #tpu.memory_space<vmem>>, vector<16xf32>,
        %select_n3A_733 = arith.select %eq3A_718, %gather3A_728, %get3A_732 : vector<16xi1>, vector<16xf32>
        %mul3A_734 = arith.constant 16 : i32
        %mul3A_735 = arith.muli %reduce_max3A_629, %mul3A_734 : i32
        %swap3A_736 = arith.index_cast %mul3A_735 : i32 to index
        %swap3A_737 = tpu.vector_load %arg11[%swap3A_736] {strides = array<i32>} : memref<13184xf32, #tpu.memory_space<vmem>>, vector<16xf32>,
        tpu.vector_store %arg11[%swap3A_736], %select_n3A_733 {strides = array<i32>} : memref<13184xf32, #tpu.memory_space<vmem>>, vector<16xf32>,
      } else {
      }
      %add3A_692 = arith.constant 1 : i32
      %add3A_693 = arith.addi %min3A, %add3A_692 : i32
      %add3A_694 = arith.constant 1 : i32
      %add3A_695 = arith.addi %min3A, %add3A_694 : i32
      %max3A = arith.maxsi %reduce_max3A_629, %add3A_695 : i32
      %while3A_696 = arith.constant 0 : i32
      %while3A_697 = arith.subi %max3A, %add3A_693 : i32
      %while3A_698 = arith.addi %add3A_693, %while3A_697 : i32
      %while3A_699 = arith.constant 1 : i32
      %while3A_700 = arith.divsi %while3A_697, %while3A_699 : i32
      %while3A_701 = arith.muli %while3A_700, %while3A_699 : i32
      %while3A_702 = arith.addi %add3A_693, %while3A_701 : i32
      %while3A_703 = arith.constant 1 : i32
      %while3A_704 = scf.for %while3A_708 = %add3A_693 to %while3A_702 step %while3A_703 iter_args(%while3A_709 = %while3A_696) -> (i32)  : i32 {
        %mul3A_710 = arith.constant 16 : i32
        %mul3A_711 = arith.muli %while3A_708, %mul3A_710 : i32
        %add3A_712 = arith.constant 128 : i32
        %add3A_713 = arith.addi %add3A_712, %mul3A_711 : i32
        %get3A_714 = arith.index_cast %add3A_713 : i32 to index
        %get3A_715 = tpu.vector_load %arg8[%get3A_714] {strides = array<i32>} : memref<13328xi32, #tpu.memory_space<vmem>>, vector<16xi32>,
        %shift_right_arithmetic3A_716 = arith.constant 11 : i32
        %shift_right_arithmetic3A_717 = vector.broadcast %shift_right_arithmetic3A_716 : i32 to vector<16xi32>
        %shift_right_arithmetic3A_718 = arith.shrsi %get3A_715, %shift_right_arithmetic3A_717 : vector<16xi32>
        %and3A_719 = arith.constant 31 : i32
        %and3A_720 = vector.broadcast %and3A_719 : i32 to vector<16xi32>
        %and3A_721 = arith.andi %shift_right_arithmetic3A_718, %and3A_720 : vector<16xi32>
        %and3A_722 = arith.constant 2047 : i32
        %and3A_723 = vector.broadcast %and3A_722 : i32 to vector<16xi32>
        %and3A_724 = arith.andi %get3A_715, %and3A_723 : vector<16xi32>
        %gather3A_725 = tpu.vector_load_idx %arg9[%and3A_721, %and3A_724] : memref<32x2048xf32, #tpu.memory_space<vmem>>[vector<16xi32>, vector<16xi32>], vector<16xf32>,
        %mul3A_726 = arith.constant 16 : i32
        %mul3A_727 = arith.muli %while3A_708, %mul3A_726 : i32
        %swap3A_728 = arith.index_cast %mul3A_727 : i32 to index
        %swap3A_729 = tpu.vector_load %arg11[%swap3A_728] {strides = array<i32>} : memref<13184xf32, #tpu.memory_space<vmem>>, vector<16xf32>,
        tpu.vector_store %arg11[%swap3A_728], %gather3A_725 {strides = array<i32>} : memref<13184xf32, #tpu.memory_space<vmem>>, vector<16xf32>,
        %while3A_730 = arith.constant 0 : i32
        scf.yield %while3A_730 : i32
      }
      %while3A_705 = arith.constant 1 : i32
      %while3A_706 = scf.for %while3A_708 = %while3A_702 to %while3A_698 step %while3A_705 iter_args(%while3A_709 = %while3A_704) -> (i32)  : i32 {
        %mul3A_710 = arith.constant 16 : i32
        %mul3A_711 = arith.muli %while3A_708, %mul3A_710 : i32
        %add3A_712 = arith.constant 128 : i32
        %add3A_713 = arith.addi %add3A_712, %mul3A_711 : i32
        %get3A_714 = arith.index_cast %add3A_713 : i32 to index
        %get3A_715 = tpu.vector_load %arg8[%get3A_714] {strides = array<i32>} : memref<13328xi32, #tpu.memory_space<vmem>>, vector<16xi32>,
        %shift_right_arithmetic3A_716 = arith.constant 11 : i32
        %shift_right_arithmetic3A_717 = vector.broadcast %shift_right_arithmetic3A_716 : i32 to vector<16xi32>
        %shift_right_arithmetic3A_718 = arith.shrsi %get3A_715, %shift_right_arithmetic3A_717 : vector<16xi32>
        %and3A_719 = arith.constant 31 : i32
        %and3A_720 = vector.broadcast %and3A_719 : i32 to vector<16xi32>
        %and3A_721 = arith.andi %shift_right_arithmetic3A_718, %and3A_720 : vector<16xi32>
        %and3A_722 = arith.constant 2047 : i32
        %and3A_723 = vector.broadcast %and3A_722 : i32 to vector<16xi32>
        %and3A_724 = arith.andi %get3A_715, %and3A_723 : vector<16xi32>
        %gather3A_725 = tpu.vector_load_idx %arg9[%and3A_721, %and3A_724] : memref<32x2048xf32, #tpu.memory_space<vmem>>[vector<16xi32>, vector<16xi32>], vector<16xf32>,
        %mul3A_726 = arith.constant 16 : i32
        %mul3A_727 = arith.muli %while3A_708, %mul3A_726 : i32
        %swap3A_728 = arith.index_cast %mul3A_727 : i32 to index
        %swap3A_729 = tpu.vector_load %arg11[%swap3A_728] {strides = array<i32>} : memref<13184xf32, #tpu.memory_space<vmem>>, vector<16xf32>,
        tpu.vector_store %arg11[%swap3A_728], %gather3A_725 {strides = array<i32>} : memref<13184xf32, #tpu.memory_space<vmem>>, vector<16xf32>,
        %while3A_730 = arith.constant 0 : i32
        scf.yield %while3A_730 : i32
      }
      %while3A_707 = arith.constant 0 : i32
      scf.yield %while3A_707 : i32
    }
    %while3A_154 = arith.constant 1 : i32
    %while3A_155 = scf.for %while3A_601 = %while3A_151 to %while3A_147 step %while3A_154 iter_args(%while3A_602 = %while3A_153) -> (i32)  : i32 {
      %add3A_603 = arith.constant 3 : i32
      %add3A_604 = arith.addi %while3A_601, %add3A_603 : i32
      %lt3A_605 = arith.cmpi slt, %add3A_604, %add3A_48 : i32
      %convert_element_type3A_606 = arith.extui %lt3A_605 : i1 to i32
      %cond3A_607 = arith.constant 0 : i32
      %cond3A_608 = arith.cmpi ne, %convert_element_type3A_606, %cond3A_607 : i32
      scf.if %cond3A_608 {
        %add3A_708 = arith.constant 3 : i32
        %add3A_709 = arith.addi %while3A_601, %add3A_708 : i32
        %add3A_710 = arith.addi %shift_right_arithmetic3A_33, %add3A_709 : i32
        %and3A_711 = arith.constant 3 : i32
        %and3A_712 = arith.andi %add3A_710, %and3A_711 : i32
        %mul3A_713 = arith.constant 8 : i32
        %mul3A_714 = arith.muli %and3A_712, %mul3A_713 : i32
        %dma_start3A_715 = arith.constant 1 : i32
        %dma_start3A_716 = arith.constant 0 : i32
        %dma_start3A_717 = tpu.memref_slice %arg9[%mul3A_714, %dma_start3A_716] : memref<32x2048xf32, #tpu.memory_space<vmem>> -> memref<8x2048xf32, #tpu.memory_space<vmem>>
        %dma_start3A_718 = arith.constant 0 : i32
        %dma_start3A_719 = arith.constant 0 : i32
        %dma_start3A_720 = arith.constant 0 : i32
        %dma_start3A_721 = tpu.memref_slice %arg2[%dma_start3A_715, %dma_start3A_718, %dma_start3A_719, %dma_start3A_720] : memref<8x256x8x2048xf32, #tpu.memory_space<hbm>> -> memref<1x256x8x2048xf32, #tpu.memory_space<hbm>>
        %dma_start3A_722 = tpu.memref_squeeze %dma_start3A_721 : memref<1x256x8x2048xf32, #tpu.memory_space<hbm>> -> memref<256x8x2048xf32, #tpu.memory_space<hbm>>
        %dma_start3A_723 = arith.constant 0 : i32
        %dma_start3A_724 = arith.constant 0 : i32
        %dma_start3A_725 = tpu.memref_slice %dma_start3A_722[%add3A_710, %dma_start3A_723, %dma_start3A_724] : memref<256x8x2048xf32, #tpu.memory_space<hbm>> -> memref<1x8x2048xf32, #tpu.memory_space<hbm>>
        %dma_start3A_726 = tpu.memref_squeeze %dma_start3A_725 : memref<1x8x2048xf32, #tpu.memory_space<hbm>> -> memref<8x2048xf32, #tpu.memory_space<hbm>>
        %dma_start3A_727 = arith.constant 0 : i32
        %dma_start3A_728 = tpu.memref_slice %arg9[%mul3A_714, %dma_start3A_727] : memref<32x2048xf32, #tpu.memory_space<vmem>> -> memref<8x2048xf32, #tpu.memory_space<vmem>>
        %dma_start3A_729 = arith.constant 0 : i32
        %dma_start3A_730 = arith.constant 0 : i32
        %dma_start3A_731 = arith.constant 0 : i32
        %dma_start3A_732 = tpu.memref_slice %arg2[%dma_start3A_715, %dma_start3A_729, %dma_start3A_730, %dma_start3A_731] : memref<8x256x8x2048xf32, #tpu.memory_space<hbm>> -> memref<1x256x8x2048xf32, #tpu.memory_space<hbm>>
        %dma_start3A_733 = tpu.memref_squeeze %dma_start3A_732 : memref<1x256x8x2048xf32, #tpu.memory_space<hbm>> -> memref<256x8x2048xf32, #tpu.memory_space<hbm>>
        %dma_start3A_734 = arith.constant 0 : i32
        %dma_start3A_735 = arith.constant 0 : i32
        %dma_start3A_736 = tpu.memref_slice %dma_start3A_733[%add3A_710, %dma_start3A_734, %dma_start3A_735] : memref<256x8x2048xf32, #tpu.memory_space<hbm>> -> memref<1x8x2048xf32, #tpu.memory_space<hbm>>
        %dma_start3A_737 = tpu.memref_squeeze %dma_start3A_736 : memref<1x8x2048xf32, #tpu.memory_space<hbm>> -> memref<8x2048xf32, #tpu.memory_space<hbm>>
        tpu.enqueue_dma source(%dma_start3A_737 : memref<8x2048xf32, #tpu.memory_space<hbm>>) target(%dma_start3A_728 : memref<8x2048xf32, #tpu.memory_space<vmem>>) target_semaphore(%arg17 : memref<!tpu.dma_semaphore, #tpu.memory_space<semaphore_mem>>)
      } else {
      }
      %add3A_609 = arith.addi %shift_right_arithmetic3A_33, %while3A_601 : i32
      %broadcast_in_dim3A_610 = vector.broadcast %add3A_609 : i32 to vector<16xi32>
      %gather3A_611 = tpu.vector_load_idx %arg12[%broadcast_in_dim3A_610] : memref<256xi32, #tpu.memory_space<vmem>>[vector<16xi32>], vector<16xi32>,
      %reduce_max3A_612 = arith.constant true
      %reduce_max3A_613 = vector.broadcast %reduce_max3A_612 : i1 to vector<16xi1>
      %reduce_max3A_614 = arith.constant -2147483648 : i32
      %reduce_max3A_615 = vector.broadcast %reduce_max3A_614 : i32 to vector<16xi32>
      %reduce_max3A_616 = arith.xori %gather3A_611, %reduce_max3A_615 : vector<16xi32>
      %reduce_max3A_617 = tpu.scan <max>, %reduce_max3A_616 masked %reduce_max3A_613 : vector<16xi32>, vector<16xi1> -> vector<16xi32>
      %reduce_max3A_618 = arith.xori %reduce_max3A_617, %reduce_max3A_615 : vector<16xi32>
      %reduce_max3A_619 = vector.extract %reduce_max3A_618[15] : i32 from vector<16xi32>
      %broadcast_in_dim3A_620 = vector.broadcast %add3A_609 : i32 to vector<16xi32>
      %gather3A_621 = tpu.vector_load_idx %arg13[%broadcast_in_dim3A_620] : memref<256xi32, #tpu.memory_space<vmem>>[vector<16xi32>], vector<16xi32>,
      %reduce_max3A_622 = arith.constant true
      %reduce_max3A_623 = vector.broadcast %reduce_max3A_622 : i1 to vector<16xi1>
      %reduce_max3A_624 = arith.constant -2147483648 : i32
      %reduce_max3A_625 = vector.broadcast %reduce_max3A_624 : i32 to vector<16xi32>
      %reduce_max3A_626 = arith.xori %gather3A_621, %reduce_max3A_625 : vector<16xi32>
      %reduce_max3A_627 = tpu.scan <max>, %reduce_max3A_626 masked %reduce_max3A_623 : vector<16xi32>, vector<16xi1> -> vector<16xi32>
      %reduce_max3A_628 = arith.xori %reduce_max3A_627, %reduce_max3A_625 : vector<16xi32>
      %reduce_max3A_629 = vector.extract %reduce_max3A_628[15] : i32 from vector<16xi32>
      %add3A_630 = arith.constant 1 : i32
      %add3A_631 = arith.addi %reduce_max3A_629, %add3A_630 : i32
      %min3A = arith.minsi %reduce_max3A_619, %add3A_631 : i32
      %add3A_632 = arith.addi %shift_right_arithmetic3A_33, %while3A_601 : i32
      %and3A_633 = arith.constant 3 : i32
      %and3A_634 = arith.andi %add3A_632, %and3A_633 : i32
      %mul3A_635 = arith.constant 8 : i32
      %mul3A_636 = arith.muli %and3A_634, %mul3A_635 : i32
      %dma_wait3A_637 = arith.constant 1 : i32
      %dma_wait3A_638 = arith.constant 0 : i32
      %dma_wait3A_639 = tpu.memref_slice %arg9[%mul3A_636, %dma_wait3A_638] : memref<32x2048xf32, #tpu.memory_space<vmem>> -> memref<8x2048xf32, #tpu.memory_space<vmem>>
      %dma_wait3A_640 = arith.constant 0 : i32
      %dma_wait3A_641 = arith.constant 0 : i32
      %dma_wait3A_642 = arith.constant 0 : i32
      %dma_wait3A_643 = tpu.memref_slice %arg2[%dma_wait3A_637, %dma_wait3A_640, %dma_wait3A_641, %dma_wait3A_642] : memref<8x256x8x2048xf32, #tpu.memory_space<hbm>> -> memref<1x256x8x2048xf32, #tpu.memory_space<hbm>>
      %dma_wait3A_644 = tpu.memref_squeeze %dma_wait3A_643 : memref<1x256x8x2048xf32, #tpu.memory_space<hbm>> -> memref<256x8x2048xf32, #tpu.memory_space<hbm>>
      %dma_wait3A_645 = arith.constant 0 : i32
      %dma_wait3A_646 = arith.constant 0 : i32
      %dma_wait3A_647 = tpu.memref_slice %dma_wait3A_644[%add3A_632, %dma_wait3A_645, %dma_wait3A_646] : memref<256x8x2048xf32, #tpu.memory_space<hbm>> -> memref<1x8x2048xf32, #tpu.memory_space<hbm>>
      %dma_wait3A_648 = tpu.memref_squeeze %dma_wait3A_647 : memref<1x8x2048xf32, #tpu.memory_space<hbm>> -> memref<8x2048xf32, #tpu.memory_space<hbm>>
      %dma_wait3A_649 = arith.constant 0 : i32
      %dma_wait3A_650 = tpu.memref_slice %arg9[%mul3A_636, %dma_wait3A_649] : memref<32x2048xf32, #tpu.memory_space<vmem>> -> memref<8x2048xf32, #tpu.memory_space<vmem>>
      %dma_wait3A_651 = arith.constant 0 : i32
      %dma_wait3A_652 = arith.constant 0 : i32
      %dma_wait3A_653 = arith.constant 0 : i32
      %dma_wait3A_654 = tpu.memref_slice %arg2[%dma_wait3A_637, %dma_wait3A_651, %dma_wait3A_652, %dma_wait3A_653] : memref<8x256x8x2048xf32, #tpu.memory_space<hbm>> -> memref<1x256x8x2048xf32, #tpu.memory_space<hbm>>
      %dma_wait3A_655 = tpu.memref_squeeze %dma_wait3A_654 : memref<1x256x8x2048xf32, #tpu.memory_space<hbm>> -> memref<256x8x2048xf32, #tpu.memory_space<hbm>>
      %dma_wait3A_656 = arith.constant 0 : i32
      %dma_wait3A_657 = arith.constant 0 : i32
      %dma_wait3A_658 = tpu.memref_slice %dma_wait3A_655[%add3A_632, %dma_wait3A_656, %dma_wait3A_657] : memref<256x8x2048xf32, #tpu.memory_space<hbm>> -> memref<1x8x2048xf32, #tpu.memory_space<hbm>>
      %dma_wait3A_659 = tpu.memref_squeeze %dma_wait3A_658 : memref<1x8x2048xf32, #tpu.memory_space<hbm>> -> memref<8x2048xf32, #tpu.memory_space<hbm>>
      tpu.wait_dma2 semaphore(%arg17 : memref<!tpu.dma_semaphore, #tpu.memory_space<semaphore_mem>>) src(%dma_wait3A_659 : memref<8x2048xf32, #tpu.memory_space<hbm>>) dst(%dma_wait3A_650 : memref<8x2048xf32, #tpu.memory_space<vmem>>)
      %mul3A_660 = arith.constant 16 : i32
      %mul3A_661 = arith.muli %min3A, %mul3A_660 : i32
      %add3A_662 = arith.constant 128 : i32
      %add3A_663 = arith.addi %add3A_662, %mul3A_661 : i32
      %get3A = arith.index_cast %add3A_663 : i32 to index
      %get3A_664 = tpu.vector_load %arg8[%get3A] {strides = array<i32>} : memref<13328xi32, #tpu.memory_space<vmem>>, vector<16xi32>,
      %shift_right_arithmetic3A_665 = arith.constant 14 : i32
      %shift_right_arithmetic3A_666 = vector.broadcast %shift_right_arithmetic3A_665 : i32 to vector<16xi32>
      %shift_right_arithmetic3A_667 = arith.shrsi %get3A_664, %shift_right_arithmetic3A_666 : vector<16xi32>
      %eq3A_668 = vector.broadcast %add3A_609 : i32 to vector<16xi32>
      %eq3A_669 = arith.cmpi eq, %shift_right_arithmetic3A_667, %eq3A_668 : vector<16xi32>
      %shift_right_arithmetic3A_670 = arith.constant 11 : i32
      %shift_right_arithmetic3A_671 = vector.broadcast %shift_right_arithmetic3A_670 : i32 to vector<16xi32>
      %shift_right_arithmetic3A_672 = arith.shrsi %get3A_664, %shift_right_arithmetic3A_671 : vector<16xi32>
      %and3A_673 = arith.constant 31 : i32
      %and3A_674 = vector.broadcast %and3A_673 : i32 to vector<16xi32>
      %and3A_675 = arith.andi %shift_right_arithmetic3A_672, %and3A_674 : vector<16xi32>
      %and3A_676 = arith.constant 2047 : i32
      %and3A_677 = vector.broadcast %and3A_676 : i32 to vector<16xi32>
      %and3A_678 = arith.andi %get3A_664, %and3A_677 : vector<16xi32>
      %gather3A_679 = tpu.vector_load_idx %arg9[%and3A_675, %and3A_678] masked %eq3A_669 : memref<32x2048xf32, #tpu.memory_space<vmem>>[vector<16xi32>, vector<16xi32>], vector<16xf32>, vector<16xi1>
      %mul3A_680 = arith.constant 16 : i32
      %mul3A_681 = arith.muli %min3A, %mul3A_680 : i32
      %get3A_682 = arith.index_cast %mul3A_681 : i32 to index
      %get3A_683 = tpu.vector_load %arg11[%get3A_682] {strides = array<i32>} : memref<13184xf32, #tpu.memory_space<vmem>>, vector<16xf32>,
      %select_n3A = arith.select %eq3A_669, %gather3A_679, %get3A_683 : vector<16xi1>, vector<16xf32>
      %mul3A_684 = arith.constant 16 : i32
      %mul3A_685 = arith.muli %min3A, %mul3A_684 : i32
      %swap3A_686 = arith.index_cast %mul3A_685 : i32 to index
      %swap3A_687 = tpu.vector_load %arg11[%swap3A_686] {strides = array<i32>} : memref<13184xf32, #tpu.memory_space<vmem>>, vector<16xf32>,
      tpu.vector_store %arg11[%swap3A_686], %select_n3A {strides = array<i32>} : memref<13184xf32, #tpu.memory_space<vmem>>, vector<16xf32>,
      %gt3A_688 = arith.cmpi sgt, %reduce_max3A_629, %min3A : i32
      %convert_element_type3A_689 = arith.extui %gt3A_688 : i1 to i32
      %cond3A_690 = arith.constant 0 : i32
      %cond3A_691 = arith.cmpi ne, %convert_element_type3A_689, %cond3A_690 : i32
      scf.if %cond3A_691 {
        %mul3A_708 = arith.constant 16 : i32
        %mul3A_709 = arith.muli %reduce_max3A_629, %mul3A_708 : i32
        %add3A_710 = arith.constant 128 : i32
        %add3A_711 = arith.addi %add3A_710, %mul3A_709 : i32
        %get3A_712 = arith.index_cast %add3A_711 : i32 to index
        %get3A_713 = tpu.vector_load %arg8[%get3A_712] {strides = array<i32>} : memref<13328xi32, #tpu.memory_space<vmem>>, vector<16xi32>,
        %shift_right_arithmetic3A_714 = arith.constant 14 : i32
        %shift_right_arithmetic3A_715 = vector.broadcast %shift_right_arithmetic3A_714 : i32 to vector<16xi32>
        %shift_right_arithmetic3A_716 = arith.shrsi %get3A_713, %shift_right_arithmetic3A_715 : vector<16xi32>
        %eq3A_717 = vector.broadcast %add3A_609 : i32 to vector<16xi32>
        %eq3A_718 = arith.cmpi eq, %shift_right_arithmetic3A_716, %eq3A_717 : vector<16xi32>
        %shift_right_arithmetic3A_719 = arith.constant 11 : i32
        %shift_right_arithmetic3A_720 = vector.broadcast %shift_right_arithmetic3A_719 : i32 to vector<16xi32>
        %shift_right_arithmetic3A_721 = arith.shrsi %get3A_713, %shift_right_arithmetic3A_720 : vector<16xi32>
        %and3A_722 = arith.constant 31 : i32
        %and3A_723 = vector.broadcast %and3A_722 : i32 to vector<16xi32>
        %and3A_724 = arith.andi %shift_right_arithmetic3A_721, %and3A_723 : vector<16xi32>
        %and3A_725 = arith.constant 2047 : i32
        %and3A_726 = vector.broadcast %and3A_725 : i32 to vector<16xi32>
        %and3A_727 = arith.andi %get3A_713, %and3A_726 : vector<16xi32>
        %gather3A_728 = tpu.vector_load_idx %arg9[%and3A_724, %and3A_727] masked %eq3A_718 : memref<32x2048xf32, #tpu.memory_space<vmem>>[vector<16xi32>, vector<16xi32>], vector<16xf32>, vector<16xi1>
        %mul3A_729 = arith.constant 16 : i32
        %mul3A_730 = arith.muli %reduce_max3A_629, %mul3A_729 : i32
        %get3A_731 = arith.index_cast %mul3A_730 : i32 to index
        %get3A_732 = tpu.vector_load %arg11[%get3A_731] {strides = array<i32>} : memref<13184xf32, #tpu.memory_space<vmem>>, vector<16xf32>,
        %select_n3A_733 = arith.select %eq3A_718, %gather3A_728, %get3A_732 : vector<16xi1>, vector<16xf32>
        %mul3A_734 = arith.constant 16 : i32
        %mul3A_735 = arith.muli %reduce_max3A_629, %mul3A_734 : i32
        %swap3A_736 = arith.index_cast %mul3A_735 : i32 to index
        %swap3A_737 = tpu.vector_load %arg11[%swap3A_736] {strides = array<i32>} : memref<13184xf32, #tpu.memory_space<vmem>>, vector<16xf32>,
        tpu.vector_store %arg11[%swap3A_736], %select_n3A_733 {strides = array<i32>} : memref<13184xf32, #tpu.memory_space<vmem>>, vector<16xf32>,
      } else {
      }
      %add3A_692 = arith.constant 1 : i32
      %add3A_693 = arith.addi %min3A, %add3A_692 : i32
      %add3A_694 = arith.constant 1 : i32
      %add3A_695 = arith.addi %min3A, %add3A_694 : i32
      %max3A = arith.maxsi %reduce_max3A_629, %add3A_695 : i32
      %while3A_696 = arith.constant 0 : i32
      %while3A_697 = arith.subi %max3A, %add3A_693 : i32
      %while3A_698 = arith.addi %add3A_693, %while3A_697 : i32
      %while3A_699 = arith.constant 1 : i32
      %while3A_700 = arith.divsi %while3A_697, %while3A_699 : i32
      %while3A_701 = arith.muli %while3A_700, %while3A_699 : i32
      %while3A_702 = arith.addi %add3A_693, %while3A_701 : i32
      %while3A_703 = arith.constant 1 : i32
      %while3A_704 = scf.for %while3A_708 = %add3A_693 to %while3A_702 step %while3A_703 iter_args(%while3A_709 = %while3A_696) -> (i32)  : i32 {
        %mul3A_710 = arith.constant 16 : i32
        %mul3A_711 = arith.muli %while3A_708, %mul3A_710 : i32
        %add3A_712 = arith.constant 128 : i32
        %add3A_713 = arith.addi %add3A_712, %mul3A_711 : i32
        %get3A_714 = arith.index_cast %add3A_713 : i32 to index
        %get3A_715 = tpu.vector_load %arg8[%get3A_714] {strides = array<i32>} : memref<13328xi32, #tpu.memory_space<vmem>>, vector<16xi32>,
        %shift_right_arithmetic3A_716 = arith.constant 11 : i32
        %shift_right_arithmetic3A_717 = vector.broadcast %shift_right_arithmetic3A_716 : i32 to vector<16xi32>
        %shift_right_arithmetic3A_718 = arith.shrsi %get3A_715, %shift_right_arithmetic3A_717 : vector<16xi32>
        %and3A_719 = arith.constant 31 : i32
        %and3A_720 = vector.broadcast %and3A_719 : i32 to vector<16xi32>
        %and3A_721 = arith.andi %shift_right_arithmetic3A_718, %and3A_720 : vector<16xi32>
        %and3A_722 = arith.constant 2047 : i32
        %and3A_723 = vector.broadcast %and3A_722 : i32 to vector<16xi32>
        %and3A_724 = arith.andi %get3A_715, %and3A_723 : vector<16xi32>
        %gather3A_725 = tpu.vector_load_idx %arg9[%and3A_721, %and3A_724] : memref<32x2048xf32, #tpu.memory_space<vmem>>[vector<16xi32>, vector<16xi32>], vector<16xf32>,
        %mul3A_726 = arith.constant 16 : i32
        %mul3A_727 = arith.muli %while3A_708, %mul3A_726 : i32
        %swap3A_728 = arith.index_cast %mul3A_727 : i32 to index
        %swap3A_729 = tpu.vector_load %arg11[%swap3A_728] {strides = array<i32>} : memref<13184xf32, #tpu.memory_space<vmem>>, vector<16xf32>,
        tpu.vector_store %arg11[%swap3A_728], %gather3A_725 {strides = array<i32>} : memref<13184xf32, #tpu.memory_space<vmem>>, vector<16xf32>,
        %while3A_730 = arith.constant 0 : i32
        scf.yield %while3A_730 : i32
      }
      %while3A_705 = arith.constant 1 : i32
      %while3A_706 = scf.for %while3A_708 = %while3A_702 to %while3A_698 step %while3A_705 iter_args(%while3A_709 = %while3A_704) -> (i32)  : i32 {
        %mul3A_710 = arith.constant 16 : i32
        %mul3A_711 = arith.muli %while3A_708, %mul3A_710 : i32
        %add3A_712 = arith.constant 128 : i32
        %add3A_713 = arith.addi %add3A_712, %mul3A_711 : i32
        %get3A_714 = arith.index_cast %add3A_713 : i32 to index
        %get3A_715 = tpu.vector_load %arg8[%get3A_714] {strides = array<i32>} : memref<13328xi32, #tpu.memory_space<vmem>>, vector<16xi32>,
        %shift_right_arithmetic3A_716 = arith.constant 11 : i32
        %shift_right_arithmetic3A_717 = vector.broadcast %shift_right_arithmetic3A_716 : i32 to vector<16xi32>
        %shift_right_arithmetic3A_718 = arith.shrsi %get3A_715, %shift_right_arithmetic3A_717 : vector<16xi32>
        %and3A_719 = arith.constant 31 : i32
        %and3A_720 = vector.broadcast %and3A_719 : i32 to vector<16xi32>
        %and3A_721 = arith.andi %shift_right_arithmetic3A_718, %and3A_720 : vector<16xi32>
        %and3A_722 = arith.constant 2047 : i32
        %and3A_723 = vector.broadcast %and3A_722 : i32 to vector<16xi32>
        %and3A_724 = arith.andi %get3A_715, %and3A_723 : vector<16xi32>
        %gather3A_725 = tpu.vector_load_idx %arg9[%and3A_721, %and3A_724] : memref<32x2048xf32, #tpu.memory_space<vmem>>[vector<16xi32>, vector<16xi32>], vector<16xf32>,
        %mul3A_726 = arith.constant 16 : i32
        %mul3A_727 = arith.muli %while3A_708, %mul3A_726 : i32
        %swap3A_728 = arith.index_cast %mul3A_727 : i32 to index
        %swap3A_729 = tpu.vector_load %arg11[%swap3A_728] {strides = array<i32>} : memref<13184xf32, #tpu.memory_space<vmem>>, vector<16xf32>,
        tpu.vector_store %arg11[%swap3A_728], %gather3A_725 {strides = array<i32>} : memref<13184xf32, #tpu.memory_space<vmem>>, vector<16xf32>,
        %while3A_730 = arith.constant 0 : i32
        scf.yield %while3A_730 : i32
      }
      %while3A_707 = arith.constant 0 : i32
      scf.yield %while3A_707 : i32
    }
    %dma_start3A_156 = arith.constant 1 : i32
    %dma_start3A_157 = arith.constant 0 : i32
    %dma_start3A_158 = tpu.memref_slice %arg6[%dma_start3A_156, %dma_start3A_157] : memref<8x421888xf32, #tpu.memory_space<hbm>> -> memref<1x421888xf32, #tpu.memory_space<hbm>>
    %dma_start3A_159 = tpu.memref_squeeze %dma_start3A_158 : memref<1x421888xf32, #tpu.memory_space<hbm>> -> memref<421888xf32, #tpu.memory_space<hbm>>
    %dma_start3A_160 = tpu.memref_slice %dma_start3A_159[%mul3A_2] : memref<421888xf32, #tpu.memory_space<hbm>> -> memref<13184xf32, #tpu.memory_space<hbm>>
    %dma_start3A_161 = arith.constant 0 : i32
    %dma_start3A_162 = tpu.memref_slice %arg6[%dma_start3A_156, %dma_start3A_161] : memref<8x421888xf32, #tpu.memory_space<hbm>> -> memref<1x421888xf32, #tpu.memory_space<hbm>>
    %dma_start3A_163 = tpu.memref_squeeze %dma_start3A_162 : memref<1x421888xf32, #tpu.memory_space<hbm>> -> memref<421888xf32, #tpu.memory_space<hbm>>
    %dma_start3A_164 = tpu.memref_slice %dma_start3A_163[%mul3A_2] : memref<421888xf32, #tpu.memory_space<hbm>> -> memref<13184xf32, #tpu.memory_space<hbm>>
    tpu.enqueue_dma source(%arg11 : memref<13184xf32, #tpu.memory_space<vmem>>) target(%dma_start3A_164 : memref<13184xf32, #tpu.memory_space<hbm>>) target_semaphore(%arg18 : memref<!tpu.dma_semaphore, #tpu.memory_space<semaphore_mem>>)
    %add3A_165 = arith.constant 0 : i32
    %add3A_166 = arith.addi %shift_right_arithmetic3A_33, %add3A_165 : i32
    %and3A_167 = arith.constant 3 : i32
    %and3A_168 = arith.andi %add3A_166, %and3A_167 : i32
    %mul3A_169 = arith.constant 8 : i32
    %mul3A_170 = arith.muli %and3A_168, %mul3A_169 : i32
    %dma_start3A_171 = arith.constant 2 : i32
    %dma_start3A_172 = arith.constant 0 : i32
    %dma_start3A_173 = tpu.memref_slice %arg9[%mul3A_170, %dma_start3A_172] : memref<32x2048xf32, #tpu.memory_space<vmem>> -> memref<8x2048xf32, #tpu.memory_space<vmem>>
    %dma_start3A_174 = arith.constant 0 : i32
    %dma_start3A_175 = arith.constant 0 : i32
    %dma_start3A_176 = arith.constant 0 : i32
    %dma_start3A_177 = tpu.memref_slice %arg2[%dma_start3A_171, %dma_start3A_174, %dma_start3A_175, %dma_start3A_176] : memref<8x256x8x2048xf32, #tpu.memory_space<hbm>> -> memref<1x256x8x2048xf32, #tpu.memory_space<hbm>>
    %dma_start3A_178 = tpu.memref_squeeze %dma_start3A_177 : memref<1x256x8x2048xf32, #tpu.memory_space<hbm>> -> memref<256x8x2048xf32, #tpu.memory_space<hbm>>
    %dma_start3A_179 = arith.constant 0 : i32
    %dma_start3A_180 = arith.constant 0 : i32
    %dma_start3A_181 = tpu.memref_slice %dma_start3A_178[%add3A_166, %dma_start3A_179, %dma_start3A_180] : memref<256x8x2048xf32, #tpu.memory_space<hbm>> -> memref<1x8x2048xf32, #tpu.memory_space<hbm>>
    %dma_start3A_182 = tpu.memref_squeeze %dma_start3A_181 : memref<1x8x2048xf32, #tpu.memory_space<hbm>> -> memref<8x2048xf32, #tpu.memory_space<hbm>>
    %dma_start3A_183 = arith.constant 0 : i32
    %dma_start3A_184 = tpu.memref_slice %arg9[%mul3A_170, %dma_start3A_183] : memref<32x2048xf32, #tpu.memory_space<vmem>> -> memref<8x2048xf32, #tpu.memory_space<vmem>>
    %dma_start3A_185 = arith.constant 0 : i32
    %dma_start3A_186 = arith.constant 0 : i32
    %dma_start3A_187 = arith.constant 0 : i32
    %dma_start3A_188 = tpu.memref_slice %arg2[%dma_start3A_171, %dma_start3A_185, %dma_start3A_186, %dma_start3A_187] : memref<8x256x8x2048xf32, #tpu.memory_space<hbm>> -> memref<1x256x8x2048xf32, #tpu.memory_space<hbm>>
    %dma_start3A_189 = tpu.memref_squeeze %dma_start3A_188 : memref<1x256x8x2048xf32, #tpu.memory_space<hbm>> -> memref<256x8x2048xf32, #tpu.memory_space<hbm>>
    %dma_start3A_190 = arith.constant 0 : i32
    %dma_start3A_191 = arith.constant 0 : i32
    %dma_start3A_192 = tpu.memref_slice %dma_start3A_189[%add3A_166, %dma_start3A_190, %dma_start3A_191] : memref<256x8x2048xf32, #tpu.memory_space<hbm>> -> memref<1x8x2048xf32, #tpu.memory_space<hbm>>
    %dma_start3A_193 = tpu.memref_squeeze %dma_start3A_192 : memref<1x8x2048xf32, #tpu.memory_space<hbm>> -> memref<8x2048xf32, #tpu.memory_space<hbm>>
    tpu.enqueue_dma source(%dma_start3A_193 : memref<8x2048xf32, #tpu.memory_space<hbm>>) target(%dma_start3A_184 : memref<8x2048xf32, #tpu.memory_space<vmem>>) target_semaphore(%arg17 : memref<!tpu.dma_semaphore, #tpu.memory_space<semaphore_mem>>)
    %gt3A_194 = arith.constant 1 : i32
    %gt3A_195 = arith.cmpi sgt, %add3A_48, %gt3A_194 : i32
    %convert_element_type3A_196 = arith.extui %gt3A_195 : i1 to i32
    %cond3A_197 = arith.constant 0 : i32
    %cond3A_198 = arith.cmpi ne, %convert_element_type3A_196, %cond3A_197 : i32
    scf.if %cond3A_198 {
      %add3A_601 = arith.constant 1 : i32
      %add3A_602 = arith.addi %shift_right_arithmetic3A_33, %add3A_601 : i32
      %and3A_603 = arith.constant 3 : i32
      %and3A_604 = arith.andi %add3A_602, %and3A_603 : i32
      %mul3A_605 = arith.constant 8 : i32
      %mul3A_606 = arith.muli %and3A_604, %mul3A_605 : i32
      %dma_start3A_607 = arith.constant 2 : i32
      %dma_start3A_608 = arith.constant 0 : i32
      %dma_start3A_609 = tpu.memref_slice %arg9[%mul3A_606, %dma_start3A_608] : memref<32x2048xf32, #tpu.memory_space<vmem>> -> memref<8x2048xf32, #tpu.memory_space<vmem>>
      %dma_start3A_610 = arith.constant 0 : i32
      %dma_start3A_611 = arith.constant 0 : i32
      %dma_start3A_612 = arith.constant 0 : i32
      %dma_start3A_613 = tpu.memref_slice %arg2[%dma_start3A_607, %dma_start3A_610, %dma_start3A_611, %dma_start3A_612] : memref<8x256x8x2048xf32, #tpu.memory_space<hbm>> -> memref<1x256x8x2048xf32, #tpu.memory_space<hbm>>
      %dma_start3A_614 = tpu.memref_squeeze %dma_start3A_613 : memref<1x256x8x2048xf32, #tpu.memory_space<hbm>> -> memref<256x8x2048xf32, #tpu.memory_space<hbm>>
      %dma_start3A_615 = arith.constant 0 : i32
      %dma_start3A_616 = arith.constant 0 : i32
      %dma_start3A_617 = tpu.memref_slice %dma_start3A_614[%add3A_602, %dma_start3A_615, %dma_start3A_616] : memref<256x8x2048xf32, #tpu.memory_space<hbm>> -> memref<1x8x2048xf32, #tpu.memory_space<hbm>>
      %dma_start3A_618 = tpu.memref_squeeze %dma_start3A_617 : memref<1x8x2048xf32, #tpu.memory_space<hbm>> -> memref<8x2048xf32, #tpu.memory_space<hbm>>
      %dma_start3A_619 = arith.constant 0 : i32
      %dma_start3A_620 = tpu.memref_slice %arg9[%mul3A_606, %dma_start3A_619] : memref<32x2048xf32, #tpu.memory_space<vmem>> -> memref<8x2048xf32, #tpu.memory_space<vmem>>
      %dma_start3A_621 = arith.constant 0 : i32
      %dma_start3A_622 = arith.constant 0 : i32
      %dma_start3A_623 = arith.constant 0 : i32
      %dma_start3A_624 = tpu.memref_slice %arg2[%dma_start3A_607, %dma_start3A_621, %dma_start3A_622, %dma_start3A_623] : memref<8x256x8x2048xf32, #tpu.memory_space<hbm>> -> memref<1x256x8x2048xf32, #tpu.memory_space<hbm>>
      %dma_start3A_625 = tpu.memref_squeeze %dma_start3A_624 : memref<1x256x8x2048xf32, #tpu.memory_space<hbm>> -> memref<256x8x2048xf32, #tpu.memory_space<hbm>>
      %dma_start3A_626 = arith.constant 0 : i32
      %dma_start3A_627 = arith.constant 0 : i32
      %dma_start3A_628 = tpu.memref_slice %dma_start3A_625[%add3A_602, %dma_start3A_626, %dma_start3A_627] : memref<256x8x2048xf32, #tpu.memory_space<hbm>> -> memref<1x8x2048xf32, #tpu.memory_space<hbm>>
      %dma_start3A_629 = tpu.memref_squeeze %dma_start3A_628 : memref<1x8x2048xf32, #tpu.memory_space<hbm>> -> memref<8x2048xf32, #tpu.memory_space<hbm>>
      tpu.enqueue_dma source(%dma_start3A_629 : memref<8x2048xf32, #tpu.memory_space<hbm>>) target(%dma_start3A_620 : memref<8x2048xf32, #tpu.memory_space<vmem>>) target_semaphore(%arg17 : memref<!tpu.dma_semaphore, #tpu.memory_space<semaphore_mem>>)
    } else {
    }
    %gt3A_199 = arith.constant 2 : i32
    %gt3A_200 = arith.cmpi sgt, %add3A_48, %gt3A_199 : i32
    %convert_element_type3A_201 = arith.extui %gt3A_200 : i1 to i32
    %cond3A_202 = arith.constant 0 : i32
    %cond3A_203 = arith.cmpi ne, %convert_element_type3A_201, %cond3A_202 : i32
    scf.if %cond3A_203 {
      %add3A_601 = arith.constant 2 : i32
      %add3A_602 = arith.addi %shift_right_arithmetic3A_33, %add3A_601 : i32
      %and3A_603 = arith.constant 3 : i32
      %and3A_604 = arith.andi %add3A_602, %and3A_603 : i32
      %mul3A_605 = arith.constant 8 : i32
      %mul3A_606 = arith.muli %and3A_604, %mul3A_605 : i32
      %dma_start3A_607 = arith.constant 2 : i32
      %dma_start3A_608 = arith.constant 0 : i32
      %dma_start3A_609 = tpu.memref_slice %arg9[%mul3A_606, %dma_start3A_608] : memref<32x2048xf32, #tpu.memory_space<vmem>> -> memref<8x2048xf32, #tpu.memory_space<vmem>>
      %dma_start3A_610 = arith.constant 0 : i32
      %dma_start3A_611 = arith.constant 0 : i32
      %dma_start3A_612 = arith.constant 0 : i32
      %dma_start3A_613 = tpu.memref_slice %arg2[%dma_start3A_607, %dma_start3A_610, %dma_start3A_611, %dma_start3A_612] : memref<8x256x8x2048xf32, #tpu.memory_space<hbm>> -> memref<1x256x8x2048xf32, #tpu.memory_space<hbm>>
      %dma_start3A_614 = tpu.memref_squeeze %dma_start3A_613 : memref<1x256x8x2048xf32, #tpu.memory_space<hbm>> -> memref<256x8x2048xf32, #tpu.memory_space<hbm>>
      %dma_start3A_615 = arith.constant 0 : i32
      %dma_start3A_616 = arith.constant 0 : i32
      %dma_start3A_617 = tpu.memref_slice %dma_start3A_614[%add3A_602, %dma_start3A_615, %dma_start3A_616] : memref<256x8x2048xf32, #tpu.memory_space<hbm>> -> memref<1x8x2048xf32, #tpu.memory_space<hbm>>
      %dma_start3A_618 = tpu.memref_squeeze %dma_start3A_617 : memref<1x8x2048xf32, #tpu.memory_space<hbm>> -> memref<8x2048xf32, #tpu.memory_space<hbm>>
      %dma_start3A_619 = arith.constant 0 : i32
      %dma_start3A_620 = tpu.memref_slice %arg9[%mul3A_606, %dma_start3A_619] : memref<32x2048xf32, #tpu.memory_space<vmem>> -> memref<8x2048xf32, #tpu.memory_space<vmem>>
      %dma_start3A_621 = arith.constant 0 : i32
      %dma_start3A_622 = arith.constant 0 : i32
      %dma_start3A_623 = arith.constant 0 : i32
      %dma_start3A_624 = tpu.memref_slice %arg2[%dma_start3A_607, %dma_start3A_621, %dma_start3A_622, %dma_start3A_623] : memref<8x256x8x2048xf32, #tpu.memory_space<hbm>> -> memref<1x256x8x2048xf32, #tpu.memory_space<hbm>>
      %dma_start3A_625 = tpu.memref_squeeze %dma_start3A_624 : memref<1x256x8x2048xf32, #tpu.memory_space<hbm>> -> memref<256x8x2048xf32, #tpu.memory_space<hbm>>
      %dma_start3A_626 = arith.constant 0 : i32
      %dma_start3A_627 = arith.constant 0 : i32
      %dma_start3A_628 = tpu.memref_slice %dma_start3A_625[%add3A_602, %dma_start3A_626, %dma_start3A_627] : memref<256x8x2048xf32, #tpu.memory_space<hbm>> -> memref<1x8x2048xf32, #tpu.memory_space<hbm>>
      %dma_start3A_629 = tpu.memref_squeeze %dma_start3A_628 : memref<1x8x2048xf32, #tpu.memory_space<hbm>> -> memref<8x2048xf32, #tpu.memory_space<hbm>>
      tpu.enqueue_dma source(%dma_start3A_629 : memref<8x2048xf32, #tpu.memory_space<hbm>>) target(%dma_start3A_620 : memref<8x2048xf32, #tpu.memory_space<vmem>>) target_semaphore(%arg17 : memref<!tpu.dma_semaphore, #tpu.memory_space<semaphore_mem>>)
    } else {
    }
    %dma_wait3A = arith.constant 0 : i32
    %dma_wait3A_204 = arith.constant 0 : i32
    %dma_wait3A_205 = tpu.memref_slice %arg6[%dma_wait3A, %dma_wait3A_204] : memref<8x421888xf32, #tpu.memory_space<hbm>> -> memref<1x421888xf32, #tpu.memory_space<hbm>>
    %dma_wait3A_206 = tpu.memref_squeeze %dma_wait3A_205 : memref<1x421888xf32, #tpu.memory_space<hbm>> -> memref<421888xf32, #tpu.memory_space<hbm>>
    %dma_wait3A_207 = tpu.memref_slice %dma_wait3A_206[%mul3A_2] : memref<421888xf32, #tpu.memory_space<hbm>> -> memref<13184xf32, #tpu.memory_space<hbm>>
    %dma_wait3A_208 = arith.constant 0 : i32
    %dma_wait3A_209 = tpu.memref_slice %arg6[%dma_wait3A, %dma_wait3A_208] : memref<8x421888xf32, #tpu.memory_space<hbm>> -> memref<1x421888xf32, #tpu.memory_space<hbm>>
    %dma_wait3A_210 = tpu.memref_squeeze %dma_wait3A_209 : memref<1x421888xf32, #tpu.memory_space<hbm>> -> memref<421888xf32, #tpu.memory_space<hbm>>
    %dma_wait3A_211 = tpu.memref_slice %dma_wait3A_210[%mul3A_2] : memref<421888xf32, #tpu.memory_space<hbm>> -> memref<13184xf32, #tpu.memory_space<hbm>>
    tpu.wait_dma2 semaphore(%arg18 : memref<!tpu.dma_semaphore, #tpu.memory_space<semaphore_mem>>) src(%arg10 : memref<13184xf32, #tpu.memory_space<vmem>>) dst(%dma_wait3A_211 : memref<13184xf32, #tpu.memory_space<hbm>>)
    %while3A_212 = arith.constant 0 : i32
    %while3A_213 = arith.constant 0 : i32
    %while3A_214 = arith.subi %add3A_48, %while3A_212 : i32
    %while3A_215 = arith.addi %while3A_212, %while3A_214 : i32
    %while3A_216 = arith.constant 1 : i32
    %while3A_217 = arith.divsi %while3A_214, %while3A_216 : i32
    %while3A_218 = arith.muli %while3A_217, %while3A_216 : i32
    %while3A_219 = arith.addi %while3A_212, %while3A_218 : i32
    %while3A_220 = arith.constant 1 : i32
    %while3A_221 = scf.for %while3A_601 = %while3A_212 to %while3A_219 step %while3A_220 iter_args(%while3A_602 = %while3A_213) -> (i32)  : i32 {
      %add3A_603 = arith.constant 3 : i32
      %add3A_604 = arith.addi %while3A_601, %add3A_603 : i32
      %lt3A_605 = arith.cmpi slt, %add3A_604, %add3A_48 : i32
      %convert_element_type3A_606 = arith.extui %lt3A_605 : i1 to i32
      %cond3A_607 = arith.constant 0 : i32
      %cond3A_608 = arith.cmpi ne, %convert_element_type3A_606, %cond3A_607 : i32
      scf.if %cond3A_608 {
        %add3A_708 = arith.constant 3 : i32
        %add3A_709 = arith.addi %while3A_601, %add3A_708 : i32
        %add3A_710 = arith.addi %shift_right_arithmetic3A_33, %add3A_709 : i32
        %and3A_711 = arith.constant 3 : i32
        %and3A_712 = arith.andi %add3A_710, %and3A_711 : i32
        %mul3A_713 = arith.constant 8 : i32
        %mul3A_714 = arith.muli %and3A_712, %mul3A_713 : i32
        %dma_start3A_715 = arith.constant 2 : i32
        %dma_start3A_716 = arith.constant 0 : i32
        %dma_start3A_717 = tpu.memref_slice %arg9[%mul3A_714, %dma_start3A_716] : memref<32x2048xf32, #tpu.memory_space<vmem>> -> memref<8x2048xf32, #tpu.memory_space<vmem>>
        %dma_start3A_718 = arith.constant 0 : i32
        %dma_start3A_719 = arith.constant 0 : i32
        %dma_start3A_720 = arith.constant 0 : i32
        %dma_start3A_721 = tpu.memref_slice %arg2[%dma_start3A_715, %dma_start3A_718, %dma_start3A_719, %dma_start3A_720] : memref<8x256x8x2048xf32, #tpu.memory_space<hbm>> -> memref<1x256x8x2048xf32, #tpu.memory_space<hbm>>
        %dma_start3A_722 = tpu.memref_squeeze %dma_start3A_721 : memref<1x256x8x2048xf32, #tpu.memory_space<hbm>> -> memref<256x8x2048xf32, #tpu.memory_space<hbm>>
        %dma_start3A_723 = arith.constant 0 : i32
        %dma_start3A_724 = arith.constant 0 : i32
        %dma_start3A_725 = tpu.memref_slice %dma_start3A_722[%add3A_710, %dma_start3A_723, %dma_start3A_724] : memref<256x8x2048xf32, #tpu.memory_space<hbm>> -> memref<1x8x2048xf32, #tpu.memory_space<hbm>>
        %dma_start3A_726 = tpu.memref_squeeze %dma_start3A_725 : memref<1x8x2048xf32, #tpu.memory_space<hbm>> -> memref<8x2048xf32, #tpu.memory_space<hbm>>
        %dma_start3A_727 = arith.constant 0 : i32
        %dma_start3A_728 = tpu.memref_slice %arg9[%mul3A_714, %dma_start3A_727] : memref<32x2048xf32, #tpu.memory_space<vmem>> -> memref<8x2048xf32, #tpu.memory_space<vmem>>
        %dma_start3A_729 = arith.constant 0 : i32
        %dma_start3A_730 = arith.constant 0 : i32
        %dma_start3A_731 = arith.constant 0 : i32
        %dma_start3A_732 = tpu.memref_slice %arg2[%dma_start3A_715, %dma_start3A_729, %dma_start3A_730, %dma_start3A_731] : memref<8x256x8x2048xf32, #tpu.memory_space<hbm>> -> memref<1x256x8x2048xf32, #tpu.memory_space<hbm>>
        %dma_start3A_733 = tpu.memref_squeeze %dma_start3A_732 : memref<1x256x8x2048xf32, #tpu.memory_space<hbm>> -> memref<256x8x2048xf32, #tpu.memory_space<hbm>>
        %dma_start3A_734 = arith.constant 0 : i32
        %dma_start3A_735 = arith.constant 0 : i32
        %dma_start3A_736 = tpu.memref_slice %dma_start3A_733[%add3A_710, %dma_start3A_734, %dma_start3A_735] : memref<256x8x2048xf32, #tpu.memory_space<hbm>> -> memref<1x8x2048xf32, #tpu.memory_space<hbm>>
        %dma_start3A_737 = tpu.memref_squeeze %dma_start3A_736 : memref<1x8x2048xf32, #tpu.memory_space<hbm>> -> memref<8x2048xf32, #tpu.memory_space<hbm>>
        tpu.enqueue_dma source(%dma_start3A_737 : memref<8x2048xf32, #tpu.memory_space<hbm>>) target(%dma_start3A_728 : memref<8x2048xf32, #tpu.memory_space<vmem>>) target_semaphore(%arg17 : memref<!tpu.dma_semaphore, #tpu.memory_space<semaphore_mem>>)
      } else {
      }
      %add3A_609 = arith.addi %shift_right_arithmetic3A_33, %while3A_601 : i32
      %broadcast_in_dim3A_610 = vector.broadcast %add3A_609 : i32 to vector<16xi32>
      %gather3A_611 = tpu.vector_load_idx %arg12[%broadcast_in_dim3A_610] : memref<256xi32, #tpu.memory_space<vmem>>[vector<16xi32>], vector<16xi32>,
      %reduce_max3A_612 = arith.constant true
      %reduce_max3A_613 = vector.broadcast %reduce_max3A_612 : i1 to vector<16xi1>
      %reduce_max3A_614 = arith.constant -2147483648 : i32
      %reduce_max3A_615 = vector.broadcast %reduce_max3A_614 : i32 to vector<16xi32>
      %reduce_max3A_616 = arith.xori %gather3A_611, %reduce_max3A_615 : vector<16xi32>
      %reduce_max3A_617 = tpu.scan <max>, %reduce_max3A_616 masked %reduce_max3A_613 : vector<16xi32>, vector<16xi1> -> vector<16xi32>
      %reduce_max3A_618 = arith.xori %reduce_max3A_617, %reduce_max3A_615 : vector<16xi32>
      %reduce_max3A_619 = vector.extract %reduce_max3A_618[15] : i32 from vector<16xi32>
      %broadcast_in_dim3A_620 = vector.broadcast %add3A_609 : i32 to vector<16xi32>
      %gather3A_621 = tpu.vector_load_idx %arg13[%broadcast_in_dim3A_620] : memref<256xi32, #tpu.memory_space<vmem>>[vector<16xi32>], vector<16xi32>,
      %reduce_max3A_622 = arith.constant true
      %reduce_max3A_623 = vector.broadcast %reduce_max3A_622 : i1 to vector<16xi1>
      %reduce_max3A_624 = arith.constant -2147483648 : i32
      %reduce_max3A_625 = vector.broadcast %reduce_max3A_624 : i32 to vector<16xi32>
      %reduce_max3A_626 = arith.xori %gather3A_621, %reduce_max3A_625 : vector<16xi32>
      %reduce_max3A_627 = tpu.scan <max>, %reduce_max3A_626 masked %reduce_max3A_623 : vector<16xi32>, vector<16xi1> -> vector<16xi32>
      %reduce_max3A_628 = arith.xori %reduce_max3A_627, %reduce_max3A_625 : vector<16xi32>
      %reduce_max3A_629 = vector.extract %reduce_max3A_628[15] : i32 from vector<16xi32>
      %add3A_630 = arith.constant 1 : i32
      %add3A_631 = arith.addi %reduce_max3A_629, %add3A_630 : i32
      %min3A = arith.minsi %reduce_max3A_619, %add3A_631 : i32
      %add3A_632 = arith.addi %shift_right_arithmetic3A_33, %while3A_601 : i32
      %and3A_633 = arith.constant 3 : i32
      %and3A_634 = arith.andi %add3A_632, %and3A_633 : i32
      %mul3A_635 = arith.constant 8 : i32
      %mul3A_636 = arith.muli %and3A_634, %mul3A_635 : i32
      %dma_wait3A_637 = arith.constant 2 : i32
      %dma_wait3A_638 = arith.constant 0 : i32
      %dma_wait3A_639 = tpu.memref_slice %arg9[%mul3A_636, %dma_wait3A_638] : memref<32x2048xf32, #tpu.memory_space<vmem>> -> memref<8x2048xf32, #tpu.memory_space<vmem>>
      %dma_wait3A_640 = arith.constant 0 : i32
      %dma_wait3A_641 = arith.constant 0 : i32
      %dma_wait3A_642 = arith.constant 0 : i32
      %dma_wait3A_643 = tpu.memref_slice %arg2[%dma_wait3A_637, %dma_wait3A_640, %dma_wait3A_641, %dma_wait3A_642] : memref<8x256x8x2048xf32, #tpu.memory_space<hbm>> -> memref<1x256x8x2048xf32, #tpu.memory_space<hbm>>
      %dma_wait3A_644 = tpu.memref_squeeze %dma_wait3A_643 : memref<1x256x8x2048xf32, #tpu.memory_space<hbm>> -> memref<256x8x2048xf32, #tpu.memory_space<hbm>>
      %dma_wait3A_645 = arith.constant 0 : i32
      %dma_wait3A_646 = arith.constant 0 : i32
      %dma_wait3A_647 = tpu.memref_slice %dma_wait3A_644[%add3A_632, %dma_wait3A_645, %dma_wait3A_646] : memref<256x8x2048xf32, #tpu.memory_space<hbm>> -> memref<1x8x2048xf32, #tpu.memory_space<hbm>>
      %dma_wait3A_648 = tpu.memref_squeeze %dma_wait3A_647 : memref<1x8x2048xf32, #tpu.memory_space<hbm>> -> memref<8x2048xf32, #tpu.memory_space<hbm>>
      %dma_wait3A_649 = arith.constant 0 : i32
      %dma_wait3A_650 = tpu.memref_slice %arg9[%mul3A_636, %dma_wait3A_649] : memref<32x2048xf32, #tpu.memory_space<vmem>> -> memref<8x2048xf32, #tpu.memory_space<vmem>>
      %dma_wait3A_651 = arith.constant 0 : i32
      %dma_wait3A_652 = arith.constant 0 : i32
      %dma_wait3A_653 = arith.constant 0 : i32
      %dma_wait3A_654 = tpu.memref_slice %arg2[%dma_wait3A_637, %dma_wait3A_651, %dma_wait3A_652, %dma_wait3A_653] : memref<8x256x8x2048xf32, #tpu.memory_space<hbm>> -> memref<1x256x8x2048xf32, #tpu.memory_space<hbm>>
      %dma_wait3A_655 = tpu.memref_squeeze %dma_wait3A_654 : memref<1x256x8x2048xf32, #tpu.memory_space<hbm>> -> memref<256x8x2048xf32, #tpu.memory_space<hbm>>
      %dma_wait3A_656 = arith.constant 0 : i32
      %dma_wait3A_657 = arith.constant 0 : i32
      %dma_wait3A_658 = tpu.memref_slice %dma_wait3A_655[%add3A_632, %dma_wait3A_656, %dma_wait3A_657] : memref<256x8x2048xf32, #tpu.memory_space<hbm>> -> memref<1x8x2048xf32, #tpu.memory_space<hbm>>
      %dma_wait3A_659 = tpu.memref_squeeze %dma_wait3A_658 : memref<1x8x2048xf32, #tpu.memory_space<hbm>> -> memref<8x2048xf32, #tpu.memory_space<hbm>>
      tpu.wait_dma2 semaphore(%arg17 : memref<!tpu.dma_semaphore, #tpu.memory_space<semaphore_mem>>) src(%dma_wait3A_659 : memref<8x2048xf32, #tpu.memory_space<hbm>>) dst(%dma_wait3A_650 : memref<8x2048xf32, #tpu.memory_space<vmem>>)
      %mul3A_660 = arith.constant 16 : i32
      %mul3A_661 = arith.muli %min3A, %mul3A_660 : i32
      %add3A_662 = arith.constant 128 : i32
      %add3A_663 = arith.addi %add3A_662, %mul3A_661 : i32
      %get3A = arith.index_cast %add3A_663 : i32 to index
      %get3A_664 = tpu.vector_load %arg8[%get3A] {strides = array<i32>} : memref<13328xi32, #tpu.memory_space<vmem>>, vector<16xi32>,
      %shift_right_arithmetic3A_665 = arith.constant 14 : i32
      %shift_right_arithmetic3A_666 = vector.broadcast %shift_right_arithmetic3A_665 : i32 to vector<16xi32>
      %shift_right_arithmetic3A_667 = arith.shrsi %get3A_664, %shift_right_arithmetic3A_666 : vector<16xi32>
      %eq3A_668 = vector.broadcast %add3A_609 : i32 to vector<16xi32>
      %eq3A_669 = arith.cmpi eq, %shift_right_arithmetic3A_667, %eq3A_668 : vector<16xi32>
      %shift_right_arithmetic3A_670 = arith.constant 11 : i32
      %shift_right_arithmetic3A_671 = vector.broadcast %shift_right_arithmetic3A_670 : i32 to vector<16xi32>
      %shift_right_arithmetic3A_672 = arith.shrsi %get3A_664, %shift_right_arithmetic3A_671 : vector<16xi32>
      %and3A_673 = arith.constant 31 : i32
      %and3A_674 = vector.broadcast %and3A_673 : i32 to vector<16xi32>
      %and3A_675 = arith.andi %shift_right_arithmetic3A_672, %and3A_674 : vector<16xi32>
      %and3A_676 = arith.constant 2047 : i32
      %and3A_677 = vector.broadcast %and3A_676 : i32 to vector<16xi32>
      %and3A_678 = arith.andi %get3A_664, %and3A_677 : vector<16xi32>
      %gather3A_679 = tpu.vector_load_idx %arg9[%and3A_675, %and3A_678] masked %eq3A_669 : memref<32x2048xf32, #tpu.memory_space<vmem>>[vector<16xi32>, vector<16xi32>], vector<16xf32>, vector<16xi1>
      %mul3A_680 = arith.constant 16 : i32
      %mul3A_681 = arith.muli %min3A, %mul3A_680 : i32
      %get3A_682 = arith.index_cast %mul3A_681 : i32 to index
      %get3A_683 = tpu.vector_load %arg10[%get3A_682] {strides = array<i32>} : memref<13184xf32, #tpu.memory_space<vmem>>, vector<16xf32>,
      %select_n3A = arith.select %eq3A_669, %gather3A_679, %get3A_683 : vector<16xi1>, vector<16xf32>
      %mul3A_684 = arith.constant 16 : i32
      %mul3A_685 = arith.muli %min3A, %mul3A_684 : i32
      %swap3A_686 = arith.index_cast %mul3A_685 : i32 to index
      %swap3A_687 = tpu.vector_load %arg10[%swap3A_686] {strides = array<i32>} : memref<13184xf32, #tpu.memory_space<vmem>>, vector<16xf32>,
      tpu.vector_store %arg10[%swap3A_686], %select_n3A {strides = array<i32>} : memref<13184xf32, #tpu.memory_space<vmem>>, vector<16xf32>,
      %gt3A_688 = arith.cmpi sgt, %reduce_max3A_629, %min3A : i32
      %convert_element_type3A_689 = arith.extui %gt3A_688 : i1 to i32
      %cond3A_690 = arith.constant 0 : i32
      %cond3A_691 = arith.cmpi ne, %convert_element_type3A_689, %cond3A_690 : i32
      scf.if %cond3A_691 {
        %mul3A_708 = arith.constant 16 : i32
        %mul3A_709 = arith.muli %reduce_max3A_629, %mul3A_708 : i32
        %add3A_710 = arith.constant 128 : i32
        %add3A_711 = arith.addi %add3A_710, %mul3A_709 : i32
        %get3A_712 = arith.index_cast %add3A_711 : i32 to index
        %get3A_713 = tpu.vector_load %arg8[%get3A_712] {strides = array<i32>} : memref<13328xi32, #tpu.memory_space<vmem>>, vector<16xi32>,
        %shift_right_arithmetic3A_714 = arith.constant 14 : i32
        %shift_right_arithmetic3A_715 = vector.broadcast %shift_right_arithmetic3A_714 : i32 to vector<16xi32>
        %shift_right_arithmetic3A_716 = arith.shrsi %get3A_713, %shift_right_arithmetic3A_715 : vector<16xi32>
        %eq3A_717 = vector.broadcast %add3A_609 : i32 to vector<16xi32>
        %eq3A_718 = arith.cmpi eq, %shift_right_arithmetic3A_716, %eq3A_717 : vector<16xi32>
        %shift_right_arithmetic3A_719 = arith.constant 11 : i32
        %shift_right_arithmetic3A_720 = vector.broadcast %shift_right_arithmetic3A_719 : i32 to vector<16xi32>
        %shift_right_arithmetic3A_721 = arith.shrsi %get3A_713, %shift_right_arithmetic3A_720 : vector<16xi32>
        %and3A_722 = arith.constant 31 : i32
        %and3A_723 = vector.broadcast %and3A_722 : i32 to vector<16xi32>
        %and3A_724 = arith.andi %shift_right_arithmetic3A_721, %and3A_723 : vector<16xi32>
        %and3A_725 = arith.constant 2047 : i32
        %and3A_726 = vector.broadcast %and3A_725 : i32 to vector<16xi32>
        %and3A_727 = arith.andi %get3A_713, %and3A_726 : vector<16xi32>
        %gather3A_728 = tpu.vector_load_idx %arg9[%and3A_724, %and3A_727] masked %eq3A_718 : memref<32x2048xf32, #tpu.memory_space<vmem>>[vector<16xi32>, vector<16xi32>], vector<16xf32>, vector<16xi1>
        %mul3A_729 = arith.constant 16 : i32
        %mul3A_730 = arith.muli %reduce_max3A_629, %mul3A_729 : i32
        %get3A_731 = arith.index_cast %mul3A_730 : i32 to index
        %get3A_732 = tpu.vector_load %arg10[%get3A_731] {strides = array<i32>} : memref<13184xf32, #tpu.memory_space<vmem>>, vector<16xf32>,
        %select_n3A_733 = arith.select %eq3A_718, %gather3A_728, %get3A_732 : vector<16xi1>, vector<16xf32>
        %mul3A_734 = arith.constant 16 : i32
        %mul3A_735 = arith.muli %reduce_max3A_629, %mul3A_734 : i32
        %swap3A_736 = arith.index_cast %mul3A_735 : i32 to index
        %swap3A_737 = tpu.vector_load %arg10[%swap3A_736] {strides = array<i32>} : memref<13184xf32, #tpu.memory_space<vmem>>, vector<16xf32>,
        tpu.vector_store %arg10[%swap3A_736], %select_n3A_733 {strides = array<i32>} : memref<13184xf32, #tpu.memory_space<vmem>>, vector<16xf32>,
      } else {
      }
      %add3A_692 = arith.constant 1 : i32
      %add3A_693 = arith.addi %min3A, %add3A_692 : i32
      %add3A_694 = arith.constant 1 : i32
      %add3A_695 = arith.addi %min3A, %add3A_694 : i32
      %max3A = arith.maxsi %reduce_max3A_629, %add3A_695 : i32
      %while3A_696 = arith.constant 0 : i32
      %while3A_697 = arith.subi %max3A, %add3A_693 : i32
      %while3A_698 = arith.addi %add3A_693, %while3A_697 : i32
      %while3A_699 = arith.constant 1 : i32
      %while3A_700 = arith.divsi %while3A_697, %while3A_699 : i32
      %while3A_701 = arith.muli %while3A_700, %while3A_699 : i32
      %while3A_702 = arith.addi %add3A_693, %while3A_701 : i32
      %while3A_703 = arith.constant 1 : i32
      %while3A_704 = scf.for %while3A_708 = %add3A_693 to %while3A_702 step %while3A_703 iter_args(%while3A_709 = %while3A_696) -> (i32)  : i32 {
        %mul3A_710 = arith.constant 16 : i32
        %mul3A_711 = arith.muli %while3A_708, %mul3A_710 : i32
        %add3A_712 = arith.constant 128 : i32
        %add3A_713 = arith.addi %add3A_712, %mul3A_711 : i32
        %get3A_714 = arith.index_cast %add3A_713 : i32 to index
        %get3A_715 = tpu.vector_load %arg8[%get3A_714] {strides = array<i32>} : memref<13328xi32, #tpu.memory_space<vmem>>, vector<16xi32>,
        %shift_right_arithmetic3A_716 = arith.constant 11 : i32
        %shift_right_arithmetic3A_717 = vector.broadcast %shift_right_arithmetic3A_716 : i32 to vector<16xi32>
        %shift_right_arithmetic3A_718 = arith.shrsi %get3A_715, %shift_right_arithmetic3A_717 : vector<16xi32>
        %and3A_719 = arith.constant 31 : i32
        %and3A_720 = vector.broadcast %and3A_719 : i32 to vector<16xi32>
        %and3A_721 = arith.andi %shift_right_arithmetic3A_718, %and3A_720 : vector<16xi32>
        %and3A_722 = arith.constant 2047 : i32
        %and3A_723 = vector.broadcast %and3A_722 : i32 to vector<16xi32>
        %and3A_724 = arith.andi %get3A_715, %and3A_723 : vector<16xi32>
        %gather3A_725 = tpu.vector_load_idx %arg9[%and3A_721, %and3A_724] : memref<32x2048xf32, #tpu.memory_space<vmem>>[vector<16xi32>, vector<16xi32>], vector<16xf32>,
        %mul3A_726 = arith.constant 16 : i32
        %mul3A_727 = arith.muli %while3A_708, %mul3A_726 : i32
        %swap3A_728 = arith.index_cast %mul3A_727 : i32 to index
        %swap3A_729 = tpu.vector_load %arg10[%swap3A_728] {strides = array<i32>} : memref<13184xf32, #tpu.memory_space<vmem>>, vector<16xf32>,
        tpu.vector_store %arg10[%swap3A_728], %gather3A_725 {strides = array<i32>} : memref<13184xf32, #tpu.memory_space<vmem>>, vector<16xf32>,
        %while3A_730 = arith.constant 0 : i32
        scf.yield %while3A_730 : i32
      }
      %while3A_705 = arith.constant 1 : i32
      %while3A_706 = scf.for %while3A_708 = %while3A_702 to %while3A_698 step %while3A_705 iter_args(%while3A_709 = %while3A_704) -> (i32)  : i32 {
        %mul3A_710 = arith.constant 16 : i32
        %mul3A_711 = arith.muli %while3A_708, %mul3A_710 : i32
        %add3A_712 = arith.constant 128 : i32
        %add3A_713 = arith.addi %add3A_712, %mul3A_711 : i32
        %get3A_714 = arith.index_cast %add3A_713 : i32 to index
        %get3A_715 = tpu.vector_load %arg8[%get3A_714] {strides = array<i32>} : memref<13328xi32, #tpu.memory_space<vmem>>, vector<16xi32>,
        %shift_right_arithmetic3A_716 = arith.constant 11 : i32
        %shift_right_arithmetic3A_717 = vector.broadcast %shift_right_arithmetic3A_716 : i32 to vector<16xi32>
        %shift_right_arithmetic3A_718 = arith.shrsi %get3A_715, %shift_right_arithmetic3A_717 : vector<16xi32>
        %and3A_719 = arith.constant 31 : i32
        %and3A_720 = vector.broadcast %and3A_719 : i32 to vector<16xi32>
        %and3A_721 = arith.andi %shift_right_arithmetic3A_718, %and3A_720 : vector<16xi32>
        %and3A_722 = arith.constant 2047 : i32
        %and3A_723 = vector.broadcast %and3A_722 : i32 to vector<16xi32>
        %and3A_724 = arith.andi %get3A_715, %and3A_723 : vector<16xi32>
        %gather3A_725 = tpu.vector_load_idx %arg9[%and3A_721, %and3A_724] : memref<32x2048xf32, #tpu.memory_space<vmem>>[vector<16xi32>, vector<16xi32>], vector<16xf32>,
        %mul3A_726 = arith.constant 16 : i32
        %mul3A_727 = arith.muli %while3A_708, %mul3A_726 : i32
        %swap3A_728 = arith.index_cast %mul3A_727 : i32 to index
        %swap3A_729 = tpu.vector_load %arg10[%swap3A_728] {strides = array<i32>} : memref<13184xf32, #tpu.memory_space<vmem>>, vector<16xf32>,
        tpu.vector_store %arg10[%swap3A_728], %gather3A_725 {strides = array<i32>} : memref<13184xf32, #tpu.memory_space<vmem>>, vector<16xf32>,
        %while3A_730 = arith.constant 0 : i32
        scf.yield %while3A_730 : i32
      }
      %while3A_707 = arith.constant 0 : i32
      scf.yield %while3A_707 : i32
    }
    %while3A_222 = arith.constant 1 : i32
    %while3A_223 = scf.for %while3A_601 = %while3A_219 to %while3A_215 step %while3A_222 iter_args(%while3A_602 = %while3A_221) -> (i32)  : i32 {
      %add3A_603 = arith.constant 3 : i32
      %add3A_604 = arith.addi %while3A_601, %add3A_603 : i32
      %lt3A_605 = arith.cmpi slt, %add3A_604, %add3A_48 : i32
      %convert_element_type3A_606 = arith.extui %lt3A_605 : i1 to i32
      %cond3A_607 = arith.constant 0 : i32
      %cond3A_608 = arith.cmpi ne, %convert_element_type3A_606, %cond3A_607 : i32
      scf.if %cond3A_608 {
        %add3A_708 = arith.constant 3 : i32
        %add3A_709 = arith.addi %while3A_601, %add3A_708 : i32
        %add3A_710 = arith.addi %shift_right_arithmetic3A_33, %add3A_709 : i32
        %and3A_711 = arith.constant 3 : i32
        %and3A_712 = arith.andi %add3A_710, %and3A_711 : i32
        %mul3A_713 = arith.constant 8 : i32
        %mul3A_714 = arith.muli %and3A_712, %mul3A_713 : i32
        %dma_start3A_715 = arith.constant 2 : i32
        %dma_start3A_716 = arith.constant 0 : i32
        %dma_start3A_717 = tpu.memref_slice %arg9[%mul3A_714, %dma_start3A_716] : memref<32x2048xf32, #tpu.memory_space<vmem>> -> memref<8x2048xf32, #tpu.memory_space<vmem>>
        %dma_start3A_718 = arith.constant 0 : i32
        %dma_start3A_719 = arith.constant 0 : i32
        %dma_start3A_720 = arith.constant 0 : i32
        %dma_start3A_721 = tpu.memref_slice %arg2[%dma_start3A_715, %dma_start3A_718, %dma_start3A_719, %dma_start3A_720] : memref<8x256x8x2048xf32, #tpu.memory_space<hbm>> -> memref<1x256x8x2048xf32, #tpu.memory_space<hbm>>
        %dma_start3A_722 = tpu.memref_squeeze %dma_start3A_721 : memref<1x256x8x2048xf32, #tpu.memory_space<hbm>> -> memref<256x8x2048xf32, #tpu.memory_space<hbm>>
        %dma_start3A_723 = arith.constant 0 : i32
        %dma_start3A_724 = arith.constant 0 : i32
        %dma_start3A_725 = tpu.memref_slice %dma_start3A_722[%add3A_710, %dma_start3A_723, %dma_start3A_724] : memref<256x8x2048xf32, #tpu.memory_space<hbm>> -> memref<1x8x2048xf32, #tpu.memory_space<hbm>>
        %dma_start3A_726 = tpu.memref_squeeze %dma_start3A_725 : memref<1x8x2048xf32, #tpu.memory_space<hbm>> -> memref<8x2048xf32, #tpu.memory_space<hbm>>
        %dma_start3A_727 = arith.constant 0 : i32
        %dma_start3A_728 = tpu.memref_slice %arg9[%mul3A_714, %dma_start3A_727] : memref<32x2048xf32, #tpu.memory_space<vmem>> -> memref<8x2048xf32, #tpu.memory_space<vmem>>
        %dma_start3A_729 = arith.constant 0 : i32
        %dma_start3A_730 = arith.constant 0 : i32
        %dma_start3A_731 = arith.constant 0 : i32
        %dma_start3A_732 = tpu.memref_slice %arg2[%dma_start3A_715, %dma_start3A_729, %dma_start3A_730, %dma_start3A_731] : memref<8x256x8x2048xf32, #tpu.memory_space<hbm>> -> memref<1x256x8x2048xf32, #tpu.memory_space<hbm>>
        %dma_start3A_733 = tpu.memref_squeeze %dma_start3A_732 : memref<1x256x8x2048xf32, #tpu.memory_space<hbm>> -> memref<256x8x2048xf32, #tpu.memory_space<hbm>>
        %dma_start3A_734 = arith.constant 0 : i32
        %dma_start3A_735 = arith.constant 0 : i32
        %dma_start3A_736 = tpu.memref_slice %dma_start3A_733[%add3A_710, %dma_start3A_734, %dma_start3A_735] : memref<256x8x2048xf32, #tpu.memory_space<hbm>> -> memref<1x8x2048xf32, #tpu.memory_space<hbm>>
        %dma_start3A_737 = tpu.memref_squeeze %dma_start3A_736 : memref<1x8x2048xf32, #tpu.memory_space<hbm>> -> memref<8x2048xf32, #tpu.memory_space<hbm>>
        tpu.enqueue_dma source(%dma_start3A_737 : memref<8x2048xf32, #tpu.memory_space<hbm>>) target(%dma_start3A_728 : memref<8x2048xf32, #tpu.memory_space<vmem>>) target_semaphore(%arg17 : memref<!tpu.dma_semaphore, #tpu.memory_space<semaphore_mem>>)
      } else {
      }
      %add3A_609 = arith.addi %shift_right_arithmetic3A_33, %while3A_601 : i32
      %broadcast_in_dim3A_610 = vector.broadcast %add3A_609 : i32 to vector<16xi32>
      %gather3A_611 = tpu.vector_load_idx %arg12[%broadcast_in_dim3A_610] : memref<256xi32, #tpu.memory_space<vmem>>[vector<16xi32>], vector<16xi32>,
      %reduce_max3A_612 = arith.constant true
      %reduce_max3A_613 = vector.broadcast %reduce_max3A_612 : i1 to vector<16xi1>
      %reduce_max3A_614 = arith.constant -2147483648 : i32
      %reduce_max3A_615 = vector.broadcast %reduce_max3A_614 : i32 to vector<16xi32>
      %reduce_max3A_616 = arith.xori %gather3A_611, %reduce_max3A_615 : vector<16xi32>
      %reduce_max3A_617 = tpu.scan <max>, %reduce_max3A_616 masked %reduce_max3A_613 : vector<16xi32>, vector<16xi1> -> vector<16xi32>
      %reduce_max3A_618 = arith.xori %reduce_max3A_617, %reduce_max3A_615 : vector<16xi32>
      %reduce_max3A_619 = vector.extract %reduce_max3A_618[15] : i32 from vector<16xi32>
      %broadcast_in_dim3A_620 = vector.broadcast %add3A_609 : i32 to vector<16xi32>
      %gather3A_621 = tpu.vector_load_idx %arg13[%broadcast_in_dim3A_620] : memref<256xi32, #tpu.memory_space<vmem>>[vector<16xi32>], vector<16xi32>,
      %reduce_max3A_622 = arith.constant true
      %reduce_max3A_623 = vector.broadcast %reduce_max3A_622 : i1 to vector<16xi1>
      %reduce_max3A_624 = arith.constant -2147483648 : i32
      %reduce_max3A_625 = vector.broadcast %reduce_max3A_624 : i32 to vector<16xi32>
      %reduce_max3A_626 = arith.xori %gather3A_621, %reduce_max3A_625 : vector<16xi32>
      %reduce_max3A_627 = tpu.scan <max>, %reduce_max3A_626 masked %reduce_max3A_623 : vector<16xi32>, vector<16xi1> -> vector<16xi32>
      %reduce_max3A_628 = arith.xori %reduce_max3A_627, %reduce_max3A_625 : vector<16xi32>
      %reduce_max3A_629 = vector.extract %reduce_max3A_628[15] : i32 from vector<16xi32>
      %add3A_630 = arith.constant 1 : i32
      %add3A_631 = arith.addi %reduce_max3A_629, %add3A_630 : i32
      %min3A = arith.minsi %reduce_max3A_619, %add3A_631 : i32
      %add3A_632 = arith.addi %shift_right_arithmetic3A_33, %while3A_601 : i32
      %and3A_633 = arith.constant 3 : i32
      %and3A_634 = arith.andi %add3A_632, %and3A_633 : i32
      %mul3A_635 = arith.constant 8 : i32
      %mul3A_636 = arith.muli %and3A_634, %mul3A_635 : i32
      %dma_wait3A_637 = arith.constant 2 : i32
      %dma_wait3A_638 = arith.constant 0 : i32
      %dma_wait3A_639 = tpu.memref_slice %arg9[%mul3A_636, %dma_wait3A_638] : memref<32x2048xf32, #tpu.memory_space<vmem>> -> memref<8x2048xf32, #tpu.memory_space<vmem>>
      %dma_wait3A_640 = arith.constant 0 : i32
      %dma_wait3A_641 = arith.constant 0 : i32
      %dma_wait3A_642 = arith.constant 0 : i32
      %dma_wait3A_643 = tpu.memref_slice %arg2[%dma_wait3A_637, %dma_wait3A_640, %dma_wait3A_641, %dma_wait3A_642] : memref<8x256x8x2048xf32, #tpu.memory_space<hbm>> -> memref<1x256x8x2048xf32, #tpu.memory_space<hbm>>
      %dma_wait3A_644 = tpu.memref_squeeze %dma_wait3A_643 : memref<1x256x8x2048xf32, #tpu.memory_space<hbm>> -> memref<256x8x2048xf32, #tpu.memory_space<hbm>>
      %dma_wait3A_645 = arith.constant 0 : i32
      %dma_wait3A_646 = arith.constant 0 : i32
      %dma_wait3A_647 = tpu.memref_slice %dma_wait3A_644[%add3A_632, %dma_wait3A_645, %dma_wait3A_646] : memref<256x8x2048xf32, #tpu.memory_space<hbm>> -> memref<1x8x2048xf32, #tpu.memory_space<hbm>>
      %dma_wait3A_648 = tpu.memref_squeeze %dma_wait3A_647 : memref<1x8x2048xf32, #tpu.memory_space<hbm>> -> memref<8x2048xf32, #tpu.memory_space<hbm>>
      %dma_wait3A_649 = arith.constant 0 : i32
      %dma_wait3A_650 = tpu.memref_slice %arg9[%mul3A_636, %dma_wait3A_649] : memref<32x2048xf32, #tpu.memory_space<vmem>> -> memref<8x2048xf32, #tpu.memory_space<vmem>>
      %dma_wait3A_651 = arith.constant 0 : i32
      %dma_wait3A_652 = arith.constant 0 : i32
      %dma_wait3A_653 = arith.constant 0 : i32
      %dma_wait3A_654 = tpu.memref_slice %arg2[%dma_wait3A_637, %dma_wait3A_651, %dma_wait3A_652, %dma_wait3A_653] : memref<8x256x8x2048xf32, #tpu.memory_space<hbm>> -> memref<1x256x8x2048xf32, #tpu.memory_space<hbm>>
      %dma_wait3A_655 = tpu.memref_squeeze %dma_wait3A_654 : memref<1x256x8x2048xf32, #tpu.memory_space<hbm>> -> memref<256x8x2048xf32, #tpu.memory_space<hbm>>
      %dma_wait3A_656 = arith.constant 0 : i32
      %dma_wait3A_657 = arith.constant 0 : i32
      %dma_wait3A_658 = tpu.memref_slice %dma_wait3A_655[%add3A_632, %dma_wait3A_656, %dma_wait3A_657] : memref<256x8x2048xf32, #tpu.memory_space<hbm>> -> memref<1x8x2048xf32, #tpu.memory_space<hbm>>
      %dma_wait3A_659 = tpu.memref_squeeze %dma_wait3A_658 : memref<1x8x2048xf32, #tpu.memory_space<hbm>> -> memref<8x2048xf32, #tpu.memory_space<hbm>>
      tpu.wait_dma2 semaphore(%arg17 : memref<!tpu.dma_semaphore, #tpu.memory_space<semaphore_mem>>) src(%dma_wait3A_659 : memref<8x2048xf32, #tpu.memory_space<hbm>>) dst(%dma_wait3A_650 : memref<8x2048xf32, #tpu.memory_space<vmem>>)
      %mul3A_660 = arith.constant 16 : i32
      %mul3A_661 = arith.muli %min3A, %mul3A_660 : i32
      %add3A_662 = arith.constant 128 : i32
      %add3A_663 = arith.addi %add3A_662, %mul3A_661 : i32
      %get3A = arith.index_cast %add3A_663 : i32 to index
      %get3A_664 = tpu.vector_load %arg8[%get3A] {strides = array<i32>} : memref<13328xi32, #tpu.memory_space<vmem>>, vector<16xi32>,
      %shift_right_arithmetic3A_665 = arith.constant 14 : i32
      %shift_right_arithmetic3A_666 = vector.broadcast %shift_right_arithmetic3A_665 : i32 to vector<16xi32>
      %shift_right_arithmetic3A_667 = arith.shrsi %get3A_664, %shift_right_arithmetic3A_666 : vector<16xi32>
      %eq3A_668 = vector.broadcast %add3A_609 : i32 to vector<16xi32>
      %eq3A_669 = arith.cmpi eq, %shift_right_arithmetic3A_667, %eq3A_668 : vector<16xi32>
      %shift_right_arithmetic3A_670 = arith.constant 11 : i32
      %shift_right_arithmetic3A_671 = vector.broadcast %shift_right_arithmetic3A_670 : i32 to vector<16xi32>
      %shift_right_arithmetic3A_672 = arith.shrsi %get3A_664, %shift_right_arithmetic3A_671 : vector<16xi32>
      %and3A_673 = arith.constant 31 : i32
      %and3A_674 = vector.broadcast %and3A_673 : i32 to vector<16xi32>
      %and3A_675 = arith.andi %shift_right_arithmetic3A_672, %and3A_674 : vector<16xi32>
      %and3A_676 = arith.constant 2047 : i32
      %and3A_677 = vector.broadcast %and3A_676 : i32 to vector<16xi32>
      %and3A_678 = arith.andi %get3A_664, %and3A_677 : vector<16xi32>
      %gather3A_679 = tpu.vector_load_idx %arg9[%and3A_675, %and3A_678] masked %eq3A_669 : memref<32x2048xf32, #tpu.memory_space<vmem>>[vector<16xi32>, vector<16xi32>], vector<16xf32>, vector<16xi1>
      %mul3A_680 = arith.constant 16 : i32
      %mul3A_681 = arith.muli %min3A, %mul3A_680 : i32
      %get3A_682 = arith.index_cast %mul3A_681 : i32 to index
      %get3A_683 = tpu.vector_load %arg10[%get3A_682] {strides = array<i32>} : memref<13184xf32, #tpu.memory_space<vmem>>, vector<16xf32>,
      %select_n3A = arith.select %eq3A_669, %gather3A_679, %get3A_683 : vector<16xi1>, vector<16xf32>
      %mul3A_684 = arith.constant 16 : i32
      %mul3A_685 = arith.muli %min3A, %mul3A_684 : i32
      %swap3A_686 = arith.index_cast %mul3A_685 : i32 to index
      %swap3A_687 = tpu.vector_load %arg10[%swap3A_686] {strides = array<i32>} : memref<13184xf32, #tpu.memory_space<vmem>>, vector<16xf32>,
      tpu.vector_store %arg10[%swap3A_686], %select_n3A {strides = array<i32>} : memref<13184xf32, #tpu.memory_space<vmem>>, vector<16xf32>,
      %gt3A_688 = arith.cmpi sgt, %reduce_max3A_629, %min3A : i32
      %convert_element_type3A_689 = arith.extui %gt3A_688 : i1 to i32
      %cond3A_690 = arith.constant 0 : i32
      %cond3A_691 = arith.cmpi ne, %convert_element_type3A_689, %cond3A_690 : i32
      scf.if %cond3A_691 {
        %mul3A_708 = arith.constant 16 : i32
        %mul3A_709 = arith.muli %reduce_max3A_629, %mul3A_708 : i32
        %add3A_710 = arith.constant 128 : i32
        %add3A_711 = arith.addi %add3A_710, %mul3A_709 : i32
        %get3A_712 = arith.index_cast %add3A_711 : i32 to index
        %get3A_713 = tpu.vector_load %arg8[%get3A_712] {strides = array<i32>} : memref<13328xi32, #tpu.memory_space<vmem>>, vector<16xi32>,
        %shift_right_arithmetic3A_714 = arith.constant 14 : i32
        %shift_right_arithmetic3A_715 = vector.broadcast %shift_right_arithmetic3A_714 : i32 to vector<16xi32>
        %shift_right_arithmetic3A_716 = arith.shrsi %get3A_713, %shift_right_arithmetic3A_715 : vector<16xi32>
        %eq3A_717 = vector.broadcast %add3A_609 : i32 to vector<16xi32>
        %eq3A_718 = arith.cmpi eq, %shift_right_arithmetic3A_716, %eq3A_717 : vector<16xi32>
        %shift_right_arithmetic3A_719 = arith.constant 11 : i32
        %shift_right_arithmetic3A_720 = vector.broadcast %shift_right_arithmetic3A_719 : i32 to vector<16xi32>
        %shift_right_arithmetic3A_721 = arith.shrsi %get3A_713, %shift_right_arithmetic3A_720 : vector<16xi32>
        %and3A_722 = arith.constant 31 : i32
        %and3A_723 = vector.broadcast %and3A_722 : i32 to vector<16xi32>
        %and3A_724 = arith.andi %shift_right_arithmetic3A_721, %and3A_723 : vector<16xi32>
        %and3A_725 = arith.constant 2047 : i32
        %and3A_726 = vector.broadcast %and3A_725 : i32 to vector<16xi32>
        %and3A_727 = arith.andi %get3A_713, %and3A_726 : vector<16xi32>
        %gather3A_728 = tpu.vector_load_idx %arg9[%and3A_724, %and3A_727] masked %eq3A_718 : memref<32x2048xf32, #tpu.memory_space<vmem>>[vector<16xi32>, vector<16xi32>], vector<16xf32>, vector<16xi1>
        %mul3A_729 = arith.constant 16 : i32
        %mul3A_730 = arith.muli %reduce_max3A_629, %mul3A_729 : i32
        %get3A_731 = arith.index_cast %mul3A_730 : i32 to index
        %get3A_732 = tpu.vector_load %arg10[%get3A_731] {strides = array<i32>} : memref<13184xf32, #tpu.memory_space<vmem>>, vector<16xf32>,
        %select_n3A_733 = arith.select %eq3A_718, %gather3A_728, %get3A_732 : vector<16xi1>, vector<16xf32>
        %mul3A_734 = arith.constant 16 : i32
        %mul3A_735 = arith.muli %reduce_max3A_629, %mul3A_734 : i32
        %swap3A_736 = arith.index_cast %mul3A_735 : i32 to index
        %swap3A_737 = tpu.vector_load %arg10[%swap3A_736] {strides = array<i32>} : memref<13184xf32, #tpu.memory_space<vmem>>, vector<16xf32>,
        tpu.vector_store %arg10[%swap3A_736], %select_n3A_733 {strides = array<i32>} : memref<13184xf32, #tpu.memory_space<vmem>>, vector<16xf32>,
      } else {
      }
      %add3A_692 = arith.constant 1 : i32
      %add3A_693 = arith.addi %min3A, %add3A_692 : i32
      %add3A_694 = arith.constant 1 : i32
      %add3A_695 = arith.addi %min3A, %add3A_694 : i32
      %max3A = arith.maxsi %reduce_max3A_629, %add3A_695 : i32
      %while3A_696 = arith.constant 0 : i32
      %while3A_697 = arith.subi %max3A, %add3A_693 : i32
      %while3A_698 = arith.addi %add3A_693, %while3A_697 : i32
      %while3A_699 = arith.constant 1 : i32
      %while3A_700 = arith.divsi %while3A_697, %while3A_699 : i32
      %while3A_701 = arith.muli %while3A_700, %while3A_699 : i32
      %while3A_702 = arith.addi %add3A_693, %while3A_701 : i32
      %while3A_703 = arith.constant 1 : i32
      %while3A_704 = scf.for %while3A_708 = %add3A_693 to %while3A_702 step %while3A_703 iter_args(%while3A_709 = %while3A_696) -> (i32)  : i32 {
        %mul3A_710 = arith.constant 16 : i32
        %mul3A_711 = arith.muli %while3A_708, %mul3A_710 : i32
        %add3A_712 = arith.constant 128 : i32
        %add3A_713 = arith.addi %add3A_712, %mul3A_711 : i32
        %get3A_714 = arith.index_cast %add3A_713 : i32 to index
        %get3A_715 = tpu.vector_load %arg8[%get3A_714] {strides = array<i32>} : memref<13328xi32, #tpu.memory_space<vmem>>, vector<16xi32>,
        %shift_right_arithmetic3A_716 = arith.constant 11 : i32
        %shift_right_arithmetic3A_717 = vector.broadcast %shift_right_arithmetic3A_716 : i32 to vector<16xi32>
        %shift_right_arithmetic3A_718 = arith.shrsi %get3A_715, %shift_right_arithmetic3A_717 : vector<16xi32>
        %and3A_719 = arith.constant 31 : i32
        %and3A_720 = vector.broadcast %and3A_719 : i32 to vector<16xi32>
        %and3A_721 = arith.andi %shift_right_arithmetic3A_718, %and3A_720 : vector<16xi32>
        %and3A_722 = arith.constant 2047 : i32
        %and3A_723 = vector.broadcast %and3A_722 : i32 to vector<16xi32>
        %and3A_724 = arith.andi %get3A_715, %and3A_723 : vector<16xi32>
        %gather3A_725 = tpu.vector_load_idx %arg9[%and3A_721, %and3A_724] : memref<32x2048xf32, #tpu.memory_space<vmem>>[vector<16xi32>, vector<16xi32>], vector<16xf32>,
        %mul3A_726 = arith.constant 16 : i32
        %mul3A_727 = arith.muli %while3A_708, %mul3A_726 : i32
        %swap3A_728 = arith.index_cast %mul3A_727 : i32 to index
        %swap3A_729 = tpu.vector_load %arg10[%swap3A_728] {strides = array<i32>} : memref<13184xf32, #tpu.memory_space<vmem>>, vector<16xf32>,
        tpu.vector_store %arg10[%swap3A_728], %gather3A_725 {strides = array<i32>} : memref<13184xf32, #tpu.memory_space<vmem>>, vector<16xf32>,
        %while3A_730 = arith.constant 0 : i32
        scf.yield %while3A_730 : i32
      }
      %while3A_705 = arith.constant 1 : i32
      %while3A_706 = scf.for %while3A_708 = %while3A_702 to %while3A_698 step %while3A_705 iter_args(%while3A_709 = %while3A_704) -> (i32)  : i32 {
        %mul3A_710 = arith.constant 16 : i32
        %mul3A_711 = arith.muli %while3A_708, %mul3A_710 : i32
        %add3A_712 = arith.constant 128 : i32
        %add3A_713 = arith.addi %add3A_712, %mul3A_711 : i32
        %get3A_714 = arith.index_cast %add3A_713 : i32 to index
        %get3A_715 = tpu.vector_load %arg8[%get3A_714] {strides = array<i32>} : memref<13328xi32, #tpu.memory_space<vmem>>, vector<16xi32>,
        %shift_right_arithmetic3A_716 = arith.constant 11 : i32
        %shift_right_arithmetic3A_717 = vector.broadcast %shift_right_arithmetic3A_716 : i32 to vector<16xi32>
        %shift_right_arithmetic3A_718 = arith.shrsi %get3A_715, %shift_right_arithmetic3A_717 : vector<16xi32>
        %and3A_719 = arith.constant 31 : i32
        %and3A_720 = vector.broadcast %and3A_719 : i32 to vector<16xi32>
        %and3A_721 = arith.andi %shift_right_arithmetic3A_718, %and3A_720 : vector<16xi32>
        %and3A_722 = arith.constant 2047 : i32
        %and3A_723 = vector.broadcast %and3A_722 : i32 to vector<16xi32>
        %and3A_724 = arith.andi %get3A_715, %and3A_723 : vector<16xi32>
        %gather3A_725 = tpu.vector_load_idx %arg9[%and3A_721, %and3A_724] : memref<32x2048xf32, #tpu.memory_space<vmem>>[vector<16xi32>, vector<16xi32>], vector<16xf32>,
        %mul3A_726 = arith.constant 16 : i32
        %mul3A_727 = arith.muli %while3A_708, %mul3A_726 : i32
        %swap3A_728 = arith.index_cast %mul3A_727 : i32 to index
        %swap3A_729 = tpu.vector_load %arg10[%swap3A_728] {strides = array<i32>} : memref<13184xf32, #tpu.memory_space<vmem>>, vector<16xf32>,
        tpu.vector_store %arg10[%swap3A_728], %gather3A_725 {strides = array<i32>} : memref<13184xf32, #tpu.memory_space<vmem>>, vector<16xf32>,
        %while3A_730 = arith.constant 0 : i32
        scf.yield %while3A_730 : i32
      }
      %while3A_707 = arith.constant 0 : i32
      scf.yield %while3A_707 : i32
    }
    %dma_start3A_224 = arith.constant 2 : i32
    %dma_start3A_225 = arith.constant 0 : i32
    %dma_start3A_226 = tpu.memref_slice %arg6[%dma_start3A_224, %dma_start3A_225] : memref<8x421888xf32, #tpu.memory_space<hbm>> -> memref<1x421888xf32, #tpu.memory_space<hbm>>
    %dma_start3A_227 = tpu.memref_squeeze %dma_start3A_226 : memref<1x421888xf32, #tpu.memory_space<hbm>> -> memref<421888xf32, #tpu.memory_space<hbm>>
    %dma_start3A_228 = tpu.memref_slice %dma_start3A_227[%mul3A_2] : memref<421888xf32, #tpu.memory_space<hbm>> -> memref<13184xf32, #tpu.memory_space<hbm>>
    %dma_start3A_229 = arith.constant 0 : i32
    %dma_start3A_230 = tpu.memref_slice %arg6[%dma_start3A_224, %dma_start3A_229] : memref<8x421888xf32, #tpu.memory_space<hbm>> -> memref<1x421888xf32, #tpu.memory_space<hbm>>
    %dma_start3A_231 = tpu.memref_squeeze %dma_start3A_230 : memref<1x421888xf32, #tpu.memory_space<hbm>> -> memref<421888xf32, #tpu.memory_space<hbm>>
    %dma_start3A_232 = tpu.memref_slice %dma_start3A_231[%mul3A_2] : memref<421888xf32, #tpu.memory_space<hbm>> -> memref<13184xf32, #tpu.memory_space<hbm>>
    tpu.enqueue_dma source(%arg10 : memref<13184xf32, #tpu.memory_space<vmem>>) target(%dma_start3A_232 : memref<13184xf32, #tpu.memory_space<hbm>>) target_semaphore(%arg18 : memref<!tpu.dma_semaphore, #tpu.memory_space<semaphore_mem>>)
    %add3A_233 = arith.constant 0 : i32
    %add3A_234 = arith.addi %shift_right_arithmetic3A_33, %add3A_233 : i32
    %and3A_235 = arith.constant 3 : i32
    %and3A_236 = arith.andi %add3A_234, %and3A_235 : i32
    %mul3A_237 = arith.constant 8 : i32
    %mul3A_238 = arith.muli %and3A_236, %mul3A_237 : i32
    %dma_start3A_239 = arith.constant 3 : i32
    %dma_start3A_240 = arith.constant 0 : i32
    %dma_start3A_241 = tpu.memref_slice %arg9[%mul3A_238, %dma_start3A_240] : memref<32x2048xf32, #tpu.memory_space<vmem>> -> memref<8x2048xf32, #tpu.memory_space<vmem>>
    %dma_start3A_242 = arith.constant 0 : i32
    %dma_start3A_243 = arith.constant 0 : i32
    %dma_start3A_244 = arith.constant 0 : i32
    %dma_start3A_245 = tpu.memref_slice %arg2[%dma_start3A_239, %dma_start3A_242, %dma_start3A_243, %dma_start3A_244] : memref<8x256x8x2048xf32, #tpu.memory_space<hbm>> -> memref<1x256x8x2048xf32, #tpu.memory_space<hbm>>
    %dma_start3A_246 = tpu.memref_squeeze %dma_start3A_245 : memref<1x256x8x2048xf32, #tpu.memory_space<hbm>> -> memref<256x8x2048xf32, #tpu.memory_space<hbm>>
    %dma_start3A_247 = arith.constant 0 : i32
    %dma_start3A_248 = arith.constant 0 : i32
    %dma_start3A_249 = tpu.memref_slice %dma_start3A_246[%add3A_234, %dma_start3A_247, %dma_start3A_248] : memref<256x8x2048xf32, #tpu.memory_space<hbm>> -> memref<1x8x2048xf32, #tpu.memory_space<hbm>>
    %dma_start3A_250 = tpu.memref_squeeze %dma_start3A_249 : memref<1x8x2048xf32, #tpu.memory_space<hbm>> -> memref<8x2048xf32, #tpu.memory_space<hbm>>
    %dma_start3A_251 = arith.constant 0 : i32
    %dma_start3A_252 = tpu.memref_slice %arg9[%mul3A_238, %dma_start3A_251] : memref<32x2048xf32, #tpu.memory_space<vmem>> -> memref<8x2048xf32, #tpu.memory_space<vmem>>
    %dma_start3A_253 = arith.constant 0 : i32
    %dma_start3A_254 = arith.constant 0 : i32
    %dma_start3A_255 = arith.constant 0 : i32
    %dma_start3A_256 = tpu.memref_slice %arg2[%dma_start3A_239, %dma_start3A_253, %dma_start3A_254, %dma_start3A_255] : memref<8x256x8x2048xf32, #tpu.memory_space<hbm>> -> memref<1x256x8x2048xf32, #tpu.memory_space<hbm>>
    %dma_start3A_257 = tpu.memref_squeeze %dma_start3A_256 : memref<1x256x8x2048xf32, #tpu.memory_space<hbm>> -> memref<256x8x2048xf32, #tpu.memory_space<hbm>>
    %dma_start3A_258 = arith.constant 0 : i32
    %dma_start3A_259 = arith.constant 0 : i32
    %dma_start3A_260 = tpu.memref_slice %dma_start3A_257[%add3A_234, %dma_start3A_258, %dma_start3A_259] : memref<256x8x2048xf32, #tpu.memory_space<hbm>> -> memref<1x8x2048xf32, #tpu.memory_space<hbm>>
    %dma_start3A_261 = tpu.memref_squeeze %dma_start3A_260 : memref<1x8x2048xf32, #tpu.memory_space<hbm>> -> memref<8x2048xf32, #tpu.memory_space<hbm>>
    tpu.enqueue_dma source(%dma_start3A_261 : memref<8x2048xf32, #tpu.memory_space<hbm>>) target(%dma_start3A_252 : memref<8x2048xf32, #tpu.memory_space<vmem>>) target_semaphore(%arg17 : memref<!tpu.dma_semaphore, #tpu.memory_space<semaphore_mem>>)
    %gt3A_262 = arith.constant 1 : i32
    %gt3A_263 = arith.cmpi sgt, %add3A_48, %gt3A_262 : i32
    %convert_element_type3A_264 = arith.extui %gt3A_263 : i1 to i32
    %cond3A_265 = arith.constant 0 : i32
    %cond3A_266 = arith.cmpi ne, %convert_element_type3A_264, %cond3A_265 : i32
    scf.if %cond3A_266 {
      %add3A_601 = arith.constant 1 : i32
      %add3A_602 = arith.addi %shift_right_arithmetic3A_33, %add3A_601 : i32
      %and3A_603 = arith.constant 3 : i32
      %and3A_604 = arith.andi %add3A_602, %and3A_603 : i32
      %mul3A_605 = arith.constant 8 : i32
      %mul3A_606 = arith.muli %and3A_604, %mul3A_605 : i32
      %dma_start3A_607 = arith.constant 3 : i32
      %dma_start3A_608 = arith.constant 0 : i32
      %dma_start3A_609 = tpu.memref_slice %arg9[%mul3A_606, %dma_start3A_608] : memref<32x2048xf32, #tpu.memory_space<vmem>> -> memref<8x2048xf32, #tpu.memory_space<vmem>>
      %dma_start3A_610 = arith.constant 0 : i32
      %dma_start3A_611 = arith.constant 0 : i32
      %dma_start3A_612 = arith.constant 0 : i32
      %dma_start3A_613 = tpu.memref_slice %arg2[%dma_start3A_607, %dma_start3A_610, %dma_start3A_611, %dma_start3A_612] : memref<8x256x8x2048xf32, #tpu.memory_space<hbm>> -> memref<1x256x8x2048xf32, #tpu.memory_space<hbm>>
      %dma_start3A_614 = tpu.memref_squeeze %dma_start3A_613 : memref<1x256x8x2048xf32, #tpu.memory_space<hbm>> -> memref<256x8x2048xf32, #tpu.memory_space<hbm>>
      %dma_start3A_615 = arith.constant 0 : i32
      %dma_start3A_616 = arith.constant 0 : i32
      %dma_start3A_617 = tpu.memref_slice %dma_start3A_614[%add3A_602, %dma_start3A_615, %dma_start3A_616] : memref<256x8x2048xf32, #tpu.memory_space<hbm>> -> memref<1x8x2048xf32, #tpu.memory_space<hbm>>
      %dma_start3A_618 = tpu.memref_squeeze %dma_start3A_617 : memref<1x8x2048xf32, #tpu.memory_space<hbm>> -> memref<8x2048xf32, #tpu.memory_space<hbm>>
      %dma_start3A_619 = arith.constant 0 : i32
      %dma_start3A_620 = tpu.memref_slice %arg9[%mul3A_606, %dma_start3A_619] : memref<32x2048xf32, #tpu.memory_space<vmem>> -> memref<8x2048xf32, #tpu.memory_space<vmem>>
      %dma_start3A_621 = arith.constant 0 : i32
      %dma_start3A_622 = arith.constant 0 : i32
      %dma_start3A_623 = arith.constant 0 : i32
      %dma_start3A_624 = tpu.memref_slice %arg2[%dma_start3A_607, %dma_start3A_621, %dma_start3A_622, %dma_start3A_623] : memref<8x256x8x2048xf32, #tpu.memory_space<hbm>> -> memref<1x256x8x2048xf32, #tpu.memory_space<hbm>>
      %dma_start3A_625 = tpu.memref_squeeze %dma_start3A_624 : memref<1x256x8x2048xf32, #tpu.memory_space<hbm>> -> memref<256x8x2048xf32, #tpu.memory_space<hbm>>
      %dma_start3A_626 = arith.constant 0 : i32
      %dma_start3A_627 = arith.constant 0 : i32
      %dma_start3A_628 = tpu.memref_slice %dma_start3A_625[%add3A_602, %dma_start3A_626, %dma_start3A_627] : memref<256x8x2048xf32, #tpu.memory_space<hbm>> -> memref<1x8x2048xf32, #tpu.memory_space<hbm>>
      %dma_start3A_629 = tpu.memref_squeeze %dma_start3A_628 : memref<1x8x2048xf32, #tpu.memory_space<hbm>> -> memref<8x2048xf32, #tpu.memory_space<hbm>>
      tpu.enqueue_dma source(%dma_start3A_629 : memref<8x2048xf32, #tpu.memory_space<hbm>>) target(%dma_start3A_620 : memref<8x2048xf32, #tpu.memory_space<vmem>>) target_semaphore(%arg17 : memref<!tpu.dma_semaphore, #tpu.memory_space<semaphore_mem>>)
    } else {
    }
    %gt3A_267 = arith.constant 2 : i32
    %gt3A_268 = arith.cmpi sgt, %add3A_48, %gt3A_267 : i32
    %convert_element_type3A_269 = arith.extui %gt3A_268 : i1 to i32
    %cond3A_270 = arith.constant 0 : i32
    %cond3A_271 = arith.cmpi ne, %convert_element_type3A_269, %cond3A_270 : i32
    scf.if %cond3A_271 {
      %add3A_601 = arith.constant 2 : i32
      %add3A_602 = arith.addi %shift_right_arithmetic3A_33, %add3A_601 : i32
      %and3A_603 = arith.constant 3 : i32
      %and3A_604 = arith.andi %add3A_602, %and3A_603 : i32
      %mul3A_605 = arith.constant 8 : i32
      %mul3A_606 = arith.muli %and3A_604, %mul3A_605 : i32
      %dma_start3A_607 = arith.constant 3 : i32
      %dma_start3A_608 = arith.constant 0 : i32
      %dma_start3A_609 = tpu.memref_slice %arg9[%mul3A_606, %dma_start3A_608] : memref<32x2048xf32, #tpu.memory_space<vmem>> -> memref<8x2048xf32, #tpu.memory_space<vmem>>
      %dma_start3A_610 = arith.constant 0 : i32
      %dma_start3A_611 = arith.constant 0 : i32
      %dma_start3A_612 = arith.constant 0 : i32
      %dma_start3A_613 = tpu.memref_slice %arg2[%dma_start3A_607, %dma_start3A_610, %dma_start3A_611, %dma_start3A_612] : memref<8x256x8x2048xf32, #tpu.memory_space<hbm>> -> memref<1x256x8x2048xf32, #tpu.memory_space<hbm>>
      %dma_start3A_614 = tpu.memref_squeeze %dma_start3A_613 : memref<1x256x8x2048xf32, #tpu.memory_space<hbm>> -> memref<256x8x2048xf32, #tpu.memory_space<hbm>>
      %dma_start3A_615 = arith.constant 0 : i32
      %dma_start3A_616 = arith.constant 0 : i32
      %dma_start3A_617 = tpu.memref_slice %dma_start3A_614[%add3A_602, %dma_start3A_615, %dma_start3A_616] : memref<256x8x2048xf32, #tpu.memory_space<hbm>> -> memref<1x8x2048xf32, #tpu.memory_space<hbm>>
      %dma_start3A_618 = tpu.memref_squeeze %dma_start3A_617 : memref<1x8x2048xf32, #tpu.memory_space<hbm>> -> memref<8x2048xf32, #tpu.memory_space<hbm>>
      %dma_start3A_619 = arith.constant 0 : i32
      %dma_start3A_620 = tpu.memref_slice %arg9[%mul3A_606, %dma_start3A_619] : memref<32x2048xf32, #tpu.memory_space<vmem>> -> memref<8x2048xf32, #tpu.memory_space<vmem>>
      %dma_start3A_621 = arith.constant 0 : i32
      %dma_start3A_622 = arith.constant 0 : i32
      %dma_start3A_623 = arith.constant 0 : i32
      %dma_start3A_624 = tpu.memref_slice %arg2[%dma_start3A_607, %dma_start3A_621, %dma_start3A_622, %dma_start3A_623] : memref<8x256x8x2048xf32, #tpu.memory_space<hbm>> -> memref<1x256x8x2048xf32, #tpu.memory_space<hbm>>
      %dma_start3A_625 = tpu.memref_squeeze %dma_start3A_624 : memref<1x256x8x2048xf32, #tpu.memory_space<hbm>> -> memref<256x8x2048xf32, #tpu.memory_space<hbm>>
      %dma_start3A_626 = arith.constant 0 : i32
      %dma_start3A_627 = arith.constant 0 : i32
      %dma_start3A_628 = tpu.memref_slice %dma_start3A_625[%add3A_602, %dma_start3A_626, %dma_start3A_627] : memref<256x8x2048xf32, #tpu.memory_space<hbm>> -> memref<1x8x2048xf32, #tpu.memory_space<hbm>>
      %dma_start3A_629 = tpu.memref_squeeze %dma_start3A_628 : memref<1x8x2048xf32, #tpu.memory_space<hbm>> -> memref<8x2048xf32, #tpu.memory_space<hbm>>
      tpu.enqueue_dma source(%dma_start3A_629 : memref<8x2048xf32, #tpu.memory_space<hbm>>) target(%dma_start3A_620 : memref<8x2048xf32, #tpu.memory_space<vmem>>) target_semaphore(%arg17 : memref<!tpu.dma_semaphore, #tpu.memory_space<semaphore_mem>>)
    } else {
    }
    %dma_wait3A_272 = arith.constant 1 : i32
    %dma_wait3A_273 = arith.constant 0 : i32
    %dma_wait3A_274 = tpu.memref_slice %arg6[%dma_wait3A_272, %dma_wait3A_273] : memref<8x421888xf32, #tpu.memory_space<hbm>> -> memref<1x421888xf32, #tpu.memory_space<hbm>>
    %dma_wait3A_275 = tpu.memref_squeeze %dma_wait3A_274 : memref<1x421888xf32, #tpu.memory_space<hbm>> -> memref<421888xf32, #tpu.memory_space<hbm>>
    %dma_wait3A_276 = tpu.memref_slice %dma_wait3A_275[%mul3A_2] : memref<421888xf32, #tpu.memory_space<hbm>> -> memref<13184xf32, #tpu.memory_space<hbm>>
    %dma_wait3A_277 = arith.constant 0 : i32
    %dma_wait3A_278 = tpu.memref_slice %arg6[%dma_wait3A_272, %dma_wait3A_277] : memref<8x421888xf32, #tpu.memory_space<hbm>> -> memref<1x421888xf32, #tpu.memory_space<hbm>>
    %dma_wait3A_279 = tpu.memref_squeeze %dma_wait3A_278 : memref<1x421888xf32, #tpu.memory_space<hbm>> -> memref<421888xf32, #tpu.memory_space<hbm>>
    %dma_wait3A_280 = tpu.memref_slice %dma_wait3A_279[%mul3A_2] : memref<421888xf32, #tpu.memory_space<hbm>> -> memref<13184xf32, #tpu.memory_space<hbm>>
    tpu.wait_dma2 semaphore(%arg18 : memref<!tpu.dma_semaphore, #tpu.memory_space<semaphore_mem>>) src(%arg11 : memref<13184xf32, #tpu.memory_space<vmem>>) dst(%dma_wait3A_280 : memref<13184xf32, #tpu.memory_space<hbm>>)
    %while3A_281 = arith.constant 0 : i32
    %while3A_282 = arith.constant 0 : i32
    %while3A_283 = arith.subi %add3A_48, %while3A_281 : i32
    %while3A_284 = arith.addi %while3A_281, %while3A_283 : i32
    %while3A_285 = arith.constant 1 : i32
    %while3A_286 = arith.divsi %while3A_283, %while3A_285 : i32
    %while3A_287 = arith.muli %while3A_286, %while3A_285 : i32
    %while3A_288 = arith.addi %while3A_281, %while3A_287 : i32
    %while3A_289 = arith.constant 1 : i32
    %while3A_290 = scf.for %while3A_601 = %while3A_281 to %while3A_288 step %while3A_289 iter_args(%while3A_602 = %while3A_282) -> (i32)  : i32 {
      %add3A_603 = arith.constant 3 : i32
      %add3A_604 = arith.addi %while3A_601, %add3A_603 : i32
      %lt3A_605 = arith.cmpi slt, %add3A_604, %add3A_48 : i32
      %convert_element_type3A_606 = arith.extui %lt3A_605 : i1 to i32
      %cond3A_607 = arith.constant 0 : i32
      %cond3A_608 = arith.cmpi ne, %convert_element_type3A_606, %cond3A_607 : i32
      scf.if %cond3A_608 {
        %add3A_708 = arith.constant 3 : i32
        %add3A_709 = arith.addi %while3A_601, %add3A_708 : i32
        %add3A_710 = arith.addi %shift_right_arithmetic3A_33, %add3A_709 : i32
        %and3A_711 = arith.constant 3 : i32
        %and3A_712 = arith.andi %add3A_710, %and3A_711 : i32
        %mul3A_713 = arith.constant 8 : i32
        %mul3A_714 = arith.muli %and3A_712, %mul3A_713 : i32
        %dma_start3A_715 = arith.constant 3 : i32
        %dma_start3A_716 = arith.constant 0 : i32
        %dma_start3A_717 = tpu.memref_slice %arg9[%mul3A_714, %dma_start3A_716] : memref<32x2048xf32, #tpu.memory_space<vmem>> -> memref<8x2048xf32, #tpu.memory_space<vmem>>
        %dma_start3A_718 = arith.constant 0 : i32
        %dma_start3A_719 = arith.constant 0 : i32
        %dma_start3A_720 = arith.constant 0 : i32
        %dma_start3A_721 = tpu.memref_slice %arg2[%dma_start3A_715, %dma_start3A_718, %dma_start3A_719, %dma_start3A_720] : memref<8x256x8x2048xf32, #tpu.memory_space<hbm>> -> memref<1x256x8x2048xf32, #tpu.memory_space<hbm>>
        %dma_start3A_722 = tpu.memref_squeeze %dma_start3A_721 : memref<1x256x8x2048xf32, #tpu.memory_space<hbm>> -> memref<256x8x2048xf32, #tpu.memory_space<hbm>>
        %dma_start3A_723 = arith.constant 0 : i32
        %dma_start3A_724 = arith.constant 0 : i32
        %dma_start3A_725 = tpu.memref_slice %dma_start3A_722[%add3A_710, %dma_start3A_723, %dma_start3A_724] : memref<256x8x2048xf32, #tpu.memory_space<hbm>> -> memref<1x8x2048xf32, #tpu.memory_space<hbm>>
        %dma_start3A_726 = tpu.memref_squeeze %dma_start3A_725 : memref<1x8x2048xf32, #tpu.memory_space<hbm>> -> memref<8x2048xf32, #tpu.memory_space<hbm>>
        %dma_start3A_727 = arith.constant 0 : i32
        %dma_start3A_728 = tpu.memref_slice %arg9[%mul3A_714, %dma_start3A_727] : memref<32x2048xf32, #tpu.memory_space<vmem>> -> memref<8x2048xf32, #tpu.memory_space<vmem>>
        %dma_start3A_729 = arith.constant 0 : i32
        %dma_start3A_730 = arith.constant 0 : i32
        %dma_start3A_731 = arith.constant 0 : i32
        %dma_start3A_732 = tpu.memref_slice %arg2[%dma_start3A_715, %dma_start3A_729, %dma_start3A_730, %dma_start3A_731] : memref<8x256x8x2048xf32, #tpu.memory_space<hbm>> -> memref<1x256x8x2048xf32, #tpu.memory_space<hbm>>
        %dma_start3A_733 = tpu.memref_squeeze %dma_start3A_732 : memref<1x256x8x2048xf32, #tpu.memory_space<hbm>> -> memref<256x8x2048xf32, #tpu.memory_space<hbm>>
        %dma_start3A_734 = arith.constant 0 : i32
        %dma_start3A_735 = arith.constant 0 : i32
        %dma_start3A_736 = tpu.memref_slice %dma_start3A_733[%add3A_710, %dma_start3A_734, %dma_start3A_735] : memref<256x8x2048xf32, #tpu.memory_space<hbm>> -> memref<1x8x2048xf32, #tpu.memory_space<hbm>>
        %dma_start3A_737 = tpu.memref_squeeze %dma_start3A_736 : memref<1x8x2048xf32, #tpu.memory_space<hbm>> -> memref<8x2048xf32, #tpu.memory_space<hbm>>
        tpu.enqueue_dma source(%dma_start3A_737 : memref<8x2048xf32, #tpu.memory_space<hbm>>) target(%dma_start3A_728 : memref<8x2048xf32, #tpu.memory_space<vmem>>) target_semaphore(%arg17 : memref<!tpu.dma_semaphore, #tpu.memory_space<semaphore_mem>>)
      } else {
      }
      %add3A_609 = arith.addi %shift_right_arithmetic3A_33, %while3A_601 : i32
      %broadcast_in_dim3A_610 = vector.broadcast %add3A_609 : i32 to vector<16xi32>
      %gather3A_611 = tpu.vector_load_idx %arg12[%broadcast_in_dim3A_610] : memref<256xi32, #tpu.memory_space<vmem>>[vector<16xi32>], vector<16xi32>,
      %reduce_max3A_612 = arith.constant true
      %reduce_max3A_613 = vector.broadcast %reduce_max3A_612 : i1 to vector<16xi1>
      %reduce_max3A_614 = arith.constant -2147483648 : i32
      %reduce_max3A_615 = vector.broadcast %reduce_max3A_614 : i32 to vector<16xi32>
      %reduce_max3A_616 = arith.xori %gather3A_611, %reduce_max3A_615 : vector<16xi32>
      %reduce_max3A_617 = tpu.scan <max>, %reduce_max3A_616 masked %reduce_max3A_613 : vector<16xi32>, vector<16xi1> -> vector<16xi32>
      %reduce_max3A_618 = arith.xori %reduce_max3A_617, %reduce_max3A_615 : vector<16xi32>
      %reduce_max3A_619 = vector.extract %reduce_max3A_618[15] : i32 from vector<16xi32>
      %broadcast_in_dim3A_620 = vector.broadcast %add3A_609 : i32 to vector<16xi32>
      %gather3A_621 = tpu.vector_load_idx %arg13[%broadcast_in_dim3A_620] : memref<256xi32, #tpu.memory_space<vmem>>[vector<16xi32>], vector<16xi32>,
      %reduce_max3A_622 = arith.constant true
      %reduce_max3A_623 = vector.broadcast %reduce_max3A_622 : i1 to vector<16xi1>
      %reduce_max3A_624 = arith.constant -2147483648 : i32
      %reduce_max3A_625 = vector.broadcast %reduce_max3A_624 : i32 to vector<16xi32>
      %reduce_max3A_626 = arith.xori %gather3A_621, %reduce_max3A_625 : vector<16xi32>
      %reduce_max3A_627 = tpu.scan <max>, %reduce_max3A_626 masked %reduce_max3A_623 : vector<16xi32>, vector<16xi1> -> vector<16xi32>
      %reduce_max3A_628 = arith.xori %reduce_max3A_627, %reduce_max3A_625 : vector<16xi32>
      %reduce_max3A_629 = vector.extract %reduce_max3A_628[15] : i32 from vector<16xi32>
      %add3A_630 = arith.constant 1 : i32
      %add3A_631 = arith.addi %reduce_max3A_629, %add3A_630 : i32
      %min3A = arith.minsi %reduce_max3A_619, %add3A_631 : i32
      %add3A_632 = arith.addi %shift_right_arithmetic3A_33, %while3A_601 : i32
      %and3A_633 = arith.constant 3 : i32
      %and3A_634 = arith.andi %add3A_632, %and3A_633 : i32
      %mul3A_635 = arith.constant 8 : i32
      %mul3A_636 = arith.muli %and3A_634, %mul3A_635 : i32
      %dma_wait3A_637 = arith.constant 3 : i32
      %dma_wait3A_638 = arith.constant 0 : i32
      %dma_wait3A_639 = tpu.memref_slice %arg9[%mul3A_636, %dma_wait3A_638] : memref<32x2048xf32, #tpu.memory_space<vmem>> -> memref<8x2048xf32, #tpu.memory_space<vmem>>
      %dma_wait3A_640 = arith.constant 0 : i32
      %dma_wait3A_641 = arith.constant 0 : i32
      %dma_wait3A_642 = arith.constant 0 : i32
      %dma_wait3A_643 = tpu.memref_slice %arg2[%dma_wait3A_637, %dma_wait3A_640, %dma_wait3A_641, %dma_wait3A_642] : memref<8x256x8x2048xf32, #tpu.memory_space<hbm>> -> memref<1x256x8x2048xf32, #tpu.memory_space<hbm>>
      %dma_wait3A_644 = tpu.memref_squeeze %dma_wait3A_643 : memref<1x256x8x2048xf32, #tpu.memory_space<hbm>> -> memref<256x8x2048xf32, #tpu.memory_space<hbm>>
      %dma_wait3A_645 = arith.constant 0 : i32
      %dma_wait3A_646 = arith.constant 0 : i32
      %dma_wait3A_647 = tpu.memref_slice %dma_wait3A_644[%add3A_632, %dma_wait3A_645, %dma_wait3A_646] : memref<256x8x2048xf32, #tpu.memory_space<hbm>> -> memref<1x8x2048xf32, #tpu.memory_space<hbm>>
      %dma_wait3A_648 = tpu.memref_squeeze %dma_wait3A_647 : memref<1x8x2048xf32, #tpu.memory_space<hbm>> -> memref<8x2048xf32, #tpu.memory_space<hbm>>
      %dma_wait3A_649 = arith.constant 0 : i32
      %dma_wait3A_650 = tpu.memref_slice %arg9[%mul3A_636, %dma_wait3A_649] : memref<32x2048xf32, #tpu.memory_space<vmem>> -> memref<8x2048xf32, #tpu.memory_space<vmem>>
      %dma_wait3A_651 = arith.constant 0 : i32
      %dma_wait3A_652 = arith.constant 0 : i32
      %dma_wait3A_653 = arith.constant 0 : i32
      %dma_wait3A_654 = tpu.memref_slice %arg2[%dma_wait3A_637, %dma_wait3A_651, %dma_wait3A_652, %dma_wait3A_653] : memref<8x256x8x2048xf32, #tpu.memory_space<hbm>> -> memref<1x256x8x2048xf32, #tpu.memory_space<hbm>>
      %dma_wait3A_655 = tpu.memref_squeeze %dma_wait3A_654 : memref<1x256x8x2048xf32, #tpu.memory_space<hbm>> -> memref<256x8x2048xf32, #tpu.memory_space<hbm>>
      %dma_wait3A_656 = arith.constant 0 : i32
      %dma_wait3A_657 = arith.constant 0 : i32
      %dma_wait3A_658 = tpu.memref_slice %dma_wait3A_655[%add3A_632, %dma_wait3A_656, %dma_wait3A_657] : memref<256x8x2048xf32, #tpu.memory_space<hbm>> -> memref<1x8x2048xf32, #tpu.memory_space<hbm>>
      %dma_wait3A_659 = tpu.memref_squeeze %dma_wait3A_658 : memref<1x8x2048xf32, #tpu.memory_space<hbm>> -> memref<8x2048xf32, #tpu.memory_space<hbm>>
      tpu.wait_dma2 semaphore(%arg17 : memref<!tpu.dma_semaphore, #tpu.memory_space<semaphore_mem>>) src(%dma_wait3A_659 : memref<8x2048xf32, #tpu.memory_space<hbm>>) dst(%dma_wait3A_650 : memref<8x2048xf32, #tpu.memory_space<vmem>>)
      %mul3A_660 = arith.constant 16 : i32
      %mul3A_661 = arith.muli %min3A, %mul3A_660 : i32
      %add3A_662 = arith.constant 128 : i32
      %add3A_663 = arith.addi %add3A_662, %mul3A_661 : i32
      %get3A = arith.index_cast %add3A_663 : i32 to index
      %get3A_664 = tpu.vector_load %arg8[%get3A] {strides = array<i32>} : memref<13328xi32, #tpu.memory_space<vmem>>, vector<16xi32>,
      %shift_right_arithmetic3A_665 = arith.constant 14 : i32
      %shift_right_arithmetic3A_666 = vector.broadcast %shift_right_arithmetic3A_665 : i32 to vector<16xi32>
      %shift_right_arithmetic3A_667 = arith.shrsi %get3A_664, %shift_right_arithmetic3A_666 : vector<16xi32>
      %eq3A_668 = vector.broadcast %add3A_609 : i32 to vector<16xi32>
      %eq3A_669 = arith.cmpi eq, %shift_right_arithmetic3A_667, %eq3A_668 : vector<16xi32>
      %shift_right_arithmetic3A_670 = arith.constant 11 : i32
      %shift_right_arithmetic3A_671 = vector.broadcast %shift_right_arithmetic3A_670 : i32 to vector<16xi32>
      %shift_right_arithmetic3A_672 = arith.shrsi %get3A_664, %shift_right_arithmetic3A_671 : vector<16xi32>
      %and3A_673 = arith.constant 31 : i32
      %and3A_674 = vector.broadcast %and3A_673 : i32 to vector<16xi32>
      %and3A_675 = arith.andi %shift_right_arithmetic3A_672, %and3A_674 : vector<16xi32>
      %and3A_676 = arith.constant 2047 : i32
      %and3A_677 = vector.broadcast %and3A_676 : i32 to vector<16xi32>
      %and3A_678 = arith.andi %get3A_664, %and3A_677 : vector<16xi32>
      %gather3A_679 = tpu.vector_load_idx %arg9[%and3A_675, %and3A_678] masked %eq3A_669 : memref<32x2048xf32, #tpu.memory_space<vmem>>[vector<16xi32>, vector<16xi32>], vector<16xf32>, vector<16xi1>
      %mul3A_680 = arith.constant 16 : i32
      %mul3A_681 = arith.muli %min3A, %mul3A_680 : i32
      %get3A_682 = arith.index_cast %mul3A_681 : i32 to index
      %get3A_683 = tpu.vector_load %arg11[%get3A_682] {strides = array<i32>} : memref<13184xf32, #tpu.memory_space<vmem>>, vector<16xf32>,
      %select_n3A = arith.select %eq3A_669, %gather3A_679, %get3A_683 : vector<16xi1>, vector<16xf32>
      %mul3A_684 = arith.constant 16 : i32
      %mul3A_685 = arith.muli %min3A, %mul3A_684 : i32
      %swap3A_686 = arith.index_cast %mul3A_685 : i32 to index
      %swap3A_687 = tpu.vector_load %arg11[%swap3A_686] {strides = array<i32>} : memref<13184xf32, #tpu.memory_space<vmem>>, vector<16xf32>,
      tpu.vector_store %arg11[%swap3A_686], %select_n3A {strides = array<i32>} : memref<13184xf32, #tpu.memory_space<vmem>>, vector<16xf32>,
      %gt3A_688 = arith.cmpi sgt, %reduce_max3A_629, %min3A : i32
      %convert_element_type3A_689 = arith.extui %gt3A_688 : i1 to i32
      %cond3A_690 = arith.constant 0 : i32
      %cond3A_691 = arith.cmpi ne, %convert_element_type3A_689, %cond3A_690 : i32
      scf.if %cond3A_691 {
        %mul3A_708 = arith.constant 16 : i32
        %mul3A_709 = arith.muli %reduce_max3A_629, %mul3A_708 : i32
        %add3A_710 = arith.constant 128 : i32
        %add3A_711 = arith.addi %add3A_710, %mul3A_709 : i32
        %get3A_712 = arith.index_cast %add3A_711 : i32 to index
        %get3A_713 = tpu.vector_load %arg8[%get3A_712] {strides = array<i32>} : memref<13328xi32, #tpu.memory_space<vmem>>, vector<16xi32>,
        %shift_right_arithmetic3A_714 = arith.constant 14 : i32
        %shift_right_arithmetic3A_715 = vector.broadcast %shift_right_arithmetic3A_714 : i32 to vector<16xi32>
        %shift_right_arithmetic3A_716 = arith.shrsi %get3A_713, %shift_right_arithmetic3A_715 : vector<16xi32>
        %eq3A_717 = vector.broadcast %add3A_609 : i32 to vector<16xi32>
        %eq3A_718 = arith.cmpi eq, %shift_right_arithmetic3A_716, %eq3A_717 : vector<16xi32>
        %shift_right_arithmetic3A_719 = arith.constant 11 : i32
        %shift_right_arithmetic3A_720 = vector.broadcast %shift_right_arithmetic3A_719 : i32 to vector<16xi32>
        %shift_right_arithmetic3A_721 = arith.shrsi %get3A_713, %shift_right_arithmetic3A_720 : vector<16xi32>
        %and3A_722 = arith.constant 31 : i32
        %and3A_723 = vector.broadcast %and3A_722 : i32 to vector<16xi32>
        %and3A_724 = arith.andi %shift_right_arithmetic3A_721, %and3A_723 : vector<16xi32>
        %and3A_725 = arith.constant 2047 : i32
        %and3A_726 = vector.broadcast %and3A_725 : i32 to vector<16xi32>
        %and3A_727 = arith.andi %get3A_713, %and3A_726 : vector<16xi32>
        %gather3A_728 = tpu.vector_load_idx %arg9[%and3A_724, %and3A_727] masked %eq3A_718 : memref<32x2048xf32, #tpu.memory_space<vmem>>[vector<16xi32>, vector<16xi32>], vector<16xf32>, vector<16xi1>
        %mul3A_729 = arith.constant 16 : i32
        %mul3A_730 = arith.muli %reduce_max3A_629, %mul3A_729 : i32
        %get3A_731 = arith.index_cast %mul3A_730 : i32 to index
        %get3A_732 = tpu.vector_load %arg11[%get3A_731] {strides = array<i32>} : memref<13184xf32, #tpu.memory_space<vmem>>, vector<16xf32>,
        %select_n3A_733 = arith.select %eq3A_718, %gather3A_728, %get3A_732 : vector<16xi1>, vector<16xf32>
        %mul3A_734 = arith.constant 16 : i32
        %mul3A_735 = arith.muli %reduce_max3A_629, %mul3A_734 : i32
        %swap3A_736 = arith.index_cast %mul3A_735 : i32 to index
        %swap3A_737 = tpu.vector_load %arg11[%swap3A_736] {strides = array<i32>} : memref<13184xf32, #tpu.memory_space<vmem>>, vector<16xf32>,
        tpu.vector_store %arg11[%swap3A_736], %select_n3A_733 {strides = array<i32>} : memref<13184xf32, #tpu.memory_space<vmem>>, vector<16xf32>,
      } else {
      }
      %add3A_692 = arith.constant 1 : i32
      %add3A_693 = arith.addi %min3A, %add3A_692 : i32
      %add3A_694 = arith.constant 1 : i32
      %add3A_695 = arith.addi %min3A, %add3A_694 : i32
      %max3A = arith.maxsi %reduce_max3A_629, %add3A_695 : i32
      %while3A_696 = arith.constant 0 : i32
      %while3A_697 = arith.subi %max3A, %add3A_693 : i32
      %while3A_698 = arith.addi %add3A_693, %while3A_697 : i32
      %while3A_699 = arith.constant 1 : i32
      %while3A_700 = arith.divsi %while3A_697, %while3A_699 : i32
      %while3A_701 = arith.muli %while3A_700, %while3A_699 : i32
      %while3A_702 = arith.addi %add3A_693, %while3A_701 : i32
      %while3A_703 = arith.constant 1 : i32
      %while3A_704 = scf.for %while3A_708 = %add3A_693 to %while3A_702 step %while3A_703 iter_args(%while3A_709 = %while3A_696) -> (i32)  : i32 {
        %mul3A_710 = arith.constant 16 : i32
        %mul3A_711 = arith.muli %while3A_708, %mul3A_710 : i32
        %add3A_712 = arith.constant 128 : i32
        %add3A_713 = arith.addi %add3A_712, %mul3A_711 : i32
        %get3A_714 = arith.index_cast %add3A_713 : i32 to index
        %get3A_715 = tpu.vector_load %arg8[%get3A_714] {strides = array<i32>} : memref<13328xi32, #tpu.memory_space<vmem>>, vector<16xi32>,
        %shift_right_arithmetic3A_716 = arith.constant 11 : i32
        %shift_right_arithmetic3A_717 = vector.broadcast %shift_right_arithmetic3A_716 : i32 to vector<16xi32>
        %shift_right_arithmetic3A_718 = arith.shrsi %get3A_715, %shift_right_arithmetic3A_717 : vector<16xi32>
        %and3A_719 = arith.constant 31 : i32
        %and3A_720 = vector.broadcast %and3A_719 : i32 to vector<16xi32>
        %and3A_721 = arith.andi %shift_right_arithmetic3A_718, %and3A_720 : vector<16xi32>
        %and3A_722 = arith.constant 2047 : i32
        %and3A_723 = vector.broadcast %and3A_722 : i32 to vector<16xi32>
        %and3A_724 = arith.andi %get3A_715, %and3A_723 : vector<16xi32>
        %gather3A_725 = tpu.vector_load_idx %arg9[%and3A_721, %and3A_724] : memref<32x2048xf32, #tpu.memory_space<vmem>>[vector<16xi32>, vector<16xi32>], vector<16xf32>,
        %mul3A_726 = arith.constant 16 : i32
        %mul3A_727 = arith.muli %while3A_708, %mul3A_726 : i32
        %swap3A_728 = arith.index_cast %mul3A_727 : i32 to index
        %swap3A_729 = tpu.vector_load %arg11[%swap3A_728] {strides = array<i32>} : memref<13184xf32, #tpu.memory_space<vmem>>, vector<16xf32>,
        tpu.vector_store %arg11[%swap3A_728], %gather3A_725 {strides = array<i32>} : memref<13184xf32, #tpu.memory_space<vmem>>, vector<16xf32>,
        %while3A_730 = arith.constant 0 : i32
        scf.yield %while3A_730 : i32
      }
      %while3A_705 = arith.constant 1 : i32
      %while3A_706 = scf.for %while3A_708 = %while3A_702 to %while3A_698 step %while3A_705 iter_args(%while3A_709 = %while3A_704) -> (i32)  : i32 {
        %mul3A_710 = arith.constant 16 : i32
        %mul3A_711 = arith.muli %while3A_708, %mul3A_710 : i32
        %add3A_712 = arith.constant 128 : i32
        %add3A_713 = arith.addi %add3A_712, %mul3A_711 : i32
        %get3A_714 = arith.index_cast %add3A_713 : i32 to index
        %get3A_715 = tpu.vector_load %arg8[%get3A_714] {strides = array<i32>} : memref<13328xi32, #tpu.memory_space<vmem>>, vector<16xi32>,
        %shift_right_arithmetic3A_716 = arith.constant 11 : i32
        %shift_right_arithmetic3A_717 = vector.broadcast %shift_right_arithmetic3A_716 : i32 to vector<16xi32>
        %shift_right_arithmetic3A_718 = arith.shrsi %get3A_715, %shift_right_arithmetic3A_717 : vector<16xi32>
        %and3A_719 = arith.constant 31 : i32
        %and3A_720 = vector.broadcast %and3A_719 : i32 to vector<16xi32>
        %and3A_721 = arith.andi %shift_right_arithmetic3A_718, %and3A_720 : vector<16xi32>
        %and3A_722 = arith.constant 2047 : i32
        %and3A_723 = vector.broadcast %and3A_722 : i32 to vector<16xi32>
        %and3A_724 = arith.andi %get3A_715, %and3A_723 : vector<16xi32>
        %gather3A_725 = tpu.vector_load_idx %arg9[%and3A_721, %and3A_724] : memref<32x2048xf32, #tpu.memory_space<vmem>>[vector<16xi32>, vector<16xi32>], vector<16xf32>,
        %mul3A_726 = arith.constant 16 : i32
        %mul3A_727 = arith.muli %while3A_708, %mul3A_726 : i32
        %swap3A_728 = arith.index_cast %mul3A_727 : i32 to index
        %swap3A_729 = tpu.vector_load %arg11[%swap3A_728] {strides = array<i32>} : memref<13184xf32, #tpu.memory_space<vmem>>, vector<16xf32>,
        tpu.vector_store %arg11[%swap3A_728], %gather3A_725 {strides = array<i32>} : memref<13184xf32, #tpu.memory_space<vmem>>, vector<16xf32>,
        %while3A_730 = arith.constant 0 : i32
        scf.yield %while3A_730 : i32
      }
      %while3A_707 = arith.constant 0 : i32
      scf.yield %while3A_707 : i32
    }
    %while3A_291 = arith.constant 1 : i32
    %while3A_292 = scf.for %while3A_601 = %while3A_288 to %while3A_284 step %while3A_291 iter_args(%while3A_602 = %while3A_290) -> (i32)  : i32 {
      %add3A_603 = arith.constant 3 : i32
      %add3A_604 = arith.addi %while3A_601, %add3A_603 : i32
      %lt3A_605 = arith.cmpi slt, %add3A_604, %add3A_48 : i32
      %convert_element_type3A_606 = arith.extui %lt3A_605 : i1 to i32
      %cond3A_607 = arith.constant 0 : i32
      %cond3A_608 = arith.cmpi ne, %convert_element_type3A_606, %cond3A_607 : i32
      scf.if %cond3A_608 {
        %add3A_708 = arith.constant 3 : i32
        %add3A_709 = arith.addi %while3A_601, %add3A_708 : i32
        %add3A_710 = arith.addi %shift_right_arithmetic3A_33, %add3A_709 : i32
        %and3A_711 = arith.constant 3 : i32
        %and3A_712 = arith.andi %add3A_710, %and3A_711 : i32
        %mul3A_713 = arith.constant 8 : i32
        %mul3A_714 = arith.muli %and3A_712, %mul3A_713 : i32
        %dma_start3A_715 = arith.constant 3 : i32
        %dma_start3A_716 = arith.constant 0 : i32
        %dma_start3A_717 = tpu.memref_slice %arg9[%mul3A_714, %dma_start3A_716] : memref<32x2048xf32, #tpu.memory_space<vmem>> -> memref<8x2048xf32, #tpu.memory_space<vmem>>
        %dma_start3A_718 = arith.constant 0 : i32
        %dma_start3A_719 = arith.constant 0 : i32
        %dma_start3A_720 = arith.constant 0 : i32
        %dma_start3A_721 = tpu.memref_slice %arg2[%dma_start3A_715, %dma_start3A_718, %dma_start3A_719, %dma_start3A_720] : memref<8x256x8x2048xf32, #tpu.memory_space<hbm>> -> memref<1x256x8x2048xf32, #tpu.memory_space<hbm>>
        %dma_start3A_722 = tpu.memref_squeeze %dma_start3A_721 : memref<1x256x8x2048xf32, #tpu.memory_space<hbm>> -> memref<256x8x2048xf32, #tpu.memory_space<hbm>>
        %dma_start3A_723 = arith.constant 0 : i32
        %dma_start3A_724 = arith.constant 0 : i32
        %dma_start3A_725 = tpu.memref_slice %dma_start3A_722[%add3A_710, %dma_start3A_723, %dma_start3A_724] : memref<256x8x2048xf32, #tpu.memory_space<hbm>> -> memref<1x8x2048xf32, #tpu.memory_space<hbm>>
        %dma_start3A_726 = tpu.memref_squeeze %dma_start3A_725 : memref<1x8x2048xf32, #tpu.memory_space<hbm>> -> memref<8x2048xf32, #tpu.memory_space<hbm>>
        %dma_start3A_727 = arith.constant 0 : i32
        %dma_start3A_728 = tpu.memref_slice %arg9[%mul3A_714, %dma_start3A_727] : memref<32x2048xf32, #tpu.memory_space<vmem>> -> memref<8x2048xf32, #tpu.memory_space<vmem>>
        %dma_start3A_729 = arith.constant 0 : i32
        %dma_start3A_730 = arith.constant 0 : i32
        %dma_start3A_731 = arith.constant 0 : i32
        %dma_start3A_732 = tpu.memref_slice %arg2[%dma_start3A_715, %dma_start3A_729, %dma_start3A_730, %dma_start3A_731] : memref<8x256x8x2048xf32, #tpu.memory_space<hbm>> -> memref<1x256x8x2048xf32, #tpu.memory_space<hbm>>
        %dma_start3A_733 = tpu.memref_squeeze %dma_start3A_732 : memref<1x256x8x2048xf32, #tpu.memory_space<hbm>> -> memref<256x8x2048xf32, #tpu.memory_space<hbm>>
        %dma_start3A_734 = arith.constant 0 : i32
        %dma_start3A_735 = arith.constant 0 : i32
        %dma_start3A_736 = tpu.memref_slice %dma_start3A_733[%add3A_710, %dma_start3A_734, %dma_start3A_735] : memref<256x8x2048xf32, #tpu.memory_space<hbm>> -> memref<1x8x2048xf32, #tpu.memory_space<hbm>>
        %dma_start3A_737 = tpu.memref_squeeze %dma_start3A_736 : memref<1x8x2048xf32, #tpu.memory_space<hbm>> -> memref<8x2048xf32, #tpu.memory_space<hbm>>
        tpu.enqueue_dma source(%dma_start3A_737 : memref<8x2048xf32, #tpu.memory_space<hbm>>) target(%dma_start3A_728 : memref<8x2048xf32, #tpu.memory_space<vmem>>) target_semaphore(%arg17 : memref<!tpu.dma_semaphore, #tpu.memory_space<semaphore_mem>>)
      } else {
      }
      %add3A_609 = arith.addi %shift_right_arithmetic3A_33, %while3A_601 : i32
      %broadcast_in_dim3A_610 = vector.broadcast %add3A_609 : i32 to vector<16xi32>
      %gather3A_611 = tpu.vector_load_idx %arg12[%broadcast_in_dim3A_610] : memref<256xi32, #tpu.memory_space<vmem>>[vector<16xi32>], vector<16xi32>,
      %reduce_max3A_612 = arith.constant true
      %reduce_max3A_613 = vector.broadcast %reduce_max3A_612 : i1 to vector<16xi1>
      %reduce_max3A_614 = arith.constant -2147483648 : i32
      %reduce_max3A_615 = vector.broadcast %reduce_max3A_614 : i32 to vector<16xi32>
      %reduce_max3A_616 = arith.xori %gather3A_611, %reduce_max3A_615 : vector<16xi32>
      %reduce_max3A_617 = tpu.scan <max>, %reduce_max3A_616 masked %reduce_max3A_613 : vector<16xi32>, vector<16xi1> -> vector<16xi32>
      %reduce_max3A_618 = arith.xori %reduce_max3A_617, %reduce_max3A_615 : vector<16xi32>
      %reduce_max3A_619 = vector.extract %reduce_max3A_618[15] : i32 from vector<16xi32>
      %broadcast_in_dim3A_620 = vector.broadcast %add3A_609 : i32 to vector<16xi32>
      %gather3A_621 = tpu.vector_load_idx %arg13[%broadcast_in_dim3A_620] : memref<256xi32, #tpu.memory_space<vmem>>[vector<16xi32>], vector<16xi32>,
      %reduce_max3A_622 = arith.constant true
      %reduce_max3A_623 = vector.broadcast %reduce_max3A_622 : i1 to vector<16xi1>
      %reduce_max3A_624 = arith.constant -2147483648 : i32
      %reduce_max3A_625 = vector.broadcast %reduce_max3A_624 : i32 to vector<16xi32>
      %reduce_max3A_626 = arith.xori %gather3A_621, %reduce_max3A_625 : vector<16xi32>
      %reduce_max3A_627 = tpu.scan <max>, %reduce_max3A_626 masked %reduce_max3A_623 : vector<16xi32>, vector<16xi1> -> vector<16xi32>
      %reduce_max3A_628 = arith.xori %reduce_max3A_627, %reduce_max3A_625 : vector<16xi32>
      %reduce_max3A_629 = vector.extract %reduce_max3A_628[15] : i32 from vector<16xi32>
      %add3A_630 = arith.constant 1 : i32
      %add3A_631 = arith.addi %reduce_max3A_629, %add3A_630 : i32
      %min3A = arith.minsi %reduce_max3A_619, %add3A_631 : i32
      %add3A_632 = arith.addi %shift_right_arithmetic3A_33, %while3A_601 : i32
      %and3A_633 = arith.constant 3 : i32
      %and3A_634 = arith.andi %add3A_632, %and3A_633 : i32
      %mul3A_635 = arith.constant 8 : i32
      %mul3A_636 = arith.muli %and3A_634, %mul3A_635 : i32
      %dma_wait3A_637 = arith.constant 3 : i32
      %dma_wait3A_638 = arith.constant 0 : i32
      %dma_wait3A_639 = tpu.memref_slice %arg9[%mul3A_636, %dma_wait3A_638] : memref<32x2048xf32, #tpu.memory_space<vmem>> -> memref<8x2048xf32, #tpu.memory_space<vmem>>
      %dma_wait3A_640 = arith.constant 0 : i32
      %dma_wait3A_641 = arith.constant 0 : i32
      %dma_wait3A_642 = arith.constant 0 : i32
      %dma_wait3A_643 = tpu.memref_slice %arg2[%dma_wait3A_637, %dma_wait3A_640, %dma_wait3A_641, %dma_wait3A_642] : memref<8x256x8x2048xf32, #tpu.memory_space<hbm>> -> memref<1x256x8x2048xf32, #tpu.memory_space<hbm>>
      %dma_wait3A_644 = tpu.memref_squeeze %dma_wait3A_643 : memref<1x256x8x2048xf32, #tpu.memory_space<hbm>> -> memref<256x8x2048xf32, #tpu.memory_space<hbm>>
      %dma_wait3A_645 = arith.constant 0 : i32
      %dma_wait3A_646 = arith.constant 0 : i32
      %dma_wait3A_647 = tpu.memref_slice %dma_wait3A_644[%add3A_632, %dma_wait3A_645, %dma_wait3A_646] : memref<256x8x2048xf32, #tpu.memory_space<hbm>> -> memref<1x8x2048xf32, #tpu.memory_space<hbm>>
      %dma_wait3A_648 = tpu.memref_squeeze %dma_wait3A_647 : memref<1x8x2048xf32, #tpu.memory_space<hbm>> -> memref<8x2048xf32, #tpu.memory_space<hbm>>
      %dma_wait3A_649 = arith.constant 0 : i32
      %dma_wait3A_650 = tpu.memref_slice %arg9[%mul3A_636, %dma_wait3A_649] : memref<32x2048xf32, #tpu.memory_space<vmem>> -> memref<8x2048xf32, #tpu.memory_space<vmem>>
      %dma_wait3A_651 = arith.constant 0 : i32
      %dma_wait3A_652 = arith.constant 0 : i32
      %dma_wait3A_653 = arith.constant 0 : i32
      %dma_wait3A_654 = tpu.memref_slice %arg2[%dma_wait3A_637, %dma_wait3A_651, %dma_wait3A_652, %dma_wait3A_653] : memref<8x256x8x2048xf32, #tpu.memory_space<hbm>> -> memref<1x256x8x2048xf32, #tpu.memory_space<hbm>>
      %dma_wait3A_655 = tpu.memref_squeeze %dma_wait3A_654 : memref<1x256x8x2048xf32, #tpu.memory_space<hbm>> -> memref<256x8x2048xf32, #tpu.memory_space<hbm>>
      %dma_wait3A_656 = arith.constant 0 : i32
      %dma_wait3A_657 = arith.constant 0 : i32
      %dma_wait3A_658 = tpu.memref_slice %dma_wait3A_655[%add3A_632, %dma_wait3A_656, %dma_wait3A_657] : memref<256x8x2048xf32, #tpu.memory_space<hbm>> -> memref<1x8x2048xf32, #tpu.memory_space<hbm>>
      %dma_wait3A_659 = tpu.memref_squeeze %dma_wait3A_658 : memref<1x8x2048xf32, #tpu.memory_space<hbm>> -> memref<8x2048xf32, #tpu.memory_space<hbm>>
      tpu.wait_dma2 semaphore(%arg17 : memref<!tpu.dma_semaphore, #tpu.memory_space<semaphore_mem>>) src(%dma_wait3A_659 : memref<8x2048xf32, #tpu.memory_space<hbm>>) dst(%dma_wait3A_650 : memref<8x2048xf32, #tpu.memory_space<vmem>>)
      %mul3A_660 = arith.constant 16 : i32
      %mul3A_661 = arith.muli %min3A, %mul3A_660 : i32
      %add3A_662 = arith.constant 128 : i32
      %add3A_663 = arith.addi %add3A_662, %mul3A_661 : i32
      %get3A = arith.index_cast %add3A_663 : i32 to index
      %get3A_664 = tpu.vector_load %arg8[%get3A] {strides = array<i32>} : memref<13328xi32, #tpu.memory_space<vmem>>, vector<16xi32>,
      %shift_right_arithmetic3A_665 = arith.constant 14 : i32
      %shift_right_arithmetic3A_666 = vector.broadcast %shift_right_arithmetic3A_665 : i32 to vector<16xi32>
      %shift_right_arithmetic3A_667 = arith.shrsi %get3A_664, %shift_right_arithmetic3A_666 : vector<16xi32>
      %eq3A_668 = vector.broadcast %add3A_609 : i32 to vector<16xi32>
      %eq3A_669 = arith.cmpi eq, %shift_right_arithmetic3A_667, %eq3A_668 : vector<16xi32>
      %shift_right_arithmetic3A_670 = arith.constant 11 : i32
      %shift_right_arithmetic3A_671 = vector.broadcast %shift_right_arithmetic3A_670 : i32 to vector<16xi32>
      %shift_right_arithmetic3A_672 = arith.shrsi %get3A_664, %shift_right_arithmetic3A_671 : vector<16xi32>
      %and3A_673 = arith.constant 31 : i32
      %and3A_674 = vector.broadcast %and3A_673 : i32 to vector<16xi32>
      %and3A_675 = arith.andi %shift_right_arithmetic3A_672, %and3A_674 : vector<16xi32>
      %and3A_676 = arith.constant 2047 : i32
      %and3A_677 = vector.broadcast %and3A_676 : i32 to vector<16xi32>
      %and3A_678 = arith.andi %get3A_664, %and3A_677 : vector<16xi32>
      %gather3A_679 = tpu.vector_load_idx %arg9[%and3A_675, %and3A_678] masked %eq3A_669 : memref<32x2048xf32, #tpu.memory_space<vmem>>[vector<16xi32>, vector<16xi32>], vector<16xf32>, vector<16xi1>
      %mul3A_680 = arith.constant 16 : i32
      %mul3A_681 = arith.muli %min3A, %mul3A_680 : i32
      %get3A_682 = arith.index_cast %mul3A_681 : i32 to index
      %get3A_683 = tpu.vector_load %arg11[%get3A_682] {strides = array<i32>} : memref<13184xf32, #tpu.memory_space<vmem>>, vector<16xf32>,
      %select_n3A = arith.select %eq3A_669, %gather3A_679, %get3A_683 : vector<16xi1>, vector<16xf32>
      %mul3A_684 = arith.constant 16 : i32
      %mul3A_685 = arith.muli %min3A, %mul3A_684 : i32
      %swap3A_686 = arith.index_cast %mul3A_685 : i32 to index
      %swap3A_687 = tpu.vector_load %arg11[%swap3A_686] {strides = array<i32>} : memref<13184xf32, #tpu.memory_space<vmem>>, vector<16xf32>,
      tpu.vector_store %arg11[%swap3A_686], %select_n3A {strides = array<i32>} : memref<13184xf32, #tpu.memory_space<vmem>>, vector<16xf32>,
      %gt3A_688 = arith.cmpi sgt, %reduce_max3A_629, %min3A : i32
      %convert_element_type3A_689 = arith.extui %gt3A_688 : i1 to i32
      %cond3A_690 = arith.constant 0 : i32
      %cond3A_691 = arith.cmpi ne, %convert_element_type3A_689, %cond3A_690 : i32
      scf.if %cond3A_691 {
        %mul3A_708 = arith.constant 16 : i32
        %mul3A_709 = arith.muli %reduce_max3A_629, %mul3A_708 : i32
        %add3A_710 = arith.constant 128 : i32
        %add3A_711 = arith.addi %add3A_710, %mul3A_709 : i32
        %get3A_712 = arith.index_cast %add3A_711 : i32 to index
        %get3A_713 = tpu.vector_load %arg8[%get3A_712] {strides = array<i32>} : memref<13328xi32, #tpu.memory_space<vmem>>, vector<16xi32>,
        %shift_right_arithmetic3A_714 = arith.constant 14 : i32
        %shift_right_arithmetic3A_715 = vector.broadcast %shift_right_arithmetic3A_714 : i32 to vector<16xi32>
        %shift_right_arithmetic3A_716 = arith.shrsi %get3A_713, %shift_right_arithmetic3A_715 : vector<16xi32>
        %eq3A_717 = vector.broadcast %add3A_609 : i32 to vector<16xi32>
        %eq3A_718 = arith.cmpi eq, %shift_right_arithmetic3A_716, %eq3A_717 : vector<16xi32>
        %shift_right_arithmetic3A_719 = arith.constant 11 : i32
        %shift_right_arithmetic3A_720 = vector.broadcast %shift_right_arithmetic3A_719 : i32 to vector<16xi32>
        %shift_right_arithmetic3A_721 = arith.shrsi %get3A_713, %shift_right_arithmetic3A_720 : vector<16xi32>
        %and3A_722 = arith.constant 31 : i32
        %and3A_723 = vector.broadcast %and3A_722 : i32 to vector<16xi32>
        %and3A_724 = arith.andi %shift_right_arithmetic3A_721, %and3A_723 : vector<16xi32>
        %and3A_725 = arith.constant 2047 : i32
        %and3A_726 = vector.broadcast %and3A_725 : i32 to vector<16xi32>
        %and3A_727 = arith.andi %get3A_713, %and3A_726 : vector<16xi32>
        %gather3A_728 = tpu.vector_load_idx %arg9[%and3A_724, %and3A_727] masked %eq3A_718 : memref<32x2048xf32, #tpu.memory_space<vmem>>[vector<16xi32>, vector<16xi32>], vector<16xf32>, vector<16xi1>
        %mul3A_729 = arith.constant 16 : i32
        %mul3A_730 = arith.muli %reduce_max3A_629, %mul3A_729 : i32
        %get3A_731 = arith.index_cast %mul3A_730 : i32 to index
        %get3A_732 = tpu.vector_load %arg11[%get3A_731] {strides = array<i32>} : memref<13184xf32, #tpu.memory_space<vmem>>, vector<16xf32>,
        %select_n3A_733 = arith.select %eq3A_718, %gather3A_728, %get3A_732 : vector<16xi1>, vector<16xf32>
        %mul3A_734 = arith.constant 16 : i32
        %mul3A_735 = arith.muli %reduce_max3A_629, %mul3A_734 : i32
        %swap3A_736 = arith.index_cast %mul3A_735 : i32 to index
        %swap3A_737 = tpu.vector_load %arg11[%swap3A_736] {strides = array<i32>} : memref<13184xf32, #tpu.memory_space<vmem>>, vector<16xf32>,
        tpu.vector_store %arg11[%swap3A_736], %select_n3A_733 {strides = array<i32>} : memref<13184xf32, #tpu.memory_space<vmem>>, vector<16xf32>,
      } else {
      }
      %add3A_692 = arith.constant 1 : i32
      %add3A_693 = arith.addi %min3A, %add3A_692 : i32
      %add3A_694 = arith.constant 1 : i32
      %add3A_695 = arith.addi %min3A, %add3A_694 : i32
      %max3A = arith.maxsi %reduce_max3A_629, %add3A_695 : i32
      %while3A_696 = arith.constant 0 : i32
      %while3A_697 = arith.subi %max3A, %add3A_693 : i32
      %while3A_698 = arith.addi %add3A_693, %while3A_697 : i32
      %while3A_699 = arith.constant 1 : i32
      %while3A_700 = arith.divsi %while3A_697, %while3A_699 : i32
      %while3A_701 = arith.muli %while3A_700, %while3A_699 : i32
      %while3A_702 = arith.addi %add3A_693, %while3A_701 : i32
      %while3A_703 = arith.constant 1 : i32
      %while3A_704 = scf.for %while3A_708 = %add3A_693 to %while3A_702 step %while3A_703 iter_args(%while3A_709 = %while3A_696) -> (i32)  : i32 {
        %mul3A_710 = arith.constant 16 : i32
        %mul3A_711 = arith.muli %while3A_708, %mul3A_710 : i32
        %add3A_712 = arith.constant 128 : i32
        %add3A_713 = arith.addi %add3A_712, %mul3A_711 : i32
        %get3A_714 = arith.index_cast %add3A_713 : i32 to index
        %get3A_715 = tpu.vector_load %arg8[%get3A_714] {strides = array<i32>} : memref<13328xi32, #tpu.memory_space<vmem>>, vector<16xi32>,
        %shift_right_arithmetic3A_716 = arith.constant 11 : i32
        %shift_right_arithmetic3A_717 = vector.broadcast %shift_right_arithmetic3A_716 : i32 to vector<16xi32>
        %shift_right_arithmetic3A_718 = arith.shrsi %get3A_715, %shift_right_arithmetic3A_717 : vector<16xi32>
        %and3A_719 = arith.constant 31 : i32
        %and3A_720 = vector.broadcast %and3A_719 : i32 to vector<16xi32>
        %and3A_721 = arith.andi %shift_right_arithmetic3A_718, %and3A_720 : vector<16xi32>
        %and3A_722 = arith.constant 2047 : i32
        %and3A_723 = vector.broadcast %and3A_722 : i32 to vector<16xi32>
        %and3A_724 = arith.andi %get3A_715, %and3A_723 : vector<16xi32>
        %gather3A_725 = tpu.vector_load_idx %arg9[%and3A_721, %and3A_724] : memref<32x2048xf32, #tpu.memory_space<vmem>>[vector<16xi32>, vector<16xi32>], vector<16xf32>,
        %mul3A_726 = arith.constant 16 : i32
        %mul3A_727 = arith.muli %while3A_708, %mul3A_726 : i32
        %swap3A_728 = arith.index_cast %mul3A_727 : i32 to index
        %swap3A_729 = tpu.vector_load %arg11[%swap3A_728] {strides = array<i32>} : memref<13184xf32, #tpu.memory_space<vmem>>, vector<16xf32>,
        tpu.vector_store %arg11[%swap3A_728], %gather3A_725 {strides = array<i32>} : memref<13184xf32, #tpu.memory_space<vmem>>, vector<16xf32>,
        %while3A_730 = arith.constant 0 : i32
        scf.yield %while3A_730 : i32
      }
      %while3A_705 = arith.constant 1 : i32
      %while3A_706 = scf.for %while3A_708 = %while3A_702 to %while3A_698 step %while3A_705 iter_args(%while3A_709 = %while3A_704) -> (i32)  : i32 {
        %mul3A_710 = arith.constant 16 : i32
        %mul3A_711 = arith.muli %while3A_708, %mul3A_710 : i32
        %add3A_712 = arith.constant 128 : i32
        %add3A_713 = arith.addi %add3A_712, %mul3A_711 : i32
        %get3A_714 = arith.index_cast %add3A_713 : i32 to index
        %get3A_715 = tpu.vector_load %arg8[%get3A_714] {strides = array<i32>} : memref<13328xi32, #tpu.memory_space<vmem>>, vector<16xi32>,
        %shift_right_arithmetic3A_716 = arith.constant 11 : i32
        %shift_right_arithmetic3A_717 = vector.broadcast %shift_right_arithmetic3A_716 : i32 to vector<16xi32>
        %shift_right_arithmetic3A_718 = arith.shrsi %get3A_715, %shift_right_arithmetic3A_717 : vector<16xi32>
        %and3A_719 = arith.constant 31 : i32
        %and3A_720 = vector.broadcast %and3A_719 : i32 to vector<16xi32>
        %and3A_721 = arith.andi %shift_right_arithmetic3A_718, %and3A_720 : vector<16xi32>
        %and3A_722 = arith.constant 2047 : i32
        %and3A_723 = vector.broadcast %and3A_722 : i32 to vector<16xi32>
        %and3A_724 = arith.andi %get3A_715, %and3A_723 : vector<16xi32>
        %gather3A_725 = tpu.vector_load_idx %arg9[%and3A_721, %and3A_724] : memref<32x2048xf32, #tpu.memory_space<vmem>>[vector<16xi32>, vector<16xi32>], vector<16xf32>,
        %mul3A_726 = arith.constant 16 : i32
        %mul3A_727 = arith.muli %while3A_708, %mul3A_726 : i32
        %swap3A_728 = arith.index_cast %mul3A_727 : i32 to index
        %swap3A_729 = tpu.vector_load %arg11[%swap3A_728] {strides = array<i32>} : memref<13184xf32, #tpu.memory_space<vmem>>, vector<16xf32>,
        tpu.vector_store %arg11[%swap3A_728], %gather3A_725 {strides = array<i32>} : memref<13184xf32, #tpu.memory_space<vmem>>, vector<16xf32>,
        %while3A_730 = arith.constant 0 : i32
        scf.yield %while3A_730 : i32
      }
      %while3A_707 = arith.constant 0 : i32
      scf.yield %while3A_707 : i32
    }
    %dma_start3A_293 = arith.constant 3 : i32
    %dma_start3A_294 = arith.constant 0 : i32
    %dma_start3A_295 = tpu.memref_slice %arg6[%dma_start3A_293, %dma_start3A_294] : memref<8x421888xf32, #tpu.memory_space<hbm>> -> memref<1x421888xf32, #tpu.memory_space<hbm>>
    %dma_start3A_296 = tpu.memref_squeeze %dma_start3A_295 : memref<1x421888xf32, #tpu.memory_space<hbm>> -> memref<421888xf32, #tpu.memory_space<hbm>>
    %dma_start3A_297 = tpu.memref_slice %dma_start3A_296[%mul3A_2] : memref<421888xf32, #tpu.memory_space<hbm>> -> memref<13184xf32, #tpu.memory_space<hbm>>
    %dma_start3A_298 = arith.constant 0 : i32
    %dma_start3A_299 = tpu.memref_slice %arg6[%dma_start3A_293, %dma_start3A_298] : memref<8x421888xf32, #tpu.memory_space<hbm>> -> memref<1x421888xf32, #tpu.memory_space<hbm>>
    %dma_start3A_300 = tpu.memref_squeeze %dma_start3A_299 : memref<1x421888xf32, #tpu.memory_space<hbm>> -> memref<421888xf32, #tpu.memory_space<hbm>>
    %dma_start3A_301 = tpu.memref_slice %dma_start3A_300[%mul3A_2] : memref<421888xf32, #tpu.memory_space<hbm>> -> memref<13184xf32, #tpu.memory_space<hbm>>
    tpu.enqueue_dma source(%arg11 : memref<13184xf32, #tpu.memory_space<vmem>>) target(%dma_start3A_301 : memref<13184xf32, #tpu.memory_space<hbm>>) target_semaphore(%arg18 : memref<!tpu.dma_semaphore, #tpu.memory_space<semaphore_mem>>)
    %add3A_302 = arith.constant 0 : i32
    %add3A_303 = arith.addi %shift_right_arithmetic3A_33, %add3A_302 : i32
    %and3A_304 = arith.constant 3 : i32
    %and3A_305 = arith.andi %add3A_303, %and3A_304 : i32
    %mul3A_306 = arith.constant 8 : i32
    %mul3A_307 = arith.muli %and3A_305, %mul3A_306 : i32
    %dma_start3A_308 = arith.constant 4 : i32
    %dma_start3A_309 = arith.constant 0 : i32
    %dma_start3A_310 = tpu.memref_slice %arg9[%mul3A_307, %dma_start3A_309] : memref<32x2048xf32, #tpu.memory_space<vmem>> -> memref<8x2048xf32, #tpu.memory_space<vmem>>
    %dma_start3A_311 = arith.constant 0 : i32
    %dma_start3A_312 = arith.constant 0 : i32
    %dma_start3A_313 = arith.constant 0 : i32
    %dma_start3A_314 = tpu.memref_slice %arg2[%dma_start3A_308, %dma_start3A_311, %dma_start3A_312, %dma_start3A_313] : memref<8x256x8x2048xf32, #tpu.memory_space<hbm>> -> memref<1x256x8x2048xf32, #tpu.memory_space<hbm>>
    %dma_start3A_315 = tpu.memref_squeeze %dma_start3A_314 : memref<1x256x8x2048xf32, #tpu.memory_space<hbm>> -> memref<256x8x2048xf32, #tpu.memory_space<hbm>>
    %dma_start3A_316 = arith.constant 0 : i32
    %dma_start3A_317 = arith.constant 0 : i32
    %dma_start3A_318 = tpu.memref_slice %dma_start3A_315[%add3A_303, %dma_start3A_316, %dma_start3A_317] : memref<256x8x2048xf32, #tpu.memory_space<hbm>> -> memref<1x8x2048xf32, #tpu.memory_space<hbm>>
    %dma_start3A_319 = tpu.memref_squeeze %dma_start3A_318 : memref<1x8x2048xf32, #tpu.memory_space<hbm>> -> memref<8x2048xf32, #tpu.memory_space<hbm>>
    %dma_start3A_320 = arith.constant 0 : i32
    %dma_start3A_321 = tpu.memref_slice %arg9[%mul3A_307, %dma_start3A_320] : memref<32x2048xf32, #tpu.memory_space<vmem>> -> memref<8x2048xf32, #tpu.memory_space<vmem>>
    %dma_start3A_322 = arith.constant 0 : i32
    %dma_start3A_323 = arith.constant 0 : i32
    %dma_start3A_324 = arith.constant 0 : i32
    %dma_start3A_325 = tpu.memref_slice %arg2[%dma_start3A_308, %dma_start3A_322, %dma_start3A_323, %dma_start3A_324] : memref<8x256x8x2048xf32, #tpu.memory_space<hbm>> -> memref<1x256x8x2048xf32, #tpu.memory_space<hbm>>
    %dma_start3A_326 = tpu.memref_squeeze %dma_start3A_325 : memref<1x256x8x2048xf32, #tpu.memory_space<hbm>> -> memref<256x8x2048xf32, #tpu.memory_space<hbm>>
    %dma_start3A_327 = arith.constant 0 : i32
    %dma_start3A_328 = arith.constant 0 : i32
    %dma_start3A_329 = tpu.memref_slice %dma_start3A_326[%add3A_303, %dma_start3A_327, %dma_start3A_328] : memref<256x8x2048xf32, #tpu.memory_space<hbm>> -> memref<1x8x2048xf32, #tpu.memory_space<hbm>>
    %dma_start3A_330 = tpu.memref_squeeze %dma_start3A_329 : memref<1x8x2048xf32, #tpu.memory_space<hbm>> -> memref<8x2048xf32, #tpu.memory_space<hbm>>
    tpu.enqueue_dma source(%dma_start3A_330 : memref<8x2048xf32, #tpu.memory_space<hbm>>) target(%dma_start3A_321 : memref<8x2048xf32, #tpu.memory_space<vmem>>) target_semaphore(%arg17 : memref<!tpu.dma_semaphore, #tpu.memory_space<semaphore_mem>>)
    %gt3A_331 = arith.constant 1 : i32
    %gt3A_332 = arith.cmpi sgt, %add3A_48, %gt3A_331 : i32
    %convert_element_type3A_333 = arith.extui %gt3A_332 : i1 to i32
    %cond3A_334 = arith.constant 0 : i32
    %cond3A_335 = arith.cmpi ne, %convert_element_type3A_333, %cond3A_334 : i32
    scf.if %cond3A_335 {
      %add3A_601 = arith.constant 1 : i32
      %add3A_602 = arith.addi %shift_right_arithmetic3A_33, %add3A_601 : i32
      %and3A_603 = arith.constant 3 : i32
      %and3A_604 = arith.andi %add3A_602, %and3A_603 : i32
      %mul3A_605 = arith.constant 8 : i32
      %mul3A_606 = arith.muli %and3A_604, %mul3A_605 : i32
      %dma_start3A_607 = arith.constant 4 : i32
      %dma_start3A_608 = arith.constant 0 : i32
      %dma_start3A_609 = tpu.memref_slice %arg9[%mul3A_606, %dma_start3A_608] : memref<32x2048xf32, #tpu.memory_space<vmem>> -> memref<8x2048xf32, #tpu.memory_space<vmem>>
      %dma_start3A_610 = arith.constant 0 : i32
      %dma_start3A_611 = arith.constant 0 : i32
      %dma_start3A_612 = arith.constant 0 : i32
      %dma_start3A_613 = tpu.memref_slice %arg2[%dma_start3A_607, %dma_start3A_610, %dma_start3A_611, %dma_start3A_612] : memref<8x256x8x2048xf32, #tpu.memory_space<hbm>> -> memref<1x256x8x2048xf32, #tpu.memory_space<hbm>>
      %dma_start3A_614 = tpu.memref_squeeze %dma_start3A_613 : memref<1x256x8x2048xf32, #tpu.memory_space<hbm>> -> memref<256x8x2048xf32, #tpu.memory_space<hbm>>
      %dma_start3A_615 = arith.constant 0 : i32
      %dma_start3A_616 = arith.constant 0 : i32
      %dma_start3A_617 = tpu.memref_slice %dma_start3A_614[%add3A_602, %dma_start3A_615, %dma_start3A_616] : memref<256x8x2048xf32, #tpu.memory_space<hbm>> -> memref<1x8x2048xf32, #tpu.memory_space<hbm>>
      %dma_start3A_618 = tpu.memref_squeeze %dma_start3A_617 : memref<1x8x2048xf32, #tpu.memory_space<hbm>> -> memref<8x2048xf32, #tpu.memory_space<hbm>>
      %dma_start3A_619 = arith.constant 0 : i32
      %dma_start3A_620 = tpu.memref_slice %arg9[%mul3A_606, %dma_start3A_619] : memref<32x2048xf32, #tpu.memory_space<vmem>> -> memref<8x2048xf32, #tpu.memory_space<vmem>>
      %dma_start3A_621 = arith.constant 0 : i32
      %dma_start3A_622 = arith.constant 0 : i32
      %dma_start3A_623 = arith.constant 0 : i32
      %dma_start3A_624 = tpu.memref_slice %arg2[%dma_start3A_607, %dma_start3A_621, %dma_start3A_622, %dma_start3A_623] : memref<8x256x8x2048xf32, #tpu.memory_space<hbm>> -> memref<1x256x8x2048xf32, #tpu.memory_space<hbm>>
      %dma_start3A_625 = tpu.memref_squeeze %dma_start3A_624 : memref<1x256x8x2048xf32, #tpu.memory_space<hbm>> -> memref<256x8x2048xf32, #tpu.memory_space<hbm>>
      %dma_start3A_626 = arith.constant 0 : i32
      %dma_start3A_627 = arith.constant 0 : i32
      %dma_start3A_628 = tpu.memref_slice %dma_start3A_625[%add3A_602, %dma_start3A_626, %dma_start3A_627] : memref<256x8x2048xf32, #tpu.memory_space<hbm>> -> memref<1x8x2048xf32, #tpu.memory_space<hbm>>
      %dma_start3A_629 = tpu.memref_squeeze %dma_start3A_628 : memref<1x8x2048xf32, #tpu.memory_space<hbm>> -> memref<8x2048xf32, #tpu.memory_space<hbm>>
      tpu.enqueue_dma source(%dma_start3A_629 : memref<8x2048xf32, #tpu.memory_space<hbm>>) target(%dma_start3A_620 : memref<8x2048xf32, #tpu.memory_space<vmem>>) target_semaphore(%arg17 : memref<!tpu.dma_semaphore, #tpu.memory_space<semaphore_mem>>)
    } else {
    }
    %gt3A_336 = arith.constant 2 : i32
    %gt3A_337 = arith.cmpi sgt, %add3A_48, %gt3A_336 : i32
    %convert_element_type3A_338 = arith.extui %gt3A_337 : i1 to i32
    %cond3A_339 = arith.constant 0 : i32
    %cond3A_340 = arith.cmpi ne, %convert_element_type3A_338, %cond3A_339 : i32
    scf.if %cond3A_340 {
      %add3A_601 = arith.constant 2 : i32
      %add3A_602 = arith.addi %shift_right_arithmetic3A_33, %add3A_601 : i32
      %and3A_603 = arith.constant 3 : i32
      %and3A_604 = arith.andi %add3A_602, %and3A_603 : i32
      %mul3A_605 = arith.constant 8 : i32
      %mul3A_606 = arith.muli %and3A_604, %mul3A_605 : i32
      %dma_start3A_607 = arith.constant 4 : i32
      %dma_start3A_608 = arith.constant 0 : i32
      %dma_start3A_609 = tpu.memref_slice %arg9[%mul3A_606, %dma_start3A_608] : memref<32x2048xf32, #tpu.memory_space<vmem>> -> memref<8x2048xf32, #tpu.memory_space<vmem>>
      %dma_start3A_610 = arith.constant 0 : i32
      %dma_start3A_611 = arith.constant 0 : i32
      %dma_start3A_612 = arith.constant 0 : i32
      %dma_start3A_613 = tpu.memref_slice %arg2[%dma_start3A_607, %dma_start3A_610, %dma_start3A_611, %dma_start3A_612] : memref<8x256x8x2048xf32, #tpu.memory_space<hbm>> -> memref<1x256x8x2048xf32, #tpu.memory_space<hbm>>
      %dma_start3A_614 = tpu.memref_squeeze %dma_start3A_613 : memref<1x256x8x2048xf32, #tpu.memory_space<hbm>> -> memref<256x8x2048xf32, #tpu.memory_space<hbm>>
      %dma_start3A_615 = arith.constant 0 : i32
      %dma_start3A_616 = arith.constant 0 : i32
      %dma_start3A_617 = tpu.memref_slice %dma_start3A_614[%add3A_602, %dma_start3A_615, %dma_start3A_616] : memref<256x8x2048xf32, #tpu.memory_space<hbm>> -> memref<1x8x2048xf32, #tpu.memory_space<hbm>>
      %dma_start3A_618 = tpu.memref_squeeze %dma_start3A_617 : memref<1x8x2048xf32, #tpu.memory_space<hbm>> -> memref<8x2048xf32, #tpu.memory_space<hbm>>
      %dma_start3A_619 = arith.constant 0 : i32
      %dma_start3A_620 = tpu.memref_slice %arg9[%mul3A_606, %dma_start3A_619] : memref<32x2048xf32, #tpu.memory_space<vmem>> -> memref<8x2048xf32, #tpu.memory_space<vmem>>
      %dma_start3A_621 = arith.constant 0 : i32
      %dma_start3A_622 = arith.constant 0 : i32
      %dma_start3A_623 = arith.constant 0 : i32
      %dma_start3A_624 = tpu.memref_slice %arg2[%dma_start3A_607, %dma_start3A_621, %dma_start3A_622, %dma_start3A_623] : memref<8x256x8x2048xf32, #tpu.memory_space<hbm>> -> memref<1x256x8x2048xf32, #tpu.memory_space<hbm>>
      %dma_start3A_625 = tpu.memref_squeeze %dma_start3A_624 : memref<1x256x8x2048xf32, #tpu.memory_space<hbm>> -> memref<256x8x2048xf32, #tpu.memory_space<hbm>>
      %dma_start3A_626 = arith.constant 0 : i32
      %dma_start3A_627 = arith.constant 0 : i32
      %dma_start3A_628 = tpu.memref_slice %dma_start3A_625[%add3A_602, %dma_start3A_626, %dma_start3A_627] : memref<256x8x2048xf32, #tpu.memory_space<hbm>> -> memref<1x8x2048xf32, #tpu.memory_space<hbm>>
      %dma_start3A_629 = tpu.memref_squeeze %dma_start3A_628 : memref<1x8x2048xf32, #tpu.memory_space<hbm>> -> memref<8x2048xf32, #tpu.memory_space<hbm>>
      tpu.enqueue_dma source(%dma_start3A_629 : memref<8x2048xf32, #tpu.memory_space<hbm>>) target(%dma_start3A_620 : memref<8x2048xf32, #tpu.memory_space<vmem>>) target_semaphore(%arg17 : memref<!tpu.dma_semaphore, #tpu.memory_space<semaphore_mem>>)
    } else {
    }
    %dma_wait3A_341 = arith.constant 2 : i32
    %dma_wait3A_342 = arith.constant 0 : i32
    %dma_wait3A_343 = tpu.memref_slice %arg6[%dma_wait3A_341, %dma_wait3A_342] : memref<8x421888xf32, #tpu.memory_space<hbm>> -> memref<1x421888xf32, #tpu.memory_space<hbm>>
    %dma_wait3A_344 = tpu.memref_squeeze %dma_wait3A_343 : memref<1x421888xf32, #tpu.memory_space<hbm>> -> memref<421888xf32, #tpu.memory_space<hbm>>
    %dma_wait3A_345 = tpu.memref_slice %dma_wait3A_344[%mul3A_2] : memref<421888xf32, #tpu.memory_space<hbm>> -> memref<13184xf32, #tpu.memory_space<hbm>>
    %dma_wait3A_346 = arith.constant 0 : i32
    %dma_wait3A_347 = tpu.memref_slice %arg6[%dma_wait3A_341, %dma_wait3A_346] : memref<8x421888xf32, #tpu.memory_space<hbm>> -> memref<1x421888xf32, #tpu.memory_space<hbm>>
    %dma_wait3A_348 = tpu.memref_squeeze %dma_wait3A_347 : memref<1x421888xf32, #tpu.memory_space<hbm>> -> memref<421888xf32, #tpu.memory_space<hbm>>
    %dma_wait3A_349 = tpu.memref_slice %dma_wait3A_348[%mul3A_2] : memref<421888xf32, #tpu.memory_space<hbm>> -> memref<13184xf32, #tpu.memory_space<hbm>>
    tpu.wait_dma2 semaphore(%arg18 : memref<!tpu.dma_semaphore, #tpu.memory_space<semaphore_mem>>) src(%arg10 : memref<13184xf32, #tpu.memory_space<vmem>>) dst(%dma_wait3A_349 : memref<13184xf32, #tpu.memory_space<hbm>>)
    %while3A_350 = arith.constant 0 : i32
    %while3A_351 = arith.constant 0 : i32
    %while3A_352 = arith.subi %add3A_48, %while3A_350 : i32
    %while3A_353 = arith.addi %while3A_350, %while3A_352 : i32
    %while3A_354 = arith.constant 1 : i32
    %while3A_355 = arith.divsi %while3A_352, %while3A_354 : i32
    %while3A_356 = arith.muli %while3A_355, %while3A_354 : i32
    %while3A_357 = arith.addi %while3A_350, %while3A_356 : i32
    %while3A_358 = arith.constant 1 : i32
    %while3A_359 = scf.for %while3A_601 = %while3A_350 to %while3A_357 step %while3A_358 iter_args(%while3A_602 = %while3A_351) -> (i32)  : i32 {
      %add3A_603 = arith.constant 3 : i32
      %add3A_604 = arith.addi %while3A_601, %add3A_603 : i32
      %lt3A_605 = arith.cmpi slt, %add3A_604, %add3A_48 : i32
      %convert_element_type3A_606 = arith.extui %lt3A_605 : i1 to i32
      %cond3A_607 = arith.constant 0 : i32
      %cond3A_608 = arith.cmpi ne, %convert_element_type3A_606, %cond3A_607 : i32
      scf.if %cond3A_608 {
        %add3A_708 = arith.constant 3 : i32
        %add3A_709 = arith.addi %while3A_601, %add3A_708 : i32
        %add3A_710 = arith.addi %shift_right_arithmetic3A_33, %add3A_709 : i32
        %and3A_711 = arith.constant 3 : i32
        %and3A_712 = arith.andi %add3A_710, %and3A_711 : i32
        %mul3A_713 = arith.constant 8 : i32
        %mul3A_714 = arith.muli %and3A_712, %mul3A_713 : i32
        %dma_start3A_715 = arith.constant 4 : i32
        %dma_start3A_716 = arith.constant 0 : i32
        %dma_start3A_717 = tpu.memref_slice %arg9[%mul3A_714, %dma_start3A_716] : memref<32x2048xf32, #tpu.memory_space<vmem>> -> memref<8x2048xf32, #tpu.memory_space<vmem>>
        %dma_start3A_718 = arith.constant 0 : i32
        %dma_start3A_719 = arith.constant 0 : i32
        %dma_start3A_720 = arith.constant 0 : i32
        %dma_start3A_721 = tpu.memref_slice %arg2[%dma_start3A_715, %dma_start3A_718, %dma_start3A_719, %dma_start3A_720] : memref<8x256x8x2048xf32, #tpu.memory_space<hbm>> -> memref<1x256x8x2048xf32, #tpu.memory_space<hbm>>
        %dma_start3A_722 = tpu.memref_squeeze %dma_start3A_721 : memref<1x256x8x2048xf32, #tpu.memory_space<hbm>> -> memref<256x8x2048xf32, #tpu.memory_space<hbm>>
        %dma_start3A_723 = arith.constant 0 : i32
        %dma_start3A_724 = arith.constant 0 : i32
        %dma_start3A_725 = tpu.memref_slice %dma_start3A_722[%add3A_710, %dma_start3A_723, %dma_start3A_724] : memref<256x8x2048xf32, #tpu.memory_space<hbm>> -> memref<1x8x2048xf32, #tpu.memory_space<hbm>>
        %dma_start3A_726 = tpu.memref_squeeze %dma_start3A_725 : memref<1x8x2048xf32, #tpu.memory_space<hbm>> -> memref<8x2048xf32, #tpu.memory_space<hbm>>
        %dma_start3A_727 = arith.constant 0 : i32
        %dma_start3A_728 = tpu.memref_slice %arg9[%mul3A_714, %dma_start3A_727] : memref<32x2048xf32, #tpu.memory_space<vmem>> -> memref<8x2048xf32, #tpu.memory_space<vmem>>
        %dma_start3A_729 = arith.constant 0 : i32
        %dma_start3A_730 = arith.constant 0 : i32
        %dma_start3A_731 = arith.constant 0 : i32
        %dma_start3A_732 = tpu.memref_slice %arg2[%dma_start3A_715, %dma_start3A_729, %dma_start3A_730, %dma_start3A_731] : memref<8x256x8x2048xf32, #tpu.memory_space<hbm>> -> memref<1x256x8x2048xf32, #tpu.memory_space<hbm>>
        %dma_start3A_733 = tpu.memref_squeeze %dma_start3A_732 : memref<1x256x8x2048xf32, #tpu.memory_space<hbm>> -> memref<256x8x2048xf32, #tpu.memory_space<hbm>>
        %dma_start3A_734 = arith.constant 0 : i32
        %dma_start3A_735 = arith.constant 0 : i32
        %dma_start3A_736 = tpu.memref_slice %dma_start3A_733[%add3A_710, %dma_start3A_734, %dma_start3A_735] : memref<256x8x2048xf32, #tpu.memory_space<hbm>> -> memref<1x8x2048xf32, #tpu.memory_space<hbm>>
        %dma_start3A_737 = tpu.memref_squeeze %dma_start3A_736 : memref<1x8x2048xf32, #tpu.memory_space<hbm>> -> memref<8x2048xf32, #tpu.memory_space<hbm>>
        tpu.enqueue_dma source(%dma_start3A_737 : memref<8x2048xf32, #tpu.memory_space<hbm>>) target(%dma_start3A_728 : memref<8x2048xf32, #tpu.memory_space<vmem>>) target_semaphore(%arg17 : memref<!tpu.dma_semaphore, #tpu.memory_space<semaphore_mem>>)
      } else {
      }
      %add3A_609 = arith.addi %shift_right_arithmetic3A_33, %while3A_601 : i32
      %broadcast_in_dim3A_610 = vector.broadcast %add3A_609 : i32 to vector<16xi32>
      %gather3A_611 = tpu.vector_load_idx %arg12[%broadcast_in_dim3A_610] : memref<256xi32, #tpu.memory_space<vmem>>[vector<16xi32>], vector<16xi32>,
      %reduce_max3A_612 = arith.constant true
      %reduce_max3A_613 = vector.broadcast %reduce_max3A_612 : i1 to vector<16xi1>
      %reduce_max3A_614 = arith.constant -2147483648 : i32
      %reduce_max3A_615 = vector.broadcast %reduce_max3A_614 : i32 to vector<16xi32>
      %reduce_max3A_616 = arith.xori %gather3A_611, %reduce_max3A_615 : vector<16xi32>
      %reduce_max3A_617 = tpu.scan <max>, %reduce_max3A_616 masked %reduce_max3A_613 : vector<16xi32>, vector<16xi1> -> vector<16xi32>
      %reduce_max3A_618 = arith.xori %reduce_max3A_617, %reduce_max3A_615 : vector<16xi32>
      %reduce_max3A_619 = vector.extract %reduce_max3A_618[15] : i32 from vector<16xi32>
      %broadcast_in_dim3A_620 = vector.broadcast %add3A_609 : i32 to vector<16xi32>
      %gather3A_621 = tpu.vector_load_idx %arg13[%broadcast_in_dim3A_620] : memref<256xi32, #tpu.memory_space<vmem>>[vector<16xi32>], vector<16xi32>,
      %reduce_max3A_622 = arith.constant true
      %reduce_max3A_623 = vector.broadcast %reduce_max3A_622 : i1 to vector<16xi1>
      %reduce_max3A_624 = arith.constant -2147483648 : i32
      %reduce_max3A_625 = vector.broadcast %reduce_max3A_624 : i32 to vector<16xi32>
      %reduce_max3A_626 = arith.xori %gather3A_621, %reduce_max3A_625 : vector<16xi32>
      %reduce_max3A_627 = tpu.scan <max>, %reduce_max3A_626 masked %reduce_max3A_623 : vector<16xi32>, vector<16xi1> -> vector<16xi32>
      %reduce_max3A_628 = arith.xori %reduce_max3A_627, %reduce_max3A_625 : vector<16xi32>
      %reduce_max3A_629 = vector.extract %reduce_max3A_628[15] : i32 from vector<16xi32>
      %add3A_630 = arith.constant 1 : i32
      %add3A_631 = arith.addi %reduce_max3A_629, %add3A_630 : i32
      %min3A = arith.minsi %reduce_max3A_619, %add3A_631 : i32
      %add3A_632 = arith.addi %shift_right_arithmetic3A_33, %while3A_601 : i32
      %and3A_633 = arith.constant 3 : i32
      %and3A_634 = arith.andi %add3A_632, %and3A_633 : i32
      %mul3A_635 = arith.constant 8 : i32
      %mul3A_636 = arith.muli %and3A_634, %mul3A_635 : i32
      %dma_wait3A_637 = arith.constant 4 : i32
      %dma_wait3A_638 = arith.constant 0 : i32
      %dma_wait3A_639 = tpu.memref_slice %arg9[%mul3A_636, %dma_wait3A_638] : memref<32x2048xf32, #tpu.memory_space<vmem>> -> memref<8x2048xf32, #tpu.memory_space<vmem>>
      %dma_wait3A_640 = arith.constant 0 : i32
      %dma_wait3A_641 = arith.constant 0 : i32
      %dma_wait3A_642 = arith.constant 0 : i32
      %dma_wait3A_643 = tpu.memref_slice %arg2[%dma_wait3A_637, %dma_wait3A_640, %dma_wait3A_641, %dma_wait3A_642] : memref<8x256x8x2048xf32, #tpu.memory_space<hbm>> -> memref<1x256x8x2048xf32, #tpu.memory_space<hbm>>
      %dma_wait3A_644 = tpu.memref_squeeze %dma_wait3A_643 : memref<1x256x8x2048xf32, #tpu.memory_space<hbm>> -> memref<256x8x2048xf32, #tpu.memory_space<hbm>>
      %dma_wait3A_645 = arith.constant 0 : i32
      %dma_wait3A_646 = arith.constant 0 : i32
      %dma_wait3A_647 = tpu.memref_slice %dma_wait3A_644[%add3A_632, %dma_wait3A_645, %dma_wait3A_646] : memref<256x8x2048xf32, #tpu.memory_space<hbm>> -> memref<1x8x2048xf32, #tpu.memory_space<hbm>>
      %dma_wait3A_648 = tpu.memref_squeeze %dma_wait3A_647 : memref<1x8x2048xf32, #tpu.memory_space<hbm>> -> memref<8x2048xf32, #tpu.memory_space<hbm>>
      %dma_wait3A_649 = arith.constant 0 : i32
      %dma_wait3A_650 = tpu.memref_slice %arg9[%mul3A_636, %dma_wait3A_649] : memref<32x2048xf32, #tpu.memory_space<vmem>> -> memref<8x2048xf32, #tpu.memory_space<vmem>>
      %dma_wait3A_651 = arith.constant 0 : i32
      %dma_wait3A_652 = arith.constant 0 : i32
      %dma_wait3A_653 = arith.constant 0 : i32
      %dma_wait3A_654 = tpu.memref_slice %arg2[%dma_wait3A_637, %dma_wait3A_651, %dma_wait3A_652, %dma_wait3A_653] : memref<8x256x8x2048xf32, #tpu.memory_space<hbm>> -> memref<1x256x8x2048xf32, #tpu.memory_space<hbm>>
      %dma_wait3A_655 = tpu.memref_squeeze %dma_wait3A_654 : memref<1x256x8x2048xf32, #tpu.memory_space<hbm>> -> memref<256x8x2048xf32, #tpu.memory_space<hbm>>
      %dma_wait3A_656 = arith.constant 0 : i32
      %dma_wait3A_657 = arith.constant 0 : i32
      %dma_wait3A_658 = tpu.memref_slice %dma_wait3A_655[%add3A_632, %dma_wait3A_656, %dma_wait3A_657] : memref<256x8x2048xf32, #tpu.memory_space<hbm>> -> memref<1x8x2048xf32, #tpu.memory_space<hbm>>
      %dma_wait3A_659 = tpu.memref_squeeze %dma_wait3A_658 : memref<1x8x2048xf32, #tpu.memory_space<hbm>> -> memref<8x2048xf32, #tpu.memory_space<hbm>>
      tpu.wait_dma2 semaphore(%arg17 : memref<!tpu.dma_semaphore, #tpu.memory_space<semaphore_mem>>) src(%dma_wait3A_659 : memref<8x2048xf32, #tpu.memory_space<hbm>>) dst(%dma_wait3A_650 : memref<8x2048xf32, #tpu.memory_space<vmem>>)
      %mul3A_660 = arith.constant 16 : i32
      %mul3A_661 = arith.muli %min3A, %mul3A_660 : i32
      %add3A_662 = arith.constant 128 : i32
      %add3A_663 = arith.addi %add3A_662, %mul3A_661 : i32
      %get3A = arith.index_cast %add3A_663 : i32 to index
      %get3A_664 = tpu.vector_load %arg8[%get3A] {strides = array<i32>} : memref<13328xi32, #tpu.memory_space<vmem>>, vector<16xi32>,
      %shift_right_arithmetic3A_665 = arith.constant 14 : i32
      %shift_right_arithmetic3A_666 = vector.broadcast %shift_right_arithmetic3A_665 : i32 to vector<16xi32>
      %shift_right_arithmetic3A_667 = arith.shrsi %get3A_664, %shift_right_arithmetic3A_666 : vector<16xi32>
      %eq3A_668 = vector.broadcast %add3A_609 : i32 to vector<16xi32>
      %eq3A_669 = arith.cmpi eq, %shift_right_arithmetic3A_667, %eq3A_668 : vector<16xi32>
      %shift_right_arithmetic3A_670 = arith.constant 11 : i32
      %shift_right_arithmetic3A_671 = vector.broadcast %shift_right_arithmetic3A_670 : i32 to vector<16xi32>
      %shift_right_arithmetic3A_672 = arith.shrsi %get3A_664, %shift_right_arithmetic3A_671 : vector<16xi32>
      %and3A_673 = arith.constant 31 : i32
      %and3A_674 = vector.broadcast %and3A_673 : i32 to vector<16xi32>
      %and3A_675 = arith.andi %shift_right_arithmetic3A_672, %and3A_674 : vector<16xi32>
      %and3A_676 = arith.constant 2047 : i32
      %and3A_677 = vector.broadcast %and3A_676 : i32 to vector<16xi32>
      %and3A_678 = arith.andi %get3A_664, %and3A_677 : vector<16xi32>
      %gather3A_679 = tpu.vector_load_idx %arg9[%and3A_675, %and3A_678] masked %eq3A_669 : memref<32x2048xf32, #tpu.memory_space<vmem>>[vector<16xi32>, vector<16xi32>], vector<16xf32>, vector<16xi1>
      %mul3A_680 = arith.constant 16 : i32
      %mul3A_681 = arith.muli %min3A, %mul3A_680 : i32
      %get3A_682 = arith.index_cast %mul3A_681 : i32 to index
      %get3A_683 = tpu.vector_load %arg10[%get3A_682] {strides = array<i32>} : memref<13184xf32, #tpu.memory_space<vmem>>, vector<16xf32>,
      %select_n3A = arith.select %eq3A_669, %gather3A_679, %get3A_683 : vector<16xi1>, vector<16xf32>
      %mul3A_684 = arith.constant 16 : i32
      %mul3A_685 = arith.muli %min3A, %mul3A_684 : i32
      %swap3A_686 = arith.index_cast %mul3A_685 : i32 to index
      %swap3A_687 = tpu.vector_load %arg10[%swap3A_686] {strides = array<i32>} : memref<13184xf32, #tpu.memory_space<vmem>>, vector<16xf32>,
      tpu.vector_store %arg10[%swap3A_686], %select_n3A {strides = array<i32>} : memref<13184xf32, #tpu.memory_space<vmem>>, vector<16xf32>,
      %gt3A_688 = arith.cmpi sgt, %reduce_max3A_629, %min3A : i32
      %convert_element_type3A_689 = arith.extui %gt3A_688 : i1 to i32
      %cond3A_690 = arith.constant 0 : i32
      %cond3A_691 = arith.cmpi ne, %convert_element_type3A_689, %cond3A_690 : i32
      scf.if %cond3A_691 {
        %mul3A_708 = arith.constant 16 : i32
        %mul3A_709 = arith.muli %reduce_max3A_629, %mul3A_708 : i32
        %add3A_710 = arith.constant 128 : i32
        %add3A_711 = arith.addi %add3A_710, %mul3A_709 : i32
        %get3A_712 = arith.index_cast %add3A_711 : i32 to index
        %get3A_713 = tpu.vector_load %arg8[%get3A_712] {strides = array<i32>} : memref<13328xi32, #tpu.memory_space<vmem>>, vector<16xi32>,
        %shift_right_arithmetic3A_714 = arith.constant 14 : i32
        %shift_right_arithmetic3A_715 = vector.broadcast %shift_right_arithmetic3A_714 : i32 to vector<16xi32>
        %shift_right_arithmetic3A_716 = arith.shrsi %get3A_713, %shift_right_arithmetic3A_715 : vector<16xi32>
        %eq3A_717 = vector.broadcast %add3A_609 : i32 to vector<16xi32>
        %eq3A_718 = arith.cmpi eq, %shift_right_arithmetic3A_716, %eq3A_717 : vector<16xi32>
        %shift_right_arithmetic3A_719 = arith.constant 11 : i32
        %shift_right_arithmetic3A_720 = vector.broadcast %shift_right_arithmetic3A_719 : i32 to vector<16xi32>
        %shift_right_arithmetic3A_721 = arith.shrsi %get3A_713, %shift_right_arithmetic3A_720 : vector<16xi32>
        %and3A_722 = arith.constant 31 : i32
        %and3A_723 = vector.broadcast %and3A_722 : i32 to vector<16xi32>
        %and3A_724 = arith.andi %shift_right_arithmetic3A_721, %and3A_723 : vector<16xi32>
        %and3A_725 = arith.constant 2047 : i32
        %and3A_726 = vector.broadcast %and3A_725 : i32 to vector<16xi32>
        %and3A_727 = arith.andi %get3A_713, %and3A_726 : vector<16xi32>
        %gather3A_728 = tpu.vector_load_idx %arg9[%and3A_724, %and3A_727] masked %eq3A_718 : memref<32x2048xf32, #tpu.memory_space<vmem>>[vector<16xi32>, vector<16xi32>], vector<16xf32>, vector<16xi1>
        %mul3A_729 = arith.constant 16 : i32
        %mul3A_730 = arith.muli %reduce_max3A_629, %mul3A_729 : i32
        %get3A_731 = arith.index_cast %mul3A_730 : i32 to index
        %get3A_732 = tpu.vector_load %arg10[%get3A_731] {strides = array<i32>} : memref<13184xf32, #tpu.memory_space<vmem>>, vector<16xf32>,
        %select_n3A_733 = arith.select %eq3A_718, %gather3A_728, %get3A_732 : vector<16xi1>, vector<16xf32>
        %mul3A_734 = arith.constant 16 : i32
        %mul3A_735 = arith.muli %reduce_max3A_629, %mul3A_734 : i32
        %swap3A_736 = arith.index_cast %mul3A_735 : i32 to index
        %swap3A_737 = tpu.vector_load %arg10[%swap3A_736] {strides = array<i32>} : memref<13184xf32, #tpu.memory_space<vmem>>, vector<16xf32>,
        tpu.vector_store %arg10[%swap3A_736], %select_n3A_733 {strides = array<i32>} : memref<13184xf32, #tpu.memory_space<vmem>>, vector<16xf32>,
      } else {
      }
      %add3A_692 = arith.constant 1 : i32
      %add3A_693 = arith.addi %min3A, %add3A_692 : i32
      %add3A_694 = arith.constant 1 : i32
      %add3A_695 = arith.addi %min3A, %add3A_694 : i32
      %max3A = arith.maxsi %reduce_max3A_629, %add3A_695 : i32
      %while3A_696 = arith.constant 0 : i32
      %while3A_697 = arith.subi %max3A, %add3A_693 : i32
      %while3A_698 = arith.addi %add3A_693, %while3A_697 : i32
      %while3A_699 = arith.constant 1 : i32
      %while3A_700 = arith.divsi %while3A_697, %while3A_699 : i32
      %while3A_701 = arith.muli %while3A_700, %while3A_699 : i32
      %while3A_702 = arith.addi %add3A_693, %while3A_701 : i32
      %while3A_703 = arith.constant 1 : i32
      %while3A_704 = scf.for %while3A_708 = %add3A_693 to %while3A_702 step %while3A_703 iter_args(%while3A_709 = %while3A_696) -> (i32)  : i32 {
        %mul3A_710 = arith.constant 16 : i32
        %mul3A_711 = arith.muli %while3A_708, %mul3A_710 : i32
        %add3A_712 = arith.constant 128 : i32
        %add3A_713 = arith.addi %add3A_712, %mul3A_711 : i32
        %get3A_714 = arith.index_cast %add3A_713 : i32 to index
        %get3A_715 = tpu.vector_load %arg8[%get3A_714] {strides = array<i32>} : memref<13328xi32, #tpu.memory_space<vmem>>, vector<16xi32>,
        %shift_right_arithmetic3A_716 = arith.constant 11 : i32
        %shift_right_arithmetic3A_717 = vector.broadcast %shift_right_arithmetic3A_716 : i32 to vector<16xi32>
        %shift_right_arithmetic3A_718 = arith.shrsi %get3A_715, %shift_right_arithmetic3A_717 : vector<16xi32>
        %and3A_719 = arith.constant 31 : i32
        %and3A_720 = vector.broadcast %and3A_719 : i32 to vector<16xi32>
        %and3A_721 = arith.andi %shift_right_arithmetic3A_718, %and3A_720 : vector<16xi32>
        %and3A_722 = arith.constant 2047 : i32
        %and3A_723 = vector.broadcast %and3A_722 : i32 to vector<16xi32>
        %and3A_724 = arith.andi %get3A_715, %and3A_723 : vector<16xi32>
        %gather3A_725 = tpu.vector_load_idx %arg9[%and3A_721, %and3A_724] : memref<32x2048xf32, #tpu.memory_space<vmem>>[vector<16xi32>, vector<16xi32>], vector<16xf32>,
        %mul3A_726 = arith.constant 16 : i32
        %mul3A_727 = arith.muli %while3A_708, %mul3A_726 : i32
        %swap3A_728 = arith.index_cast %mul3A_727 : i32 to index
        %swap3A_729 = tpu.vector_load %arg10[%swap3A_728] {strides = array<i32>} : memref<13184xf32, #tpu.memory_space<vmem>>, vector<16xf32>,
        tpu.vector_store %arg10[%swap3A_728], %gather3A_725 {strides = array<i32>} : memref<13184xf32, #tpu.memory_space<vmem>>, vector<16xf32>,
        %while3A_730 = arith.constant 0 : i32
        scf.yield %while3A_730 : i32
      }
      %while3A_705 = arith.constant 1 : i32
      %while3A_706 = scf.for %while3A_708 = %while3A_702 to %while3A_698 step %while3A_705 iter_args(%while3A_709 = %while3A_704) -> (i32)  : i32 {
        %mul3A_710 = arith.constant 16 : i32
        %mul3A_711 = arith.muli %while3A_708, %mul3A_710 : i32
        %add3A_712 = arith.constant 128 : i32
        %add3A_713 = arith.addi %add3A_712, %mul3A_711 : i32
        %get3A_714 = arith.index_cast %add3A_713 : i32 to index
        %get3A_715 = tpu.vector_load %arg8[%get3A_714] {strides = array<i32>} : memref<13328xi32, #tpu.memory_space<vmem>>, vector<16xi32>,
        %shift_right_arithmetic3A_716 = arith.constant 11 : i32
        %shift_right_arithmetic3A_717 = vector.broadcast %shift_right_arithmetic3A_716 : i32 to vector<16xi32>
        %shift_right_arithmetic3A_718 = arith.shrsi %get3A_715, %shift_right_arithmetic3A_717 : vector<16xi32>
        %and3A_719 = arith.constant 31 : i32
        %and3A_720 = vector.broadcast %and3A_719 : i32 to vector<16xi32>
        %and3A_721 = arith.andi %shift_right_arithmetic3A_718, %and3A_720 : vector<16xi32>
        %and3A_722 = arith.constant 2047 : i32
        %and3A_723 = vector.broadcast %and3A_722 : i32 to vector<16xi32>
        %and3A_724 = arith.andi %get3A_715, %and3A_723 : vector<16xi32>
        %gather3A_725 = tpu.vector_load_idx %arg9[%and3A_721, %and3A_724] : memref<32x2048xf32, #tpu.memory_space<vmem>>[vector<16xi32>, vector<16xi32>], vector<16xf32>,
        %mul3A_726 = arith.constant 16 : i32
        %mul3A_727 = arith.muli %while3A_708, %mul3A_726 : i32
        %swap3A_728 = arith.index_cast %mul3A_727 : i32 to index
        %swap3A_729 = tpu.vector_load %arg10[%swap3A_728] {strides = array<i32>} : memref<13184xf32, #tpu.memory_space<vmem>>, vector<16xf32>,
        tpu.vector_store %arg10[%swap3A_728], %gather3A_725 {strides = array<i32>} : memref<13184xf32, #tpu.memory_space<vmem>>, vector<16xf32>,
        %while3A_730 = arith.constant 0 : i32
        scf.yield %while3A_730 : i32
      }
      %while3A_707 = arith.constant 0 : i32
      scf.yield %while3A_707 : i32
    }
    %while3A_360 = arith.constant 1 : i32
    %while3A_361 = scf.for %while3A_601 = %while3A_357 to %while3A_353 step %while3A_360 iter_args(%while3A_602 = %while3A_359) -> (i32)  : i32 {
      %add3A_603 = arith.constant 3 : i32
      %add3A_604 = arith.addi %while3A_601, %add3A_603 : i32
      %lt3A_605 = arith.cmpi slt, %add3A_604, %add3A_48 : i32
      %convert_element_type3A_606 = arith.extui %lt3A_605 : i1 to i32
      %cond3A_607 = arith.constant 0 : i32
      %cond3A_608 = arith.cmpi ne, %convert_element_type3A_606, %cond3A_607 : i32
      scf.if %cond3A_608 {
        %add3A_708 = arith.constant 3 : i32
        %add3A_709 = arith.addi %while3A_601, %add3A_708 : i32
        %add3A_710 = arith.addi %shift_right_arithmetic3A_33, %add3A_709 : i32
        %and3A_711 = arith.constant 3 : i32
        %and3A_712 = arith.andi %add3A_710, %and3A_711 : i32
        %mul3A_713 = arith.constant 8 : i32
        %mul3A_714 = arith.muli %and3A_712, %mul3A_713 : i32
        %dma_start3A_715 = arith.constant 4 : i32
        %dma_start3A_716 = arith.constant 0 : i32
        %dma_start3A_717 = tpu.memref_slice %arg9[%mul3A_714, %dma_start3A_716] : memref<32x2048xf32, #tpu.memory_space<vmem>> -> memref<8x2048xf32, #tpu.memory_space<vmem>>
        %dma_start3A_718 = arith.constant 0 : i32
        %dma_start3A_719 = arith.constant 0 : i32
        %dma_start3A_720 = arith.constant 0 : i32
        %dma_start3A_721 = tpu.memref_slice %arg2[%dma_start3A_715, %dma_start3A_718, %dma_start3A_719, %dma_start3A_720] : memref<8x256x8x2048xf32, #tpu.memory_space<hbm>> -> memref<1x256x8x2048xf32, #tpu.memory_space<hbm>>
        %dma_start3A_722 = tpu.memref_squeeze %dma_start3A_721 : memref<1x256x8x2048xf32, #tpu.memory_space<hbm>> -> memref<256x8x2048xf32, #tpu.memory_space<hbm>>
        %dma_start3A_723 = arith.constant 0 : i32
        %dma_start3A_724 = arith.constant 0 : i32
        %dma_start3A_725 = tpu.memref_slice %dma_start3A_722[%add3A_710, %dma_start3A_723, %dma_start3A_724] : memref<256x8x2048xf32, #tpu.memory_space<hbm>> -> memref<1x8x2048xf32, #tpu.memory_space<hbm>>
        %dma_start3A_726 = tpu.memref_squeeze %dma_start3A_725 : memref<1x8x2048xf32, #tpu.memory_space<hbm>> -> memref<8x2048xf32, #tpu.memory_space<hbm>>
        %dma_start3A_727 = arith.constant 0 : i32
        %dma_start3A_728 = tpu.memref_slice %arg9[%mul3A_714, %dma_start3A_727] : memref<32x2048xf32, #tpu.memory_space<vmem>> -> memref<8x2048xf32, #tpu.memory_space<vmem>>
        %dma_start3A_729 = arith.constant 0 : i32
        %dma_start3A_730 = arith.constant 0 : i32
        %dma_start3A_731 = arith.constant 0 : i32
        %dma_start3A_732 = tpu.memref_slice %arg2[%dma_start3A_715, %dma_start3A_729, %dma_start3A_730, %dma_start3A_731] : memref<8x256x8x2048xf32, #tpu.memory_space<hbm>> -> memref<1x256x8x2048xf32, #tpu.memory_space<hbm>>
        %dma_start3A_733 = tpu.memref_squeeze %dma_start3A_732 : memref<1x256x8x2048xf32, #tpu.memory_space<hbm>> -> memref<256x8x2048xf32, #tpu.memory_space<hbm>>
        %dma_start3A_734 = arith.constant 0 : i32
        %dma_start3A_735 = arith.constant 0 : i32
        %dma_start3A_736 = tpu.memref_slice %dma_start3A_733[%add3A_710, %dma_start3A_734, %dma_start3A_735] : memref<256x8x2048xf32, #tpu.memory_space<hbm>> -> memref<1x8x2048xf32, #tpu.memory_space<hbm>>
        %dma_start3A_737 = tpu.memref_squeeze %dma_start3A_736 : memref<1x8x2048xf32, #tpu.memory_space<hbm>> -> memref<8x2048xf32, #tpu.memory_space<hbm>>
        tpu.enqueue_dma source(%dma_start3A_737 : memref<8x2048xf32, #tpu.memory_space<hbm>>) target(%dma_start3A_728 : memref<8x2048xf32, #tpu.memory_space<vmem>>) target_semaphore(%arg17 : memref<!tpu.dma_semaphore, #tpu.memory_space<semaphore_mem>>)
      } else {
      }
      %add3A_609 = arith.addi %shift_right_arithmetic3A_33, %while3A_601 : i32
      %broadcast_in_dim3A_610 = vector.broadcast %add3A_609 : i32 to vector<16xi32>
      %gather3A_611 = tpu.vector_load_idx %arg12[%broadcast_in_dim3A_610] : memref<256xi32, #tpu.memory_space<vmem>>[vector<16xi32>], vector<16xi32>,
      %reduce_max3A_612 = arith.constant true
      %reduce_max3A_613 = vector.broadcast %reduce_max3A_612 : i1 to vector<16xi1>
      %reduce_max3A_614 = arith.constant -2147483648 : i32
      %reduce_max3A_615 = vector.broadcast %reduce_max3A_614 : i32 to vector<16xi32>
      %reduce_max3A_616 = arith.xori %gather3A_611, %reduce_max3A_615 : vector<16xi32>
      %reduce_max3A_617 = tpu.scan <max>, %reduce_max3A_616 masked %reduce_max3A_613 : vector<16xi32>, vector<16xi1> -> vector<16xi32>
      %reduce_max3A_618 = arith.xori %reduce_max3A_617, %reduce_max3A_615 : vector<16xi32>
      %reduce_max3A_619 = vector.extract %reduce_max3A_618[15] : i32 from vector<16xi32>
      %broadcast_in_dim3A_620 = vector.broadcast %add3A_609 : i32 to vector<16xi32>
      %gather3A_621 = tpu.vector_load_idx %arg13[%broadcast_in_dim3A_620] : memref<256xi32, #tpu.memory_space<vmem>>[vector<16xi32>], vector<16xi32>,
      %reduce_max3A_622 = arith.constant true
      %reduce_max3A_623 = vector.broadcast %reduce_max3A_622 : i1 to vector<16xi1>
      %reduce_max3A_624 = arith.constant -2147483648 : i32
      %reduce_max3A_625 = vector.broadcast %reduce_max3A_624 : i32 to vector<16xi32>
      %reduce_max3A_626 = arith.xori %gather3A_621, %reduce_max3A_625 : vector<16xi32>
      %reduce_max3A_627 = tpu.scan <max>, %reduce_max3A_626 masked %reduce_max3A_623 : vector<16xi32>, vector<16xi1> -> vector<16xi32>
      %reduce_max3A_628 = arith.xori %reduce_max3A_627, %reduce_max3A_625 : vector<16xi32>
      %reduce_max3A_629 = vector.extract %reduce_max3A_628[15] : i32 from vector<16xi32>
      %add3A_630 = arith.constant 1 : i32
      %add3A_631 = arith.addi %reduce_max3A_629, %add3A_630 : i32
      %min3A = arith.minsi %reduce_max3A_619, %add3A_631 : i32
      %add3A_632 = arith.addi %shift_right_arithmetic3A_33, %while3A_601 : i32
      %and3A_633 = arith.constant 3 : i32
      %and3A_634 = arith.andi %add3A_632, %and3A_633 : i32
      %mul3A_635 = arith.constant 8 : i32
      %mul3A_636 = arith.muli %and3A_634, %mul3A_635 : i32
      %dma_wait3A_637 = arith.constant 4 : i32
      %dma_wait3A_638 = arith.constant 0 : i32
      %dma_wait3A_639 = tpu.memref_slice %arg9[%mul3A_636, %dma_wait3A_638] : memref<32x2048xf32, #tpu.memory_space<vmem>> -> memref<8x2048xf32, #tpu.memory_space<vmem>>
      %dma_wait3A_640 = arith.constant 0 : i32
      %dma_wait3A_641 = arith.constant 0 : i32
      %dma_wait3A_642 = arith.constant 0 : i32
      %dma_wait3A_643 = tpu.memref_slice %arg2[%dma_wait3A_637, %dma_wait3A_640, %dma_wait3A_641, %dma_wait3A_642] : memref<8x256x8x2048xf32, #tpu.memory_space<hbm>> -> memref<1x256x8x2048xf32, #tpu.memory_space<hbm>>
      %dma_wait3A_644 = tpu.memref_squeeze %dma_wait3A_643 : memref<1x256x8x2048xf32, #tpu.memory_space<hbm>> -> memref<256x8x2048xf32, #tpu.memory_space<hbm>>
      %dma_wait3A_645 = arith.constant 0 : i32
      %dma_wait3A_646 = arith.constant 0 : i32
      %dma_wait3A_647 = tpu.memref_slice %dma_wait3A_644[%add3A_632, %dma_wait3A_645, %dma_wait3A_646] : memref<256x8x2048xf32, #tpu.memory_space<hbm>> -> memref<1x8x2048xf32, #tpu.memory_space<hbm>>
      %dma_wait3A_648 = tpu.memref_squeeze %dma_wait3A_647 : memref<1x8x2048xf32, #tpu.memory_space<hbm>> -> memref<8x2048xf32, #tpu.memory_space<hbm>>
      %dma_wait3A_649 = arith.constant 0 : i32
      %dma_wait3A_650 = tpu.memref_slice %arg9[%mul3A_636, %dma_wait3A_649] : memref<32x2048xf32, #tpu.memory_space<vmem>> -> memref<8x2048xf32, #tpu.memory_space<vmem>>
      %dma_wait3A_651 = arith.constant 0 : i32
      %dma_wait3A_652 = arith.constant 0 : i32
      %dma_wait3A_653 = arith.constant 0 : i32
      %dma_wait3A_654 = tpu.memref_slice %arg2[%dma_wait3A_637, %dma_wait3A_651, %dma_wait3A_652, %dma_wait3A_653] : memref<8x256x8x2048xf32, #tpu.memory_space<hbm>> -> memref<1x256x8x2048xf32, #tpu.memory_space<hbm>>
      %dma_wait3A_655 = tpu.memref_squeeze %dma_wait3A_654 : memref<1x256x8x2048xf32, #tpu.memory_space<hbm>> -> memref<256x8x2048xf32, #tpu.memory_space<hbm>>
      %dma_wait3A_656 = arith.constant 0 : i32
      %dma_wait3A_657 = arith.constant 0 : i32
      %dma_wait3A_658 = tpu.memref_slice %dma_wait3A_655[%add3A_632, %dma_wait3A_656, %dma_wait3A_657] : memref<256x8x2048xf32, #tpu.memory_space<hbm>> -> memref<1x8x2048xf32, #tpu.memory_space<hbm>>
      %dma_wait3A_659 = tpu.memref_squeeze %dma_wait3A_658 : memref<1x8x2048xf32, #tpu.memory_space<hbm>> -> memref<8x2048xf32, #tpu.memory_space<hbm>>
      tpu.wait_dma2 semaphore(%arg17 : memref<!tpu.dma_semaphore, #tpu.memory_space<semaphore_mem>>) src(%dma_wait3A_659 : memref<8x2048xf32, #tpu.memory_space<hbm>>) dst(%dma_wait3A_650 : memref<8x2048xf32, #tpu.memory_space<vmem>>)
      %mul3A_660 = arith.constant 16 : i32
      %mul3A_661 = arith.muli %min3A, %mul3A_660 : i32
      %add3A_662 = arith.constant 128 : i32
      %add3A_663 = arith.addi %add3A_662, %mul3A_661 : i32
      %get3A = arith.index_cast %add3A_663 : i32 to index
      %get3A_664 = tpu.vector_load %arg8[%get3A] {strides = array<i32>} : memref<13328xi32, #tpu.memory_space<vmem>>, vector<16xi32>,
      %shift_right_arithmetic3A_665 = arith.constant 14 : i32
      %shift_right_arithmetic3A_666 = vector.broadcast %shift_right_arithmetic3A_665 : i32 to vector<16xi32>
      %shift_right_arithmetic3A_667 = arith.shrsi %get3A_664, %shift_right_arithmetic3A_666 : vector<16xi32>
      %eq3A_668 = vector.broadcast %add3A_609 : i32 to vector<16xi32>
      %eq3A_669 = arith.cmpi eq, %shift_right_arithmetic3A_667, %eq3A_668 : vector<16xi32>
      %shift_right_arithmetic3A_670 = arith.constant 11 : i32
      %shift_right_arithmetic3A_671 = vector.broadcast %shift_right_arithmetic3A_670 : i32 to vector<16xi32>
      %shift_right_arithmetic3A_672 = arith.shrsi %get3A_664, %shift_right_arithmetic3A_671 : vector<16xi32>
      %and3A_673 = arith.constant 31 : i32
      %and3A_674 = vector.broadcast %and3A_673 : i32 to vector<16xi32>
      %and3A_675 = arith.andi %shift_right_arithmetic3A_672, %and3A_674 : vector<16xi32>
      %and3A_676 = arith.constant 2047 : i32
      %and3A_677 = vector.broadcast %and3A_676 : i32 to vector<16xi32>
      %and3A_678 = arith.andi %get3A_664, %and3A_677 : vector<16xi32>
      %gather3A_679 = tpu.vector_load_idx %arg9[%and3A_675, %and3A_678] masked %eq3A_669 : memref<32x2048xf32, #tpu.memory_space<vmem>>[vector<16xi32>, vector<16xi32>], vector<16xf32>, vector<16xi1>
      %mul3A_680 = arith.constant 16 : i32
      %mul3A_681 = arith.muli %min3A, %mul3A_680 : i32
      %get3A_682 = arith.index_cast %mul3A_681 : i32 to index
      %get3A_683 = tpu.vector_load %arg10[%get3A_682] {strides = array<i32>} : memref<13184xf32, #tpu.memory_space<vmem>>, vector<16xf32>,
      %select_n3A = arith.select %eq3A_669, %gather3A_679, %get3A_683 : vector<16xi1>, vector<16xf32>
      %mul3A_684 = arith.constant 16 : i32
      %mul3A_685 = arith.muli %min3A, %mul3A_684 : i32
      %swap3A_686 = arith.index_cast %mul3A_685 : i32 to index
      %swap3A_687 = tpu.vector_load %arg10[%swap3A_686] {strides = array<i32>} : memref<13184xf32, #tpu.memory_space<vmem>>, vector<16xf32>,
      tpu.vector_store %arg10[%swap3A_686], %select_n3A {strides = array<i32>} : memref<13184xf32, #tpu.memory_space<vmem>>, vector<16xf32>,
      %gt3A_688 = arith.cmpi sgt, %reduce_max3A_629, %min3A : i32
      %convert_element_type3A_689 = arith.extui %gt3A_688 : i1 to i32
      %cond3A_690 = arith.constant 0 : i32
      %cond3A_691 = arith.cmpi ne, %convert_element_type3A_689, %cond3A_690 : i32
      scf.if %cond3A_691 {
        %mul3A_708 = arith.constant 16 : i32
        %mul3A_709 = arith.muli %reduce_max3A_629, %mul3A_708 : i32
        %add3A_710 = arith.constant 128 : i32
        %add3A_711 = arith.addi %add3A_710, %mul3A_709 : i32
        %get3A_712 = arith.index_cast %add3A_711 : i32 to index
        %get3A_713 = tpu.vector_load %arg8[%get3A_712] {strides = array<i32>} : memref<13328xi32, #tpu.memory_space<vmem>>, vector<16xi32>,
        %shift_right_arithmetic3A_714 = arith.constant 14 : i32
        %shift_right_arithmetic3A_715 = vector.broadcast %shift_right_arithmetic3A_714 : i32 to vector<16xi32>
        %shift_right_arithmetic3A_716 = arith.shrsi %get3A_713, %shift_right_arithmetic3A_715 : vector<16xi32>
        %eq3A_717 = vector.broadcast %add3A_609 : i32 to vector<16xi32>
        %eq3A_718 = arith.cmpi eq, %shift_right_arithmetic3A_716, %eq3A_717 : vector<16xi32>
        %shift_right_arithmetic3A_719 = arith.constant 11 : i32
        %shift_right_arithmetic3A_720 = vector.broadcast %shift_right_arithmetic3A_719 : i32 to vector<16xi32>
        %shift_right_arithmetic3A_721 = arith.shrsi %get3A_713, %shift_right_arithmetic3A_720 : vector<16xi32>
        %and3A_722 = arith.constant 31 : i32
        %and3A_723 = vector.broadcast %and3A_722 : i32 to vector<16xi32>
        %and3A_724 = arith.andi %shift_right_arithmetic3A_721, %and3A_723 : vector<16xi32>
        %and3A_725 = arith.constant 2047 : i32
        %and3A_726 = vector.broadcast %and3A_725 : i32 to vector<16xi32>
        %and3A_727 = arith.andi %get3A_713, %and3A_726 : vector<16xi32>
        %gather3A_728 = tpu.vector_load_idx %arg9[%and3A_724, %and3A_727] masked %eq3A_718 : memref<32x2048xf32, #tpu.memory_space<vmem>>[vector<16xi32>, vector<16xi32>], vector<16xf32>, vector<16xi1>
        %mul3A_729 = arith.constant 16 : i32
        %mul3A_730 = arith.muli %reduce_max3A_629, %mul3A_729 : i32
        %get3A_731 = arith.index_cast %mul3A_730 : i32 to index
        %get3A_732 = tpu.vector_load %arg10[%get3A_731] {strides = array<i32>} : memref<13184xf32, #tpu.memory_space<vmem>>, vector<16xf32>,
        %select_n3A_733 = arith.select %eq3A_718, %gather3A_728, %get3A_732 : vector<16xi1>, vector<16xf32>
        %mul3A_734 = arith.constant 16 : i32
        %mul3A_735 = arith.muli %reduce_max3A_629, %mul3A_734 : i32
        %swap3A_736 = arith.index_cast %mul3A_735 : i32 to index
        %swap3A_737 = tpu.vector_load %arg10[%swap3A_736] {strides = array<i32>} : memref<13184xf32, #tpu.memory_space<vmem>>, vector<16xf32>,
        tpu.vector_store %arg10[%swap3A_736], %select_n3A_733 {strides = array<i32>} : memref<13184xf32, #tpu.memory_space<vmem>>, vector<16xf32>,
      } else {
      }
      %add3A_692 = arith.constant 1 : i32
      %add3A_693 = arith.addi %min3A, %add3A_692 : i32
      %add3A_694 = arith.constant 1 : i32
      %add3A_695 = arith.addi %min3A, %add3A_694 : i32
      %max3A = arith.maxsi %reduce_max3A_629, %add3A_695 : i32
      %while3A_696 = arith.constant 0 : i32
      %while3A_697 = arith.subi %max3A, %add3A_693 : i32
      %while3A_698 = arith.addi %add3A_693, %while3A_697 : i32
      %while3A_699 = arith.constant 1 : i32
      %while3A_700 = arith.divsi %while3A_697, %while3A_699 : i32
      %while3A_701 = arith.muli %while3A_700, %while3A_699 : i32
      %while3A_702 = arith.addi %add3A_693, %while3A_701 : i32
      %while3A_703 = arith.constant 1 : i32
      %while3A_704 = scf.for %while3A_708 = %add3A_693 to %while3A_702 step %while3A_703 iter_args(%while3A_709 = %while3A_696) -> (i32)  : i32 {
        %mul3A_710 = arith.constant 16 : i32
        %mul3A_711 = arith.muli %while3A_708, %mul3A_710 : i32
        %add3A_712 = arith.constant 128 : i32
        %add3A_713 = arith.addi %add3A_712, %mul3A_711 : i32
        %get3A_714 = arith.index_cast %add3A_713 : i32 to index
        %get3A_715 = tpu.vector_load %arg8[%get3A_714] {strides = array<i32>} : memref<13328xi32, #tpu.memory_space<vmem>>, vector<16xi32>,
        %shift_right_arithmetic3A_716 = arith.constant 11 : i32
        %shift_right_arithmetic3A_717 = vector.broadcast %shift_right_arithmetic3A_716 : i32 to vector<16xi32>
        %shift_right_arithmetic3A_718 = arith.shrsi %get3A_715, %shift_right_arithmetic3A_717 : vector<16xi32>
        %and3A_719 = arith.constant 31 : i32
        %and3A_720 = vector.broadcast %and3A_719 : i32 to vector<16xi32>
        %and3A_721 = arith.andi %shift_right_arithmetic3A_718, %and3A_720 : vector<16xi32>
        %and3A_722 = arith.constant 2047 : i32
        %and3A_723 = vector.broadcast %and3A_722 : i32 to vector<16xi32>
        %and3A_724 = arith.andi %get3A_715, %and3A_723 : vector<16xi32>
        %gather3A_725 = tpu.vector_load_idx %arg9[%and3A_721, %and3A_724] : memref<32x2048xf32, #tpu.memory_space<vmem>>[vector<16xi32>, vector<16xi32>], vector<16xf32>,
        %mul3A_726 = arith.constant 16 : i32
        %mul3A_727 = arith.muli %while3A_708, %mul3A_726 : i32
        %swap3A_728 = arith.index_cast %mul3A_727 : i32 to index
        %swap3A_729 = tpu.vector_load %arg10[%swap3A_728] {strides = array<i32>} : memref<13184xf32, #tpu.memory_space<vmem>>, vector<16xf32>,
        tpu.vector_store %arg10[%swap3A_728], %gather3A_725 {strides = array<i32>} : memref<13184xf32, #tpu.memory_space<vmem>>, vector<16xf32>,
        %while3A_730 = arith.constant 0 : i32
        scf.yield %while3A_730 : i32
      }
      %while3A_705 = arith.constant 1 : i32
      %while3A_706 = scf.for %while3A_708 = %while3A_702 to %while3A_698 step %while3A_705 iter_args(%while3A_709 = %while3A_704) -> (i32)  : i32 {
        %mul3A_710 = arith.constant 16 : i32
        %mul3A_711 = arith.muli %while3A_708, %mul3A_710 : i32
        %add3A_712 = arith.constant 128 : i32
        %add3A_713 = arith.addi %add3A_712, %mul3A_711 : i32
        %get3A_714 = arith.index_cast %add3A_713 : i32 to index
        %get3A_715 = tpu.vector_load %arg8[%get3A_714] {strides = array<i32>} : memref<13328xi32, #tpu.memory_space<vmem>>, vector<16xi32>,
        %shift_right_arithmetic3A_716 = arith.constant 11 : i32
        %shift_right_arithmetic3A_717 = vector.broadcast %shift_right_arithmetic3A_716 : i32 to vector<16xi32>
        %shift_right_arithmetic3A_718 = arith.shrsi %get3A_715, %shift_right_arithmetic3A_717 : vector<16xi32>
        %and3A_719 = arith.constant 31 : i32
        %and3A_720 = vector.broadcast %and3A_719 : i32 to vector<16xi32>
        %and3A_721 = arith.andi %shift_right_arithmetic3A_718, %and3A_720 : vector<16xi32>
        %and3A_722 = arith.constant 2047 : i32
        %and3A_723 = vector.broadcast %and3A_722 : i32 to vector<16xi32>
        %and3A_724 = arith.andi %get3A_715, %and3A_723 : vector<16xi32>
        %gather3A_725 = tpu.vector_load_idx %arg9[%and3A_721, %and3A_724] : memref<32x2048xf32, #tpu.memory_space<vmem>>[vector<16xi32>, vector<16xi32>], vector<16xf32>,
        %mul3A_726 = arith.constant 16 : i32
        %mul3A_727 = arith.muli %while3A_708, %mul3A_726 : i32
        %swap3A_728 = arith.index_cast %mul3A_727 : i32 to index
        %swap3A_729 = tpu.vector_load %arg10[%swap3A_728] {strides = array<i32>} : memref<13184xf32, #tpu.memory_space<vmem>>, vector<16xf32>,
        tpu.vector_store %arg10[%swap3A_728], %gather3A_725 {strides = array<i32>} : memref<13184xf32, #tpu.memory_space<vmem>>, vector<16xf32>,
        %while3A_730 = arith.constant 0 : i32
        scf.yield %while3A_730 : i32
      }
      %while3A_707 = arith.constant 0 : i32
      scf.yield %while3A_707 : i32
    }
    %dma_start3A_362 = arith.constant 4 : i32
    %dma_start3A_363 = arith.constant 0 : i32
    %dma_start3A_364 = tpu.memref_slice %arg6[%dma_start3A_362, %dma_start3A_363] : memref<8x421888xf32, #tpu.memory_space<hbm>> -> memref<1x421888xf32, #tpu.memory_space<hbm>>
    %dma_start3A_365 = tpu.memref_squeeze %dma_start3A_364 : memref<1x421888xf32, #tpu.memory_space<hbm>> -> memref<421888xf32, #tpu.memory_space<hbm>>
    %dma_start3A_366 = tpu.memref_slice %dma_start3A_365[%mul3A_2] : memref<421888xf32, #tpu.memory_space<hbm>> -> memref<13184xf32, #tpu.memory_space<hbm>>
    %dma_start3A_367 = arith.constant 0 : i32
    %dma_start3A_368 = tpu.memref_slice %arg6[%dma_start3A_362, %dma_start3A_367] : memref<8x421888xf32, #tpu.memory_space<hbm>> -> memref<1x421888xf32, #tpu.memory_space<hbm>>
    %dma_start3A_369 = tpu.memref_squeeze %dma_start3A_368 : memref<1x421888xf32, #tpu.memory_space<hbm>> -> memref<421888xf32, #tpu.memory_space<hbm>>
    %dma_start3A_370 = tpu.memref_slice %dma_start3A_369[%mul3A_2] : memref<421888xf32, #tpu.memory_space<hbm>> -> memref<13184xf32, #tpu.memory_space<hbm>>
    tpu.enqueue_dma source(%arg10 : memref<13184xf32, #tpu.memory_space<vmem>>) target(%dma_start3A_370 : memref<13184xf32, #tpu.memory_space<hbm>>) target_semaphore(%arg18 : memref<!tpu.dma_semaphore, #tpu.memory_space<semaphore_mem>>)
    %add3A_371 = arith.constant 0 : i32
    %add3A_372 = arith.addi %shift_right_arithmetic3A_33, %add3A_371 : i32
    %and3A_373 = arith.constant 3 : i32
    %and3A_374 = arith.andi %add3A_372, %and3A_373 : i32
    %mul3A_375 = arith.constant 8 : i32
    %mul3A_376 = arith.muli %and3A_374, %mul3A_375 : i32
    %dma_start3A_377 = arith.constant 5 : i32
    %dma_start3A_378 = arith.constant 0 : i32
    %dma_start3A_379 = tpu.memref_slice %arg9[%mul3A_376, %dma_start3A_378] : memref<32x2048xf32, #tpu.memory_space<vmem>> -> memref<8x2048xf32, #tpu.memory_space<vmem>>
    %dma_start3A_380 = arith.constant 0 : i32
    %dma_start3A_381 = arith.constant 0 : i32
    %dma_start3A_382 = arith.constant 0 : i32
    %dma_start3A_383 = tpu.memref_slice %arg2[%dma_start3A_377, %dma_start3A_380, %dma_start3A_381, %dma_start3A_382] : memref<8x256x8x2048xf32, #tpu.memory_space<hbm>> -> memref<1x256x8x2048xf32, #tpu.memory_space<hbm>>
    %dma_start3A_384 = tpu.memref_squeeze %dma_start3A_383 : memref<1x256x8x2048xf32, #tpu.memory_space<hbm>> -> memref<256x8x2048xf32, #tpu.memory_space<hbm>>
    %dma_start3A_385 = arith.constant 0 : i32
    %dma_start3A_386 = arith.constant 0 : i32
    %dma_start3A_387 = tpu.memref_slice %dma_start3A_384[%add3A_372, %dma_start3A_385, %dma_start3A_386] : memref<256x8x2048xf32, #tpu.memory_space<hbm>> -> memref<1x8x2048xf32, #tpu.memory_space<hbm>>
    %dma_start3A_388 = tpu.memref_squeeze %dma_start3A_387 : memref<1x8x2048xf32, #tpu.memory_space<hbm>> -> memref<8x2048xf32, #tpu.memory_space<hbm>>
    %dma_start3A_389 = arith.constant 0 : i32
    %dma_start3A_390 = tpu.memref_slice %arg9[%mul3A_376, %dma_start3A_389] : memref<32x2048xf32, #tpu.memory_space<vmem>> -> memref<8x2048xf32, #tpu.memory_space<vmem>>
    %dma_start3A_391 = arith.constant 0 : i32
    %dma_start3A_392 = arith.constant 0 : i32
    %dma_start3A_393 = arith.constant 0 : i32
    %dma_start3A_394 = tpu.memref_slice %arg2[%dma_start3A_377, %dma_start3A_391, %dma_start3A_392, %dma_start3A_393] : memref<8x256x8x2048xf32, #tpu.memory_space<hbm>> -> memref<1x256x8x2048xf32, #tpu.memory_space<hbm>>
    %dma_start3A_395 = tpu.memref_squeeze %dma_start3A_394 : memref<1x256x8x2048xf32, #tpu.memory_space<hbm>> -> memref<256x8x2048xf32, #tpu.memory_space<hbm>>
    %dma_start3A_396 = arith.constant 0 : i32
    %dma_start3A_397 = arith.constant 0 : i32
    %dma_start3A_398 = tpu.memref_slice %dma_start3A_395[%add3A_372, %dma_start3A_396, %dma_start3A_397] : memref<256x8x2048xf32, #tpu.memory_space<hbm>> -> memref<1x8x2048xf32, #tpu.memory_space<hbm>>
    %dma_start3A_399 = tpu.memref_squeeze %dma_start3A_398 : memref<1x8x2048xf32, #tpu.memory_space<hbm>> -> memref<8x2048xf32, #tpu.memory_space<hbm>>
    tpu.enqueue_dma source(%dma_start3A_399 : memref<8x2048xf32, #tpu.memory_space<hbm>>) target(%dma_start3A_390 : memref<8x2048xf32, #tpu.memory_space<vmem>>) target_semaphore(%arg17 : memref<!tpu.dma_semaphore, #tpu.memory_space<semaphore_mem>>)
    %gt3A_400 = arith.constant 1 : i32
    %gt3A_401 = arith.cmpi sgt, %add3A_48, %gt3A_400 : i32
    %convert_element_type3A_402 = arith.extui %gt3A_401 : i1 to i32
    %cond3A_403 = arith.constant 0 : i32
    %cond3A_404 = arith.cmpi ne, %convert_element_type3A_402, %cond3A_403 : i32
    scf.if %cond3A_404 {
      %add3A_601 = arith.constant 1 : i32
      %add3A_602 = arith.addi %shift_right_arithmetic3A_33, %add3A_601 : i32
      %and3A_603 = arith.constant 3 : i32
      %and3A_604 = arith.andi %add3A_602, %and3A_603 : i32
      %mul3A_605 = arith.constant 8 : i32
      %mul3A_606 = arith.muli %and3A_604, %mul3A_605 : i32
      %dma_start3A_607 = arith.constant 5 : i32
      %dma_start3A_608 = arith.constant 0 : i32
      %dma_start3A_609 = tpu.memref_slice %arg9[%mul3A_606, %dma_start3A_608] : memref<32x2048xf32, #tpu.memory_space<vmem>> -> memref<8x2048xf32, #tpu.memory_space<vmem>>
      %dma_start3A_610 = arith.constant 0 : i32
      %dma_start3A_611 = arith.constant 0 : i32
      %dma_start3A_612 = arith.constant 0 : i32
      %dma_start3A_613 = tpu.memref_slice %arg2[%dma_start3A_607, %dma_start3A_610, %dma_start3A_611, %dma_start3A_612] : memref<8x256x8x2048xf32, #tpu.memory_space<hbm>> -> memref<1x256x8x2048xf32, #tpu.memory_space<hbm>>
      %dma_start3A_614 = tpu.memref_squeeze %dma_start3A_613 : memref<1x256x8x2048xf32, #tpu.memory_space<hbm>> -> memref<256x8x2048xf32, #tpu.memory_space<hbm>>
      %dma_start3A_615 = arith.constant 0 : i32
      %dma_start3A_616 = arith.constant 0 : i32
      %dma_start3A_617 = tpu.memref_slice %dma_start3A_614[%add3A_602, %dma_start3A_615, %dma_start3A_616] : memref<256x8x2048xf32, #tpu.memory_space<hbm>> -> memref<1x8x2048xf32, #tpu.memory_space<hbm>>
      %dma_start3A_618 = tpu.memref_squeeze %dma_start3A_617 : memref<1x8x2048xf32, #tpu.memory_space<hbm>> -> memref<8x2048xf32, #tpu.memory_space<hbm>>
      %dma_start3A_619 = arith.constant 0 : i32
      %dma_start3A_620 = tpu.memref_slice %arg9[%mul3A_606, %dma_start3A_619] : memref<32x2048xf32, #tpu.memory_space<vmem>> -> memref<8x2048xf32, #tpu.memory_space<vmem>>
      %dma_start3A_621 = arith.constant 0 : i32
      %dma_start3A_622 = arith.constant 0 : i32
      %dma_start3A_623 = arith.constant 0 : i32
      %dma_start3A_624 = tpu.memref_slice %arg2[%dma_start3A_607, %dma_start3A_621, %dma_start3A_622, %dma_start3A_623] : memref<8x256x8x2048xf32, #tpu.memory_space<hbm>> -> memref<1x256x8x2048xf32, #tpu.memory_space<hbm>>
      %dma_start3A_625 = tpu.memref_squeeze %dma_start3A_624 : memref<1x256x8x2048xf32, #tpu.memory_space<hbm>> -> memref<256x8x2048xf32, #tpu.memory_space<hbm>>
      %dma_start3A_626 = arith.constant 0 : i32
      %dma_start3A_627 = arith.constant 0 : i32
      %dma_start3A_628 = tpu.memref_slice %dma_start3A_625[%add3A_602, %dma_start3A_626, %dma_start3A_627] : memref<256x8x2048xf32, #tpu.memory_space<hbm>> -> memref<1x8x2048xf32, #tpu.memory_space<hbm>>
      %dma_start3A_629 = tpu.memref_squeeze %dma_start3A_628 : memref<1x8x2048xf32, #tpu.memory_space<hbm>> -> memref<8x2048xf32, #tpu.memory_space<hbm>>
      tpu.enqueue_dma source(%dma_start3A_629 : memref<8x2048xf32, #tpu.memory_space<hbm>>) target(%dma_start3A_620 : memref<8x2048xf32, #tpu.memory_space<vmem>>) target_semaphore(%arg17 : memref<!tpu.dma_semaphore, #tpu.memory_space<semaphore_mem>>)
    } else {
    }
    %gt3A_405 = arith.constant 2 : i32
    %gt3A_406 = arith.cmpi sgt, %add3A_48, %gt3A_405 : i32
    %convert_element_type3A_407 = arith.extui %gt3A_406 : i1 to i32
    %cond3A_408 = arith.constant 0 : i32
    %cond3A_409 = arith.cmpi ne, %convert_element_type3A_407, %cond3A_408 : i32
    scf.if %cond3A_409 {
      %add3A_601 = arith.constant 2 : i32
      %add3A_602 = arith.addi %shift_right_arithmetic3A_33, %add3A_601 : i32
      %and3A_603 = arith.constant 3 : i32
      %and3A_604 = arith.andi %add3A_602, %and3A_603 : i32
      %mul3A_605 = arith.constant 8 : i32
      %mul3A_606 = arith.muli %and3A_604, %mul3A_605 : i32
      %dma_start3A_607 = arith.constant 5 : i32
      %dma_start3A_608 = arith.constant 0 : i32
      %dma_start3A_609 = tpu.memref_slice %arg9[%mul3A_606, %dma_start3A_608] : memref<32x2048xf32, #tpu.memory_space<vmem>> -> memref<8x2048xf32, #tpu.memory_space<vmem>>
      %dma_start3A_610 = arith.constant 0 : i32
      %dma_start3A_611 = arith.constant 0 : i32
      %dma_start3A_612 = arith.constant 0 : i32
      %dma_start3A_613 = tpu.memref_slice %arg2[%dma_start3A_607, %dma_start3A_610, %dma_start3A_611, %dma_start3A_612] : memref<8x256x8x2048xf32, #tpu.memory_space<hbm>> -> memref<1x256x8x2048xf32, #tpu.memory_space<hbm>>
      %dma_start3A_614 = tpu.memref_squeeze %dma_start3A_613 : memref<1x256x8x2048xf32, #tpu.memory_space<hbm>> -> memref<256x8x2048xf32, #tpu.memory_space<hbm>>
      %dma_start3A_615 = arith.constant 0 : i32
      %dma_start3A_616 = arith.constant 0 : i32
      %dma_start3A_617 = tpu.memref_slice %dma_start3A_614[%add3A_602, %dma_start3A_615, %dma_start3A_616] : memref<256x8x2048xf32, #tpu.memory_space<hbm>> -> memref<1x8x2048xf32, #tpu.memory_space<hbm>>
      %dma_start3A_618 = tpu.memref_squeeze %dma_start3A_617 : memref<1x8x2048xf32, #tpu.memory_space<hbm>> -> memref<8x2048xf32, #tpu.memory_space<hbm>>
      %dma_start3A_619 = arith.constant 0 : i32
      %dma_start3A_620 = tpu.memref_slice %arg9[%mul3A_606, %dma_start3A_619] : memref<32x2048xf32, #tpu.memory_space<vmem>> -> memref<8x2048xf32, #tpu.memory_space<vmem>>
      %dma_start3A_621 = arith.constant 0 : i32
      %dma_start3A_622 = arith.constant 0 : i32
      %dma_start3A_623 = arith.constant 0 : i32
      %dma_start3A_624 = tpu.memref_slice %arg2[%dma_start3A_607, %dma_start3A_621, %dma_start3A_622, %dma_start3A_623] : memref<8x256x8x2048xf32, #tpu.memory_space<hbm>> -> memref<1x256x8x2048xf32, #tpu.memory_space<hbm>>
      %dma_start3A_625 = tpu.memref_squeeze %dma_start3A_624 : memref<1x256x8x2048xf32, #tpu.memory_space<hbm>> -> memref<256x8x2048xf32, #tpu.memory_space<hbm>>
      %dma_start3A_626 = arith.constant 0 : i32
      %dma_start3A_627 = arith.constant 0 : i32
      %dma_start3A_628 = tpu.memref_slice %dma_start3A_625[%add3A_602, %dma_start3A_626, %dma_start3A_627] : memref<256x8x2048xf32, #tpu.memory_space<hbm>> -> memref<1x8x2048xf32, #tpu.memory_space<hbm>>
      %dma_start3A_629 = tpu.memref_squeeze %dma_start3A_628 : memref<1x8x2048xf32, #tpu.memory_space<hbm>> -> memref<8x2048xf32, #tpu.memory_space<hbm>>
      tpu.enqueue_dma source(%dma_start3A_629 : memref<8x2048xf32, #tpu.memory_space<hbm>>) target(%dma_start3A_620 : memref<8x2048xf32, #tpu.memory_space<vmem>>) target_semaphore(%arg17 : memref<!tpu.dma_semaphore, #tpu.memory_space<semaphore_mem>>)
    } else {
    }
    %dma_wait3A_410 = arith.constant 3 : i32
    %dma_wait3A_411 = arith.constant 0 : i32
    %dma_wait3A_412 = tpu.memref_slice %arg6[%dma_wait3A_410, %dma_wait3A_411] : memref<8x421888xf32, #tpu.memory_space<hbm>> -> memref<1x421888xf32, #tpu.memory_space<hbm>>
    %dma_wait3A_413 = tpu.memref_squeeze %dma_wait3A_412 : memref<1x421888xf32, #tpu.memory_space<hbm>> -> memref<421888xf32, #tpu.memory_space<hbm>>
    %dma_wait3A_414 = tpu.memref_slice %dma_wait3A_413[%mul3A_2] : memref<421888xf32, #tpu.memory_space<hbm>> -> memref<13184xf32, #tpu.memory_space<hbm>>
    %dma_wait3A_415 = arith.constant 0 : i32
    %dma_wait3A_416 = tpu.memref_slice %arg6[%dma_wait3A_410, %dma_wait3A_415] : memref<8x421888xf32, #tpu.memory_space<hbm>> -> memref<1x421888xf32, #tpu.memory_space<hbm>>
    %dma_wait3A_417 = tpu.memref_squeeze %dma_wait3A_416 : memref<1x421888xf32, #tpu.memory_space<hbm>> -> memref<421888xf32, #tpu.memory_space<hbm>>
    %dma_wait3A_418 = tpu.memref_slice %dma_wait3A_417[%mul3A_2] : memref<421888xf32, #tpu.memory_space<hbm>> -> memref<13184xf32, #tpu.memory_space<hbm>>
    tpu.wait_dma2 semaphore(%arg18 : memref<!tpu.dma_semaphore, #tpu.memory_space<semaphore_mem>>) src(%arg11 : memref<13184xf32, #tpu.memory_space<vmem>>) dst(%dma_wait3A_418 : memref<13184xf32, #tpu.memory_space<hbm>>)
    %while3A_419 = arith.constant 0 : i32
    %while3A_420 = arith.constant 0 : i32
    %while3A_421 = arith.subi %add3A_48, %while3A_419 : i32
    %while3A_422 = arith.addi %while3A_419, %while3A_421 : i32
    %while3A_423 = arith.constant 1 : i32
    %while3A_424 = arith.divsi %while3A_421, %while3A_423 : i32
    %while3A_425 = arith.muli %while3A_424, %while3A_423 : i32
    %while3A_426 = arith.addi %while3A_419, %while3A_425 : i32
    %while3A_427 = arith.constant 1 : i32
    %while3A_428 = scf.for %while3A_601 = %while3A_419 to %while3A_426 step %while3A_427 iter_args(%while3A_602 = %while3A_420) -> (i32)  : i32 {
      %add3A_603 = arith.constant 3 : i32
      %add3A_604 = arith.addi %while3A_601, %add3A_603 : i32
      %lt3A_605 = arith.cmpi slt, %add3A_604, %add3A_48 : i32
      %convert_element_type3A_606 = arith.extui %lt3A_605 : i1 to i32
      %cond3A_607 = arith.constant 0 : i32
      %cond3A_608 = arith.cmpi ne, %convert_element_type3A_606, %cond3A_607 : i32
      scf.if %cond3A_608 {
        %add3A_708 = arith.constant 3 : i32
        %add3A_709 = arith.addi %while3A_601, %add3A_708 : i32
        %add3A_710 = arith.addi %shift_right_arithmetic3A_33, %add3A_709 : i32
        %and3A_711 = arith.constant 3 : i32
        %and3A_712 = arith.andi %add3A_710, %and3A_711 : i32
        %mul3A_713 = arith.constant 8 : i32
        %mul3A_714 = arith.muli %and3A_712, %mul3A_713 : i32
        %dma_start3A_715 = arith.constant 5 : i32
        %dma_start3A_716 = arith.constant 0 : i32
        %dma_start3A_717 = tpu.memref_slice %arg9[%mul3A_714, %dma_start3A_716] : memref<32x2048xf32, #tpu.memory_space<vmem>> -> memref<8x2048xf32, #tpu.memory_space<vmem>>
        %dma_start3A_718 = arith.constant 0 : i32
        %dma_start3A_719 = arith.constant 0 : i32
        %dma_start3A_720 = arith.constant 0 : i32
        %dma_start3A_721 = tpu.memref_slice %arg2[%dma_start3A_715, %dma_start3A_718, %dma_start3A_719, %dma_start3A_720] : memref<8x256x8x2048xf32, #tpu.memory_space<hbm>> -> memref<1x256x8x2048xf32, #tpu.memory_space<hbm>>
        %dma_start3A_722 = tpu.memref_squeeze %dma_start3A_721 : memref<1x256x8x2048xf32, #tpu.memory_space<hbm>> -> memref<256x8x2048xf32, #tpu.memory_space<hbm>>
        %dma_start3A_723 = arith.constant 0 : i32
        %dma_start3A_724 = arith.constant 0 : i32
        %dma_start3A_725 = tpu.memref_slice %dma_start3A_722[%add3A_710, %dma_start3A_723, %dma_start3A_724] : memref<256x8x2048xf32, #tpu.memory_space<hbm>> -> memref<1x8x2048xf32, #tpu.memory_space<hbm>>
        %dma_start3A_726 = tpu.memref_squeeze %dma_start3A_725 : memref<1x8x2048xf32, #tpu.memory_space<hbm>> -> memref<8x2048xf32, #tpu.memory_space<hbm>>
        %dma_start3A_727 = arith.constant 0 : i32
        %dma_start3A_728 = tpu.memref_slice %arg9[%mul3A_714, %dma_start3A_727] : memref<32x2048xf32, #tpu.memory_space<vmem>> -> memref<8x2048xf32, #tpu.memory_space<vmem>>
        %dma_start3A_729 = arith.constant 0 : i32
        %dma_start3A_730 = arith.constant 0 : i32
        %dma_start3A_731 = arith.constant 0 : i32
        %dma_start3A_732 = tpu.memref_slice %arg2[%dma_start3A_715, %dma_start3A_729, %dma_start3A_730, %dma_start3A_731] : memref<8x256x8x2048xf32, #tpu.memory_space<hbm>> -> memref<1x256x8x2048xf32, #tpu.memory_space<hbm>>
        %dma_start3A_733 = tpu.memref_squeeze %dma_start3A_732 : memref<1x256x8x2048xf32, #tpu.memory_space<hbm>> -> memref<256x8x2048xf32, #tpu.memory_space<hbm>>
        %dma_start3A_734 = arith.constant 0 : i32
        %dma_start3A_735 = arith.constant 0 : i32
        %dma_start3A_736 = tpu.memref_slice %dma_start3A_733[%add3A_710, %dma_start3A_734, %dma_start3A_735] : memref<256x8x2048xf32, #tpu.memory_space<hbm>> -> memref<1x8x2048xf32, #tpu.memory_space<hbm>>
        %dma_start3A_737 = tpu.memref_squeeze %dma_start3A_736 : memref<1x8x2048xf32, #tpu.memory_space<hbm>> -> memref<8x2048xf32, #tpu.memory_space<hbm>>
        tpu.enqueue_dma source(%dma_start3A_737 : memref<8x2048xf32, #tpu.memory_space<hbm>>) target(%dma_start3A_728 : memref<8x2048xf32, #tpu.memory_space<vmem>>) target_semaphore(%arg17 : memref<!tpu.dma_semaphore, #tpu.memory_space<semaphore_mem>>)
      } else {
      }
      %add3A_609 = arith.addi %shift_right_arithmetic3A_33, %while3A_601 : i32
      %broadcast_in_dim3A_610 = vector.broadcast %add3A_609 : i32 to vector<16xi32>
      %gather3A_611 = tpu.vector_load_idx %arg12[%broadcast_in_dim3A_610] : memref<256xi32, #tpu.memory_space<vmem>>[vector<16xi32>], vector<16xi32>,
      %reduce_max3A_612 = arith.constant true
      %reduce_max3A_613 = vector.broadcast %reduce_max3A_612 : i1 to vector<16xi1>
      %reduce_max3A_614 = arith.constant -2147483648 : i32
      %reduce_max3A_615 = vector.broadcast %reduce_max3A_614 : i32 to vector<16xi32>
      %reduce_max3A_616 = arith.xori %gather3A_611, %reduce_max3A_615 : vector<16xi32>
      %reduce_max3A_617 = tpu.scan <max>, %reduce_max3A_616 masked %reduce_max3A_613 : vector<16xi32>, vector<16xi1> -> vector<16xi32>
      %reduce_max3A_618 = arith.xori %reduce_max3A_617, %reduce_max3A_615 : vector<16xi32>
      %reduce_max3A_619 = vector.extract %reduce_max3A_618[15] : i32 from vector<16xi32>
      %broadcast_in_dim3A_620 = vector.broadcast %add3A_609 : i32 to vector<16xi32>
      %gather3A_621 = tpu.vector_load_idx %arg13[%broadcast_in_dim3A_620] : memref<256xi32, #tpu.memory_space<vmem>>[vector<16xi32>], vector<16xi32>,
      %reduce_max3A_622 = arith.constant true
      %reduce_max3A_623 = vector.broadcast %reduce_max3A_622 : i1 to vector<16xi1>
      %reduce_max3A_624 = arith.constant -2147483648 : i32
      %reduce_max3A_625 = vector.broadcast %reduce_max3A_624 : i32 to vector<16xi32>
      %reduce_max3A_626 = arith.xori %gather3A_621, %reduce_max3A_625 : vector<16xi32>
      %reduce_max3A_627 = tpu.scan <max>, %reduce_max3A_626 masked %reduce_max3A_623 : vector<16xi32>, vector<16xi1> -> vector<16xi32>
      %reduce_max3A_628 = arith.xori %reduce_max3A_627, %reduce_max3A_625 : vector<16xi32>
      %reduce_max3A_629 = vector.extract %reduce_max3A_628[15] : i32 from vector<16xi32>
      %add3A_630 = arith.constant 1 : i32
      %add3A_631 = arith.addi %reduce_max3A_629, %add3A_630 : i32
      %min3A = arith.minsi %reduce_max3A_619, %add3A_631 : i32
      %add3A_632 = arith.addi %shift_right_arithmetic3A_33, %while3A_601 : i32
      %and3A_633 = arith.constant 3 : i32
      %and3A_634 = arith.andi %add3A_632, %and3A_633 : i32
      %mul3A_635 = arith.constant 8 : i32
      %mul3A_636 = arith.muli %and3A_634, %mul3A_635 : i32
      %dma_wait3A_637 = arith.constant 5 : i32
      %dma_wait3A_638 = arith.constant 0 : i32
      %dma_wait3A_639 = tpu.memref_slice %arg9[%mul3A_636, %dma_wait3A_638] : memref<32x2048xf32, #tpu.memory_space<vmem>> -> memref<8x2048xf32, #tpu.memory_space<vmem>>
      %dma_wait3A_640 = arith.constant 0 : i32
      %dma_wait3A_641 = arith.constant 0 : i32
      %dma_wait3A_642 = arith.constant 0 : i32
      %dma_wait3A_643 = tpu.memref_slice %arg2[%dma_wait3A_637, %dma_wait3A_640, %dma_wait3A_641, %dma_wait3A_642] : memref<8x256x8x2048xf32, #tpu.memory_space<hbm>> -> memref<1x256x8x2048xf32, #tpu.memory_space<hbm>>
      %dma_wait3A_644 = tpu.memref_squeeze %dma_wait3A_643 : memref<1x256x8x2048xf32, #tpu.memory_space<hbm>> -> memref<256x8x2048xf32, #tpu.memory_space<hbm>>
      %dma_wait3A_645 = arith.constant 0 : i32
      %dma_wait3A_646 = arith.constant 0 : i32
      %dma_wait3A_647 = tpu.memref_slice %dma_wait3A_644[%add3A_632, %dma_wait3A_645, %dma_wait3A_646] : memref<256x8x2048xf32, #tpu.memory_space<hbm>> -> memref<1x8x2048xf32, #tpu.memory_space<hbm>>
      %dma_wait3A_648 = tpu.memref_squeeze %dma_wait3A_647 : memref<1x8x2048xf32, #tpu.memory_space<hbm>> -> memref<8x2048xf32, #tpu.memory_space<hbm>>
      %dma_wait3A_649 = arith.constant 0 : i32
      %dma_wait3A_650 = tpu.memref_slice %arg9[%mul3A_636, %dma_wait3A_649] : memref<32x2048xf32, #tpu.memory_space<vmem>> -> memref<8x2048xf32, #tpu.memory_space<vmem>>
      %dma_wait3A_651 = arith.constant 0 : i32
      %dma_wait3A_652 = arith.constant 0 : i32
      %dma_wait3A_653 = arith.constant 0 : i32
      %dma_wait3A_654 = tpu.memref_slice %arg2[%dma_wait3A_637, %dma_wait3A_651, %dma_wait3A_652, %dma_wait3A_653] : memref<8x256x8x2048xf32, #tpu.memory_space<hbm>> -> memref<1x256x8x2048xf32, #tpu.memory_space<hbm>>
      %dma_wait3A_655 = tpu.memref_squeeze %dma_wait3A_654 : memref<1x256x8x2048xf32, #tpu.memory_space<hbm>> -> memref<256x8x2048xf32, #tpu.memory_space<hbm>>
      %dma_wait3A_656 = arith.constant 0 : i32
      %dma_wait3A_657 = arith.constant 0 : i32
      %dma_wait3A_658 = tpu.memref_slice %dma_wait3A_655[%add3A_632, %dma_wait3A_656, %dma_wait3A_657] : memref<256x8x2048xf32, #tpu.memory_space<hbm>> -> memref<1x8x2048xf32, #tpu.memory_space<hbm>>
      %dma_wait3A_659 = tpu.memref_squeeze %dma_wait3A_658 : memref<1x8x2048xf32, #tpu.memory_space<hbm>> -> memref<8x2048xf32, #tpu.memory_space<hbm>>
      tpu.wait_dma2 semaphore(%arg17 : memref<!tpu.dma_semaphore, #tpu.memory_space<semaphore_mem>>) src(%dma_wait3A_659 : memref<8x2048xf32, #tpu.memory_space<hbm>>) dst(%dma_wait3A_650 : memref<8x2048xf32, #tpu.memory_space<vmem>>)
      %mul3A_660 = arith.constant 16 : i32
      %mul3A_661 = arith.muli %min3A, %mul3A_660 : i32
      %add3A_662 = arith.constant 128 : i32
      %add3A_663 = arith.addi %add3A_662, %mul3A_661 : i32
      %get3A = arith.index_cast %add3A_663 : i32 to index
      %get3A_664 = tpu.vector_load %arg8[%get3A] {strides = array<i32>} : memref<13328xi32, #tpu.memory_space<vmem>>, vector<16xi32>,
      %shift_right_arithmetic3A_665 = arith.constant 14 : i32
      %shift_right_arithmetic3A_666 = vector.broadcast %shift_right_arithmetic3A_665 : i32 to vector<16xi32>
      %shift_right_arithmetic3A_667 = arith.shrsi %get3A_664, %shift_right_arithmetic3A_666 : vector<16xi32>
      %eq3A_668 = vector.broadcast %add3A_609 : i32 to vector<16xi32>
      %eq3A_669 = arith.cmpi eq, %shift_right_arithmetic3A_667, %eq3A_668 : vector<16xi32>
      %shift_right_arithmetic3A_670 = arith.constant 11 : i32
      %shift_right_arithmetic3A_671 = vector.broadcast %shift_right_arithmetic3A_670 : i32 to vector<16xi32>
      %shift_right_arithmetic3A_672 = arith.shrsi %get3A_664, %shift_right_arithmetic3A_671 : vector<16xi32>
      %and3A_673 = arith.constant 31 : i32
      %and3A_674 = vector.broadcast %and3A_673 : i32 to vector<16xi32>
      %and3A_675 = arith.andi %shift_right_arithmetic3A_672, %and3A_674 : vector<16xi32>
      %and3A_676 = arith.constant 2047 : i32
      %and3A_677 = vector.broadcast %and3A_676 : i32 to vector<16xi32>
      %and3A_678 = arith.andi %get3A_664, %and3A_677 : vector<16xi32>
      %gather3A_679 = tpu.vector_load_idx %arg9[%and3A_675, %and3A_678] masked %eq3A_669 : memref<32x2048xf32, #tpu.memory_space<vmem>>[vector<16xi32>, vector<16xi32>], vector<16xf32>, vector<16xi1>
      %mul3A_680 = arith.constant 16 : i32
      %mul3A_681 = arith.muli %min3A, %mul3A_680 : i32
      %get3A_682 = arith.index_cast %mul3A_681 : i32 to index
      %get3A_683 = tpu.vector_load %arg11[%get3A_682] {strides = array<i32>} : memref<13184xf32, #tpu.memory_space<vmem>>, vector<16xf32>,
      %select_n3A = arith.select %eq3A_669, %gather3A_679, %get3A_683 : vector<16xi1>, vector<16xf32>
      %mul3A_684 = arith.constant 16 : i32
      %mul3A_685 = arith.muli %min3A, %mul3A_684 : i32
      %swap3A_686 = arith.index_cast %mul3A_685 : i32 to index
      %swap3A_687 = tpu.vector_load %arg11[%swap3A_686] {strides = array<i32>} : memref<13184xf32, #tpu.memory_space<vmem>>, vector<16xf32>,
      tpu.vector_store %arg11[%swap3A_686], %select_n3A {strides = array<i32>} : memref<13184xf32, #tpu.memory_space<vmem>>, vector<16xf32>,
      %gt3A_688 = arith.cmpi sgt, %reduce_max3A_629, %min3A : i32
      %convert_element_type3A_689 = arith.extui %gt3A_688 : i1 to i32
      %cond3A_690 = arith.constant 0 : i32
      %cond3A_691 = arith.cmpi ne, %convert_element_type3A_689, %cond3A_690 : i32
      scf.if %cond3A_691 {
        %mul3A_708 = arith.constant 16 : i32
        %mul3A_709 = arith.muli %reduce_max3A_629, %mul3A_708 : i32
        %add3A_710 = arith.constant 128 : i32
        %add3A_711 = arith.addi %add3A_710, %mul3A_709 : i32
        %get3A_712 = arith.index_cast %add3A_711 : i32 to index
        %get3A_713 = tpu.vector_load %arg8[%get3A_712] {strides = array<i32>} : memref<13328xi32, #tpu.memory_space<vmem>>, vector<16xi32>,
        %shift_right_arithmetic3A_714 = arith.constant 14 : i32
        %shift_right_arithmetic3A_715 = vector.broadcast %shift_right_arithmetic3A_714 : i32 to vector<16xi32>
        %shift_right_arithmetic3A_716 = arith.shrsi %get3A_713, %shift_right_arithmetic3A_715 : vector<16xi32>
        %eq3A_717 = vector.broadcast %add3A_609 : i32 to vector<16xi32>
        %eq3A_718 = arith.cmpi eq, %shift_right_arithmetic3A_716, %eq3A_717 : vector<16xi32>
        %shift_right_arithmetic3A_719 = arith.constant 11 : i32
        %shift_right_arithmetic3A_720 = vector.broadcast %shift_right_arithmetic3A_719 : i32 to vector<16xi32>
        %shift_right_arithmetic3A_721 = arith.shrsi %get3A_713, %shift_right_arithmetic3A_720 : vector<16xi32>
        %and3A_722 = arith.constant 31 : i32
        %and3A_723 = vector.broadcast %and3A_722 : i32 to vector<16xi32>
        %and3A_724 = arith.andi %shift_right_arithmetic3A_721, %and3A_723 : vector<16xi32>
        %and3A_725 = arith.constant 2047 : i32
        %and3A_726 = vector.broadcast %and3A_725 : i32 to vector<16xi32>
        %and3A_727 = arith.andi %get3A_713, %and3A_726 : vector<16xi32>
        %gather3A_728 = tpu.vector_load_idx %arg9[%and3A_724, %and3A_727] masked %eq3A_718 : memref<32x2048xf32, #tpu.memory_space<vmem>>[vector<16xi32>, vector<16xi32>], vector<16xf32>, vector<16xi1>
        %mul3A_729 = arith.constant 16 : i32
        %mul3A_730 = arith.muli %reduce_max3A_629, %mul3A_729 : i32
        %get3A_731 = arith.index_cast %mul3A_730 : i32 to index
        %get3A_732 = tpu.vector_load %arg11[%get3A_731] {strides = array<i32>} : memref<13184xf32, #tpu.memory_space<vmem>>, vector<16xf32>,
        %select_n3A_733 = arith.select %eq3A_718, %gather3A_728, %get3A_732 : vector<16xi1>, vector<16xf32>
        %mul3A_734 = arith.constant 16 : i32
        %mul3A_735 = arith.muli %reduce_max3A_629, %mul3A_734 : i32
        %swap3A_736 = arith.index_cast %mul3A_735 : i32 to index
        %swap3A_737 = tpu.vector_load %arg11[%swap3A_736] {strides = array<i32>} : memref<13184xf32, #tpu.memory_space<vmem>>, vector<16xf32>,
        tpu.vector_store %arg11[%swap3A_736], %select_n3A_733 {strides = array<i32>} : memref<13184xf32, #tpu.memory_space<vmem>>, vector<16xf32>,
      } else {
      }
      %add3A_692 = arith.constant 1 : i32
      %add3A_693 = arith.addi %min3A, %add3A_692 : i32
      %add3A_694 = arith.constant 1 : i32
      %add3A_695 = arith.addi %min3A, %add3A_694 : i32
      %max3A = arith.maxsi %reduce_max3A_629, %add3A_695 : i32
      %while3A_696 = arith.constant 0 : i32
      %while3A_697 = arith.subi %max3A, %add3A_693 : i32
      %while3A_698 = arith.addi %add3A_693, %while3A_697 : i32
      %while3A_699 = arith.constant 1 : i32
      %while3A_700 = arith.divsi %while3A_697, %while3A_699 : i32
      %while3A_701 = arith.muli %while3A_700, %while3A_699 : i32
      %while3A_702 = arith.addi %add3A_693, %while3A_701 : i32
      %while3A_703 = arith.constant 1 : i32
      %while3A_704 = scf.for %while3A_708 = %add3A_693 to %while3A_702 step %while3A_703 iter_args(%while3A_709 = %while3A_696) -> (i32)  : i32 {
        %mul3A_710 = arith.constant 16 : i32
        %mul3A_711 = arith.muli %while3A_708, %mul3A_710 : i32
        %add3A_712 = arith.constant 128 : i32
        %add3A_713 = arith.addi %add3A_712, %mul3A_711 : i32
        %get3A_714 = arith.index_cast %add3A_713 : i32 to index
        %get3A_715 = tpu.vector_load %arg8[%get3A_714] {strides = array<i32>} : memref<13328xi32, #tpu.memory_space<vmem>>, vector<16xi32>,
        %shift_right_arithmetic3A_716 = arith.constant 11 : i32
        %shift_right_arithmetic3A_717 = vector.broadcast %shift_right_arithmetic3A_716 : i32 to vector<16xi32>
        %shift_right_arithmetic3A_718 = arith.shrsi %get3A_715, %shift_right_arithmetic3A_717 : vector<16xi32>
        %and3A_719 = arith.constant 31 : i32
        %and3A_720 = vector.broadcast %and3A_719 : i32 to vector<16xi32>
        %and3A_721 = arith.andi %shift_right_arithmetic3A_718, %and3A_720 : vector<16xi32>
        %and3A_722 = arith.constant 2047 : i32
        %and3A_723 = vector.broadcast %and3A_722 : i32 to vector<16xi32>
        %and3A_724 = arith.andi %get3A_715, %and3A_723 : vector<16xi32>
        %gather3A_725 = tpu.vector_load_idx %arg9[%and3A_721, %and3A_724] : memref<32x2048xf32, #tpu.memory_space<vmem>>[vector<16xi32>, vector<16xi32>], vector<16xf32>,
        %mul3A_726 = arith.constant 16 : i32
        %mul3A_727 = arith.muli %while3A_708, %mul3A_726 : i32
        %swap3A_728 = arith.index_cast %mul3A_727 : i32 to index
        %swap3A_729 = tpu.vector_load %arg11[%swap3A_728] {strides = array<i32>} : memref<13184xf32, #tpu.memory_space<vmem>>, vector<16xf32>,
        tpu.vector_store %arg11[%swap3A_728], %gather3A_725 {strides = array<i32>} : memref<13184xf32, #tpu.memory_space<vmem>>, vector<16xf32>,
        %while3A_730 = arith.constant 0 : i32
        scf.yield %while3A_730 : i32
      }
      %while3A_705 = arith.constant 1 : i32
      %while3A_706 = scf.for %while3A_708 = %while3A_702 to %while3A_698 step %while3A_705 iter_args(%while3A_709 = %while3A_704) -> (i32)  : i32 {
        %mul3A_710 = arith.constant 16 : i32
        %mul3A_711 = arith.muli %while3A_708, %mul3A_710 : i32
        %add3A_712 = arith.constant 128 : i32
        %add3A_713 = arith.addi %add3A_712, %mul3A_711 : i32
        %get3A_714 = arith.index_cast %add3A_713 : i32 to index
        %get3A_715 = tpu.vector_load %arg8[%get3A_714] {strides = array<i32>} : memref<13328xi32, #tpu.memory_space<vmem>>, vector<16xi32>,
        %shift_right_arithmetic3A_716 = arith.constant 11 : i32
        %shift_right_arithmetic3A_717 = vector.broadcast %shift_right_arithmetic3A_716 : i32 to vector<16xi32>
        %shift_right_arithmetic3A_718 = arith.shrsi %get3A_715, %shift_right_arithmetic3A_717 : vector<16xi32>
        %and3A_719 = arith.constant 31 : i32
        %and3A_720 = vector.broadcast %and3A_719 : i32 to vector<16xi32>
        %and3A_721 = arith.andi %shift_right_arithmetic3A_718, %and3A_720 : vector<16xi32>
        %and3A_722 = arith.constant 2047 : i32
        %and3A_723 = vector.broadcast %and3A_722 : i32 to vector<16xi32>
        %and3A_724 = arith.andi %get3A_715, %and3A_723 : vector<16xi32>
        %gather3A_725 = tpu.vector_load_idx %arg9[%and3A_721, %and3A_724] : memref<32x2048xf32, #tpu.memory_space<vmem>>[vector<16xi32>, vector<16xi32>], vector<16xf32>,
        %mul3A_726 = arith.constant 16 : i32
        %mul3A_727 = arith.muli %while3A_708, %mul3A_726 : i32
        %swap3A_728 = arith.index_cast %mul3A_727 : i32 to index
        %swap3A_729 = tpu.vector_load %arg11[%swap3A_728] {strides = array<i32>} : memref<13184xf32, #tpu.memory_space<vmem>>, vector<16xf32>,
        tpu.vector_store %arg11[%swap3A_728], %gather3A_725 {strides = array<i32>} : memref<13184xf32, #tpu.memory_space<vmem>>, vector<16xf32>,
        %while3A_730 = arith.constant 0 : i32
        scf.yield %while3A_730 : i32
      }
      %while3A_707 = arith.constant 0 : i32
      scf.yield %while3A_707 : i32
    }
    %while3A_429 = arith.constant 1 : i32
    %while3A_430 = scf.for %while3A_601 = %while3A_426 to %while3A_422 step %while3A_429 iter_args(%while3A_602 = %while3A_428) -> (i32)  : i32 {
      %add3A_603 = arith.constant 3 : i32
      %add3A_604 = arith.addi %while3A_601, %add3A_603 : i32
      %lt3A_605 = arith.cmpi slt, %add3A_604, %add3A_48 : i32
      %convert_element_type3A_606 = arith.extui %lt3A_605 : i1 to i32
      %cond3A_607 = arith.constant 0 : i32
      %cond3A_608 = arith.cmpi ne, %convert_element_type3A_606, %cond3A_607 : i32
      scf.if %cond3A_608 {
        %add3A_708 = arith.constant 3 : i32
        %add3A_709 = arith.addi %while3A_601, %add3A_708 : i32
        %add3A_710 = arith.addi %shift_right_arithmetic3A_33, %add3A_709 : i32
        %and3A_711 = arith.constant 3 : i32
        %and3A_712 = arith.andi %add3A_710, %and3A_711 : i32
        %mul3A_713 = arith.constant 8 : i32
        %mul3A_714 = arith.muli %and3A_712, %mul3A_713 : i32
        %dma_start3A_715 = arith.constant 5 : i32
        %dma_start3A_716 = arith.constant 0 : i32
        %dma_start3A_717 = tpu.memref_slice %arg9[%mul3A_714, %dma_start3A_716] : memref<32x2048xf32, #tpu.memory_space<vmem>> -> memref<8x2048xf32, #tpu.memory_space<vmem>>
        %dma_start3A_718 = arith.constant 0 : i32
        %dma_start3A_719 = arith.constant 0 : i32
        %dma_start3A_720 = arith.constant 0 : i32
        %dma_start3A_721 = tpu.memref_slice %arg2[%dma_start3A_715, %dma_start3A_718, %dma_start3A_719, %dma_start3A_720] : memref<8x256x8x2048xf32, #tpu.memory_space<hbm>> -> memref<1x256x8x2048xf32, #tpu.memory_space<hbm>>
        %dma_start3A_722 = tpu.memref_squeeze %dma_start3A_721 : memref<1x256x8x2048xf32, #tpu.memory_space<hbm>> -> memref<256x8x2048xf32, #tpu.memory_space<hbm>>
        %dma_start3A_723 = arith.constant 0 : i32
        %dma_start3A_724 = arith.constant 0 : i32
        %dma_start3A_725 = tpu.memref_slice %dma_start3A_722[%add3A_710, %dma_start3A_723, %dma_start3A_724] : memref<256x8x2048xf32, #tpu.memory_space<hbm>> -> memref<1x8x2048xf32, #tpu.memory_space<hbm>>
        %dma_start3A_726 = tpu.memref_squeeze %dma_start3A_725 : memref<1x8x2048xf32, #tpu.memory_space<hbm>> -> memref<8x2048xf32, #tpu.memory_space<hbm>>
        %dma_start3A_727 = arith.constant 0 : i32
        %dma_start3A_728 = tpu.memref_slice %arg9[%mul3A_714, %dma_start3A_727] : memref<32x2048xf32, #tpu.memory_space<vmem>> -> memref<8x2048xf32, #tpu.memory_space<vmem>>
        %dma_start3A_729 = arith.constant 0 : i32
        %dma_start3A_730 = arith.constant 0 : i32
        %dma_start3A_731 = arith.constant 0 : i32
        %dma_start3A_732 = tpu.memref_slice %arg2[%dma_start3A_715, %dma_start3A_729, %dma_start3A_730, %dma_start3A_731] : memref<8x256x8x2048xf32, #tpu.memory_space<hbm>> -> memref<1x256x8x2048xf32, #tpu.memory_space<hbm>>
        %dma_start3A_733 = tpu.memref_squeeze %dma_start3A_732 : memref<1x256x8x2048xf32, #tpu.memory_space<hbm>> -> memref<256x8x2048xf32, #tpu.memory_space<hbm>>
        %dma_start3A_734 = arith.constant 0 : i32
        %dma_start3A_735 = arith.constant 0 : i32
        %dma_start3A_736 = tpu.memref_slice %dma_start3A_733[%add3A_710, %dma_start3A_734, %dma_start3A_735] : memref<256x8x2048xf32, #tpu.memory_space<hbm>> -> memref<1x8x2048xf32, #tpu.memory_space<hbm>>
        %dma_start3A_737 = tpu.memref_squeeze %dma_start3A_736 : memref<1x8x2048xf32, #tpu.memory_space<hbm>> -> memref<8x2048xf32, #tpu.memory_space<hbm>>
        tpu.enqueue_dma source(%dma_start3A_737 : memref<8x2048xf32, #tpu.memory_space<hbm>>) target(%dma_start3A_728 : memref<8x2048xf32, #tpu.memory_space<vmem>>) target_semaphore(%arg17 : memref<!tpu.dma_semaphore, #tpu.memory_space<semaphore_mem>>)
      } else {
      }
      %add3A_609 = arith.addi %shift_right_arithmetic3A_33, %while3A_601 : i32
      %broadcast_in_dim3A_610 = vector.broadcast %add3A_609 : i32 to vector<16xi32>
      %gather3A_611 = tpu.vector_load_idx %arg12[%broadcast_in_dim3A_610] : memref<256xi32, #tpu.memory_space<vmem>>[vector<16xi32>], vector<16xi32>,
      %reduce_max3A_612 = arith.constant true
      %reduce_max3A_613 = vector.broadcast %reduce_max3A_612 : i1 to vector<16xi1>
      %reduce_max3A_614 = arith.constant -2147483648 : i32
      %reduce_max3A_615 = vector.broadcast %reduce_max3A_614 : i32 to vector<16xi32>
      %reduce_max3A_616 = arith.xori %gather3A_611, %reduce_max3A_615 : vector<16xi32>
      %reduce_max3A_617 = tpu.scan <max>, %reduce_max3A_616 masked %reduce_max3A_613 : vector<16xi32>, vector<16xi1> -> vector<16xi32>
      %reduce_max3A_618 = arith.xori %reduce_max3A_617, %reduce_max3A_615 : vector<16xi32>
      %reduce_max3A_619 = vector.extract %reduce_max3A_618[15] : i32 from vector<16xi32>
      %broadcast_in_dim3A_620 = vector.broadcast %add3A_609 : i32 to vector<16xi32>
      %gather3A_621 = tpu.vector_load_idx %arg13[%broadcast_in_dim3A_620] : memref<256xi32, #tpu.memory_space<vmem>>[vector<16xi32>], vector<16xi32>,
      %reduce_max3A_622 = arith.constant true
      %reduce_max3A_623 = vector.broadcast %reduce_max3A_622 : i1 to vector<16xi1>
      %reduce_max3A_624 = arith.constant -2147483648 : i32
      %reduce_max3A_625 = vector.broadcast %reduce_max3A_624 : i32 to vector<16xi32>
      %reduce_max3A_626 = arith.xori %gather3A_621, %reduce_max3A_625 : vector<16xi32>
      %reduce_max3A_627 = tpu.scan <max>, %reduce_max3A_626 masked %reduce_max3A_623 : vector<16xi32>, vector<16xi1> -> vector<16xi32>
      %reduce_max3A_628 = arith.xori %reduce_max3A_627, %reduce_max3A_625 : vector<16xi32>
      %reduce_max3A_629 = vector.extract %reduce_max3A_628[15] : i32 from vector<16xi32>
      %add3A_630 = arith.constant 1 : i32
      %add3A_631 = arith.addi %reduce_max3A_629, %add3A_630 : i32
      %min3A = arith.minsi %reduce_max3A_619, %add3A_631 : i32
      %add3A_632 = arith.addi %shift_right_arithmetic3A_33, %while3A_601 : i32
      %and3A_633 = arith.constant 3 : i32
      %and3A_634 = arith.andi %add3A_632, %and3A_633 : i32
      %mul3A_635 = arith.constant 8 : i32
      %mul3A_636 = arith.muli %and3A_634, %mul3A_635 : i32
      %dma_wait3A_637 = arith.constant 5 : i32
      %dma_wait3A_638 = arith.constant 0 : i32
      %dma_wait3A_639 = tpu.memref_slice %arg9[%mul3A_636, %dma_wait3A_638] : memref<32x2048xf32, #tpu.memory_space<vmem>> -> memref<8x2048xf32, #tpu.memory_space<vmem>>
      %dma_wait3A_640 = arith.constant 0 : i32
      %dma_wait3A_641 = arith.constant 0 : i32
      %dma_wait3A_642 = arith.constant 0 : i32
      %dma_wait3A_643 = tpu.memref_slice %arg2[%dma_wait3A_637, %dma_wait3A_640, %dma_wait3A_641, %dma_wait3A_642] : memref<8x256x8x2048xf32, #tpu.memory_space<hbm>> -> memref<1x256x8x2048xf32, #tpu.memory_space<hbm>>
      %dma_wait3A_644 = tpu.memref_squeeze %dma_wait3A_643 : memref<1x256x8x2048xf32, #tpu.memory_space<hbm>> -> memref<256x8x2048xf32, #tpu.memory_space<hbm>>
      %dma_wait3A_645 = arith.constant 0 : i32
      %dma_wait3A_646 = arith.constant 0 : i32
      %dma_wait3A_647 = tpu.memref_slice %dma_wait3A_644[%add3A_632, %dma_wait3A_645, %dma_wait3A_646] : memref<256x8x2048xf32, #tpu.memory_space<hbm>> -> memref<1x8x2048xf32, #tpu.memory_space<hbm>>
      %dma_wait3A_648 = tpu.memref_squeeze %dma_wait3A_647 : memref<1x8x2048xf32, #tpu.memory_space<hbm>> -> memref<8x2048xf32, #tpu.memory_space<hbm>>
      %dma_wait3A_649 = arith.constant 0 : i32
      %dma_wait3A_650 = tpu.memref_slice %arg9[%mul3A_636, %dma_wait3A_649] : memref<32x2048xf32, #tpu.memory_space<vmem>> -> memref<8x2048xf32, #tpu.memory_space<vmem>>
      %dma_wait3A_651 = arith.constant 0 : i32
      %dma_wait3A_652 = arith.constant 0 : i32
      %dma_wait3A_653 = arith.constant 0 : i32
      %dma_wait3A_654 = tpu.memref_slice %arg2[%dma_wait3A_637, %dma_wait3A_651, %dma_wait3A_652, %dma_wait3A_653] : memref<8x256x8x2048xf32, #tpu.memory_space<hbm>> -> memref<1x256x8x2048xf32, #tpu.memory_space<hbm>>
      %dma_wait3A_655 = tpu.memref_squeeze %dma_wait3A_654 : memref<1x256x8x2048xf32, #tpu.memory_space<hbm>> -> memref<256x8x2048xf32, #tpu.memory_space<hbm>>
      %dma_wait3A_656 = arith.constant 0 : i32
      %dma_wait3A_657 = arith.constant 0 : i32
      %dma_wait3A_658 = tpu.memref_slice %dma_wait3A_655[%add3A_632, %dma_wait3A_656, %dma_wait3A_657] : memref<256x8x2048xf32, #tpu.memory_space<hbm>> -> memref<1x8x2048xf32, #tpu.memory_space<hbm>>
      %dma_wait3A_659 = tpu.memref_squeeze %dma_wait3A_658 : memref<1x8x2048xf32, #tpu.memory_space<hbm>> -> memref<8x2048xf32, #tpu.memory_space<hbm>>
      tpu.wait_dma2 semaphore(%arg17 : memref<!tpu.dma_semaphore, #tpu.memory_space<semaphore_mem>>) src(%dma_wait3A_659 : memref<8x2048xf32, #tpu.memory_space<hbm>>) dst(%dma_wait3A_650 : memref<8x2048xf32, #tpu.memory_space<vmem>>)
      %mul3A_660 = arith.constant 16 : i32
      %mul3A_661 = arith.muli %min3A, %mul3A_660 : i32
      %add3A_662 = arith.constant 128 : i32
      %add3A_663 = arith.addi %add3A_662, %mul3A_661 : i32
      %get3A = arith.index_cast %add3A_663 : i32 to index
      %get3A_664 = tpu.vector_load %arg8[%get3A] {strides = array<i32>} : memref<13328xi32, #tpu.memory_space<vmem>>, vector<16xi32>,
      %shift_right_arithmetic3A_665 = arith.constant 14 : i32
      %shift_right_arithmetic3A_666 = vector.broadcast %shift_right_arithmetic3A_665 : i32 to vector<16xi32>
      %shift_right_arithmetic3A_667 = arith.shrsi %get3A_664, %shift_right_arithmetic3A_666 : vector<16xi32>
      %eq3A_668 = vector.broadcast %add3A_609 : i32 to vector<16xi32>
      %eq3A_669 = arith.cmpi eq, %shift_right_arithmetic3A_667, %eq3A_668 : vector<16xi32>
      %shift_right_arithmetic3A_670 = arith.constant 11 : i32
      %shift_right_arithmetic3A_671 = vector.broadcast %shift_right_arithmetic3A_670 : i32 to vector<16xi32>
      %shift_right_arithmetic3A_672 = arith.shrsi %get3A_664, %shift_right_arithmetic3A_671 : vector<16xi32>
      %and3A_673 = arith.constant 31 : i32
      %and3A_674 = vector.broadcast %and3A_673 : i32 to vector<16xi32>
      %and3A_675 = arith.andi %shift_right_arithmetic3A_672, %and3A_674 : vector<16xi32>
      %and3A_676 = arith.constant 2047 : i32
      %and3A_677 = vector.broadcast %and3A_676 : i32 to vector<16xi32>
      %and3A_678 = arith.andi %get3A_664, %and3A_677 : vector<16xi32>
      %gather3A_679 = tpu.vector_load_idx %arg9[%and3A_675, %and3A_678] masked %eq3A_669 : memref<32x2048xf32, #tpu.memory_space<vmem>>[vector<16xi32>, vector<16xi32>], vector<16xf32>, vector<16xi1>
      %mul3A_680 = arith.constant 16 : i32
      %mul3A_681 = arith.muli %min3A, %mul3A_680 : i32
      %get3A_682 = arith.index_cast %mul3A_681 : i32 to index
      %get3A_683 = tpu.vector_load %arg11[%get3A_682] {strides = array<i32>} : memref<13184xf32, #tpu.memory_space<vmem>>, vector<16xf32>,
      %select_n3A = arith.select %eq3A_669, %gather3A_679, %get3A_683 : vector<16xi1>, vector<16xf32>
      %mul3A_684 = arith.constant 16 : i32
      %mul3A_685 = arith.muli %min3A, %mul3A_684 : i32
      %swap3A_686 = arith.index_cast %mul3A_685 : i32 to index
      %swap3A_687 = tpu.vector_load %arg11[%swap3A_686] {strides = array<i32>} : memref<13184xf32, #tpu.memory_space<vmem>>, vector<16xf32>,
      tpu.vector_store %arg11[%swap3A_686], %select_n3A {strides = array<i32>} : memref<13184xf32, #tpu.memory_space<vmem>>, vector<16xf32>,
      %gt3A_688 = arith.cmpi sgt, %reduce_max3A_629, %min3A : i32
      %convert_element_type3A_689 = arith.extui %gt3A_688 : i1 to i32
      %cond3A_690 = arith.constant 0 : i32
      %cond3A_691 = arith.cmpi ne, %convert_element_type3A_689, %cond3A_690 : i32
      scf.if %cond3A_691 {
        %mul3A_708 = arith.constant 16 : i32
        %mul3A_709 = arith.muli %reduce_max3A_629, %mul3A_708 : i32
        %add3A_710 = arith.constant 128 : i32
        %add3A_711 = arith.addi %add3A_710, %mul3A_709 : i32
        %get3A_712 = arith.index_cast %add3A_711 : i32 to index
        %get3A_713 = tpu.vector_load %arg8[%get3A_712] {strides = array<i32>} : memref<13328xi32, #tpu.memory_space<vmem>>, vector<16xi32>,
        %shift_right_arithmetic3A_714 = arith.constant 14 : i32
        %shift_right_arithmetic3A_715 = vector.broadcast %shift_right_arithmetic3A_714 : i32 to vector<16xi32>
        %shift_right_arithmetic3A_716 = arith.shrsi %get3A_713, %shift_right_arithmetic3A_715 : vector<16xi32>
        %eq3A_717 = vector.broadcast %add3A_609 : i32 to vector<16xi32>
        %eq3A_718 = arith.cmpi eq, %shift_right_arithmetic3A_716, %eq3A_717 : vector<16xi32>
        %shift_right_arithmetic3A_719 = arith.constant 11 : i32
        %shift_right_arithmetic3A_720 = vector.broadcast %shift_right_arithmetic3A_719 : i32 to vector<16xi32>
        %shift_right_arithmetic3A_721 = arith.shrsi %get3A_713, %shift_right_arithmetic3A_720 : vector<16xi32>
        %and3A_722 = arith.constant 31 : i32
        %and3A_723 = vector.broadcast %and3A_722 : i32 to vector<16xi32>
        %and3A_724 = arith.andi %shift_right_arithmetic3A_721, %and3A_723 : vector<16xi32>
        %and3A_725 = arith.constant 2047 : i32
        %and3A_726 = vector.broadcast %and3A_725 : i32 to vector<16xi32>
        %and3A_727 = arith.andi %get3A_713, %and3A_726 : vector<16xi32>
        %gather3A_728 = tpu.vector_load_idx %arg9[%and3A_724, %and3A_727] masked %eq3A_718 : memref<32x2048xf32, #tpu.memory_space<vmem>>[vector<16xi32>, vector<16xi32>], vector<16xf32>, vector<16xi1>
        %mul3A_729 = arith.constant 16 : i32
        %mul3A_730 = arith.muli %reduce_max3A_629, %mul3A_729 : i32
        %get3A_731 = arith.index_cast %mul3A_730 : i32 to index
        %get3A_732 = tpu.vector_load %arg11[%get3A_731] {strides = array<i32>} : memref<13184xf32, #tpu.memory_space<vmem>>, vector<16xf32>,
        %select_n3A_733 = arith.select %eq3A_718, %gather3A_728, %get3A_732 : vector<16xi1>, vector<16xf32>
        %mul3A_734 = arith.constant 16 : i32
        %mul3A_735 = arith.muli %reduce_max3A_629, %mul3A_734 : i32
        %swap3A_736 = arith.index_cast %mul3A_735 : i32 to index
        %swap3A_737 = tpu.vector_load %arg11[%swap3A_736] {strides = array<i32>} : memref<13184xf32, #tpu.memory_space<vmem>>, vector<16xf32>,
        tpu.vector_store %arg11[%swap3A_736], %select_n3A_733 {strides = array<i32>} : memref<13184xf32, #tpu.memory_space<vmem>>, vector<16xf32>,
      } else {
      }
      %add3A_692 = arith.constant 1 : i32
      %add3A_693 = arith.addi %min3A, %add3A_692 : i32
      %add3A_694 = arith.constant 1 : i32
      %add3A_695 = arith.addi %min3A, %add3A_694 : i32
      %max3A = arith.maxsi %reduce_max3A_629, %add3A_695 : i32
      %while3A_696 = arith.constant 0 : i32
      %while3A_697 = arith.subi %max3A, %add3A_693 : i32
      %while3A_698 = arith.addi %add3A_693, %while3A_697 : i32
      %while3A_699 = arith.constant 1 : i32
      %while3A_700 = arith.divsi %while3A_697, %while3A_699 : i32
      %while3A_701 = arith.muli %while3A_700, %while3A_699 : i32
      %while3A_702 = arith.addi %add3A_693, %while3A_701 : i32
      %while3A_703 = arith.constant 1 : i32
      %while3A_704 = scf.for %while3A_708 = %add3A_693 to %while3A_702 step %while3A_703 iter_args(%while3A_709 = %while3A_696) -> (i32)  : i32 {
        %mul3A_710 = arith.constant 16 : i32
        %mul3A_711 = arith.muli %while3A_708, %mul3A_710 : i32
        %add3A_712 = arith.constant 128 : i32
        %add3A_713 = arith.addi %add3A_712, %mul3A_711 : i32
        %get3A_714 = arith.index_cast %add3A_713 : i32 to index
        %get3A_715 = tpu.vector_load %arg8[%get3A_714] {strides = array<i32>} : memref<13328xi32, #tpu.memory_space<vmem>>, vector<16xi32>,
        %shift_right_arithmetic3A_716 = arith.constant 11 : i32
        %shift_right_arithmetic3A_717 = vector.broadcast %shift_right_arithmetic3A_716 : i32 to vector<16xi32>
        %shift_right_arithmetic3A_718 = arith.shrsi %get3A_715, %shift_right_arithmetic3A_717 : vector<16xi32>
        %and3A_719 = arith.constant 31 : i32
        %and3A_720 = vector.broadcast %and3A_719 : i32 to vector<16xi32>
        %and3A_721 = arith.andi %shift_right_arithmetic3A_718, %and3A_720 : vector<16xi32>
        %and3A_722 = arith.constant 2047 : i32
        %and3A_723 = vector.broadcast %and3A_722 : i32 to vector<16xi32>
        %and3A_724 = arith.andi %get3A_715, %and3A_723 : vector<16xi32>
        %gather3A_725 = tpu.vector_load_idx %arg9[%and3A_721, %and3A_724] : memref<32x2048xf32, #tpu.memory_space<vmem>>[vector<16xi32>, vector<16xi32>], vector<16xf32>,
        %mul3A_726 = arith.constant 16 : i32
        %mul3A_727 = arith.muli %while3A_708, %mul3A_726 : i32
        %swap3A_728 = arith.index_cast %mul3A_727 : i32 to index
        %swap3A_729 = tpu.vector_load %arg11[%swap3A_728] {strides = array<i32>} : memref<13184xf32, #tpu.memory_space<vmem>>, vector<16xf32>,
        tpu.vector_store %arg11[%swap3A_728], %gather3A_725 {strides = array<i32>} : memref<13184xf32, #tpu.memory_space<vmem>>, vector<16xf32>,
        %while3A_730 = arith.constant 0 : i32
        scf.yield %while3A_730 : i32
      }
      %while3A_705 = arith.constant 1 : i32
      %while3A_706 = scf.for %while3A_708 = %while3A_702 to %while3A_698 step %while3A_705 iter_args(%while3A_709 = %while3A_704) -> (i32)  : i32 {
        %mul3A_710 = arith.constant 16 : i32
        %mul3A_711 = arith.muli %while3A_708, %mul3A_710 : i32
        %add3A_712 = arith.constant 128 : i32
        %add3A_713 = arith.addi %add3A_712, %mul3A_711 : i32
        %get3A_714 = arith.index_cast %add3A_713 : i32 to index
        %get3A_715 = tpu.vector_load %arg8[%get3A_714] {strides = array<i32>} : memref<13328xi32, #tpu.memory_space<vmem>>, vector<16xi32>,
        %shift_right_arithmetic3A_716 = arith.constant 11 : i32
        %shift_right_arithmetic3A_717 = vector.broadcast %shift_right_arithmetic3A_716 : i32 to vector<16xi32>
        %shift_right_arithmetic3A_718 = arith.shrsi %get3A_715, %shift_right_arithmetic3A_717 : vector<16xi32>
        %and3A_719 = arith.constant 31 : i32
        %and3A_720 = vector.broadcast %and3A_719 : i32 to vector<16xi32>
        %and3A_721 = arith.andi %shift_right_arithmetic3A_718, %and3A_720 : vector<16xi32>
        %and3A_722 = arith.constant 2047 : i32
        %and3A_723 = vector.broadcast %and3A_722 : i32 to vector<16xi32>
        %and3A_724 = arith.andi %get3A_715, %and3A_723 : vector<16xi32>
        %gather3A_725 = tpu.vector_load_idx %arg9[%and3A_721, %and3A_724] : memref<32x2048xf32, #tpu.memory_space<vmem>>[vector<16xi32>, vector<16xi32>], vector<16xf32>,
        %mul3A_726 = arith.constant 16 : i32
        %mul3A_727 = arith.muli %while3A_708, %mul3A_726 : i32
        %swap3A_728 = arith.index_cast %mul3A_727 : i32 to index
        %swap3A_729 = tpu.vector_load %arg11[%swap3A_728] {strides = array<i32>} : memref<13184xf32, #tpu.memory_space<vmem>>, vector<16xf32>,
        tpu.vector_store %arg11[%swap3A_728], %gather3A_725 {strides = array<i32>} : memref<13184xf32, #tpu.memory_space<vmem>>, vector<16xf32>,
        %while3A_730 = arith.constant 0 : i32
        scf.yield %while3A_730 : i32
      }
      %while3A_707 = arith.constant 0 : i32
      scf.yield %while3A_707 : i32
    }
    %dma_start3A_431 = arith.constant 5 : i32
    %dma_start3A_432 = arith.constant 0 : i32
    %dma_start3A_433 = tpu.memref_slice %arg6[%dma_start3A_431, %dma_start3A_432] : memref<8x421888xf32, #tpu.memory_space<hbm>> -> memref<1x421888xf32, #tpu.memory_space<hbm>>
    %dma_start3A_434 = tpu.memref_squeeze %dma_start3A_433 : memref<1x421888xf32, #tpu.memory_space<hbm>> -> memref<421888xf32, #tpu.memory_space<hbm>>
    %dma_start3A_435 = tpu.memref_slice %dma_start3A_434[%mul3A_2] : memref<421888xf32, #tpu.memory_space<hbm>> -> memref<13184xf32, #tpu.memory_space<hbm>>
    %dma_start3A_436 = arith.constant 0 : i32
    %dma_start3A_437 = tpu.memref_slice %arg6[%dma_start3A_431, %dma_start3A_436] : memref<8x421888xf32, #tpu.memory_space<hbm>> -> memref<1x421888xf32, #tpu.memory_space<hbm>>
    %dma_start3A_438 = tpu.memref_squeeze %dma_start3A_437 : memref<1x421888xf32, #tpu.memory_space<hbm>> -> memref<421888xf32, #tpu.memory_space<hbm>>
    %dma_start3A_439 = tpu.memref_slice %dma_start3A_438[%mul3A_2] : memref<421888xf32, #tpu.memory_space<hbm>> -> memref<13184xf32, #tpu.memory_space<hbm>>
    tpu.enqueue_dma source(%arg11 : memref<13184xf32, #tpu.memory_space<vmem>>) target(%dma_start3A_439 : memref<13184xf32, #tpu.memory_space<hbm>>) target_semaphore(%arg18 : memref<!tpu.dma_semaphore, #tpu.memory_space<semaphore_mem>>)
    %add3A_440 = arith.constant 0 : i32
    %add3A_441 = arith.addi %shift_right_arithmetic3A_33, %add3A_440 : i32
    %and3A_442 = arith.constant 3 : i32
    %and3A_443 = arith.andi %add3A_441, %and3A_442 : i32
    %mul3A_444 = arith.constant 8 : i32
    %mul3A_445 = arith.muli %and3A_443, %mul3A_444 : i32
    %dma_start3A_446 = arith.constant 6 : i32
    %dma_start3A_447 = arith.constant 0 : i32
    %dma_start3A_448 = tpu.memref_slice %arg9[%mul3A_445, %dma_start3A_447] : memref<32x2048xf32, #tpu.memory_space<vmem>> -> memref<8x2048xf32, #tpu.memory_space<vmem>>
    %dma_start3A_449 = arith.constant 0 : i32
    %dma_start3A_450 = arith.constant 0 : i32
    %dma_start3A_451 = arith.constant 0 : i32
    %dma_start3A_452 = tpu.memref_slice %arg2[%dma_start3A_446, %dma_start3A_449, %dma_start3A_450, %dma_start3A_451] : memref<8x256x8x2048xf32, #tpu.memory_space<hbm>> -> memref<1x256x8x2048xf32, #tpu.memory_space<hbm>>
    %dma_start3A_453 = tpu.memref_squeeze %dma_start3A_452 : memref<1x256x8x2048xf32, #tpu.memory_space<hbm>> -> memref<256x8x2048xf32, #tpu.memory_space<hbm>>
    %dma_start3A_454 = arith.constant 0 : i32
    %dma_start3A_455 = arith.constant 0 : i32
    %dma_start3A_456 = tpu.memref_slice %dma_start3A_453[%add3A_441, %dma_start3A_454, %dma_start3A_455] : memref<256x8x2048xf32, #tpu.memory_space<hbm>> -> memref<1x8x2048xf32, #tpu.memory_space<hbm>>
    %dma_start3A_457 = tpu.memref_squeeze %dma_start3A_456 : memref<1x8x2048xf32, #tpu.memory_space<hbm>> -> memref<8x2048xf32, #tpu.memory_space<hbm>>
    %dma_start3A_458 = arith.constant 0 : i32
    %dma_start3A_459 = tpu.memref_slice %arg9[%mul3A_445, %dma_start3A_458] : memref<32x2048xf32, #tpu.memory_space<vmem>> -> memref<8x2048xf32, #tpu.memory_space<vmem>>
    %dma_start3A_460 = arith.constant 0 : i32
    %dma_start3A_461 = arith.constant 0 : i32
    %dma_start3A_462 = arith.constant 0 : i32
    %dma_start3A_463 = tpu.memref_slice %arg2[%dma_start3A_446, %dma_start3A_460, %dma_start3A_461, %dma_start3A_462] : memref<8x256x8x2048xf32, #tpu.memory_space<hbm>> -> memref<1x256x8x2048xf32, #tpu.memory_space<hbm>>
    %dma_start3A_464 = tpu.memref_squeeze %dma_start3A_463 : memref<1x256x8x2048xf32, #tpu.memory_space<hbm>> -> memref<256x8x2048xf32, #tpu.memory_space<hbm>>
    %dma_start3A_465 = arith.constant 0 : i32
    %dma_start3A_466 = arith.constant 0 : i32
    %dma_start3A_467 = tpu.memref_slice %dma_start3A_464[%add3A_441, %dma_start3A_465, %dma_start3A_466] : memref<256x8x2048xf32, #tpu.memory_space<hbm>> -> memref<1x8x2048xf32, #tpu.memory_space<hbm>>
    %dma_start3A_468 = tpu.memref_squeeze %dma_start3A_467 : memref<1x8x2048xf32, #tpu.memory_space<hbm>> -> memref<8x2048xf32, #tpu.memory_space<hbm>>
    tpu.enqueue_dma source(%dma_start3A_468 : memref<8x2048xf32, #tpu.memory_space<hbm>>) target(%dma_start3A_459 : memref<8x2048xf32, #tpu.memory_space<vmem>>) target_semaphore(%arg17 : memref<!tpu.dma_semaphore, #tpu.memory_space<semaphore_mem>>)
    %gt3A_469 = arith.constant 1 : i32
    %gt3A_470 = arith.cmpi sgt, %add3A_48, %gt3A_469 : i32
    %convert_element_type3A_471 = arith.extui %gt3A_470 : i1 to i32
    %cond3A_472 = arith.constant 0 : i32
    %cond3A_473 = arith.cmpi ne, %convert_element_type3A_471, %cond3A_472 : i32
    scf.if %cond3A_473 {
      %add3A_601 = arith.constant 1 : i32
      %add3A_602 = arith.addi %shift_right_arithmetic3A_33, %add3A_601 : i32
      %and3A_603 = arith.constant 3 : i32
      %and3A_604 = arith.andi %add3A_602, %and3A_603 : i32
      %mul3A_605 = arith.constant 8 : i32
      %mul3A_606 = arith.muli %and3A_604, %mul3A_605 : i32
      %dma_start3A_607 = arith.constant 6 : i32
      %dma_start3A_608 = arith.constant 0 : i32
      %dma_start3A_609 = tpu.memref_slice %arg9[%mul3A_606, %dma_start3A_608] : memref<32x2048xf32, #tpu.memory_space<vmem>> -> memref<8x2048xf32, #tpu.memory_space<vmem>>
      %dma_start3A_610 = arith.constant 0 : i32
      %dma_start3A_611 = arith.constant 0 : i32
      %dma_start3A_612 = arith.constant 0 : i32
      %dma_start3A_613 = tpu.memref_slice %arg2[%dma_start3A_607, %dma_start3A_610, %dma_start3A_611, %dma_start3A_612] : memref<8x256x8x2048xf32, #tpu.memory_space<hbm>> -> memref<1x256x8x2048xf32, #tpu.memory_space<hbm>>
      %dma_start3A_614 = tpu.memref_squeeze %dma_start3A_613 : memref<1x256x8x2048xf32, #tpu.memory_space<hbm>> -> memref<256x8x2048xf32, #tpu.memory_space<hbm>>
      %dma_start3A_615 = arith.constant 0 : i32
      %dma_start3A_616 = arith.constant 0 : i32
      %dma_start3A_617 = tpu.memref_slice %dma_start3A_614[%add3A_602, %dma_start3A_615, %dma_start3A_616] : memref<256x8x2048xf32, #tpu.memory_space<hbm>> -> memref<1x8x2048xf32, #tpu.memory_space<hbm>>
      %dma_start3A_618 = tpu.memref_squeeze %dma_start3A_617 : memref<1x8x2048xf32, #tpu.memory_space<hbm>> -> memref<8x2048xf32, #tpu.memory_space<hbm>>
      %dma_start3A_619 = arith.constant 0 : i32
      %dma_start3A_620 = tpu.memref_slice %arg9[%mul3A_606, %dma_start3A_619] : memref<32x2048xf32, #tpu.memory_space<vmem>> -> memref<8x2048xf32, #tpu.memory_space<vmem>>
      %dma_start3A_621 = arith.constant 0 : i32
      %dma_start3A_622 = arith.constant 0 : i32
      %dma_start3A_623 = arith.constant 0 : i32
      %dma_start3A_624 = tpu.memref_slice %arg2[%dma_start3A_607, %dma_start3A_621, %dma_start3A_622, %dma_start3A_623] : memref<8x256x8x2048xf32, #tpu.memory_space<hbm>> -> memref<1x256x8x2048xf32, #tpu.memory_space<hbm>>
      %dma_start3A_625 = tpu.memref_squeeze %dma_start3A_624 : memref<1x256x8x2048xf32, #tpu.memory_space<hbm>> -> memref<256x8x2048xf32, #tpu.memory_space<hbm>>
      %dma_start3A_626 = arith.constant 0 : i32
      %dma_start3A_627 = arith.constant 0 : i32
      %dma_start3A_628 = tpu.memref_slice %dma_start3A_625[%add3A_602, %dma_start3A_626, %dma_start3A_627] : memref<256x8x2048xf32, #tpu.memory_space<hbm>> -> memref<1x8x2048xf32, #tpu.memory_space<hbm>>
      %dma_start3A_629 = tpu.memref_squeeze %dma_start3A_628 : memref<1x8x2048xf32, #tpu.memory_space<hbm>> -> memref<8x2048xf32, #tpu.memory_space<hbm>>
      tpu.enqueue_dma source(%dma_start3A_629 : memref<8x2048xf32, #tpu.memory_space<hbm>>) target(%dma_start3A_620 : memref<8x2048xf32, #tpu.memory_space<vmem>>) target_semaphore(%arg17 : memref<!tpu.dma_semaphore, #tpu.memory_space<semaphore_mem>>)
    } else {
    }
    %gt3A_474 = arith.constant 2 : i32
    %gt3A_475 = arith.cmpi sgt, %add3A_48, %gt3A_474 : i32
    %convert_element_type3A_476 = arith.extui %gt3A_475 : i1 to i32
    %cond3A_477 = arith.constant 0 : i32
    %cond3A_478 = arith.cmpi ne, %convert_element_type3A_476, %cond3A_477 : i32
    scf.if %cond3A_478 {
      %add3A_601 = arith.constant 2 : i32
      %add3A_602 = arith.addi %shift_right_arithmetic3A_33, %add3A_601 : i32
      %and3A_603 = arith.constant 3 : i32
      %and3A_604 = arith.andi %add3A_602, %and3A_603 : i32
      %mul3A_605 = arith.constant 8 : i32
      %mul3A_606 = arith.muli %and3A_604, %mul3A_605 : i32
      %dma_start3A_607 = arith.constant 6 : i32
      %dma_start3A_608 = arith.constant 0 : i32
      %dma_start3A_609 = tpu.memref_slice %arg9[%mul3A_606, %dma_start3A_608] : memref<32x2048xf32, #tpu.memory_space<vmem>> -> memref<8x2048xf32, #tpu.memory_space<vmem>>
      %dma_start3A_610 = arith.constant 0 : i32
      %dma_start3A_611 = arith.constant 0 : i32
      %dma_start3A_612 = arith.constant 0 : i32
      %dma_start3A_613 = tpu.memref_slice %arg2[%dma_start3A_607, %dma_start3A_610, %dma_start3A_611, %dma_start3A_612] : memref<8x256x8x2048xf32, #tpu.memory_space<hbm>> -> memref<1x256x8x2048xf32, #tpu.memory_space<hbm>>
      %dma_start3A_614 = tpu.memref_squeeze %dma_start3A_613 : memref<1x256x8x2048xf32, #tpu.memory_space<hbm>> -> memref<256x8x2048xf32, #tpu.memory_space<hbm>>
      %dma_start3A_615 = arith.constant 0 : i32
      %dma_start3A_616 = arith.constant 0 : i32
      %dma_start3A_617 = tpu.memref_slice %dma_start3A_614[%add3A_602, %dma_start3A_615, %dma_start3A_616] : memref<256x8x2048xf32, #tpu.memory_space<hbm>> -> memref<1x8x2048xf32, #tpu.memory_space<hbm>>
      %dma_start3A_618 = tpu.memref_squeeze %dma_start3A_617 : memref<1x8x2048xf32, #tpu.memory_space<hbm>> -> memref<8x2048xf32, #tpu.memory_space<hbm>>
      %dma_start3A_619 = arith.constant 0 : i32
      %dma_start3A_620 = tpu.memref_slice %arg9[%mul3A_606, %dma_start3A_619] : memref<32x2048xf32, #tpu.memory_space<vmem>> -> memref<8x2048xf32, #tpu.memory_space<vmem>>
      %dma_start3A_621 = arith.constant 0 : i32
      %dma_start3A_622 = arith.constant 0 : i32
      %dma_start3A_623 = arith.constant 0 : i32
      %dma_start3A_624 = tpu.memref_slice %arg2[%dma_start3A_607, %dma_start3A_621, %dma_start3A_622, %dma_start3A_623] : memref<8x256x8x2048xf32, #tpu.memory_space<hbm>> -> memref<1x256x8x2048xf32, #tpu.memory_space<hbm>>
      %dma_start3A_625 = tpu.memref_squeeze %dma_start3A_624 : memref<1x256x8x2048xf32, #tpu.memory_space<hbm>> -> memref<256x8x2048xf32, #tpu.memory_space<hbm>>
      %dma_start3A_626 = arith.constant 0 : i32
      %dma_start3A_627 = arith.constant 0 : i32
      %dma_start3A_628 = tpu.memref_slice %dma_start3A_625[%add3A_602, %dma_start3A_626, %dma_start3A_627] : memref<256x8x2048xf32, #tpu.memory_space<hbm>> -> memref<1x8x2048xf32, #tpu.memory_space<hbm>>
      %dma_start3A_629 = tpu.memref_squeeze %dma_start3A_628 : memref<1x8x2048xf32, #tpu.memory_space<hbm>> -> memref<8x2048xf32, #tpu.memory_space<hbm>>
      tpu.enqueue_dma source(%dma_start3A_629 : memref<8x2048xf32, #tpu.memory_space<hbm>>) target(%dma_start3A_620 : memref<8x2048xf32, #tpu.memory_space<vmem>>) target_semaphore(%arg17 : memref<!tpu.dma_semaphore, #tpu.memory_space<semaphore_mem>>)
    } else {
    }
    %dma_wait3A_479 = arith.constant 4 : i32
    %dma_wait3A_480 = arith.constant 0 : i32
    %dma_wait3A_481 = tpu.memref_slice %arg6[%dma_wait3A_479, %dma_wait3A_480] : memref<8x421888xf32, #tpu.memory_space<hbm>> -> memref<1x421888xf32, #tpu.memory_space<hbm>>
    %dma_wait3A_482 = tpu.memref_squeeze %dma_wait3A_481 : memref<1x421888xf32, #tpu.memory_space<hbm>> -> memref<421888xf32, #tpu.memory_space<hbm>>
    %dma_wait3A_483 = tpu.memref_slice %dma_wait3A_482[%mul3A_2] : memref<421888xf32, #tpu.memory_space<hbm>> -> memref<13184xf32, #tpu.memory_space<hbm>>
    %dma_wait3A_484 = arith.constant 0 : i32
    %dma_wait3A_485 = tpu.memref_slice %arg6[%dma_wait3A_479, %dma_wait3A_484] : memref<8x421888xf32, #tpu.memory_space<hbm>> -> memref<1x421888xf32, #tpu.memory_space<hbm>>
    %dma_wait3A_486 = tpu.memref_squeeze %dma_wait3A_485 : memref<1x421888xf32, #tpu.memory_space<hbm>> -> memref<421888xf32, #tpu.memory_space<hbm>>
    %dma_wait3A_487 = tpu.memref_slice %dma_wait3A_486[%mul3A_2] : memref<421888xf32, #tpu.memory_space<hbm>> -> memref<13184xf32, #tpu.memory_space<hbm>>
    tpu.wait_dma2 semaphore(%arg18 : memref<!tpu.dma_semaphore, #tpu.memory_space<semaphore_mem>>) src(%arg10 : memref<13184xf32, #tpu.memory_space<vmem>>) dst(%dma_wait3A_487 : memref<13184xf32, #tpu.memory_space<hbm>>)
    %while3A_488 = arith.constant 0 : i32
    %while3A_489 = arith.constant 0 : i32
    %while3A_490 = arith.subi %add3A_48, %while3A_488 : i32
    %while3A_491 = arith.addi %while3A_488, %while3A_490 : i32
    %while3A_492 = arith.constant 1 : i32
    %while3A_493 = arith.divsi %while3A_490, %while3A_492 : i32
    %while3A_494 = arith.muli %while3A_493, %while3A_492 : i32
    %while3A_495 = arith.addi %while3A_488, %while3A_494 : i32
    %while3A_496 = arith.constant 1 : i32
    %while3A_497 = scf.for %while3A_601 = %while3A_488 to %while3A_495 step %while3A_496 iter_args(%while3A_602 = %while3A_489) -> (i32)  : i32 {
      %add3A_603 = arith.constant 3 : i32
      %add3A_604 = arith.addi %while3A_601, %add3A_603 : i32
      %lt3A_605 = arith.cmpi slt, %add3A_604, %add3A_48 : i32
      %convert_element_type3A_606 = arith.extui %lt3A_605 : i1 to i32
      %cond3A_607 = arith.constant 0 : i32
      %cond3A_608 = arith.cmpi ne, %convert_element_type3A_606, %cond3A_607 : i32
      scf.if %cond3A_608 {
        %add3A_708 = arith.constant 3 : i32
        %add3A_709 = arith.addi %while3A_601, %add3A_708 : i32
        %add3A_710 = arith.addi %shift_right_arithmetic3A_33, %add3A_709 : i32
        %and3A_711 = arith.constant 3 : i32
        %and3A_712 = arith.andi %add3A_710, %and3A_711 : i32
        %mul3A_713 = arith.constant 8 : i32
        %mul3A_714 = arith.muli %and3A_712, %mul3A_713 : i32
        %dma_start3A_715 = arith.constant 6 : i32
        %dma_start3A_716 = arith.constant 0 : i32
        %dma_start3A_717 = tpu.memref_slice %arg9[%mul3A_714, %dma_start3A_716] : memref<32x2048xf32, #tpu.memory_space<vmem>> -> memref<8x2048xf32, #tpu.memory_space<vmem>>
        %dma_start3A_718 = arith.constant 0 : i32
        %dma_start3A_719 = arith.constant 0 : i32
        %dma_start3A_720 = arith.constant 0 : i32
        %dma_start3A_721 = tpu.memref_slice %arg2[%dma_start3A_715, %dma_start3A_718, %dma_start3A_719, %dma_start3A_720] : memref<8x256x8x2048xf32, #tpu.memory_space<hbm>> -> memref<1x256x8x2048xf32, #tpu.memory_space<hbm>>
        %dma_start3A_722 = tpu.memref_squeeze %dma_start3A_721 : memref<1x256x8x2048xf32, #tpu.memory_space<hbm>> -> memref<256x8x2048xf32, #tpu.memory_space<hbm>>
        %dma_start3A_723 = arith.constant 0 : i32
        %dma_start3A_724 = arith.constant 0 : i32
        %dma_start3A_725 = tpu.memref_slice %dma_start3A_722[%add3A_710, %dma_start3A_723, %dma_start3A_724] : memref<256x8x2048xf32, #tpu.memory_space<hbm>> -> memref<1x8x2048xf32, #tpu.memory_space<hbm>>
        %dma_start3A_726 = tpu.memref_squeeze %dma_start3A_725 : memref<1x8x2048xf32, #tpu.memory_space<hbm>> -> memref<8x2048xf32, #tpu.memory_space<hbm>>
        %dma_start3A_727 = arith.constant 0 : i32
        %dma_start3A_728 = tpu.memref_slice %arg9[%mul3A_714, %dma_start3A_727] : memref<32x2048xf32, #tpu.memory_space<vmem>> -> memref<8x2048xf32, #tpu.memory_space<vmem>>
        %dma_start3A_729 = arith.constant 0 : i32
        %dma_start3A_730 = arith.constant 0 : i32
        %dma_start3A_731 = arith.constant 0 : i32
        %dma_start3A_732 = tpu.memref_slice %arg2[%dma_start3A_715, %dma_start3A_729, %dma_start3A_730, %dma_start3A_731] : memref<8x256x8x2048xf32, #tpu.memory_space<hbm>> -> memref<1x256x8x2048xf32, #tpu.memory_space<hbm>>
        %dma_start3A_733 = tpu.memref_squeeze %dma_start3A_732 : memref<1x256x8x2048xf32, #tpu.memory_space<hbm>> -> memref<256x8x2048xf32, #tpu.memory_space<hbm>>
        %dma_start3A_734 = arith.constant 0 : i32
        %dma_start3A_735 = arith.constant 0 : i32
        %dma_start3A_736 = tpu.memref_slice %dma_start3A_733[%add3A_710, %dma_start3A_734, %dma_start3A_735] : memref<256x8x2048xf32, #tpu.memory_space<hbm>> -> memref<1x8x2048xf32, #tpu.memory_space<hbm>>
        %dma_start3A_737 = tpu.memref_squeeze %dma_start3A_736 : memref<1x8x2048xf32, #tpu.memory_space<hbm>> -> memref<8x2048xf32, #tpu.memory_space<hbm>>
        tpu.enqueue_dma source(%dma_start3A_737 : memref<8x2048xf32, #tpu.memory_space<hbm>>) target(%dma_start3A_728 : memref<8x2048xf32, #tpu.memory_space<vmem>>) target_semaphore(%arg17 : memref<!tpu.dma_semaphore, #tpu.memory_space<semaphore_mem>>)
      } else {
      }
      %add3A_609 = arith.addi %shift_right_arithmetic3A_33, %while3A_601 : i32
      %broadcast_in_dim3A_610 = vector.broadcast %add3A_609 : i32 to vector<16xi32>
      %gather3A_611 = tpu.vector_load_idx %arg12[%broadcast_in_dim3A_610] : memref<256xi32, #tpu.memory_space<vmem>>[vector<16xi32>], vector<16xi32>,
      %reduce_max3A_612 = arith.constant true
      %reduce_max3A_613 = vector.broadcast %reduce_max3A_612 : i1 to vector<16xi1>
      %reduce_max3A_614 = arith.constant -2147483648 : i32
      %reduce_max3A_615 = vector.broadcast %reduce_max3A_614 : i32 to vector<16xi32>
      %reduce_max3A_616 = arith.xori %gather3A_611, %reduce_max3A_615 : vector<16xi32>
      %reduce_max3A_617 = tpu.scan <max>, %reduce_max3A_616 masked %reduce_max3A_613 : vector<16xi32>, vector<16xi1> -> vector<16xi32>
      %reduce_max3A_618 = arith.xori %reduce_max3A_617, %reduce_max3A_615 : vector<16xi32>
      %reduce_max3A_619 = vector.extract %reduce_max3A_618[15] : i32 from vector<16xi32>
      %broadcast_in_dim3A_620 = vector.broadcast %add3A_609 : i32 to vector<16xi32>
      %gather3A_621 = tpu.vector_load_idx %arg13[%broadcast_in_dim3A_620] : memref<256xi32, #tpu.memory_space<vmem>>[vector<16xi32>], vector<16xi32>,
      %reduce_max3A_622 = arith.constant true
      %reduce_max3A_623 = vector.broadcast %reduce_max3A_622 : i1 to vector<16xi1>
      %reduce_max3A_624 = arith.constant -2147483648 : i32
      %reduce_max3A_625 = vector.broadcast %reduce_max3A_624 : i32 to vector<16xi32>
      %reduce_max3A_626 = arith.xori %gather3A_621, %reduce_max3A_625 : vector<16xi32>
      %reduce_max3A_627 = tpu.scan <max>, %reduce_max3A_626 masked %reduce_max3A_623 : vector<16xi32>, vector<16xi1> -> vector<16xi32>
      %reduce_max3A_628 = arith.xori %reduce_max3A_627, %reduce_max3A_625 : vector<16xi32>
      %reduce_max3A_629 = vector.extract %reduce_max3A_628[15] : i32 from vector<16xi32>
      %add3A_630 = arith.constant 1 : i32
      %add3A_631 = arith.addi %reduce_max3A_629, %add3A_630 : i32
      %min3A = arith.minsi %reduce_max3A_619, %add3A_631 : i32
      %add3A_632 = arith.addi %shift_right_arithmetic3A_33, %while3A_601 : i32
      %and3A_633 = arith.constant 3 : i32
      %and3A_634 = arith.andi %add3A_632, %and3A_633 : i32
      %mul3A_635 = arith.constant 8 : i32
      %mul3A_636 = arith.muli %and3A_634, %mul3A_635 : i32
      %dma_wait3A_637 = arith.constant 6 : i32
      %dma_wait3A_638 = arith.constant 0 : i32
      %dma_wait3A_639 = tpu.memref_slice %arg9[%mul3A_636, %dma_wait3A_638] : memref<32x2048xf32, #tpu.memory_space<vmem>> -> memref<8x2048xf32, #tpu.memory_space<vmem>>
      %dma_wait3A_640 = arith.constant 0 : i32
      %dma_wait3A_641 = arith.constant 0 : i32
      %dma_wait3A_642 = arith.constant 0 : i32
      %dma_wait3A_643 = tpu.memref_slice %arg2[%dma_wait3A_637, %dma_wait3A_640, %dma_wait3A_641, %dma_wait3A_642] : memref<8x256x8x2048xf32, #tpu.memory_space<hbm>> -> memref<1x256x8x2048xf32, #tpu.memory_space<hbm>>
      %dma_wait3A_644 = tpu.memref_squeeze %dma_wait3A_643 : memref<1x256x8x2048xf32, #tpu.memory_space<hbm>> -> memref<256x8x2048xf32, #tpu.memory_space<hbm>>
      %dma_wait3A_645 = arith.constant 0 : i32
      %dma_wait3A_646 = arith.constant 0 : i32
      %dma_wait3A_647 = tpu.memref_slice %dma_wait3A_644[%add3A_632, %dma_wait3A_645, %dma_wait3A_646] : memref<256x8x2048xf32, #tpu.memory_space<hbm>> -> memref<1x8x2048xf32, #tpu.memory_space<hbm>>
      %dma_wait3A_648 = tpu.memref_squeeze %dma_wait3A_647 : memref<1x8x2048xf32, #tpu.memory_space<hbm>> -> memref<8x2048xf32, #tpu.memory_space<hbm>>
      %dma_wait3A_649 = arith.constant 0 : i32
      %dma_wait3A_650 = tpu.memref_slice %arg9[%mul3A_636, %dma_wait3A_649] : memref<32x2048xf32, #tpu.memory_space<vmem>> -> memref<8x2048xf32, #tpu.memory_space<vmem>>
      %dma_wait3A_651 = arith.constant 0 : i32
      %dma_wait3A_652 = arith.constant 0 : i32
      %dma_wait3A_653 = arith.constant 0 : i32
      %dma_wait3A_654 = tpu.memref_slice %arg2[%dma_wait3A_637, %dma_wait3A_651, %dma_wait3A_652, %dma_wait3A_653] : memref<8x256x8x2048xf32, #tpu.memory_space<hbm>> -> memref<1x256x8x2048xf32, #tpu.memory_space<hbm>>
      %dma_wait3A_655 = tpu.memref_squeeze %dma_wait3A_654 : memref<1x256x8x2048xf32, #tpu.memory_space<hbm>> -> memref<256x8x2048xf32, #tpu.memory_space<hbm>>
      %dma_wait3A_656 = arith.constant 0 : i32
      %dma_wait3A_657 = arith.constant 0 : i32
      %dma_wait3A_658 = tpu.memref_slice %dma_wait3A_655[%add3A_632, %dma_wait3A_656, %dma_wait3A_657] : memref<256x8x2048xf32, #tpu.memory_space<hbm>> -> memref<1x8x2048xf32, #tpu.memory_space<hbm>>
      %dma_wait3A_659 = tpu.memref_squeeze %dma_wait3A_658 : memref<1x8x2048xf32, #tpu.memory_space<hbm>> -> memref<8x2048xf32, #tpu.memory_space<hbm>>
      tpu.wait_dma2 semaphore(%arg17 : memref<!tpu.dma_semaphore, #tpu.memory_space<semaphore_mem>>) src(%dma_wait3A_659 : memref<8x2048xf32, #tpu.memory_space<hbm>>) dst(%dma_wait3A_650 : memref<8x2048xf32, #tpu.memory_space<vmem>>)
      %mul3A_660 = arith.constant 16 : i32
      %mul3A_661 = arith.muli %min3A, %mul3A_660 : i32
      %add3A_662 = arith.constant 128 : i32
      %add3A_663 = arith.addi %add3A_662, %mul3A_661 : i32
      %get3A = arith.index_cast %add3A_663 : i32 to index
      %get3A_664 = tpu.vector_load %arg8[%get3A] {strides = array<i32>} : memref<13328xi32, #tpu.memory_space<vmem>>, vector<16xi32>,
      %shift_right_arithmetic3A_665 = arith.constant 14 : i32
      %shift_right_arithmetic3A_666 = vector.broadcast %shift_right_arithmetic3A_665 : i32 to vector<16xi32>
      %shift_right_arithmetic3A_667 = arith.shrsi %get3A_664, %shift_right_arithmetic3A_666 : vector<16xi32>
      %eq3A_668 = vector.broadcast %add3A_609 : i32 to vector<16xi32>
      %eq3A_669 = arith.cmpi eq, %shift_right_arithmetic3A_667, %eq3A_668 : vector<16xi32>
      %shift_right_arithmetic3A_670 = arith.constant 11 : i32
      %shift_right_arithmetic3A_671 = vector.broadcast %shift_right_arithmetic3A_670 : i32 to vector<16xi32>
      %shift_right_arithmetic3A_672 = arith.shrsi %get3A_664, %shift_right_arithmetic3A_671 : vector<16xi32>
      %and3A_673 = arith.constant 31 : i32
      %and3A_674 = vector.broadcast %and3A_673 : i32 to vector<16xi32>
      %and3A_675 = arith.andi %shift_right_arithmetic3A_672, %and3A_674 : vector<16xi32>
      %and3A_676 = arith.constant 2047 : i32
      %and3A_677 = vector.broadcast %and3A_676 : i32 to vector<16xi32>
      %and3A_678 = arith.andi %get3A_664, %and3A_677 : vector<16xi32>
      %gather3A_679 = tpu.vector_load_idx %arg9[%and3A_675, %and3A_678] masked %eq3A_669 : memref<32x2048xf32, #tpu.memory_space<vmem>>[vector<16xi32>, vector<16xi32>], vector<16xf32>, vector<16xi1>
      %mul3A_680 = arith.constant 16 : i32
      %mul3A_681 = arith.muli %min3A, %mul3A_680 : i32
      %get3A_682 = arith.index_cast %mul3A_681 : i32 to index
      %get3A_683 = tpu.vector_load %arg10[%get3A_682] {strides = array<i32>} : memref<13184xf32, #tpu.memory_space<vmem>>, vector<16xf32>,
      %select_n3A = arith.select %eq3A_669, %gather3A_679, %get3A_683 : vector<16xi1>, vector<16xf32>
      %mul3A_684 = arith.constant 16 : i32
      %mul3A_685 = arith.muli %min3A, %mul3A_684 : i32
      %swap3A_686 = arith.index_cast %mul3A_685 : i32 to index
      %swap3A_687 = tpu.vector_load %arg10[%swap3A_686] {strides = array<i32>} : memref<13184xf32, #tpu.memory_space<vmem>>, vector<16xf32>,
      tpu.vector_store %arg10[%swap3A_686], %select_n3A {strides = array<i32>} : memref<13184xf32, #tpu.memory_space<vmem>>, vector<16xf32>,
      %gt3A_688 = arith.cmpi sgt, %reduce_max3A_629, %min3A : i32
      %convert_element_type3A_689 = arith.extui %gt3A_688 : i1 to i32
      %cond3A_690 = arith.constant 0 : i32
      %cond3A_691 = arith.cmpi ne, %convert_element_type3A_689, %cond3A_690 : i32
      scf.if %cond3A_691 {
        %mul3A_708 = arith.constant 16 : i32
        %mul3A_709 = arith.muli %reduce_max3A_629, %mul3A_708 : i32
        %add3A_710 = arith.constant 128 : i32
        %add3A_711 = arith.addi %add3A_710, %mul3A_709 : i32
        %get3A_712 = arith.index_cast %add3A_711 : i32 to index
        %get3A_713 = tpu.vector_load %arg8[%get3A_712] {strides = array<i32>} : memref<13328xi32, #tpu.memory_space<vmem>>, vector<16xi32>,
        %shift_right_arithmetic3A_714 = arith.constant 14 : i32
        %shift_right_arithmetic3A_715 = vector.broadcast %shift_right_arithmetic3A_714 : i32 to vector<16xi32>
        %shift_right_arithmetic3A_716 = arith.shrsi %get3A_713, %shift_right_arithmetic3A_715 : vector<16xi32>
        %eq3A_717 = vector.broadcast %add3A_609 : i32 to vector<16xi32>
        %eq3A_718 = arith.cmpi eq, %shift_right_arithmetic3A_716, %eq3A_717 : vector<16xi32>
        %shift_right_arithmetic3A_719 = arith.constant 11 : i32
        %shift_right_arithmetic3A_720 = vector.broadcast %shift_right_arithmetic3A_719 : i32 to vector<16xi32>
        %shift_right_arithmetic3A_721 = arith.shrsi %get3A_713, %shift_right_arithmetic3A_720 : vector<16xi32>
        %and3A_722 = arith.constant 31 : i32
        %and3A_723 = vector.broadcast %and3A_722 : i32 to vector<16xi32>
        %and3A_724 = arith.andi %shift_right_arithmetic3A_721, %and3A_723 : vector<16xi32>
        %and3A_725 = arith.constant 2047 : i32
        %and3A_726 = vector.broadcast %and3A_725 : i32 to vector<16xi32>
        %and3A_727 = arith.andi %get3A_713, %and3A_726 : vector<16xi32>
        %gather3A_728 = tpu.vector_load_idx %arg9[%and3A_724, %and3A_727] masked %eq3A_718 : memref<32x2048xf32, #tpu.memory_space<vmem>>[vector<16xi32>, vector<16xi32>], vector<16xf32>, vector<16xi1>
        %mul3A_729 = arith.constant 16 : i32
        %mul3A_730 = arith.muli %reduce_max3A_629, %mul3A_729 : i32
        %get3A_731 = arith.index_cast %mul3A_730 : i32 to index
        %get3A_732 = tpu.vector_load %arg10[%get3A_731] {strides = array<i32>} : memref<13184xf32, #tpu.memory_space<vmem>>, vector<16xf32>,
        %select_n3A_733 = arith.select %eq3A_718, %gather3A_728, %get3A_732 : vector<16xi1>, vector<16xf32>
        %mul3A_734 = arith.constant 16 : i32
        %mul3A_735 = arith.muli %reduce_max3A_629, %mul3A_734 : i32
        %swap3A_736 = arith.index_cast %mul3A_735 : i32 to index
        %swap3A_737 = tpu.vector_load %arg10[%swap3A_736] {strides = array<i32>} : memref<13184xf32, #tpu.memory_space<vmem>>, vector<16xf32>,
        tpu.vector_store %arg10[%swap3A_736], %select_n3A_733 {strides = array<i32>} : memref<13184xf32, #tpu.memory_space<vmem>>, vector<16xf32>,
      } else {
      }
      %add3A_692 = arith.constant 1 : i32
      %add3A_693 = arith.addi %min3A, %add3A_692 : i32
      %add3A_694 = arith.constant 1 : i32
      %add3A_695 = arith.addi %min3A, %add3A_694 : i32
      %max3A = arith.maxsi %reduce_max3A_629, %add3A_695 : i32
      %while3A_696 = arith.constant 0 : i32
      %while3A_697 = arith.subi %max3A, %add3A_693 : i32
      %while3A_698 = arith.addi %add3A_693, %while3A_697 : i32
      %while3A_699 = arith.constant 1 : i32
      %while3A_700 = arith.divsi %while3A_697, %while3A_699 : i32
      %while3A_701 = arith.muli %while3A_700, %while3A_699 : i32
      %while3A_702 = arith.addi %add3A_693, %while3A_701 : i32
      %while3A_703 = arith.constant 1 : i32
      %while3A_704 = scf.for %while3A_708 = %add3A_693 to %while3A_702 step %while3A_703 iter_args(%while3A_709 = %while3A_696) -> (i32)  : i32 {
        %mul3A_710 = arith.constant 16 : i32
        %mul3A_711 = arith.muli %while3A_708, %mul3A_710 : i32
        %add3A_712 = arith.constant 128 : i32
        %add3A_713 = arith.addi %add3A_712, %mul3A_711 : i32
        %get3A_714 = arith.index_cast %add3A_713 : i32 to index
        %get3A_715 = tpu.vector_load %arg8[%get3A_714] {strides = array<i32>} : memref<13328xi32, #tpu.memory_space<vmem>>, vector<16xi32>,
        %shift_right_arithmetic3A_716 = arith.constant 11 : i32
        %shift_right_arithmetic3A_717 = vector.broadcast %shift_right_arithmetic3A_716 : i32 to vector<16xi32>
        %shift_right_arithmetic3A_718 = arith.shrsi %get3A_715, %shift_right_arithmetic3A_717 : vector<16xi32>
        %and3A_719 = arith.constant 31 : i32
        %and3A_720 = vector.broadcast %and3A_719 : i32 to vector<16xi32>
        %and3A_721 = arith.andi %shift_right_arithmetic3A_718, %and3A_720 : vector<16xi32>
        %and3A_722 = arith.constant 2047 : i32
        %and3A_723 = vector.broadcast %and3A_722 : i32 to vector<16xi32>
        %and3A_724 = arith.andi %get3A_715, %and3A_723 : vector<16xi32>
        %gather3A_725 = tpu.vector_load_idx %arg9[%and3A_721, %and3A_724] : memref<32x2048xf32, #tpu.memory_space<vmem>>[vector<16xi32>, vector<16xi32>], vector<16xf32>,
        %mul3A_726 = arith.constant 16 : i32
        %mul3A_727 = arith.muli %while3A_708, %mul3A_726 : i32
        %swap3A_728 = arith.index_cast %mul3A_727 : i32 to index
        %swap3A_729 = tpu.vector_load %arg10[%swap3A_728] {strides = array<i32>} : memref<13184xf32, #tpu.memory_space<vmem>>, vector<16xf32>,
        tpu.vector_store %arg10[%swap3A_728], %gather3A_725 {strides = array<i32>} : memref<13184xf32, #tpu.memory_space<vmem>>, vector<16xf32>,
        %while3A_730 = arith.constant 0 : i32
        scf.yield %while3A_730 : i32
      }
      %while3A_705 = arith.constant 1 : i32
      %while3A_706 = scf.for %while3A_708 = %while3A_702 to %while3A_698 step %while3A_705 iter_args(%while3A_709 = %while3A_704) -> (i32)  : i32 {
        %mul3A_710 = arith.constant 16 : i32
        %mul3A_711 = arith.muli %while3A_708, %mul3A_710 : i32
        %add3A_712 = arith.constant 128 : i32
        %add3A_713 = arith.addi %add3A_712, %mul3A_711 : i32
        %get3A_714 = arith.index_cast %add3A_713 : i32 to index
        %get3A_715 = tpu.vector_load %arg8[%get3A_714] {strides = array<i32>} : memref<13328xi32, #tpu.memory_space<vmem>>, vector<16xi32>,
        %shift_right_arithmetic3A_716 = arith.constant 11 : i32
        %shift_right_arithmetic3A_717 = vector.broadcast %shift_right_arithmetic3A_716 : i32 to vector<16xi32>
        %shift_right_arithmetic3A_718 = arith.shrsi %get3A_715, %shift_right_arithmetic3A_717 : vector<16xi32>
        %and3A_719 = arith.constant 31 : i32
        %and3A_720 = vector.broadcast %and3A_719 : i32 to vector<16xi32>
        %and3A_721 = arith.andi %shift_right_arithmetic3A_718, %and3A_720 : vector<16xi32>
        %and3A_722 = arith.constant 2047 : i32
        %and3A_723 = vector.broadcast %and3A_722 : i32 to vector<16xi32>
        %and3A_724 = arith.andi %get3A_715, %and3A_723 : vector<16xi32>
        %gather3A_725 = tpu.vector_load_idx %arg9[%and3A_721, %and3A_724] : memref<32x2048xf32, #tpu.memory_space<vmem>>[vector<16xi32>, vector<16xi32>], vector<16xf32>,
        %mul3A_726 = arith.constant 16 : i32
        %mul3A_727 = arith.muli %while3A_708, %mul3A_726 : i32
        %swap3A_728 = arith.index_cast %mul3A_727 : i32 to index
        %swap3A_729 = tpu.vector_load %arg10[%swap3A_728] {strides = array<i32>} : memref<13184xf32, #tpu.memory_space<vmem>>, vector<16xf32>,
        tpu.vector_store %arg10[%swap3A_728], %gather3A_725 {strides = array<i32>} : memref<13184xf32, #tpu.memory_space<vmem>>, vector<16xf32>,
        %while3A_730 = arith.constant 0 : i32
        scf.yield %while3A_730 : i32
      }
      %while3A_707 = arith.constant 0 : i32
      scf.yield %while3A_707 : i32
    }
    %while3A_498 = arith.constant 1 : i32
    %while3A_499 = scf.for %while3A_601 = %while3A_495 to %while3A_491 step %while3A_498 iter_args(%while3A_602 = %while3A_497) -> (i32)  : i32 {
      %add3A_603 = arith.constant 3 : i32
      %add3A_604 = arith.addi %while3A_601, %add3A_603 : i32
      %lt3A_605 = arith.cmpi slt, %add3A_604, %add3A_48 : i32
      %convert_element_type3A_606 = arith.extui %lt3A_605 : i1 to i32
      %cond3A_607 = arith.constant 0 : i32
      %cond3A_608 = arith.cmpi ne, %convert_element_type3A_606, %cond3A_607 : i32
      scf.if %cond3A_608 {
        %add3A_708 = arith.constant 3 : i32
        %add3A_709 = arith.addi %while3A_601, %add3A_708 : i32
        %add3A_710 = arith.addi %shift_right_arithmetic3A_33, %add3A_709 : i32
        %and3A_711 = arith.constant 3 : i32
        %and3A_712 = arith.andi %add3A_710, %and3A_711 : i32
        %mul3A_713 = arith.constant 8 : i32
        %mul3A_714 = arith.muli %and3A_712, %mul3A_713 : i32
        %dma_start3A_715 = arith.constant 6 : i32
        %dma_start3A_716 = arith.constant 0 : i32
        %dma_start3A_717 = tpu.memref_slice %arg9[%mul3A_714, %dma_start3A_716] : memref<32x2048xf32, #tpu.memory_space<vmem>> -> memref<8x2048xf32, #tpu.memory_space<vmem>>
        %dma_start3A_718 = arith.constant 0 : i32
        %dma_start3A_719 = arith.constant 0 : i32
        %dma_start3A_720 = arith.constant 0 : i32
        %dma_start3A_721 = tpu.memref_slice %arg2[%dma_start3A_715, %dma_start3A_718, %dma_start3A_719, %dma_start3A_720] : memref<8x256x8x2048xf32, #tpu.memory_space<hbm>> -> memref<1x256x8x2048xf32, #tpu.memory_space<hbm>>
        %dma_start3A_722 = tpu.memref_squeeze %dma_start3A_721 : memref<1x256x8x2048xf32, #tpu.memory_space<hbm>> -> memref<256x8x2048xf32, #tpu.memory_space<hbm>>
        %dma_start3A_723 = arith.constant 0 : i32
        %dma_start3A_724 = arith.constant 0 : i32
        %dma_start3A_725 = tpu.memref_slice %dma_start3A_722[%add3A_710, %dma_start3A_723, %dma_start3A_724] : memref<256x8x2048xf32, #tpu.memory_space<hbm>> -> memref<1x8x2048xf32, #tpu.memory_space<hbm>>
        %dma_start3A_726 = tpu.memref_squeeze %dma_start3A_725 : memref<1x8x2048xf32, #tpu.memory_space<hbm>> -> memref<8x2048xf32, #tpu.memory_space<hbm>>
        %dma_start3A_727 = arith.constant 0 : i32
        %dma_start3A_728 = tpu.memref_slice %arg9[%mul3A_714, %dma_start3A_727] : memref<32x2048xf32, #tpu.memory_space<vmem>> -> memref<8x2048xf32, #tpu.memory_space<vmem>>
        %dma_start3A_729 = arith.constant 0 : i32
        %dma_start3A_730 = arith.constant 0 : i32
        %dma_start3A_731 = arith.constant 0 : i32
        %dma_start3A_732 = tpu.memref_slice %arg2[%dma_start3A_715, %dma_start3A_729, %dma_start3A_730, %dma_start3A_731] : memref<8x256x8x2048xf32, #tpu.memory_space<hbm>> -> memref<1x256x8x2048xf32, #tpu.memory_space<hbm>>
        %dma_start3A_733 = tpu.memref_squeeze %dma_start3A_732 : memref<1x256x8x2048xf32, #tpu.memory_space<hbm>> -> memref<256x8x2048xf32, #tpu.memory_space<hbm>>
        %dma_start3A_734 = arith.constant 0 : i32
        %dma_start3A_735 = arith.constant 0 : i32
        %dma_start3A_736 = tpu.memref_slice %dma_start3A_733[%add3A_710, %dma_start3A_734, %dma_start3A_735] : memref<256x8x2048xf32, #tpu.memory_space<hbm>> -> memref<1x8x2048xf32, #tpu.memory_space<hbm>>
        %dma_start3A_737 = tpu.memref_squeeze %dma_start3A_736 : memref<1x8x2048xf32, #tpu.memory_space<hbm>> -> memref<8x2048xf32, #tpu.memory_space<hbm>>
        tpu.enqueue_dma source(%dma_start3A_737 : memref<8x2048xf32, #tpu.memory_space<hbm>>) target(%dma_start3A_728 : memref<8x2048xf32, #tpu.memory_space<vmem>>) target_semaphore(%arg17 : memref<!tpu.dma_semaphore, #tpu.memory_space<semaphore_mem>>)
      } else {
      }
      %add3A_609 = arith.addi %shift_right_arithmetic3A_33, %while3A_601 : i32
      %broadcast_in_dim3A_610 = vector.broadcast %add3A_609 : i32 to vector<16xi32>
      %gather3A_611 = tpu.vector_load_idx %arg12[%broadcast_in_dim3A_610] : memref<256xi32, #tpu.memory_space<vmem>>[vector<16xi32>], vector<16xi32>,
      %reduce_max3A_612 = arith.constant true
      %reduce_max3A_613 = vector.broadcast %reduce_max3A_612 : i1 to vector<16xi1>
      %reduce_max3A_614 = arith.constant -2147483648 : i32
      %reduce_max3A_615 = vector.broadcast %reduce_max3A_614 : i32 to vector<16xi32>
      %reduce_max3A_616 = arith.xori %gather3A_611, %reduce_max3A_615 : vector<16xi32>
      %reduce_max3A_617 = tpu.scan <max>, %reduce_max3A_616 masked %reduce_max3A_613 : vector<16xi32>, vector<16xi1> -> vector<16xi32>
      %reduce_max3A_618 = arith.xori %reduce_max3A_617, %reduce_max3A_615 : vector<16xi32>
      %reduce_max3A_619 = vector.extract %reduce_max3A_618[15] : i32 from vector<16xi32>
      %broadcast_in_dim3A_620 = vector.broadcast %add3A_609 : i32 to vector<16xi32>
      %gather3A_621 = tpu.vector_load_idx %arg13[%broadcast_in_dim3A_620] : memref<256xi32, #tpu.memory_space<vmem>>[vector<16xi32>], vector<16xi32>,
      %reduce_max3A_622 = arith.constant true
      %reduce_max3A_623 = vector.broadcast %reduce_max3A_622 : i1 to vector<16xi1>
      %reduce_max3A_624 = arith.constant -2147483648 : i32
      %reduce_max3A_625 = vector.broadcast %reduce_max3A_624 : i32 to vector<16xi32>
      %reduce_max3A_626 = arith.xori %gather3A_621, %reduce_max3A_625 : vector<16xi32>
      %reduce_max3A_627 = tpu.scan <max>, %reduce_max3A_626 masked %reduce_max3A_623 : vector<16xi32>, vector<16xi1> -> vector<16xi32>
      %reduce_max3A_628 = arith.xori %reduce_max3A_627, %reduce_max3A_625 : vector<16xi32>
      %reduce_max3A_629 = vector.extract %reduce_max3A_628[15] : i32 from vector<16xi32>
      %add3A_630 = arith.constant 1 : i32
      %add3A_631 = arith.addi %reduce_max3A_629, %add3A_630 : i32
      %min3A = arith.minsi %reduce_max3A_619, %add3A_631 : i32
      %add3A_632 = arith.addi %shift_right_arithmetic3A_33, %while3A_601 : i32
      %and3A_633 = arith.constant 3 : i32
      %and3A_634 = arith.andi %add3A_632, %and3A_633 : i32
      %mul3A_635 = arith.constant 8 : i32
      %mul3A_636 = arith.muli %and3A_634, %mul3A_635 : i32
      %dma_wait3A_637 = arith.constant 6 : i32
      %dma_wait3A_638 = arith.constant 0 : i32
      %dma_wait3A_639 = tpu.memref_slice %arg9[%mul3A_636, %dma_wait3A_638] : memref<32x2048xf32, #tpu.memory_space<vmem>> -> memref<8x2048xf32, #tpu.memory_space<vmem>>
      %dma_wait3A_640 = arith.constant 0 : i32
      %dma_wait3A_641 = arith.constant 0 : i32
      %dma_wait3A_642 = arith.constant 0 : i32
      %dma_wait3A_643 = tpu.memref_slice %arg2[%dma_wait3A_637, %dma_wait3A_640, %dma_wait3A_641, %dma_wait3A_642] : memref<8x256x8x2048xf32, #tpu.memory_space<hbm>> -> memref<1x256x8x2048xf32, #tpu.memory_space<hbm>>
      %dma_wait3A_644 = tpu.memref_squeeze %dma_wait3A_643 : memref<1x256x8x2048xf32, #tpu.memory_space<hbm>> -> memref<256x8x2048xf32, #tpu.memory_space<hbm>>
      %dma_wait3A_645 = arith.constant 0 : i32
      %dma_wait3A_646 = arith.constant 0 : i32
      %dma_wait3A_647 = tpu.memref_slice %dma_wait3A_644[%add3A_632, %dma_wait3A_645, %dma_wait3A_646] : memref<256x8x2048xf32, #tpu.memory_space<hbm>> -> memref<1x8x2048xf32, #tpu.memory_space<hbm>>
      %dma_wait3A_648 = tpu.memref_squeeze %dma_wait3A_647 : memref<1x8x2048xf32, #tpu.memory_space<hbm>> -> memref<8x2048xf32, #tpu.memory_space<hbm>>
      %dma_wait3A_649 = arith.constant 0 : i32
      %dma_wait3A_650 = tpu.memref_slice %arg9[%mul3A_636, %dma_wait3A_649] : memref<32x2048xf32, #tpu.memory_space<vmem>> -> memref<8x2048xf32, #tpu.memory_space<vmem>>
      %dma_wait3A_651 = arith.constant 0 : i32
      %dma_wait3A_652 = arith.constant 0 : i32
      %dma_wait3A_653 = arith.constant 0 : i32
      %dma_wait3A_654 = tpu.memref_slice %arg2[%dma_wait3A_637, %dma_wait3A_651, %dma_wait3A_652, %dma_wait3A_653] : memref<8x256x8x2048xf32, #tpu.memory_space<hbm>> -> memref<1x256x8x2048xf32, #tpu.memory_space<hbm>>
      %dma_wait3A_655 = tpu.memref_squeeze %dma_wait3A_654 : memref<1x256x8x2048xf32, #tpu.memory_space<hbm>> -> memref<256x8x2048xf32, #tpu.memory_space<hbm>>
      %dma_wait3A_656 = arith.constant 0 : i32
      %dma_wait3A_657 = arith.constant 0 : i32
      %dma_wait3A_658 = tpu.memref_slice %dma_wait3A_655[%add3A_632, %dma_wait3A_656, %dma_wait3A_657] : memref<256x8x2048xf32, #tpu.memory_space<hbm>> -> memref<1x8x2048xf32, #tpu.memory_space<hbm>>
      %dma_wait3A_659 = tpu.memref_squeeze %dma_wait3A_658 : memref<1x8x2048xf32, #tpu.memory_space<hbm>> -> memref<8x2048xf32, #tpu.memory_space<hbm>>
      tpu.wait_dma2 semaphore(%arg17 : memref<!tpu.dma_semaphore, #tpu.memory_space<semaphore_mem>>) src(%dma_wait3A_659 : memref<8x2048xf32, #tpu.memory_space<hbm>>) dst(%dma_wait3A_650 : memref<8x2048xf32, #tpu.memory_space<vmem>>)
      %mul3A_660 = arith.constant 16 : i32
      %mul3A_661 = arith.muli %min3A, %mul3A_660 : i32
      %add3A_662 = arith.constant 128 : i32
      %add3A_663 = arith.addi %add3A_662, %mul3A_661 : i32
      %get3A = arith.index_cast %add3A_663 : i32 to index
      %get3A_664 = tpu.vector_load %arg8[%get3A] {strides = array<i32>} : memref<13328xi32, #tpu.memory_space<vmem>>, vector<16xi32>,
      %shift_right_arithmetic3A_665 = arith.constant 14 : i32
      %shift_right_arithmetic3A_666 = vector.broadcast %shift_right_arithmetic3A_665 : i32 to vector<16xi32>
      %shift_right_arithmetic3A_667 = arith.shrsi %get3A_664, %shift_right_arithmetic3A_666 : vector<16xi32>
      %eq3A_668 = vector.broadcast %add3A_609 : i32 to vector<16xi32>
      %eq3A_669 = arith.cmpi eq, %shift_right_arithmetic3A_667, %eq3A_668 : vector<16xi32>
      %shift_right_arithmetic3A_670 = arith.constant 11 : i32
      %shift_right_arithmetic3A_671 = vector.broadcast %shift_right_arithmetic3A_670 : i32 to vector<16xi32>
      %shift_right_arithmetic3A_672 = arith.shrsi %get3A_664, %shift_right_arithmetic3A_671 : vector<16xi32>
      %and3A_673 = arith.constant 31 : i32
      %and3A_674 = vector.broadcast %and3A_673 : i32 to vector<16xi32>
      %and3A_675 = arith.andi %shift_right_arithmetic3A_672, %and3A_674 : vector<16xi32>
      %and3A_676 = arith.constant 2047 : i32
      %and3A_677 = vector.broadcast %and3A_676 : i32 to vector<16xi32>
      %and3A_678 = arith.andi %get3A_664, %and3A_677 : vector<16xi32>
      %gather3A_679 = tpu.vector_load_idx %arg9[%and3A_675, %and3A_678] masked %eq3A_669 : memref<32x2048xf32, #tpu.memory_space<vmem>>[vector<16xi32>, vector<16xi32>], vector<16xf32>, vector<16xi1>
      %mul3A_680 = arith.constant 16 : i32
      %mul3A_681 = arith.muli %min3A, %mul3A_680 : i32
      %get3A_682 = arith.index_cast %mul3A_681 : i32 to index
      %get3A_683 = tpu.vector_load %arg10[%get3A_682] {strides = array<i32>} : memref<13184xf32, #tpu.memory_space<vmem>>, vector<16xf32>,
      %select_n3A = arith.select %eq3A_669, %gather3A_679, %get3A_683 : vector<16xi1>, vector<16xf32>
      %mul3A_684 = arith.constant 16 : i32
      %mul3A_685 = arith.muli %min3A, %mul3A_684 : i32
      %swap3A_686 = arith.index_cast %mul3A_685 : i32 to index
      %swap3A_687 = tpu.vector_load %arg10[%swap3A_686] {strides = array<i32>} : memref<13184xf32, #tpu.memory_space<vmem>>, vector<16xf32>,
      tpu.vector_store %arg10[%swap3A_686], %select_n3A {strides = array<i32>} : memref<13184xf32, #tpu.memory_space<vmem>>, vector<16xf32>,
      %gt3A_688 = arith.cmpi sgt, %reduce_max3A_629, %min3A : i32
      %convert_element_type3A_689 = arith.extui %gt3A_688 : i1 to i32
      %cond3A_690 = arith.constant 0 : i32
      %cond3A_691 = arith.cmpi ne, %convert_element_type3A_689, %cond3A_690 : i32
      scf.if %cond3A_691 {
        %mul3A_708 = arith.constant 16 : i32
        %mul3A_709 = arith.muli %reduce_max3A_629, %mul3A_708 : i32
        %add3A_710 = arith.constant 128 : i32
        %add3A_711 = arith.addi %add3A_710, %mul3A_709 : i32
        %get3A_712 = arith.index_cast %add3A_711 : i32 to index
        %get3A_713 = tpu.vector_load %arg8[%get3A_712] {strides = array<i32>} : memref<13328xi32, #tpu.memory_space<vmem>>, vector<16xi32>,
        %shift_right_arithmetic3A_714 = arith.constant 14 : i32
        %shift_right_arithmetic3A_715 = vector.broadcast %shift_right_arithmetic3A_714 : i32 to vector<16xi32>
        %shift_right_arithmetic3A_716 = arith.shrsi %get3A_713, %shift_right_arithmetic3A_715 : vector<16xi32>
        %eq3A_717 = vector.broadcast %add3A_609 : i32 to vector<16xi32>
        %eq3A_718 = arith.cmpi eq, %shift_right_arithmetic3A_716, %eq3A_717 : vector<16xi32>
        %shift_right_arithmetic3A_719 = arith.constant 11 : i32
        %shift_right_arithmetic3A_720 = vector.broadcast %shift_right_arithmetic3A_719 : i32 to vector<16xi32>
        %shift_right_arithmetic3A_721 = arith.shrsi %get3A_713, %shift_right_arithmetic3A_720 : vector<16xi32>
        %and3A_722 = arith.constant 31 : i32
        %and3A_723 = vector.broadcast %and3A_722 : i32 to vector<16xi32>
        %and3A_724 = arith.andi %shift_right_arithmetic3A_721, %and3A_723 : vector<16xi32>
        %and3A_725 = arith.constant 2047 : i32
        %and3A_726 = vector.broadcast %and3A_725 : i32 to vector<16xi32>
        %and3A_727 = arith.andi %get3A_713, %and3A_726 : vector<16xi32>
        %gather3A_728 = tpu.vector_load_idx %arg9[%and3A_724, %and3A_727] masked %eq3A_718 : memref<32x2048xf32, #tpu.memory_space<vmem>>[vector<16xi32>, vector<16xi32>], vector<16xf32>, vector<16xi1>
        %mul3A_729 = arith.constant 16 : i32
        %mul3A_730 = arith.muli %reduce_max3A_629, %mul3A_729 : i32
        %get3A_731 = arith.index_cast %mul3A_730 : i32 to index
        %get3A_732 = tpu.vector_load %arg10[%get3A_731] {strides = array<i32>} : memref<13184xf32, #tpu.memory_space<vmem>>, vector<16xf32>,
        %select_n3A_733 = arith.select %eq3A_718, %gather3A_728, %get3A_732 : vector<16xi1>, vector<16xf32>
        %mul3A_734 = arith.constant 16 : i32
        %mul3A_735 = arith.muli %reduce_max3A_629, %mul3A_734 : i32
        %swap3A_736 = arith.index_cast %mul3A_735 : i32 to index
        %swap3A_737 = tpu.vector_load %arg10[%swap3A_736] {strides = array<i32>} : memref<13184xf32, #tpu.memory_space<vmem>>, vector<16xf32>,
        tpu.vector_store %arg10[%swap3A_736], %select_n3A_733 {strides = array<i32>} : memref<13184xf32, #tpu.memory_space<vmem>>, vector<16xf32>,
      } else {
      }
      %add3A_692 = arith.constant 1 : i32
      %add3A_693 = arith.addi %min3A, %add3A_692 : i32
      %add3A_694 = arith.constant 1 : i32
      %add3A_695 = arith.addi %min3A, %add3A_694 : i32
      %max3A = arith.maxsi %reduce_max3A_629, %add3A_695 : i32
      %while3A_696 = arith.constant 0 : i32
      %while3A_697 = arith.subi %max3A, %add3A_693 : i32
      %while3A_698 = arith.addi %add3A_693, %while3A_697 : i32
      %while3A_699 = arith.constant 1 : i32
      %while3A_700 = arith.divsi %while3A_697, %while3A_699 : i32
      %while3A_701 = arith.muli %while3A_700, %while3A_699 : i32
      %while3A_702 = arith.addi %add3A_693, %while3A_701 : i32
      %while3A_703 = arith.constant 1 : i32
      %while3A_704 = scf.for %while3A_708 = %add3A_693 to %while3A_702 step %while3A_703 iter_args(%while3A_709 = %while3A_696) -> (i32)  : i32 {
        %mul3A_710 = arith.constant 16 : i32
        %mul3A_711 = arith.muli %while3A_708, %mul3A_710 : i32
        %add3A_712 = arith.constant 128 : i32
        %add3A_713 = arith.addi %add3A_712, %mul3A_711 : i32
        %get3A_714 = arith.index_cast %add3A_713 : i32 to index
        %get3A_715 = tpu.vector_load %arg8[%get3A_714] {strides = array<i32>} : memref<13328xi32, #tpu.memory_space<vmem>>, vector<16xi32>,
        %shift_right_arithmetic3A_716 = arith.constant 11 : i32
        %shift_right_arithmetic3A_717 = vector.broadcast %shift_right_arithmetic3A_716 : i32 to vector<16xi32>
        %shift_right_arithmetic3A_718 = arith.shrsi %get3A_715, %shift_right_arithmetic3A_717 : vector<16xi32>
        %and3A_719 = arith.constant 31 : i32
        %and3A_720 = vector.broadcast %and3A_719 : i32 to vector<16xi32>
        %and3A_721 = arith.andi %shift_right_arithmetic3A_718, %and3A_720 : vector<16xi32>
        %and3A_722 = arith.constant 2047 : i32
        %and3A_723 = vector.broadcast %and3A_722 : i32 to vector<16xi32>
        %and3A_724 = arith.andi %get3A_715, %and3A_723 : vector<16xi32>
        %gather3A_725 = tpu.vector_load_idx %arg9[%and3A_721, %and3A_724] : memref<32x2048xf32, #tpu.memory_space<vmem>>[vector<16xi32>, vector<16xi32>], vector<16xf32>,
        %mul3A_726 = arith.constant 16 : i32
        %mul3A_727 = arith.muli %while3A_708, %mul3A_726 : i32
        %swap3A_728 = arith.index_cast %mul3A_727 : i32 to index
        %swap3A_729 = tpu.vector_load %arg10[%swap3A_728] {strides = array<i32>} : memref<13184xf32, #tpu.memory_space<vmem>>, vector<16xf32>,
        tpu.vector_store %arg10[%swap3A_728], %gather3A_725 {strides = array<i32>} : memref<13184xf32, #tpu.memory_space<vmem>>, vector<16xf32>,
        %while3A_730 = arith.constant 0 : i32
        scf.yield %while3A_730 : i32
      }
      %while3A_705 = arith.constant 1 : i32
      %while3A_706 = scf.for %while3A_708 = %while3A_702 to %while3A_698 step %while3A_705 iter_args(%while3A_709 = %while3A_704) -> (i32)  : i32 {
        %mul3A_710 = arith.constant 16 : i32
        %mul3A_711 = arith.muli %while3A_708, %mul3A_710 : i32
        %add3A_712 = arith.constant 128 : i32
        %add3A_713 = arith.addi %add3A_712, %mul3A_711 : i32
        %get3A_714 = arith.index_cast %add3A_713 : i32 to index
        %get3A_715 = tpu.vector_load %arg8[%get3A_714] {strides = array<i32>} : memref<13328xi32, #tpu.memory_space<vmem>>, vector<16xi32>,
        %shift_right_arithmetic3A_716 = arith.constant 11 : i32
        %shift_right_arithmetic3A_717 = vector.broadcast %shift_right_arithmetic3A_716 : i32 to vector<16xi32>
        %shift_right_arithmetic3A_718 = arith.shrsi %get3A_715, %shift_right_arithmetic3A_717 : vector<16xi32>
        %and3A_719 = arith.constant 31 : i32
        %and3A_720 = vector.broadcast %and3A_719 : i32 to vector<16xi32>
        %and3A_721 = arith.andi %shift_right_arithmetic3A_718, %and3A_720 : vector<16xi32>
        %and3A_722 = arith.constant 2047 : i32
        %and3A_723 = vector.broadcast %and3A_722 : i32 to vector<16xi32>
        %and3A_724 = arith.andi %get3A_715, %and3A_723 : vector<16xi32>
        %gather3A_725 = tpu.vector_load_idx %arg9[%and3A_721, %and3A_724] : memref<32x2048xf32, #tpu.memory_space<vmem>>[vector<16xi32>, vector<16xi32>], vector<16xf32>,
        %mul3A_726 = arith.constant 16 : i32
        %mul3A_727 = arith.muli %while3A_708, %mul3A_726 : i32
        %swap3A_728 = arith.index_cast %mul3A_727 : i32 to index
        %swap3A_729 = tpu.vector_load %arg10[%swap3A_728] {strides = array<i32>} : memref<13184xf32, #tpu.memory_space<vmem>>, vector<16xf32>,
        tpu.vector_store %arg10[%swap3A_728], %gather3A_725 {strides = array<i32>} : memref<13184xf32, #tpu.memory_space<vmem>>, vector<16xf32>,
        %while3A_730 = arith.constant 0 : i32
        scf.yield %while3A_730 : i32
      }
      %while3A_707 = arith.constant 0 : i32
      scf.yield %while3A_707 : i32
    }
    %dma_start3A_500 = arith.constant 6 : i32
    %dma_start3A_501 = arith.constant 0 : i32
    %dma_start3A_502 = tpu.memref_slice %arg6[%dma_start3A_500, %dma_start3A_501] : memref<8x421888xf32, #tpu.memory_space<hbm>> -> memref<1x421888xf32, #tpu.memory_space<hbm>>
    %dma_start3A_503 = tpu.memref_squeeze %dma_start3A_502 : memref<1x421888xf32, #tpu.memory_space<hbm>> -> memref<421888xf32, #tpu.memory_space<hbm>>
    %dma_start3A_504 = tpu.memref_slice %dma_start3A_503[%mul3A_2] : memref<421888xf32, #tpu.memory_space<hbm>> -> memref<13184xf32, #tpu.memory_space<hbm>>
    %dma_start3A_505 = arith.constant 0 : i32
    %dma_start3A_506 = tpu.memref_slice %arg6[%dma_start3A_500, %dma_start3A_505] : memref<8x421888xf32, #tpu.memory_space<hbm>> -> memref<1x421888xf32, #tpu.memory_space<hbm>>
    %dma_start3A_507 = tpu.memref_squeeze %dma_start3A_506 : memref<1x421888xf32, #tpu.memory_space<hbm>> -> memref<421888xf32, #tpu.memory_space<hbm>>
    %dma_start3A_508 = tpu.memref_slice %dma_start3A_507[%mul3A_2] : memref<421888xf32, #tpu.memory_space<hbm>> -> memref<13184xf32, #tpu.memory_space<hbm>>
    tpu.enqueue_dma source(%arg10 : memref<13184xf32, #tpu.memory_space<vmem>>) target(%dma_start3A_508 : memref<13184xf32, #tpu.memory_space<hbm>>) target_semaphore(%arg18 : memref<!tpu.dma_semaphore, #tpu.memory_space<semaphore_mem>>)
    %add3A_509 = arith.constant 0 : i32
    %add3A_510 = arith.addi %shift_right_arithmetic3A_33, %add3A_509 : i32
    %and3A_511 = arith.constant 3 : i32
    %and3A_512 = arith.andi %add3A_510, %and3A_511 : i32
    %mul3A_513 = arith.constant 8 : i32
    %mul3A_514 = arith.muli %and3A_512, %mul3A_513 : i32
    %dma_start3A_515 = arith.constant 7 : i32
    %dma_start3A_516 = arith.constant 0 : i32
    %dma_start3A_517 = tpu.memref_slice %arg9[%mul3A_514, %dma_start3A_516] : memref<32x2048xf32, #tpu.memory_space<vmem>> -> memref<8x2048xf32, #tpu.memory_space<vmem>>
    %dma_start3A_518 = arith.constant 0 : i32
    %dma_start3A_519 = arith.constant 0 : i32
    %dma_start3A_520 = arith.constant 0 : i32
    %dma_start3A_521 = tpu.memref_slice %arg2[%dma_start3A_515, %dma_start3A_518, %dma_start3A_519, %dma_start3A_520] : memref<8x256x8x2048xf32, #tpu.memory_space<hbm>> -> memref<1x256x8x2048xf32, #tpu.memory_space<hbm>>
    %dma_start3A_522 = tpu.memref_squeeze %dma_start3A_521 : memref<1x256x8x2048xf32, #tpu.memory_space<hbm>> -> memref<256x8x2048xf32, #tpu.memory_space<hbm>>
    %dma_start3A_523 = arith.constant 0 : i32
    %dma_start3A_524 = arith.constant 0 : i32
    %dma_start3A_525 = tpu.memref_slice %dma_start3A_522[%add3A_510, %dma_start3A_523, %dma_start3A_524] : memref<256x8x2048xf32, #tpu.memory_space<hbm>> -> memref<1x8x2048xf32, #tpu.memory_space<hbm>>
    %dma_start3A_526 = tpu.memref_squeeze %dma_start3A_525 : memref<1x8x2048xf32, #tpu.memory_space<hbm>> -> memref<8x2048xf32, #tpu.memory_space<hbm>>
    %dma_start3A_527 = arith.constant 0 : i32
    %dma_start3A_528 = tpu.memref_slice %arg9[%mul3A_514, %dma_start3A_527] : memref<32x2048xf32, #tpu.memory_space<vmem>> -> memref<8x2048xf32, #tpu.memory_space<vmem>>
    %dma_start3A_529 = arith.constant 0 : i32
    %dma_start3A_530 = arith.constant 0 : i32
    %dma_start3A_531 = arith.constant 0 : i32
    %dma_start3A_532 = tpu.memref_slice %arg2[%dma_start3A_515, %dma_start3A_529, %dma_start3A_530, %dma_start3A_531] : memref<8x256x8x2048xf32, #tpu.memory_space<hbm>> -> memref<1x256x8x2048xf32, #tpu.memory_space<hbm>>
    %dma_start3A_533 = tpu.memref_squeeze %dma_start3A_532 : memref<1x256x8x2048xf32, #tpu.memory_space<hbm>> -> memref<256x8x2048xf32, #tpu.memory_space<hbm>>
    %dma_start3A_534 = arith.constant 0 : i32
    %dma_start3A_535 = arith.constant 0 : i32
    %dma_start3A_536 = tpu.memref_slice %dma_start3A_533[%add3A_510, %dma_start3A_534, %dma_start3A_535] : memref<256x8x2048xf32, #tpu.memory_space<hbm>> -> memref<1x8x2048xf32, #tpu.memory_space<hbm>>
    %dma_start3A_537 = tpu.memref_squeeze %dma_start3A_536 : memref<1x8x2048xf32, #tpu.memory_space<hbm>> -> memref<8x2048xf32, #tpu.memory_space<hbm>>
    tpu.enqueue_dma source(%dma_start3A_537 : memref<8x2048xf32, #tpu.memory_space<hbm>>) target(%dma_start3A_528 : memref<8x2048xf32, #tpu.memory_space<vmem>>) target_semaphore(%arg17 : memref<!tpu.dma_semaphore, #tpu.memory_space<semaphore_mem>>)
    %gt3A_538 = arith.constant 1 : i32
    %gt3A_539 = arith.cmpi sgt, %add3A_48, %gt3A_538 : i32
    %convert_element_type3A_540 = arith.extui %gt3A_539 : i1 to i32
    %cond3A_541 = arith.constant 0 : i32
    %cond3A_542 = arith.cmpi ne, %convert_element_type3A_540, %cond3A_541 : i32
    scf.if %cond3A_542 {
      %add3A_601 = arith.constant 1 : i32
      %add3A_602 = arith.addi %shift_right_arithmetic3A_33, %add3A_601 : i32
      %and3A_603 = arith.constant 3 : i32
      %and3A_604 = arith.andi %add3A_602, %and3A_603 : i32
      %mul3A_605 = arith.constant 8 : i32
      %mul3A_606 = arith.muli %and3A_604, %mul3A_605 : i32
      %dma_start3A_607 = arith.constant 7 : i32
      %dma_start3A_608 = arith.constant 0 : i32
      %dma_start3A_609 = tpu.memref_slice %arg9[%mul3A_606, %dma_start3A_608] : memref<32x2048xf32, #tpu.memory_space<vmem>> -> memref<8x2048xf32, #tpu.memory_space<vmem>>
      %dma_start3A_610 = arith.constant 0 : i32
      %dma_start3A_611 = arith.constant 0 : i32
      %dma_start3A_612 = arith.constant 0 : i32
      %dma_start3A_613 = tpu.memref_slice %arg2[%dma_start3A_607, %dma_start3A_610, %dma_start3A_611, %dma_start3A_612] : memref<8x256x8x2048xf32, #tpu.memory_space<hbm>> -> memref<1x256x8x2048xf32, #tpu.memory_space<hbm>>
      %dma_start3A_614 = tpu.memref_squeeze %dma_start3A_613 : memref<1x256x8x2048xf32, #tpu.memory_space<hbm>> -> memref<256x8x2048xf32, #tpu.memory_space<hbm>>
      %dma_start3A_615 = arith.constant 0 : i32
      %dma_start3A_616 = arith.constant 0 : i32
      %dma_start3A_617 = tpu.memref_slice %dma_start3A_614[%add3A_602, %dma_start3A_615, %dma_start3A_616] : memref<256x8x2048xf32, #tpu.memory_space<hbm>> -> memref<1x8x2048xf32, #tpu.memory_space<hbm>>
      %dma_start3A_618 = tpu.memref_squeeze %dma_start3A_617 : memref<1x8x2048xf32, #tpu.memory_space<hbm>> -> memref<8x2048xf32, #tpu.memory_space<hbm>>
      %dma_start3A_619 = arith.constant 0 : i32
      %dma_start3A_620 = tpu.memref_slice %arg9[%mul3A_606, %dma_start3A_619] : memref<32x2048xf32, #tpu.memory_space<vmem>> -> memref<8x2048xf32, #tpu.memory_space<vmem>>
      %dma_start3A_621 = arith.constant 0 : i32
      %dma_start3A_622 = arith.constant 0 : i32
      %dma_start3A_623 = arith.constant 0 : i32
      %dma_start3A_624 = tpu.memref_slice %arg2[%dma_start3A_607, %dma_start3A_621, %dma_start3A_622, %dma_start3A_623] : memref<8x256x8x2048xf32, #tpu.memory_space<hbm>> -> memref<1x256x8x2048xf32, #tpu.memory_space<hbm>>
      %dma_start3A_625 = tpu.memref_squeeze %dma_start3A_624 : memref<1x256x8x2048xf32, #tpu.memory_space<hbm>> -> memref<256x8x2048xf32, #tpu.memory_space<hbm>>
      %dma_start3A_626 = arith.constant 0 : i32
      %dma_start3A_627 = arith.constant 0 : i32
      %dma_start3A_628 = tpu.memref_slice %dma_start3A_625[%add3A_602, %dma_start3A_626, %dma_start3A_627] : memref<256x8x2048xf32, #tpu.memory_space<hbm>> -> memref<1x8x2048xf32, #tpu.memory_space<hbm>>
      %dma_start3A_629 = tpu.memref_squeeze %dma_start3A_628 : memref<1x8x2048xf32, #tpu.memory_space<hbm>> -> memref<8x2048xf32, #tpu.memory_space<hbm>>
      tpu.enqueue_dma source(%dma_start3A_629 : memref<8x2048xf32, #tpu.memory_space<hbm>>) target(%dma_start3A_620 : memref<8x2048xf32, #tpu.memory_space<vmem>>) target_semaphore(%arg17 : memref<!tpu.dma_semaphore, #tpu.memory_space<semaphore_mem>>)
    } else {
    }
    %gt3A_543 = arith.constant 2 : i32
    %gt3A_544 = arith.cmpi sgt, %add3A_48, %gt3A_543 : i32
    %convert_element_type3A_545 = arith.extui %gt3A_544 : i1 to i32
    %cond3A_546 = arith.constant 0 : i32
    %cond3A_547 = arith.cmpi ne, %convert_element_type3A_545, %cond3A_546 : i32
    scf.if %cond3A_547 {
      %add3A_601 = arith.constant 2 : i32
      %add3A_602 = arith.addi %shift_right_arithmetic3A_33, %add3A_601 : i32
      %and3A_603 = arith.constant 3 : i32
      %and3A_604 = arith.andi %add3A_602, %and3A_603 : i32
      %mul3A_605 = arith.constant 8 : i32
      %mul3A_606 = arith.muli %and3A_604, %mul3A_605 : i32
      %dma_start3A_607 = arith.constant 7 : i32
      %dma_start3A_608 = arith.constant 0 : i32
      %dma_start3A_609 = tpu.memref_slice %arg9[%mul3A_606, %dma_start3A_608] : memref<32x2048xf32, #tpu.memory_space<vmem>> -> memref<8x2048xf32, #tpu.memory_space<vmem>>
      %dma_start3A_610 = arith.constant 0 : i32
      %dma_start3A_611 = arith.constant 0 : i32
      %dma_start3A_612 = arith.constant 0 : i32
      %dma_start3A_613 = tpu.memref_slice %arg2[%dma_start3A_607, %dma_start3A_610, %dma_start3A_611, %dma_start3A_612] : memref<8x256x8x2048xf32, #tpu.memory_space<hbm>> -> memref<1x256x8x2048xf32, #tpu.memory_space<hbm>>
      %dma_start3A_614 = tpu.memref_squeeze %dma_start3A_613 : memref<1x256x8x2048xf32, #tpu.memory_space<hbm>> -> memref<256x8x2048xf32, #tpu.memory_space<hbm>>
      %dma_start3A_615 = arith.constant 0 : i32
      %dma_start3A_616 = arith.constant 0 : i32
      %dma_start3A_617 = tpu.memref_slice %dma_start3A_614[%add3A_602, %dma_start3A_615, %dma_start3A_616] : memref<256x8x2048xf32, #tpu.memory_space<hbm>> -> memref<1x8x2048xf32, #tpu.memory_space<hbm>>
      %dma_start3A_618 = tpu.memref_squeeze %dma_start3A_617 : memref<1x8x2048xf32, #tpu.memory_space<hbm>> -> memref<8x2048xf32, #tpu.memory_space<hbm>>
      %dma_start3A_619 = arith.constant 0 : i32
      %dma_start3A_620 = tpu.memref_slice %arg9[%mul3A_606, %dma_start3A_619] : memref<32x2048xf32, #tpu.memory_space<vmem>> -> memref<8x2048xf32, #tpu.memory_space<vmem>>
      %dma_start3A_621 = arith.constant 0 : i32
      %dma_start3A_622 = arith.constant 0 : i32
      %dma_start3A_623 = arith.constant 0 : i32
      %dma_start3A_624 = tpu.memref_slice %arg2[%dma_start3A_607, %dma_start3A_621, %dma_start3A_622, %dma_start3A_623] : memref<8x256x8x2048xf32, #tpu.memory_space<hbm>> -> memref<1x256x8x2048xf32, #tpu.memory_space<hbm>>
      %dma_start3A_625 = tpu.memref_squeeze %dma_start3A_624 : memref<1x256x8x2048xf32, #tpu.memory_space<hbm>> -> memref<256x8x2048xf32, #tpu.memory_space<hbm>>
      %dma_start3A_626 = arith.constant 0 : i32
      %dma_start3A_627 = arith.constant 0 : i32
      %dma_start3A_628 = tpu.memref_slice %dma_start3A_625[%add3A_602, %dma_start3A_626, %dma_start3A_627] : memref<256x8x2048xf32, #tpu.memory_space<hbm>> -> memref<1x8x2048xf32, #tpu.memory_space<hbm>>
      %dma_start3A_629 = tpu.memref_squeeze %dma_start3A_628 : memref<1x8x2048xf32, #tpu.memory_space<hbm>> -> memref<8x2048xf32, #tpu.memory_space<hbm>>
      tpu.enqueue_dma source(%dma_start3A_629 : memref<8x2048xf32, #tpu.memory_space<hbm>>) target(%dma_start3A_620 : memref<8x2048xf32, #tpu.memory_space<vmem>>) target_semaphore(%arg17 : memref<!tpu.dma_semaphore, #tpu.memory_space<semaphore_mem>>)
    } else {
    }
    %dma_wait3A_548 = arith.constant 5 : i32
    %dma_wait3A_549 = arith.constant 0 : i32
    %dma_wait3A_550 = tpu.memref_slice %arg6[%dma_wait3A_548, %dma_wait3A_549] : memref<8x421888xf32, #tpu.memory_space<hbm>> -> memref<1x421888xf32, #tpu.memory_space<hbm>>
    %dma_wait3A_551 = tpu.memref_squeeze %dma_wait3A_550 : memref<1x421888xf32, #tpu.memory_space<hbm>> -> memref<421888xf32, #tpu.memory_space<hbm>>
    %dma_wait3A_552 = tpu.memref_slice %dma_wait3A_551[%mul3A_2] : memref<421888xf32, #tpu.memory_space<hbm>> -> memref<13184xf32, #tpu.memory_space<hbm>>
    %dma_wait3A_553 = arith.constant 0 : i32
    %dma_wait3A_554 = tpu.memref_slice %arg6[%dma_wait3A_548, %dma_wait3A_553] : memref<8x421888xf32, #tpu.memory_space<hbm>> -> memref<1x421888xf32, #tpu.memory_space<hbm>>
    %dma_wait3A_555 = tpu.memref_squeeze %dma_wait3A_554 : memref<1x421888xf32, #tpu.memory_space<hbm>> -> memref<421888xf32, #tpu.memory_space<hbm>>
    %dma_wait3A_556 = tpu.memref_slice %dma_wait3A_555[%mul3A_2] : memref<421888xf32, #tpu.memory_space<hbm>> -> memref<13184xf32, #tpu.memory_space<hbm>>
    tpu.wait_dma2 semaphore(%arg18 : memref<!tpu.dma_semaphore, #tpu.memory_space<semaphore_mem>>) src(%arg11 : memref<13184xf32, #tpu.memory_space<vmem>>) dst(%dma_wait3A_556 : memref<13184xf32, #tpu.memory_space<hbm>>)
    %while3A_557 = arith.constant 0 : i32
    %while3A_558 = arith.constant 0 : i32
    %while3A_559 = arith.subi %add3A_48, %while3A_557 : i32
    %while3A_560 = arith.addi %while3A_557, %while3A_559 : i32
    %while3A_561 = arith.constant 1 : i32
    %while3A_562 = arith.divsi %while3A_559, %while3A_561 : i32
    %while3A_563 = arith.muli %while3A_562, %while3A_561 : i32
    %while3A_564 = arith.addi %while3A_557, %while3A_563 : i32
    %while3A_565 = arith.constant 1 : i32
    %while3A_566 = scf.for %while3A_601 = %while3A_557 to %while3A_564 step %while3A_565 iter_args(%while3A_602 = %while3A_558) -> (i32)  : i32 {
      %add3A_603 = arith.constant 3 : i32
      %add3A_604 = arith.addi %while3A_601, %add3A_603 : i32
      %lt3A_605 = arith.cmpi slt, %add3A_604, %add3A_48 : i32
      %convert_element_type3A_606 = arith.extui %lt3A_605 : i1 to i32
      %cond3A_607 = arith.constant 0 : i32
      %cond3A_608 = arith.cmpi ne, %convert_element_type3A_606, %cond3A_607 : i32
      scf.if %cond3A_608 {
        %add3A_708 = arith.constant 3 : i32
        %add3A_709 = arith.addi %while3A_601, %add3A_708 : i32
        %add3A_710 = arith.addi %shift_right_arithmetic3A_33, %add3A_709 : i32
        %and3A_711 = arith.constant 3 : i32
        %and3A_712 = arith.andi %add3A_710, %and3A_711 : i32
        %mul3A_713 = arith.constant 8 : i32
        %mul3A_714 = arith.muli %and3A_712, %mul3A_713 : i32
        %dma_start3A_715 = arith.constant 7 : i32
        %dma_start3A_716 = arith.constant 0 : i32
        %dma_start3A_717 = tpu.memref_slice %arg9[%mul3A_714, %dma_start3A_716] : memref<32x2048xf32, #tpu.memory_space<vmem>> -> memref<8x2048xf32, #tpu.memory_space<vmem>>
        %dma_start3A_718 = arith.constant 0 : i32
        %dma_start3A_719 = arith.constant 0 : i32
        %dma_start3A_720 = arith.constant 0 : i32
        %dma_start3A_721 = tpu.memref_slice %arg2[%dma_start3A_715, %dma_start3A_718, %dma_start3A_719, %dma_start3A_720] : memref<8x256x8x2048xf32, #tpu.memory_space<hbm>> -> memref<1x256x8x2048xf32, #tpu.memory_space<hbm>>
        %dma_start3A_722 = tpu.memref_squeeze %dma_start3A_721 : memref<1x256x8x2048xf32, #tpu.memory_space<hbm>> -> memref<256x8x2048xf32, #tpu.memory_space<hbm>>
        %dma_start3A_723 = arith.constant 0 : i32
        %dma_start3A_724 = arith.constant 0 : i32
        %dma_start3A_725 = tpu.memref_slice %dma_start3A_722[%add3A_710, %dma_start3A_723, %dma_start3A_724] : memref<256x8x2048xf32, #tpu.memory_space<hbm>> -> memref<1x8x2048xf32, #tpu.memory_space<hbm>>
        %dma_start3A_726 = tpu.memref_squeeze %dma_start3A_725 : memref<1x8x2048xf32, #tpu.memory_space<hbm>> -> memref<8x2048xf32, #tpu.memory_space<hbm>>
        %dma_start3A_727 = arith.constant 0 : i32
        %dma_start3A_728 = tpu.memref_slice %arg9[%mul3A_714, %dma_start3A_727] : memref<32x2048xf32, #tpu.memory_space<vmem>> -> memref<8x2048xf32, #tpu.memory_space<vmem>>
        %dma_start3A_729 = arith.constant 0 : i32
        %dma_start3A_730 = arith.constant 0 : i32
        %dma_start3A_731 = arith.constant 0 : i32
        %dma_start3A_732 = tpu.memref_slice %arg2[%dma_start3A_715, %dma_start3A_729, %dma_start3A_730, %dma_start3A_731] : memref<8x256x8x2048xf32, #tpu.memory_space<hbm>> -> memref<1x256x8x2048xf32, #tpu.memory_space<hbm>>
        %dma_start3A_733 = tpu.memref_squeeze %dma_start3A_732 : memref<1x256x8x2048xf32, #tpu.memory_space<hbm>> -> memref<256x8x2048xf32, #tpu.memory_space<hbm>>
        %dma_start3A_734 = arith.constant 0 : i32
        %dma_start3A_735 = arith.constant 0 : i32
        %dma_start3A_736 = tpu.memref_slice %dma_start3A_733[%add3A_710, %dma_start3A_734, %dma_start3A_735] : memref<256x8x2048xf32, #tpu.memory_space<hbm>> -> memref<1x8x2048xf32, #tpu.memory_space<hbm>>
        %dma_start3A_737 = tpu.memref_squeeze %dma_start3A_736 : memref<1x8x2048xf32, #tpu.memory_space<hbm>> -> memref<8x2048xf32, #tpu.memory_space<hbm>>
        tpu.enqueue_dma source(%dma_start3A_737 : memref<8x2048xf32, #tpu.memory_space<hbm>>) target(%dma_start3A_728 : memref<8x2048xf32, #tpu.memory_space<vmem>>) target_semaphore(%arg17 : memref<!tpu.dma_semaphore, #tpu.memory_space<semaphore_mem>>)
      } else {
      }
      %add3A_609 = arith.addi %shift_right_arithmetic3A_33, %while3A_601 : i32
      %broadcast_in_dim3A_610 = vector.broadcast %add3A_609 : i32 to vector<16xi32>
      %gather3A_611 = tpu.vector_load_idx %arg12[%broadcast_in_dim3A_610] : memref<256xi32, #tpu.memory_space<vmem>>[vector<16xi32>], vector<16xi32>,
      %reduce_max3A_612 = arith.constant true
      %reduce_max3A_613 = vector.broadcast %reduce_max3A_612 : i1 to vector<16xi1>
      %reduce_max3A_614 = arith.constant -2147483648 : i32
      %reduce_max3A_615 = vector.broadcast %reduce_max3A_614 : i32 to vector<16xi32>
      %reduce_max3A_616 = arith.xori %gather3A_611, %reduce_max3A_615 : vector<16xi32>
      %reduce_max3A_617 = tpu.scan <max>, %reduce_max3A_616 masked %reduce_max3A_613 : vector<16xi32>, vector<16xi1> -> vector<16xi32>
      %reduce_max3A_618 = arith.xori %reduce_max3A_617, %reduce_max3A_615 : vector<16xi32>
      %reduce_max3A_619 = vector.extract %reduce_max3A_618[15] : i32 from vector<16xi32>
      %broadcast_in_dim3A_620 = vector.broadcast %add3A_609 : i32 to vector<16xi32>
      %gather3A_621 = tpu.vector_load_idx %arg13[%broadcast_in_dim3A_620] : memref<256xi32, #tpu.memory_space<vmem>>[vector<16xi32>], vector<16xi32>,
      %reduce_max3A_622 = arith.constant true
      %reduce_max3A_623 = vector.broadcast %reduce_max3A_622 : i1 to vector<16xi1>
      %reduce_max3A_624 = arith.constant -2147483648 : i32
      %reduce_max3A_625 = vector.broadcast %reduce_max3A_624 : i32 to vector<16xi32>
      %reduce_max3A_626 = arith.xori %gather3A_621, %reduce_max3A_625 : vector<16xi32>
      %reduce_max3A_627 = tpu.scan <max>, %reduce_max3A_626 masked %reduce_max3A_623 : vector<16xi32>, vector<16xi1> -> vector<16xi32>
      %reduce_max3A_628 = arith.xori %reduce_max3A_627, %reduce_max3A_625 : vector<16xi32>
      %reduce_max3A_629 = vector.extract %reduce_max3A_628[15] : i32 from vector<16xi32>
      %add3A_630 = arith.constant 1 : i32
      %add3A_631 = arith.addi %reduce_max3A_629, %add3A_630 : i32
      %min3A = arith.minsi %reduce_max3A_619, %add3A_631 : i32
      %add3A_632 = arith.addi %shift_right_arithmetic3A_33, %while3A_601 : i32
      %and3A_633 = arith.constant 3 : i32
      %and3A_634 = arith.andi %add3A_632, %and3A_633 : i32
      %mul3A_635 = arith.constant 8 : i32
      %mul3A_636 = arith.muli %and3A_634, %mul3A_635 : i32
      %dma_wait3A_637 = arith.constant 7 : i32
      %dma_wait3A_638 = arith.constant 0 : i32
      %dma_wait3A_639 = tpu.memref_slice %arg9[%mul3A_636, %dma_wait3A_638] : memref<32x2048xf32, #tpu.memory_space<vmem>> -> memref<8x2048xf32, #tpu.memory_space<vmem>>
      %dma_wait3A_640 = arith.constant 0 : i32
      %dma_wait3A_641 = arith.constant 0 : i32
      %dma_wait3A_642 = arith.constant 0 : i32
      %dma_wait3A_643 = tpu.memref_slice %arg2[%dma_wait3A_637, %dma_wait3A_640, %dma_wait3A_641, %dma_wait3A_642] : memref<8x256x8x2048xf32, #tpu.memory_space<hbm>> -> memref<1x256x8x2048xf32, #tpu.memory_space<hbm>>
      %dma_wait3A_644 = tpu.memref_squeeze %dma_wait3A_643 : memref<1x256x8x2048xf32, #tpu.memory_space<hbm>> -> memref<256x8x2048xf32, #tpu.memory_space<hbm>>
      %dma_wait3A_645 = arith.constant 0 : i32
      %dma_wait3A_646 = arith.constant 0 : i32
      %dma_wait3A_647 = tpu.memref_slice %dma_wait3A_644[%add3A_632, %dma_wait3A_645, %dma_wait3A_646] : memref<256x8x2048xf32, #tpu.memory_space<hbm>> -> memref<1x8x2048xf32, #tpu.memory_space<hbm>>
      %dma_wait3A_648 = tpu.memref_squeeze %dma_wait3A_647 : memref<1x8x2048xf32, #tpu.memory_space<hbm>> -> memref<8x2048xf32, #tpu.memory_space<hbm>>
      %dma_wait3A_649 = arith.constant 0 : i32
      %dma_wait3A_650 = tpu.memref_slice %arg9[%mul3A_636, %dma_wait3A_649] : memref<32x2048xf32, #tpu.memory_space<vmem>> -> memref<8x2048xf32, #tpu.memory_space<vmem>>
      %dma_wait3A_651 = arith.constant 0 : i32
      %dma_wait3A_652 = arith.constant 0 : i32
      %dma_wait3A_653 = arith.constant 0 : i32
      %dma_wait3A_654 = tpu.memref_slice %arg2[%dma_wait3A_637, %dma_wait3A_651, %dma_wait3A_652, %dma_wait3A_653] : memref<8x256x8x2048xf32, #tpu.memory_space<hbm>> -> memref<1x256x8x2048xf32, #tpu.memory_space<hbm>>
      %dma_wait3A_655 = tpu.memref_squeeze %dma_wait3A_654 : memref<1x256x8x2048xf32, #tpu.memory_space<hbm>> -> memref<256x8x2048xf32, #tpu.memory_space<hbm>>
      %dma_wait3A_656 = arith.constant 0 : i32
      %dma_wait3A_657 = arith.constant 0 : i32
      %dma_wait3A_658 = tpu.memref_slice %dma_wait3A_655[%add3A_632, %dma_wait3A_656, %dma_wait3A_657] : memref<256x8x2048xf32, #tpu.memory_space<hbm>> -> memref<1x8x2048xf32, #tpu.memory_space<hbm>>
      %dma_wait3A_659 = tpu.memref_squeeze %dma_wait3A_658 : memref<1x8x2048xf32, #tpu.memory_space<hbm>> -> memref<8x2048xf32, #tpu.memory_space<hbm>>
      tpu.wait_dma2 semaphore(%arg17 : memref<!tpu.dma_semaphore, #tpu.memory_space<semaphore_mem>>) src(%dma_wait3A_659 : memref<8x2048xf32, #tpu.memory_space<hbm>>) dst(%dma_wait3A_650 : memref<8x2048xf32, #tpu.memory_space<vmem>>)
      %mul3A_660 = arith.constant 16 : i32
      %mul3A_661 = arith.muli %min3A, %mul3A_660 : i32
      %add3A_662 = arith.constant 128 : i32
      %add3A_663 = arith.addi %add3A_662, %mul3A_661 : i32
      %get3A = arith.index_cast %add3A_663 : i32 to index
      %get3A_664 = tpu.vector_load %arg8[%get3A] {strides = array<i32>} : memref<13328xi32, #tpu.memory_space<vmem>>, vector<16xi32>,
      %shift_right_arithmetic3A_665 = arith.constant 14 : i32
      %shift_right_arithmetic3A_666 = vector.broadcast %shift_right_arithmetic3A_665 : i32 to vector<16xi32>
      %shift_right_arithmetic3A_667 = arith.shrsi %get3A_664, %shift_right_arithmetic3A_666 : vector<16xi32>
      %eq3A_668 = vector.broadcast %add3A_609 : i32 to vector<16xi32>
      %eq3A_669 = arith.cmpi eq, %shift_right_arithmetic3A_667, %eq3A_668 : vector<16xi32>
      %shift_right_arithmetic3A_670 = arith.constant 11 : i32
      %shift_right_arithmetic3A_671 = vector.broadcast %shift_right_arithmetic3A_670 : i32 to vector<16xi32>
      %shift_right_arithmetic3A_672 = arith.shrsi %get3A_664, %shift_right_arithmetic3A_671 : vector<16xi32>
      %and3A_673 = arith.constant 31 : i32
      %and3A_674 = vector.broadcast %and3A_673 : i32 to vector<16xi32>
      %and3A_675 = arith.andi %shift_right_arithmetic3A_672, %and3A_674 : vector<16xi32>
      %and3A_676 = arith.constant 2047 : i32
      %and3A_677 = vector.broadcast %and3A_676 : i32 to vector<16xi32>
      %and3A_678 = arith.andi %get3A_664, %and3A_677 : vector<16xi32>
      %gather3A_679 = tpu.vector_load_idx %arg9[%and3A_675, %and3A_678] masked %eq3A_669 : memref<32x2048xf32, #tpu.memory_space<vmem>>[vector<16xi32>, vector<16xi32>], vector<16xf32>, vector<16xi1>
      %mul3A_680 = arith.constant 16 : i32
      %mul3A_681 = arith.muli %min3A, %mul3A_680 : i32
      %get3A_682 = arith.index_cast %mul3A_681 : i32 to index
      %get3A_683 = tpu.vector_load %arg11[%get3A_682] {strides = array<i32>} : memref<13184xf32, #tpu.memory_space<vmem>>, vector<16xf32>,
      %select_n3A = arith.select %eq3A_669, %gather3A_679, %get3A_683 : vector<16xi1>, vector<16xf32>
      %mul3A_684 = arith.constant 16 : i32
      %mul3A_685 = arith.muli %min3A, %mul3A_684 : i32
      %swap3A_686 = arith.index_cast %mul3A_685 : i32 to index
      %swap3A_687 = tpu.vector_load %arg11[%swap3A_686] {strides = array<i32>} : memref<13184xf32, #tpu.memory_space<vmem>>, vector<16xf32>,
      tpu.vector_store %arg11[%swap3A_686], %select_n3A {strides = array<i32>} : memref<13184xf32, #tpu.memory_space<vmem>>, vector<16xf32>,
      %gt3A_688 = arith.cmpi sgt, %reduce_max3A_629, %min3A : i32
      %convert_element_type3A_689 = arith.extui %gt3A_688 : i1 to i32
      %cond3A_690 = arith.constant 0 : i32
      %cond3A_691 = arith.cmpi ne, %convert_element_type3A_689, %cond3A_690 : i32
      scf.if %cond3A_691 {
        %mul3A_708 = arith.constant 16 : i32
        %mul3A_709 = arith.muli %reduce_max3A_629, %mul3A_708 : i32
        %add3A_710 = arith.constant 128 : i32
        %add3A_711 = arith.addi %add3A_710, %mul3A_709 : i32
        %get3A_712 = arith.index_cast %add3A_711 : i32 to index
        %get3A_713 = tpu.vector_load %arg8[%get3A_712] {strides = array<i32>} : memref<13328xi32, #tpu.memory_space<vmem>>, vector<16xi32>,
        %shift_right_arithmetic3A_714 = arith.constant 14 : i32
        %shift_right_arithmetic3A_715 = vector.broadcast %shift_right_arithmetic3A_714 : i32 to vector<16xi32>
        %shift_right_arithmetic3A_716 = arith.shrsi %get3A_713, %shift_right_arithmetic3A_715 : vector<16xi32>
        %eq3A_717 = vector.broadcast %add3A_609 : i32 to vector<16xi32>
        %eq3A_718 = arith.cmpi eq, %shift_right_arithmetic3A_716, %eq3A_717 : vector<16xi32>
        %shift_right_arithmetic3A_719 = arith.constant 11 : i32
        %shift_right_arithmetic3A_720 = vector.broadcast %shift_right_arithmetic3A_719 : i32 to vector<16xi32>
        %shift_right_arithmetic3A_721 = arith.shrsi %get3A_713, %shift_right_arithmetic3A_720 : vector<16xi32>
        %and3A_722 = arith.constant 31 : i32
        %and3A_723 = vector.broadcast %and3A_722 : i32 to vector<16xi32>
        %and3A_724 = arith.andi %shift_right_arithmetic3A_721, %and3A_723 : vector<16xi32>
        %and3A_725 = arith.constant 2047 : i32
        %and3A_726 = vector.broadcast %and3A_725 : i32 to vector<16xi32>
        %and3A_727 = arith.andi %get3A_713, %and3A_726 : vector<16xi32>
        %gather3A_728 = tpu.vector_load_idx %arg9[%and3A_724, %and3A_727] masked %eq3A_718 : memref<32x2048xf32, #tpu.memory_space<vmem>>[vector<16xi32>, vector<16xi32>], vector<16xf32>, vector<16xi1>
        %mul3A_729 = arith.constant 16 : i32
        %mul3A_730 = arith.muli %reduce_max3A_629, %mul3A_729 : i32
        %get3A_731 = arith.index_cast %mul3A_730 : i32 to index
        %get3A_732 = tpu.vector_load %arg11[%get3A_731] {strides = array<i32>} : memref<13184xf32, #tpu.memory_space<vmem>>, vector<16xf32>,
        %select_n3A_733 = arith.select %eq3A_718, %gather3A_728, %get3A_732 : vector<16xi1>, vector<16xf32>
        %mul3A_734 = arith.constant 16 : i32
        %mul3A_735 = arith.muli %reduce_max3A_629, %mul3A_734 : i32
        %swap3A_736 = arith.index_cast %mul3A_735 : i32 to index
        %swap3A_737 = tpu.vector_load %arg11[%swap3A_736] {strides = array<i32>} : memref<13184xf32, #tpu.memory_space<vmem>>, vector<16xf32>,
        tpu.vector_store %arg11[%swap3A_736], %select_n3A_733 {strides = array<i32>} : memref<13184xf32, #tpu.memory_space<vmem>>, vector<16xf32>,
      } else {
      }
      %add3A_692 = arith.constant 1 : i32
      %add3A_693 = arith.addi %min3A, %add3A_692 : i32
      %add3A_694 = arith.constant 1 : i32
      %add3A_695 = arith.addi %min3A, %add3A_694 : i32
      %max3A = arith.maxsi %reduce_max3A_629, %add3A_695 : i32
      %while3A_696 = arith.constant 0 : i32
      %while3A_697 = arith.subi %max3A, %add3A_693 : i32
      %while3A_698 = arith.addi %add3A_693, %while3A_697 : i32
      %while3A_699 = arith.constant 1 : i32
      %while3A_700 = arith.divsi %while3A_697, %while3A_699 : i32
      %while3A_701 = arith.muli %while3A_700, %while3A_699 : i32
      %while3A_702 = arith.addi %add3A_693, %while3A_701 : i32
      %while3A_703 = arith.constant 1 : i32
      %while3A_704 = scf.for %while3A_708 = %add3A_693 to %while3A_702 step %while3A_703 iter_args(%while3A_709 = %while3A_696) -> (i32)  : i32 {
        %mul3A_710 = arith.constant 16 : i32
        %mul3A_711 = arith.muli %while3A_708, %mul3A_710 : i32
        %add3A_712 = arith.constant 128 : i32
        %add3A_713 = arith.addi %add3A_712, %mul3A_711 : i32
        %get3A_714 = arith.index_cast %add3A_713 : i32 to index
        %get3A_715 = tpu.vector_load %arg8[%get3A_714] {strides = array<i32>} : memref<13328xi32, #tpu.memory_space<vmem>>, vector<16xi32>,
        %shift_right_arithmetic3A_716 = arith.constant 11 : i32
        %shift_right_arithmetic3A_717 = vector.broadcast %shift_right_arithmetic3A_716 : i32 to vector<16xi32>
        %shift_right_arithmetic3A_718 = arith.shrsi %get3A_715, %shift_right_arithmetic3A_717 : vector<16xi32>
        %and3A_719 = arith.constant 31 : i32
        %and3A_720 = vector.broadcast %and3A_719 : i32 to vector<16xi32>
        %and3A_721 = arith.andi %shift_right_arithmetic3A_718, %and3A_720 : vector<16xi32>
        %and3A_722 = arith.constant 2047 : i32
        %and3A_723 = vector.broadcast %and3A_722 : i32 to vector<16xi32>
        %and3A_724 = arith.andi %get3A_715, %and3A_723 : vector<16xi32>
        %gather3A_725 = tpu.vector_load_idx %arg9[%and3A_721, %and3A_724] : memref<32x2048xf32, #tpu.memory_space<vmem>>[vector<16xi32>, vector<16xi32>], vector<16xf32>,
        %mul3A_726 = arith.constant 16 : i32
        %mul3A_727 = arith.muli %while3A_708, %mul3A_726 : i32
        %swap3A_728 = arith.index_cast %mul3A_727 : i32 to index
        %swap3A_729 = tpu.vector_load %arg11[%swap3A_728] {strides = array<i32>} : memref<13184xf32, #tpu.memory_space<vmem>>, vector<16xf32>,
        tpu.vector_store %arg11[%swap3A_728], %gather3A_725 {strides = array<i32>} : memref<13184xf32, #tpu.memory_space<vmem>>, vector<16xf32>,
        %while3A_730 = arith.constant 0 : i32
        scf.yield %while3A_730 : i32
      }
      %while3A_705 = arith.constant 1 : i32
      %while3A_706 = scf.for %while3A_708 = %while3A_702 to %while3A_698 step %while3A_705 iter_args(%while3A_709 = %while3A_704) -> (i32)  : i32 {
        %mul3A_710 = arith.constant 16 : i32
        %mul3A_711 = arith.muli %while3A_708, %mul3A_710 : i32
        %add3A_712 = arith.constant 128 : i32
        %add3A_713 = arith.addi %add3A_712, %mul3A_711 : i32
        %get3A_714 = arith.index_cast %add3A_713 : i32 to index
        %get3A_715 = tpu.vector_load %arg8[%get3A_714] {strides = array<i32>} : memref<13328xi32, #tpu.memory_space<vmem>>, vector<16xi32>,
        %shift_right_arithmetic3A_716 = arith.constant 11 : i32
        %shift_right_arithmetic3A_717 = vector.broadcast %shift_right_arithmetic3A_716 : i32 to vector<16xi32>
        %shift_right_arithmetic3A_718 = arith.shrsi %get3A_715, %shift_right_arithmetic3A_717 : vector<16xi32>
        %and3A_719 = arith.constant 31 : i32
        %and3A_720 = vector.broadcast %and3A_719 : i32 to vector<16xi32>
        %and3A_721 = arith.andi %shift_right_arithmetic3A_718, %and3A_720 : vector<16xi32>
        %and3A_722 = arith.constant 2047 : i32
        %and3A_723 = vector.broadcast %and3A_722 : i32 to vector<16xi32>
        %and3A_724 = arith.andi %get3A_715, %and3A_723 : vector<16xi32>
        %gather3A_725 = tpu.vector_load_idx %arg9[%and3A_721, %and3A_724] : memref<32x2048xf32, #tpu.memory_space<vmem>>[vector<16xi32>, vector<16xi32>], vector<16xf32>,
        %mul3A_726 = arith.constant 16 : i32
        %mul3A_727 = arith.muli %while3A_708, %mul3A_726 : i32
        %swap3A_728 = arith.index_cast %mul3A_727 : i32 to index
        %swap3A_729 = tpu.vector_load %arg11[%swap3A_728] {strides = array<i32>} : memref<13184xf32, #tpu.memory_space<vmem>>, vector<16xf32>,
        tpu.vector_store %arg11[%swap3A_728], %gather3A_725 {strides = array<i32>} : memref<13184xf32, #tpu.memory_space<vmem>>, vector<16xf32>,
        %while3A_730 = arith.constant 0 : i32
        scf.yield %while3A_730 : i32
      }
      %while3A_707 = arith.constant 0 : i32
      scf.yield %while3A_707 : i32
    }
    %while3A_567 = arith.constant 1 : i32
    %while3A_568 = scf.for %while3A_601 = %while3A_564 to %while3A_560 step %while3A_567 iter_args(%while3A_602 = %while3A_566) -> (i32)  : i32 {
      %add3A_603 = arith.constant 3 : i32
      %add3A_604 = arith.addi %while3A_601, %add3A_603 : i32
      %lt3A_605 = arith.cmpi slt, %add3A_604, %add3A_48 : i32
      %convert_element_type3A_606 = arith.extui %lt3A_605 : i1 to i32
      %cond3A_607 = arith.constant 0 : i32
      %cond3A_608 = arith.cmpi ne, %convert_element_type3A_606, %cond3A_607 : i32
      scf.if %cond3A_608 {
        %add3A_708 = arith.constant 3 : i32
        %add3A_709 = arith.addi %while3A_601, %add3A_708 : i32
        %add3A_710 = arith.addi %shift_right_arithmetic3A_33, %add3A_709 : i32
        %and3A_711 = arith.constant 3 : i32
        %and3A_712 = arith.andi %add3A_710, %and3A_711 : i32
        %mul3A_713 = arith.constant 8 : i32
        %mul3A_714 = arith.muli %and3A_712, %mul3A_713 : i32
        %dma_start3A_715 = arith.constant 7 : i32
        %dma_start3A_716 = arith.constant 0 : i32
        %dma_start3A_717 = tpu.memref_slice %arg9[%mul3A_714, %dma_start3A_716] : memref<32x2048xf32, #tpu.memory_space<vmem>> -> memref<8x2048xf32, #tpu.memory_space<vmem>>
        %dma_start3A_718 = arith.constant 0 : i32
        %dma_start3A_719 = arith.constant 0 : i32
        %dma_start3A_720 = arith.constant 0 : i32
        %dma_start3A_721 = tpu.memref_slice %arg2[%dma_start3A_715, %dma_start3A_718, %dma_start3A_719, %dma_start3A_720] : memref<8x256x8x2048xf32, #tpu.memory_space<hbm>> -> memref<1x256x8x2048xf32, #tpu.memory_space<hbm>>
        %dma_start3A_722 = tpu.memref_squeeze %dma_start3A_721 : memref<1x256x8x2048xf32, #tpu.memory_space<hbm>> -> memref<256x8x2048xf32, #tpu.memory_space<hbm>>
        %dma_start3A_723 = arith.constant 0 : i32
        %dma_start3A_724 = arith.constant 0 : i32
        %dma_start3A_725 = tpu.memref_slice %dma_start3A_722[%add3A_710, %dma_start3A_723, %dma_start3A_724] : memref<256x8x2048xf32, #tpu.memory_space<hbm>> -> memref<1x8x2048xf32, #tpu.memory_space<hbm>>
        %dma_start3A_726 = tpu.memref_squeeze %dma_start3A_725 : memref<1x8x2048xf32, #tpu.memory_space<hbm>> -> memref<8x2048xf32, #tpu.memory_space<hbm>>
        %dma_start3A_727 = arith.constant 0 : i32
        %dma_start3A_728 = tpu.memref_slice %arg9[%mul3A_714, %dma_start3A_727] : memref<32x2048xf32, #tpu.memory_space<vmem>> -> memref<8x2048xf32, #tpu.memory_space<vmem>>
        %dma_start3A_729 = arith.constant 0 : i32
        %dma_start3A_730 = arith.constant 0 : i32
        %dma_start3A_731 = arith.constant 0 : i32
        %dma_start3A_732 = tpu.memref_slice %arg2[%dma_start3A_715, %dma_start3A_729, %dma_start3A_730, %dma_start3A_731] : memref<8x256x8x2048xf32, #tpu.memory_space<hbm>> -> memref<1x256x8x2048xf32, #tpu.memory_space<hbm>>
        %dma_start3A_733 = tpu.memref_squeeze %dma_start3A_732 : memref<1x256x8x2048xf32, #tpu.memory_space<hbm>> -> memref<256x8x2048xf32, #tpu.memory_space<hbm>>
        %dma_start3A_734 = arith.constant 0 : i32
        %dma_start3A_735 = arith.constant 0 : i32
        %dma_start3A_736 = tpu.memref_slice %dma_start3A_733[%add3A_710, %dma_start3A_734, %dma_start3A_735] : memref<256x8x2048xf32, #tpu.memory_space<hbm>> -> memref<1x8x2048xf32, #tpu.memory_space<hbm>>
        %dma_start3A_737 = tpu.memref_squeeze %dma_start3A_736 : memref<1x8x2048xf32, #tpu.memory_space<hbm>> -> memref<8x2048xf32, #tpu.memory_space<hbm>>
        tpu.enqueue_dma source(%dma_start3A_737 : memref<8x2048xf32, #tpu.memory_space<hbm>>) target(%dma_start3A_728 : memref<8x2048xf32, #tpu.memory_space<vmem>>) target_semaphore(%arg17 : memref<!tpu.dma_semaphore, #tpu.memory_space<semaphore_mem>>)
      } else {
      }
      %add3A_609 = arith.addi %shift_right_arithmetic3A_33, %while3A_601 : i32
      %broadcast_in_dim3A_610 = vector.broadcast %add3A_609 : i32 to vector<16xi32>
      %gather3A_611 = tpu.vector_load_idx %arg12[%broadcast_in_dim3A_610] : memref<256xi32, #tpu.memory_space<vmem>>[vector<16xi32>], vector<16xi32>,
      %reduce_max3A_612 = arith.constant true
      %reduce_max3A_613 = vector.broadcast %reduce_max3A_612 : i1 to vector<16xi1>
      %reduce_max3A_614 = arith.constant -2147483648 : i32
      %reduce_max3A_615 = vector.broadcast %reduce_max3A_614 : i32 to vector<16xi32>
      %reduce_max3A_616 = arith.xori %gather3A_611, %reduce_max3A_615 : vector<16xi32>
      %reduce_max3A_617 = tpu.scan <max>, %reduce_max3A_616 masked %reduce_max3A_613 : vector<16xi32>, vector<16xi1> -> vector<16xi32>
      %reduce_max3A_618 = arith.xori %reduce_max3A_617, %reduce_max3A_615 : vector<16xi32>
      %reduce_max3A_619 = vector.extract %reduce_max3A_618[15] : i32 from vector<16xi32>
      %broadcast_in_dim3A_620 = vector.broadcast %add3A_609 : i32 to vector<16xi32>
      %gather3A_621 = tpu.vector_load_idx %arg13[%broadcast_in_dim3A_620] : memref<256xi32, #tpu.memory_space<vmem>>[vector<16xi32>], vector<16xi32>,
      %reduce_max3A_622 = arith.constant true
      %reduce_max3A_623 = vector.broadcast %reduce_max3A_622 : i1 to vector<16xi1>
      %reduce_max3A_624 = arith.constant -2147483648 : i32
      %reduce_max3A_625 = vector.broadcast %reduce_max3A_624 : i32 to vector<16xi32>
      %reduce_max3A_626 = arith.xori %gather3A_621, %reduce_max3A_625 : vector<16xi32>
      %reduce_max3A_627 = tpu.scan <max>, %reduce_max3A_626 masked %reduce_max3A_623 : vector<16xi32>, vector<16xi1> -> vector<16xi32>
      %reduce_max3A_628 = arith.xori %reduce_max3A_627, %reduce_max3A_625 : vector<16xi32>
      %reduce_max3A_629 = vector.extract %reduce_max3A_628[15] : i32 from vector<16xi32>
      %add3A_630 = arith.constant 1 : i32
      %add3A_631 = arith.addi %reduce_max3A_629, %add3A_630 : i32
      %min3A = arith.minsi %reduce_max3A_619, %add3A_631 : i32
      %add3A_632 = arith.addi %shift_right_arithmetic3A_33, %while3A_601 : i32
      %and3A_633 = arith.constant 3 : i32
      %and3A_634 = arith.andi %add3A_632, %and3A_633 : i32
      %mul3A_635 = arith.constant 8 : i32
      %mul3A_636 = arith.muli %and3A_634, %mul3A_635 : i32
      %dma_wait3A_637 = arith.constant 7 : i32
      %dma_wait3A_638 = arith.constant 0 : i32
      %dma_wait3A_639 = tpu.memref_slice %arg9[%mul3A_636, %dma_wait3A_638] : memref<32x2048xf32, #tpu.memory_space<vmem>> -> memref<8x2048xf32, #tpu.memory_space<vmem>>
      %dma_wait3A_640 = arith.constant 0 : i32
      %dma_wait3A_641 = arith.constant 0 : i32
      %dma_wait3A_642 = arith.constant 0 : i32
      %dma_wait3A_643 = tpu.memref_slice %arg2[%dma_wait3A_637, %dma_wait3A_640, %dma_wait3A_641, %dma_wait3A_642] : memref<8x256x8x2048xf32, #tpu.memory_space<hbm>> -> memref<1x256x8x2048xf32, #tpu.memory_space<hbm>>
      %dma_wait3A_644 = tpu.memref_squeeze %dma_wait3A_643 : memref<1x256x8x2048xf32, #tpu.memory_space<hbm>> -> memref<256x8x2048xf32, #tpu.memory_space<hbm>>
      %dma_wait3A_645 = arith.constant 0 : i32
      %dma_wait3A_646 = arith.constant 0 : i32
      %dma_wait3A_647 = tpu.memref_slice %dma_wait3A_644[%add3A_632, %dma_wait3A_645, %dma_wait3A_646] : memref<256x8x2048xf32, #tpu.memory_space<hbm>> -> memref<1x8x2048xf32, #tpu.memory_space<hbm>>
      %dma_wait3A_648 = tpu.memref_squeeze %dma_wait3A_647 : memref<1x8x2048xf32, #tpu.memory_space<hbm>> -> memref<8x2048xf32, #tpu.memory_space<hbm>>
      %dma_wait3A_649 = arith.constant 0 : i32
      %dma_wait3A_650 = tpu.memref_slice %arg9[%mul3A_636, %dma_wait3A_649] : memref<32x2048xf32, #tpu.memory_space<vmem>> -> memref<8x2048xf32, #tpu.memory_space<vmem>>
      %dma_wait3A_651 = arith.constant 0 : i32
      %dma_wait3A_652 = arith.constant 0 : i32
      %dma_wait3A_653 = arith.constant 0 : i32
      %dma_wait3A_654 = tpu.memref_slice %arg2[%dma_wait3A_637, %dma_wait3A_651, %dma_wait3A_652, %dma_wait3A_653] : memref<8x256x8x2048xf32, #tpu.memory_space<hbm>> -> memref<1x256x8x2048xf32, #tpu.memory_space<hbm>>
      %dma_wait3A_655 = tpu.memref_squeeze %dma_wait3A_654 : memref<1x256x8x2048xf32, #tpu.memory_space<hbm>> -> memref<256x8x2048xf32, #tpu.memory_space<hbm>>
      %dma_wait3A_656 = arith.constant 0 : i32
      %dma_wait3A_657 = arith.constant 0 : i32
      %dma_wait3A_658 = tpu.memref_slice %dma_wait3A_655[%add3A_632, %dma_wait3A_656, %dma_wait3A_657] : memref<256x8x2048xf32, #tpu.memory_space<hbm>> -> memref<1x8x2048xf32, #tpu.memory_space<hbm>>
      %dma_wait3A_659 = tpu.memref_squeeze %dma_wait3A_658 : memref<1x8x2048xf32, #tpu.memory_space<hbm>> -> memref<8x2048xf32, #tpu.memory_space<hbm>>
      tpu.wait_dma2 semaphore(%arg17 : memref<!tpu.dma_semaphore, #tpu.memory_space<semaphore_mem>>) src(%dma_wait3A_659 : memref<8x2048xf32, #tpu.memory_space<hbm>>) dst(%dma_wait3A_650 : memref<8x2048xf32, #tpu.memory_space<vmem>>)
      %mul3A_660 = arith.constant 16 : i32
      %mul3A_661 = arith.muli %min3A, %mul3A_660 : i32
      %add3A_662 = arith.constant 128 : i32
      %add3A_663 = arith.addi %add3A_662, %mul3A_661 : i32
      %get3A = arith.index_cast %add3A_663 : i32 to index
      %get3A_664 = tpu.vector_load %arg8[%get3A] {strides = array<i32>} : memref<13328xi32, #tpu.memory_space<vmem>>, vector<16xi32>,
      %shift_right_arithmetic3A_665 = arith.constant 14 : i32
      %shift_right_arithmetic3A_666 = vector.broadcast %shift_right_arithmetic3A_665 : i32 to vector<16xi32>
      %shift_right_arithmetic3A_667 = arith.shrsi %get3A_664, %shift_right_arithmetic3A_666 : vector<16xi32>
      %eq3A_668 = vector.broadcast %add3A_609 : i32 to vector<16xi32>
      %eq3A_669 = arith.cmpi eq, %shift_right_arithmetic3A_667, %eq3A_668 : vector<16xi32>
      %shift_right_arithmetic3A_670 = arith.constant 11 : i32
      %shift_right_arithmetic3A_671 = vector.broadcast %shift_right_arithmetic3A_670 : i32 to vector<16xi32>
      %shift_right_arithmetic3A_672 = arith.shrsi %get3A_664, %shift_right_arithmetic3A_671 : vector<16xi32>
      %and3A_673 = arith.constant 31 : i32
      %and3A_674 = vector.broadcast %and3A_673 : i32 to vector<16xi32>
      %and3A_675 = arith.andi %shift_right_arithmetic3A_672, %and3A_674 : vector<16xi32>
      %and3A_676 = arith.constant 2047 : i32
      %and3A_677 = vector.broadcast %and3A_676 : i32 to vector<16xi32>
      %and3A_678 = arith.andi %get3A_664, %and3A_677 : vector<16xi32>
      %gather3A_679 = tpu.vector_load_idx %arg9[%and3A_675, %and3A_678] masked %eq3A_669 : memref<32x2048xf32, #tpu.memory_space<vmem>>[vector<16xi32>, vector<16xi32>], vector<16xf32>, vector<16xi1>
      %mul3A_680 = arith.constant 16 : i32
      %mul3A_681 = arith.muli %min3A, %mul3A_680 : i32
      %get3A_682 = arith.index_cast %mul3A_681 : i32 to index
      %get3A_683 = tpu.vector_load %arg11[%get3A_682] {strides = array<i32>} : memref<13184xf32, #tpu.memory_space<vmem>>, vector<16xf32>,
      %select_n3A = arith.select %eq3A_669, %gather3A_679, %get3A_683 : vector<16xi1>, vector<16xf32>
      %mul3A_684 = arith.constant 16 : i32
      %mul3A_685 = arith.muli %min3A, %mul3A_684 : i32
      %swap3A_686 = arith.index_cast %mul3A_685 : i32 to index
      %swap3A_687 = tpu.vector_load %arg11[%swap3A_686] {strides = array<i32>} : memref<13184xf32, #tpu.memory_space<vmem>>, vector<16xf32>,
      tpu.vector_store %arg11[%swap3A_686], %select_n3A {strides = array<i32>} : memref<13184xf32, #tpu.memory_space<vmem>>, vector<16xf32>,
      %gt3A_688 = arith.cmpi sgt, %reduce_max3A_629, %min3A : i32
      %convert_element_type3A_689 = arith.extui %gt3A_688 : i1 to i32
      %cond3A_690 = arith.constant 0 : i32
      %cond3A_691 = arith.cmpi ne, %convert_element_type3A_689, %cond3A_690 : i32
      scf.if %cond3A_691 {
        %mul3A_708 = arith.constant 16 : i32
        %mul3A_709 = arith.muli %reduce_max3A_629, %mul3A_708 : i32
        %add3A_710 = arith.constant 128 : i32
        %add3A_711 = arith.addi %add3A_710, %mul3A_709 : i32
        %get3A_712 = arith.index_cast %add3A_711 : i32 to index
        %get3A_713 = tpu.vector_load %arg8[%get3A_712] {strides = array<i32>} : memref<13328xi32, #tpu.memory_space<vmem>>, vector<16xi32>,
        %shift_right_arithmetic3A_714 = arith.constant 14 : i32
        %shift_right_arithmetic3A_715 = vector.broadcast %shift_right_arithmetic3A_714 : i32 to vector<16xi32>
        %shift_right_arithmetic3A_716 = arith.shrsi %get3A_713, %shift_right_arithmetic3A_715 : vector<16xi32>
        %eq3A_717 = vector.broadcast %add3A_609 : i32 to vector<16xi32>
        %eq3A_718 = arith.cmpi eq, %shift_right_arithmetic3A_716, %eq3A_717 : vector<16xi32>
        %shift_right_arithmetic3A_719 = arith.constant 11 : i32
        %shift_right_arithmetic3A_720 = vector.broadcast %shift_right_arithmetic3A_719 : i32 to vector<16xi32>
        %shift_right_arithmetic3A_721 = arith.shrsi %get3A_713, %shift_right_arithmetic3A_720 : vector<16xi32>
        %and3A_722 = arith.constant 31 : i32
        %and3A_723 = vector.broadcast %and3A_722 : i32 to vector<16xi32>
        %and3A_724 = arith.andi %shift_right_arithmetic3A_721, %and3A_723 : vector<16xi32>
        %and3A_725 = arith.constant 2047 : i32
        %and3A_726 = vector.broadcast %and3A_725 : i32 to vector<16xi32>
        %and3A_727 = arith.andi %get3A_713, %and3A_726 : vector<16xi32>
        %gather3A_728 = tpu.vector_load_idx %arg9[%and3A_724, %and3A_727] masked %eq3A_718 : memref<32x2048xf32, #tpu.memory_space<vmem>>[vector<16xi32>, vector<16xi32>], vector<16xf32>, vector<16xi1>
        %mul3A_729 = arith.constant 16 : i32
        %mul3A_730 = arith.muli %reduce_max3A_629, %mul3A_729 : i32
        %get3A_731 = arith.index_cast %mul3A_730 : i32 to index
        %get3A_732 = tpu.vector_load %arg11[%get3A_731] {strides = array<i32>} : memref<13184xf32, #tpu.memory_space<vmem>>, vector<16xf32>,
        %select_n3A_733 = arith.select %eq3A_718, %gather3A_728, %get3A_732 : vector<16xi1>, vector<16xf32>
        %mul3A_734 = arith.constant 16 : i32
        %mul3A_735 = arith.muli %reduce_max3A_629, %mul3A_734 : i32
        %swap3A_736 = arith.index_cast %mul3A_735 : i32 to index
        %swap3A_737 = tpu.vector_load %arg11[%swap3A_736] {strides = array<i32>} : memref<13184xf32, #tpu.memory_space<vmem>>, vector<16xf32>,
        tpu.vector_store %arg11[%swap3A_736], %select_n3A_733 {strides = array<i32>} : memref<13184xf32, #tpu.memory_space<vmem>>, vector<16xf32>,
      } else {
      }
      %add3A_692 = arith.constant 1 : i32
      %add3A_693 = arith.addi %min3A, %add3A_692 : i32
      %add3A_694 = arith.constant 1 : i32
      %add3A_695 = arith.addi %min3A, %add3A_694 : i32
      %max3A = arith.maxsi %reduce_max3A_629, %add3A_695 : i32
      %while3A_696 = arith.constant 0 : i32
      %while3A_697 = arith.subi %max3A, %add3A_693 : i32
      %while3A_698 = arith.addi %add3A_693, %while3A_697 : i32
      %while3A_699 = arith.constant 1 : i32
      %while3A_700 = arith.divsi %while3A_697, %while3A_699 : i32
      %while3A_701 = arith.muli %while3A_700, %while3A_699 : i32
      %while3A_702 = arith.addi %add3A_693, %while3A_701 : i32
      %while3A_703 = arith.constant 1 : i32
      %while3A_704 = scf.for %while3A_708 = %add3A_693 to %while3A_702 step %while3A_703 iter_args(%while3A_709 = %while3A_696) -> (i32)  : i32 {
        %mul3A_710 = arith.constant 16 : i32
        %mul3A_711 = arith.muli %while3A_708, %mul3A_710 : i32
        %add3A_712 = arith.constant 128 : i32
        %add3A_713 = arith.addi %add3A_712, %mul3A_711 : i32
        %get3A_714 = arith.index_cast %add3A_713 : i32 to index
        %get3A_715 = tpu.vector_load %arg8[%get3A_714] {strides = array<i32>} : memref<13328xi32, #tpu.memory_space<vmem>>, vector<16xi32>,
        %shift_right_arithmetic3A_716 = arith.constant 11 : i32
        %shift_right_arithmetic3A_717 = vector.broadcast %shift_right_arithmetic3A_716 : i32 to vector<16xi32>
        %shift_right_arithmetic3A_718 = arith.shrsi %get3A_715, %shift_right_arithmetic3A_717 : vector<16xi32>
        %and3A_719 = arith.constant 31 : i32
        %and3A_720 = vector.broadcast %and3A_719 : i32 to vector<16xi32>
        %and3A_721 = arith.andi %shift_right_arithmetic3A_718, %and3A_720 : vector<16xi32>
        %and3A_722 = arith.constant 2047 : i32
        %and3A_723 = vector.broadcast %and3A_722 : i32 to vector<16xi32>
        %and3A_724 = arith.andi %get3A_715, %and3A_723 : vector<16xi32>
        %gather3A_725 = tpu.vector_load_idx %arg9[%and3A_721, %and3A_724] : memref<32x2048xf32, #tpu.memory_space<vmem>>[vector<16xi32>, vector<16xi32>], vector<16xf32>,
        %mul3A_726 = arith.constant 16 : i32
        %mul3A_727 = arith.muli %while3A_708, %mul3A_726 : i32
        %swap3A_728 = arith.index_cast %mul3A_727 : i32 to index
        %swap3A_729 = tpu.vector_load %arg11[%swap3A_728] {strides = array<i32>} : memref<13184xf32, #tpu.memory_space<vmem>>, vector<16xf32>,
        tpu.vector_store %arg11[%swap3A_728], %gather3A_725 {strides = array<i32>} : memref<13184xf32, #tpu.memory_space<vmem>>, vector<16xf32>,
        %while3A_730 = arith.constant 0 : i32
        scf.yield %while3A_730 : i32
      }
      %while3A_705 = arith.constant 1 : i32
      %while3A_706 = scf.for %while3A_708 = %while3A_702 to %while3A_698 step %while3A_705 iter_args(%while3A_709 = %while3A_704) -> (i32)  : i32 {
        %mul3A_710 = arith.constant 16 : i32
        %mul3A_711 = arith.muli %while3A_708, %mul3A_710 : i32
        %add3A_712 = arith.constant 128 : i32
        %add3A_713 = arith.addi %add3A_712, %mul3A_711 : i32
        %get3A_714 = arith.index_cast %add3A_713 : i32 to index
        %get3A_715 = tpu.vector_load %arg8[%get3A_714] {strides = array<i32>} : memref<13328xi32, #tpu.memory_space<vmem>>, vector<16xi32>,
        %shift_right_arithmetic3A_716 = arith.constant 11 : i32
        %shift_right_arithmetic3A_717 = vector.broadcast %shift_right_arithmetic3A_716 : i32 to vector<16xi32>
        %shift_right_arithmetic3A_718 = arith.shrsi %get3A_715, %shift_right_arithmetic3A_717 : vector<16xi32>
        %and3A_719 = arith.constant 31 : i32
        %and3A_720 = vector.broadcast %and3A_719 : i32 to vector<16xi32>
        %and3A_721 = arith.andi %shift_right_arithmetic3A_718, %and3A_720 : vector<16xi32>
        %and3A_722 = arith.constant 2047 : i32
        %and3A_723 = vector.broadcast %and3A_722 : i32 to vector<16xi32>
        %and3A_724 = arith.andi %get3A_715, %and3A_723 : vector<16xi32>
        %gather3A_725 = tpu.vector_load_idx %arg9[%and3A_721, %and3A_724] : memref<32x2048xf32, #tpu.memory_space<vmem>>[vector<16xi32>, vector<16xi32>], vector<16xf32>,
        %mul3A_726 = arith.constant 16 : i32
        %mul3A_727 = arith.muli %while3A_708, %mul3A_726 : i32
        %swap3A_728 = arith.index_cast %mul3A_727 : i32 to index
        %swap3A_729 = tpu.vector_load %arg11[%swap3A_728] {strides = array<i32>} : memref<13184xf32, #tpu.memory_space<vmem>>, vector<16xf32>,
        tpu.vector_store %arg11[%swap3A_728], %gather3A_725 {strides = array<i32>} : memref<13184xf32, #tpu.memory_space<vmem>>, vector<16xf32>,
        %while3A_730 = arith.constant 0 : i32
        scf.yield %while3A_730 : i32
      }
      %while3A_707 = arith.constant 0 : i32
      scf.yield %while3A_707 : i32
    }
    %dma_start3A_569 = arith.constant 7 : i32
    %dma_start3A_570 = arith.constant 0 : i32
    %dma_start3A_571 = tpu.memref_slice %arg6[%dma_start3A_569, %dma_start3A_570] : memref<8x421888xf32, #tpu.memory_space<hbm>> -> memref<1x421888xf32, #tpu.memory_space<hbm>>
    %dma_start3A_572 = tpu.memref_squeeze %dma_start3A_571 : memref<1x421888xf32, #tpu.memory_space<hbm>> -> memref<421888xf32, #tpu.memory_space<hbm>>
    %dma_start3A_573 = tpu.memref_slice %dma_start3A_572[%mul3A_2] : memref<421888xf32, #tpu.memory_space<hbm>> -> memref<13184xf32, #tpu.memory_space<hbm>>
    %dma_start3A_574 = arith.constant 0 : i32
    %dma_start3A_575 = tpu.memref_slice %arg6[%dma_start3A_569, %dma_start3A_574] : memref<8x421888xf32, #tpu.memory_space<hbm>> -> memref<1x421888xf32, #tpu.memory_space<hbm>>
    %dma_start3A_576 = tpu.memref_squeeze %dma_start3A_575 : memref<1x421888xf32, #tpu.memory_space<hbm>> -> memref<421888xf32, #tpu.memory_space<hbm>>
    %dma_start3A_577 = tpu.memref_slice %dma_start3A_576[%mul3A_2] : memref<421888xf32, #tpu.memory_space<hbm>> -> memref<13184xf32, #tpu.memory_space<hbm>>
    tpu.enqueue_dma source(%arg11 : memref<13184xf32, #tpu.memory_space<vmem>>) target(%dma_start3A_577 : memref<13184xf32, #tpu.memory_space<hbm>>) target_semaphore(%arg18 : memref<!tpu.dma_semaphore, #tpu.memory_space<semaphore_mem>>)
    %dma_wait3A_578 = arith.constant 6 : i32
    %dma_wait3A_579 = arith.constant 0 : i32
    %dma_wait3A_580 = tpu.memref_slice %arg6[%dma_wait3A_578, %dma_wait3A_579] : memref<8x421888xf32, #tpu.memory_space<hbm>> -> memref<1x421888xf32, #tpu.memory_space<hbm>>
    %dma_wait3A_581 = tpu.memref_squeeze %dma_wait3A_580 : memref<1x421888xf32, #tpu.memory_space<hbm>> -> memref<421888xf32, #tpu.memory_space<hbm>>
    %dma_wait3A_582 = tpu.memref_slice %dma_wait3A_581[%mul3A_2] : memref<421888xf32, #tpu.memory_space<hbm>> -> memref<13184xf32, #tpu.memory_space<hbm>>
    %dma_wait3A_583 = arith.constant 0 : i32
    %dma_wait3A_584 = tpu.memref_slice %arg6[%dma_wait3A_578, %dma_wait3A_583] : memref<8x421888xf32, #tpu.memory_space<hbm>> -> memref<1x421888xf32, #tpu.memory_space<hbm>>
    %dma_wait3A_585 = tpu.memref_squeeze %dma_wait3A_584 : memref<1x421888xf32, #tpu.memory_space<hbm>> -> memref<421888xf32, #tpu.memory_space<hbm>>
    %dma_wait3A_586 = tpu.memref_slice %dma_wait3A_585[%mul3A_2] : memref<421888xf32, #tpu.memory_space<hbm>> -> memref<13184xf32, #tpu.memory_space<hbm>>
    tpu.wait_dma2 semaphore(%arg18 : memref<!tpu.dma_semaphore, #tpu.memory_space<semaphore_mem>>) src(%arg10 : memref<13184xf32, #tpu.memory_space<vmem>>) dst(%dma_wait3A_586 : memref<13184xf32, #tpu.memory_space<hbm>>)
    %dma_wait3A_587 = arith.constant 7 : i32
    %dma_wait3A_588 = arith.constant 0 : i32
    %dma_wait3A_589 = tpu.memref_slice %arg6[%dma_wait3A_587, %dma_wait3A_588] : memref<8x421888xf32, #tpu.memory_space<hbm>> -> memref<1x421888xf32, #tpu.memory_space<hbm>>
    %dma_wait3A_590 = tpu.memref_squeeze %dma_wait3A_589 : memref<1x421888xf32, #tpu.memory_space<hbm>> -> memref<421888xf32, #tpu.memory_space<hbm>>
    %dma_wait3A_591 = tpu.memref_slice %dma_wait3A_590[%mul3A_2] : memref<421888xf32, #tpu.memory_space<hbm>> -> memref<13184xf32, #tpu.memory_space<hbm>>
    %dma_wait3A_592 = arith.constant 0 : i32
    %dma_wait3A_593 = tpu.memref_slice %arg6[%dma_wait3A_587, %dma_wait3A_592] : memref<8x421888xf32, #tpu.memory_space<hbm>> -> memref<1x421888xf32, #tpu.memory_space<hbm>>
    %dma_wait3A_594 = tpu.memref_squeeze %dma_wait3A_593 : memref<1x421888xf32, #tpu.memory_space<hbm>> -> memref<421888xf32, #tpu.memory_space<hbm>>
    %dma_wait3A_595 = tpu.memref_slice %dma_wait3A_594[%mul3A_2] : memref<421888xf32, #tpu.memory_space<hbm>> -> memref<13184xf32, #tpu.memory_space<hbm>>
    tpu.wait_dma2 semaphore(%arg18 : memref<!tpu.dma_semaphore, #tpu.memory_space<semaphore_mem>>) src(%arg11 : memref<13184xf32, #tpu.memory_space<vmem>>) dst(%dma_wait3A_595 : memref<13184xf32, #tpu.memory_space<hbm>>)
    %lt3A_596 = arith.constant 8 : i32
    %lt3A_597 = arith.cmpi slt, %add3A, %lt3A_596 : i32
    %convert_element_type3A_598 = arith.extui %lt3A_597 : i1 to i32
    %cond3A_599 = arith.constant 0 : i32
    %cond3A_600 = arith.cmpi ne, %convert_element_type3A_598, %cond3A_599 : i32
    scf.if %cond3A_600 {
      "tpu.region"() ({
        %run_scoped3A = tpu.sem_alloc : memref<!tpu.dma_semaphore, #tpu.memory_space<semaphore_mem>>
        %dma_start3A_608 = arith.constant 0 : i32
        %dma_start3A_609 = tpu.memref_slice %arg5[%dma_start3A_608] : memref<256xi32, #tpu.memory_space<hbm>> -> memref<256xi32, #tpu.memory_space<hbm>>
        %dma_start3A_610 = arith.constant 0 : i32
        %dma_start3A_611 = tpu.memref_slice %arg5[%dma_start3A_610] : memref<256xi32, #tpu.memory_space<hbm>> -> memref<256xi32, #tpu.memory_space<hbm>>
        tpu.enqueue_dma source(%dma_start3A_611 : memref<256xi32, #tpu.memory_space<hbm>>) target(%arg15 : memref<256xi32, #tpu.memory_space<vmem>>) target_semaphore(%run_scoped3A : memref<!tpu.dma_semaphore, #tpu.memory_space<semaphore_mem>>)
        %dma_wait3A_612 = arith.constant 0 : i32
        %dma_wait3A_613 = tpu.memref_slice %arg5[%dma_wait3A_612] : memref<256xi32, #tpu.memory_space<hbm>> -> memref<256xi32, #tpu.memory_space<hbm>>
        %dma_wait3A_614 = arith.constant 0 : i32
        %dma_wait3A_615 = tpu.memref_slice %arg5[%dma_wait3A_614] : memref<256xi32, #tpu.memory_space<hbm>> -> memref<256xi32, #tpu.memory_space<hbm>>
        tpu.wait_dma2 semaphore(%run_scoped3A : memref<!tpu.dma_semaphore, #tpu.memory_space<semaphore_mem>>) src(%dma_wait3A_615 : memref<256xi32, #tpu.memory_space<hbm>>) dst(%arg15 : memref<256xi32, #tpu.memory_space<vmem>>)
        tpu.yield
      }) : () -> ()
      "tpu.region"() ({
        %run_scoped3A = tpu.sem_alloc : memref<!tpu.dma_semaphore, #tpu.memory_space<semaphore_mem>>
        tpu.enqueue_dma source(%arg3 : memref<8x2048xf32, #tpu.memory_space<hbm>>) target(%arg14 : memref<8x2048xf32, #tpu.memory_space<vmem>>) target_semaphore(%run_scoped3A : memref<!tpu.dma_semaphore, #tpu.memory_space<semaphore_mem>>)
        tpu.wait_dma2 semaphore(%run_scoped3A : memref<!tpu.dma_semaphore, #tpu.memory_space<semaphore_mem>>) src(%arg3 : memref<8x2048xf32, #tpu.memory_space<hbm>>) dst(%arg14 : memref<8x2048xf32, #tpu.memory_space<vmem>>)
        tpu.yield
      }) : () -> ()
      %scan3A_601 = arith.constant 0 : i32
      %scan3A_602 = arith.constant 0 : i32
      %scan3A_603 = arith.constant 16 : i32
      %scan3A_604 = arith.addi %scan3A_602, %scan3A_603 : i32
      %scan3A_605 = arith.constant 1 : i32
      %scan3A_606 = scf.for %scan3A_608 = %scan3A_602 to %scan3A_604 step %scan3A_605 iter_args(%scan3A_609 = %scan3A_601) -> (i32)  : i32 {
        %mul3A_610 = arith.constant 16 : i32
        %mul3A_611 = arith.muli %scan3A_608, %mul3A_610 : i32
        %get3A = arith.index_cast %mul3A_611 : i32 to index
        %get3A_612 = tpu.vector_load %arg15[%get3A] {strides = array<i32>} : memref<256xi32, #tpu.memory_space<vmem>>, vector<16xi32>,
        %broadcast_in_dim3A_613 = vector.broadcast %add3A : i32 to vector<16xi32>
        %gather3A_614 = tpu.vector_load_idx %arg14[%broadcast_in_dim3A_613, %get3A_612] : memref<8x2048xf32, #tpu.memory_space<vmem>>[vector<16xi32>, vector<16xi32>], vector<16xf32>,
        %mul3A_615 = arith.constant 16 : i32
        %mul3A_616 = arith.muli %scan3A_608, %mul3A_615 : i32
        %swap3A_617 = arith.index_cast %mul3A_616 : i32 to index
        %swap3A_618 = tpu.vector_load %arg16[%swap3A_617] {strides = array<i32>} : memref<256xf32, #tpu.memory_space<vmem>>, vector<16xf32>,
        tpu.vector_store %arg16[%swap3A_617], %gather3A_614 {strides = array<i32>} : memref<256xf32, #tpu.memory_space<vmem>>, vector<16xf32>,
        %scan3A_619 = arith.constant 0 : i32
        scf.yield %scan3A_619 : i32
      }
      %scan3A_607 = arith.constant 16 : i32
      "tpu.region"() ({
        %run_scoped3A = tpu.sem_alloc : memref<!tpu.dma_semaphore, #tpu.memory_space<semaphore_mem>>
        %dma_start3A_608 = arith.constant 0 : i32
        %dma_start3A_609 = tpu.memref_slice %arg7[%add3A, %dma_start3A_608] : memref<8x256xf32, #tpu.memory_space<hbm>> -> memref<1x256xf32, #tpu.memory_space<hbm>>
        %dma_start3A_610 = tpu.memref_squeeze %dma_start3A_609 : memref<1x256xf32, #tpu.memory_space<hbm>> -> memref<256xf32, #tpu.memory_space<hbm>>
        %dma_start3A_611 = arith.constant 0 : i32
        %dma_start3A_612 = tpu.memref_slice %arg7[%add3A, %dma_start3A_611] : memref<8x256xf32, #tpu.memory_space<hbm>> -> memref<1x256xf32, #tpu.memory_space<hbm>>
        %dma_start3A_613 = tpu.memref_squeeze %dma_start3A_612 : memref<1x256xf32, #tpu.memory_space<hbm>> -> memref<256xf32, #tpu.memory_space<hbm>>
        tpu.enqueue_dma source(%arg16 : memref<256xf32, #tpu.memory_space<vmem>>) target(%dma_start3A_613 : memref<256xf32, #tpu.memory_space<hbm>>) target_semaphore(%run_scoped3A : memref<!tpu.dma_semaphore, #tpu.memory_space<semaphore_mem>>)
        %dma_wait3A_614 = arith.constant 0 : i32
        %dma_wait3A_615 = tpu.memref_slice %arg7[%add3A, %dma_wait3A_614] : memref<8x256xf32, #tpu.memory_space<hbm>> -> memref<1x256xf32, #tpu.memory_space<hbm>>
        %dma_wait3A_616 = tpu.memref_squeeze %dma_wait3A_615 : memref<1x256xf32, #tpu.memory_space<hbm>> -> memref<256xf32, #tpu.memory_space<hbm>>
        %dma_wait3A_617 = arith.constant 0 : i32
        %dma_wait3A_618 = tpu.memref_slice %arg7[%add3A, %dma_wait3A_617] : memref<8x256xf32, #tpu.memory_space<hbm>> -> memref<1x256xf32, #tpu.memory_space<hbm>>
        %dma_wait3A_619 = tpu.memref_squeeze %dma_wait3A_618 : memref<1x256xf32, #tpu.memory_space<hbm>> -> memref<256xf32, #tpu.memory_space<hbm>>
        tpu.wait_dma2 semaphore(%run_scoped3A : memref<!tpu.dma_semaphore, #tpu.memory_space<semaphore_mem>>) src(%arg16 : memref<256xf32, #tpu.memory_space<vmem>>) dst(%dma_wait3A_619 : memref<256xf32, #tpu.memory_space<hbm>>)
        tpu.yield
      }) : () -> ()
    } else {
    }
    return
  }
}

</mosaic_0001>

<sc_bundles>
// kernel: _gather_sc.3.cloned.1.call-start
scs
__scs_entry_jumppad:
0x0: {  	(pc) =	sbr.rel $0x88, $3  }
0x1: {  	(tag) =	ssettag $0x0;
	lr =	simm.s32 $0x1  }
0x2: {  	[smem:$0x3F9D] =	sst lr;
	_ =	strace $0xD0000000  }
0x3: {  	_ = 	snop  }
0x4: {  	_ = 	snop  }
0x5: {  	_ = 	snop  }
0x6: {  	_ = 	snop  }
0x7: {  	_ = 	snop  }
__scs_overlays_trampoline_lowered:
0x8: {  	[smem:$0x3FAC] =	sst s0  }
0x9: {  	[smem:$0x3FAD] =	sst s1  }
0xa: {  	[smem:$0x3FAE] =	sst s2  }
0xb: {  	[smem:$0x3FAF] =	sst s3  }
0xc: {  	[smem:$0x3FB0] =	sst s4  }
0xd: {  	[smem:$0x3FB1] =	sst s5  }
0xe: {  	[smem:$0x3FB2] =	sst s6  }
0xf: {  	[smem:$0x3FB3] =	sst s7  }
0x10: {  	[smem:$0x3FB4] =	sst s8  }
0x11: {  	[smem:$0x3FB5] =	sst s9;
	s0 =	simm.s32 @!p0 $0x0  }
0x12: {  	s1 =	sld [smem:$0x3F9B];
	s0 =	simm.s32 @p0 $0x1  }
0x13: {  	[smem:$0x3FB6] =	sst s0;
	s0 =	simm.s32 @!p1 $0x0  }
0x14: {  	s2 =	sld [smem:$0x3F9A];
	s0 =	simm.s32 @p1 $0x1  }
0x15: {  	[smem:$0x3FB7] =	sst s0;
	s0 =	simm.s32 @!p2 $0x0  }
0x16: {  	s3 =	sld [smem:$0x3FDB];
	s0 =	simm.s32 @p2 $0x1  }
0x17: {  	s4 =	simm.s32 $0x1BF5;
	[smem:$0x3FB9] =	sst s0  }
0x18: {  	s0 =	sld [smem:$0x3F9C];
	_ =	swait.ge [sflag:s4], $0x0  }
0x19: {  	s7 =	sld [smem:$0x3F9D]  }
0x1a: {  	s8 =	sadd.s32 $0xFFFFE003, lr  }
0x1b: {  	s9 =	sadd.s32 $0xFFFFFEF7, lr;
	s5 =	simm.s32 $0xFFFFFFFF;
	p2 =	slt.u32 s8, $0xFFFFF086  }
0x1c: {  	p1 =	slt.u32 s9, $0xF7A;
	s5 =	simm.s32 @!p2 $0x0  }
0x1d: {  	s5 =	simm.s32 @p1 $0x1;
	p0 =	seq.s32 s7, s2  }
0x1e: {  	s7 =	smul.u32 @!p0 $0xF7A, s2;
	p2 =	seq.s32 @!p0 s5, $0x0  }
0x1f: {  	s9 =	smul.u32 $0xF7A, s1;
	s8 =	simm.s32 @!p0 $0x1BF5;
	p2 =	por !p2, p0  }
0x20: {  	[sflag:s8] =	ssyncset.s32 @!p0 $0xFFFFF086;
	s6 =	sadd.s32 @!p0 s3, s7;
	s7 =	simm.s32 @!p0 $0x108  }
0x21: {  	s3 =	sadd.s32 s3, s9;
	s6 =	sadd.s32 @!p0 $0x88, s6;
	s7 =	simm.s32 @p2 $0x1082  }
0x22: {  	[simem:s7], [sflag:s8] =	dma.local @!p0 [hbm:s6], $0xF7A  }
0x23: {  	s9 =	sor.u32 $0xD0000000, s2;
	s6 =	simm.s32 $0x108;
	_ =	swait.ge @!p0 [sflag:s8], $0x0  }
0x24: {  	s3 =	sadd.s32 $0x88, s3;
	s6 =	simm.s32 @!p1 $0x1082;
	[sflag:s4] =	ssyncset.s32 $0xFFFFF086  }
0x25: {  	[simem:s6], [sflag:s4] =	dma.local [hbm:s3], $0xF7A  }
0x26: {  	[smem:$0x3F9D] =	sst s1;
	(tag) =	ssettag s2;
	_ =	strace s9  }
0x27: {  	s1 =	sld [smem:$0x3FAD]  }
0x28: {  	s2 =	sld [smem:$0x3FAE]  }
0x29: {  	s4 =	sld [smem:$0x3FB0]  }
0x2a: {  	p0 =	seq.s32 s5, $0x0;
	s5 =	sld [smem:$0x3FB1]  }
0x2b: {  	s6 =	sld [smem:$0x3FB2]  }
0x2c: {  	s7 =	sld [smem:$0x3FB3]  }
0x2d: {  	s3 =	simm.s32 $0x108;
	s8 =	sld [smem:$0x3FB4]  }
0x2e: {  	s3 =	simm.s32 @!p0 $0x1082;
	s9 =	sld [smem:$0x3FB5]  }
0x2f: {  	lr =	sadd.s32 s0, s3;
	s0 =	sld [smem:$0x3FAC]  }
0x30: {  	s3 =	sld [smem:$0x3FAF]  }
0x31: {  	[smem:$0x3FB8] =	sst s10  }
0x32: {  	s10 =	sld [smem:$0x3FB6];
	_ =	sdelay $0x3  }
0x33: {  	p0 =	seq.s32 s10, $0x1;
	s10 =	sld [smem:$0x3FB8];
	_ =	sdelay $0x3  }
0x34: {  	[smem:$0x3FB8] =	sst s10  }
0x35: {  	s10 =	sld [smem:$0x3FB7];
	_ =	sdelay $0x3  }
0x36: {  	p1 =	seq.s32 s10, $0x1;
	s10 =	sld [smem:$0x3FB8];
	_ =	sdelay $0x3  }
0x37: {  	[smem:$0x3FB8] =	sst s10  }
0x38: {  	s10 =	sld [smem:$0x3FB9]  }
0x39: {  	_ = 	snop;
	(pc) =	sbr.ind lr, $3  }
0x3a: {  	_ = 	snop  }
0x3b: {  	_ = 	snop  }
0x3c: {  	p2 =	seq.s32 s10, $0x1;
	s10 =	sld [smem:$0x3FB8]  }
0x3d: {  	_ =	shalt  }
0x3e: {  	_ =	shalt  }
0x3f: {  	_ =	shalt  }
0x40: {  	_ =	shalt  }
0x41: {  	_ =	shalt  }
0x42: {  	_ =	shalt  }
0x43: {  	_ =	shalt  }
0x44: {  	_ =	shalt  }
0x45: {  	_ =	shalt  }
0x46: {  	_ =	shalt  }
0x47: {  	_ =	shalt  }
0x48: {  	_ =	shalt  }
0x49: {  	_ =	shalt  }
0x4a: {  	_ =	shalt  }
0x4b: {  	_ =	shalt  }
0x4c: {  	_ =	shalt  }
0x4d: {  	_ =	shalt  }
0x4e: {  	_ =	shalt  }
0x4f: {  	_ =	shalt  }
0x50: {  	_ =	shalt  }
0x51: {  	_ =	shalt  }
0x52: {  	_ =	shalt  }
0x53: {  	_ =	shalt  }
0x54: {  	_ =	shalt  }
0x55: {  	_ =	shalt  }
0x56: {  	_ =	shalt  }
0x57: {  	_ =	shalt  }
0x58: {  	_ =	shalt  }
0x59: {  	_ =	shalt  }
0x5a: {  	_ =	shalt  }
0x5b: {  	_ =	shalt  }
0x5c: {  	_ =	shalt  }
0x5d: {  	_ =	shalt  }
0x5e: {  	_ =	shalt  }
0x5f: {  	_ =	shalt  }
0x60: {  	_ =	shalt  }
0x61: {  	_ =	shalt  }
0x62: {  	_ =	shalt  }
0x63: {  	_ =	shalt  }
0x64: {  	_ =	shalt  }
0x65: {  	_ =	shalt  }
0x66: {  	_ =	shalt  }
0x67: {  	_ =	shalt  }
0x68: {  	_ =	shalt  }
0x69: {  	_ =	shalt  }
0x6a: {  	_ =	shalt  }
0x6b: {  	_ =	shalt  }
0x6c: {  	_ =	shalt  }
0x6d: {  	_ =	shalt  }
0x6e: {  	_ =	shalt  }
0x6f: {  	_ =	shalt  }
0x70: {  	_ =	shalt  }
0x71: {  	_ =	shalt  }
0x72: {  	_ =	shalt  }
0x73: {  	_ =	shalt  }
0x74: {  	_ =	shalt  }
0x75: {  	_ =	shalt  }
0x76: {  	_ =	shalt  }
0x77: {  	_ =	shalt  }
0x78: {  	_ =	shalt  }
0x79: {  	_ =	shalt  }
0x7a: {  	_ =	shalt  }
0x7b: {  	_ =	shalt  }
0x7c: {  	_ =	shalt  }
0x7d: {  	_ =	shalt  }
0x7e: {  	_ =	shalt  }
0x7f: {  	_ =	shalt  }
0x80: {  	_ =	shalt  }
0x81: {  	_ =	shalt  }
0x82: {  	_ =	shalt  }
0x83: {  	_ =	shalt  }
0x84: {  	_ =	shalt  }
0x85: {  	_ =	shalt  }
0x86: {  	_ =	shalt  }
0x87: {  	_ =	shalt  }
.Lfunc_end0:
.L_simem_size_0:
called_computation_lowered:
.L_overlay_start_0:
0x88: {  	s2 =	sld [smem:$0x3FD9]  }
0x89: {  	s3 =	sld [smem:$0x3FFE];
	_ =	sdelay $0x1  }
0x8a: {  	s1 =	srdreg.scid  }
0x8b: {  	s0 =	sand.u32 $0x1, s1  }
0x8c: {  	s15 =	sshll.u32 s0, $0xA;
	s2 =	sadd.s32 s3, s2  }
0x8d: {  	s2 =	sadd.s32 s2, s15  }
0x8e: {  	[smem:$0x3FC4] =	sst s2  }
0x8f: {  	_ = 	snop  }
0x90: {  	s2 =	sld [smem:$0x3FC9]  }
0x91: {  	s16 =	sld [smem:$0x3FD0]  }
0x92: {  	s4 =	sld [smem:$0x3FC8]  }
0x93: {  	s5 =	sld [smem:$0x3FC7]  }
0x94: {  	s7 =	simm.s32 $0xA;
	s8 =	simm.s32 $0x10;
	s6 =	sld [smem:$0x3FC6]  }
0x95: {  	[smem:s8], [sflag:s7] =	dma.local [hbm:s16], $0x1  }
0x96: {  	_ =	swait.eq [sflag:s7], $0x1  }
0x97: {  	[sflag:s7] =	ssyncset.done $0x0  }
0x98: {  	s17 =	sld [smem:$0x10];
	[sflag:s7] =	ssyncadd.s32 $0xFFFFFFFF  }
0x99: {  	s18 =	sld [smem:$0x11];
	(tm) =	ssettm $0x1  }
0x9a: {  	s19 =	sld [smem:$0x3FFB];
	_ =	sdelay $0x3  }
0x9b: {  	_ =	strace s19  }
0x9c: {  	s8 =	sld [smem:$0x3FFC];
	_ =	sdelay $0x3  }
0x9d: {  	_ =	strace s8  }
0x9e: {  	s8 =	sld [smem:$0x3FFD];
	_ =	sdelay $0x3  }
0x9f: {  	_ =	strace s8  }
0xa0: {  	_ =	strace $0x8FFFFFFF  }
0xa1: {  	s20 =	sld [smem:$0x3FDB];
	_ =	sdelay $0x1  }
0xa2: {  	s9 =	simm.s32 $_scs_section_size  }
0xa3: {  	s10 =	simm.s32 $_size__tile_overlayer_lowered;
	s11 =	simm.s32 $_tile_overlayer_lowered  }
0xa4: {  	s23 =	simm.s32 $0x1BFF;
	s22 =	sshll.u32 s11, $0x1;
	s8 =	sadd.s32 s9, s20  }
0xa5: {  	s12 =	simm.s32 $0x0;
	s21 =	sshll.u32 s10, $0x1;
	s10 =	sadd.s32 s22, s8  }
0xa6: {  	[timem:s12], [sflag:s23] =	dma.local [hbm:s10], s21  }
0xa7: {  	_ =	swait.ge [sflag:s23], s21  }
0xa8: {  	s9 =	ssub.s32 $0x0, s21;
	[sflag:s23] =	ssyncset.done $0x0  }
0xa9: {  	[sflag:s23] =	ssyncadd.s32 s9;
	_ =	sdelay $0x1  }
0xaa: {  	s24 =	simm.s32 $0x1B8B  }
0xab: {  	_ =	swait.ge [sflag:s24], $0x1  }
0xac: {  	[sflag:s24] =	ssyncset.done $0x0  }
0xad: {  	s25 =	simm.s32 $0x1B8E;
	[sflag:s24] =	ssyncadd.s32 $0xFFFFFFFF  }
0xae: {  	s26 =	simm.s32 $execute0_lowered;
	[smem:$0x3FD2] =	sst s25  }
0xaf: {  	s9 =	sshll.u32 s26, $0x1;
	_ =	strace $0x80000046;
	[dreg:$0x1] =	wrdreg $0xFFFFFFFF  }
0xb0: {  	s28 =	simm.s32 $_size_execute0_lowered;
	s8 =	sadd.s32 s8, s9;
	[dreg:$0x0] =	wrdreg $0x0  }
0xb1: {  	s9 =	sshll.u32 s28, $0x1;
	[dreg:$0x2] =	wrdreg s8  }
0xb2: {  	[dreg:$0x3] =	wrdreg s9  }
0xb3: {  	[dreg:$0x4] =	wrdreg $0xC0  }
0xb4: {  	_ =	task [dreg:s12], $0x5FFFF  }
0xb5: {  	[dreg:$0x1] =	wrdreg $0xFFFFFFFF  }
0xb6: {  	[dreg:$0x0] =	wrdreg $0x60  }
0xb7: {  	[dreg:$0x2] =	wrdreg s2  }
0xb8: {  	[dreg:$0x3] =	wrdreg s4  }
0xb9: {  	[dreg:$0x4] =	wrdreg s5  }
0xba: {  	[dreg:$0x5] =	wrdreg s6  }
0xbb: {  	[dreg:$0x6] =	wrdreg s17  }
0xbc: {  	[dreg:$0x7] =	wrdreg s18  }
0xbd: {  	[dreg:$0x8] =	wrdreg $0x9  }
0xbe: {  	_ =	task.clear_ibuf [dreg:s12], $0x9FFFF;
	_ =	strace $0x90000046  }
0xbf: {  	s29 =	simm.s32 $0x9;
	_ =	strace $0x80000048  }
0xc0: {  	_ =	swait.ge [sflag:s29], $0x1  }
0xc1: {  	[sflag:s29] =	ssyncadd.s32 $0xFFFFFFFF  }
0xc2: {  	_ =	strace $0x90000048  }
0xc3: {  	_ =	sfence  }
0xc4: {  	s30 =	sld [smem:$0x0];
	_ =	sdelay $0x2  }
0xc5: {  	s31 =	sshll.u32 s1, $0xD;
	s1 =	sshrl.u32 s1, $0x2  }
0xc6: {  	s3 =	sand.u32 $0x4000, s31;
	s1 =	sadd.s32 s1, s30  }
0xc7: {  	s0 =	sor.u32 s3, s0;
	s1 =	sshll.u32 s1, $0x11  }
0xc8: {  	s0 =	sor.u32 s1, s0  }
0xc9: {  	s0 =	sadd.s32 $0x8F2B, s0  }
0xca: {  	[sflag:s0] =	ssyncadd.remote.s32 $0x1  }
0xcb: {  	_ =	sfence.sel $0xFFFF  }
0xcc: {  	[dreg:$0x0] =	wrdreg $0xFFFFFFFF;
	(pc) =	sbr.abs _section_cstart, $3  }
0xcd: {  	[dreg:$0x1] =	wrdreg $0xFFFFFFFF  }
0xce: {  	_ =	task.clear_ibuf [dreg:s12], $0x2FFFF;
	_ =	strace $0x9FFFFFFF  }
0xcf: {  	(tm) =	ssettm $0x7FFFFFFF  }
tec
execute0_lowered:
.L_overlay_start_1:
0x0: {  	(tag) =	ssettag $0x1  }
0x1: {  	s0 =	rddreg [dreg:$0x0]  }
0x2: {  	s1 =	rddreg [dreg:$0x2]  }
0x3: {  	s3 =	rddreg [dreg:$0x4]  }
0x4: {  	s2 =	srdreg.scid;
	s4 =	rddreg [dreg:$0x5]  }
0x5: {  	s14 =	stileid.u32;
	s25 =	simm.s32 $0x0;
	s28 =	simm.s32 $0x19B80  }
0x6: {  	s29 =	simm.s32 $0x19C80;
	s30 =	simm.s32 $0x1;
	s31 =	simm.s32 $0x3480  }
0x7: {  	s2 =	sand.u32 $0x1, s2;
	[smem:$0x7FF] =	sst s25;
	s9 =	sadd.s32 $0x80000, s0  }
0x8: {  	s10 =	sadd.s32 $0x100000, s0;
	s11 =	sadd.s32 $0x180000, s0;
	s18 =	sadd.s32 $0x30, s3  }
0x9: {  	s12 =	sadd.s32 $0x200000, s0;
	s15 =	sadd.s32 $0x40, s3;
	s13 =	sadd.s32 $0x280000, s0  }
0xa: {  	s16 =	sshll.u32 s14, $0x4;
	s17 =	sadd.s32 $0x50, s3;
	s19 =	sadd.s32 $0x60, s3  }
0xb: {  	s5 =	sshll.u32 s2, $0x4;
	s2 =	ssub.s32 $0x2, s2;
	_ =	strace $0x80000047  }
0xc: {  	s4 =	sadd.s32 s4, s16;
	s5 =	sor.u32 s14, s5;
	s7 =	sshrl.u32 s2, $0x1  }
0xd: {  	s14 =	sadd.s32 $0x300000, s0;
	s6 =	smul.u32 $0x670, s5;
	s2 =	ssub.s32 s2, s7  }
0xe: {  	[dreg:$0xa] =	wrdreg s4;
	s8 =	smul.u32 $0x3380, s5;
	s2 =	smax.u32 s2, $0x1  }
0xf: {  	s7 =	sadd.s32 $0x20, s3;
	s6 =	sadd.s32 s1, s6;
	[dreg:$0xb] =	wrdreg s2  }
0x10: {  	p0 =	seq.s32 s5, $0x1F;
	s1 =	sadd.s32 $0xC790, s1;
	[dreg:$0x7] =	wrdreg s6  }
0x11: {  	p1 =	sgt.u32 s5, $0x7;
	s26 =	sadd.s32 s3, s8;
	[dreg:$0x8] =	wrdreg s1  }
0x12: {  	s20 =	sadd.s32 s8, s7;
	s21 =	sadd.s32 s8, s18;
	[dreg:$0x9] =	wrdreg s26  }
0x13: {  	s22 =	sadd.s32 s8, s15;
	s23 =	sadd.s32 s8, s17;
	[dreg:$0xd] =	wrdreg s20  }
0x14: {  	s24 =	sadd.s32 s8, s19;
	s18 =	simm.s32 $0x3;
	[dreg:$0xe] =	wrdreg s21  }
.Ltmp0:
0x15: {  	s2 =	simm.s32 $0x2;
	[dreg:$0xf] =	wrdreg s22;
	(pc) =	sbr.rel .LBB2_1-.Ltmp0, $4  }
0x16: {  	v0 =	vmov s5;
	s19 =	simm.s32 $0x0;
	s6 =	sadd.s32 $0x10, s3;
	[dreg:$0x10] =	wrdreg s23  }
0x17: {  	v1 =	vimm.s32 $0xFFFFFFFF;
	v2 =	vimm.s32 $0x2A65;
	v0 =	vshll.u32 v0, $0x7;
	s3 =	sadd.s32 $0x70, s3;
	[dreg:$0x11] =	wrdreg s24;
	s1 =	sadd.s32 s8, s6  }
0x18: {  	v3 =	vimm.s32 $0x40000000;
	vm0 =	vmmov $0x1;
	v0 =	vand.u32 $0x380, v0;
	s20 =	sadd.s32 $0x380000, s0;
	s26 =	sadd.s32 s8, s3;
	[dreg:$0xc] =	wrdreg s1  }
0x19: {  	v4 =	vimm.s32 $0x80;
	v5 =	vimm.s32 $0x33FF;
	v0 =	vbroadcast v0, $0x0;
	s6 =	simm.s32 $0x19D80;
	[dreg:$0x12] =	wrdreg s26;
	s26 =	simm.s32 $0x80  }
.LBB2_96:
0x1a: {  	s19 =	sadd.s32 $0x1, s19;
	s1 =	rddreg [dreg:$0xb]  }
0x1b: {  	p2 =	sne.s32 s19, s1  }
.Ltmp1:
0x1c: {  	_ = 	snop;
	(pc) =	sbr.rel @!p2 .LBB2_97-.Ltmp1, $1  }
0x1d: {  	_ =	sdelay $0x3  }
.LBB2_1:
.Ltmp2:
0x1e: {  	(pc) =	sbr.rel @!p0 .LBB2_2-.Ltmp2, $2  }
0x1f: {  	_ =	sdelay $0x2  }
0x20: {  	[tilespmem:$0x70] =	vst v1  }
0x21: {  	s1 =	simm.s32 $0x0;
	s3 =	rddreg [dreg:$0x8]  }
0x22: {  	[tilespmem:s26], [sflag:$0x3] =	stream.linear.gather [hbm4b:s3+s1], $0x2A00, $0x38;
	[tilespmem:$0x1DF80] =	vst v63  }
0x23: {  	_ =	swait.ge [sflag:s18], $0x2A00  }
0x24: {  	[sflag:s18] =	ssyncset.done $0x0  }
0x25: {  	[sflag:s18] =	ssyncadd.s32 $0xFFFFD600  }
0x26: {  	v6 =	vld.idx.msk [tilespmem:v2+s1+$0x0], $0xffff;
	_ =	sdelay $0x4  }
0x27: {  	v6 =	vxor.u32 $0x80000000, v6  }
0x28: {  	(xrf0) =	vmax.scan.msk.u32 $0xffff, v6;
	_ =	sdelay $0x5  }
0x29: {  	v6, _, _ =	vpop (xrf0)  }
0x2a: {  	(v2sf) =	vpush v6, $0xF;
	_ =	sdelay $0xe  }
0x2b: {  	s24 =	spop (v2sf)  }
0x2c: {  	s1 =	sxor.u32 $0x80000000, s24  }
0x2d: {  	s3 =	simm.s32 $0x0;
	v6 =	vmov s1;
	s1 =	simm.s32 $0x40  }
.LBB2_4:
0x2e: {  	p2 =	sne.s32 s1, $0x2640;
	[tilespmem:s3+$0x2A66] =	vst v6;
	s3 =	smov.u32 s1;
	s1 =	sadd.s32 $0x40, s1  }
.Ltmp3:
0x2f: {  	(pc) =	sbr.rel @p2 .LBB2_4-.Ltmp3, $2  }
0x30: {  	_ =	sdelay $0x2  }
0x31: {  	s3 =	sshra.s32 s3, $0x2  }
.Ltmp4:
0x32: {  	(pc) =	sbr.rel .LBB2_6-.Ltmp4, $2  }
0x33: {  	_ =	sdelay $0x2  }
0x34: {  	[tilespmem:s3+$0x2A66] =	vst v6  }
.LBB2_2:
0x35: {  	s1 =	rddreg [dreg:$0x7]  }
0x36: {  	[tilespmem:s26], [sflag:$0x3] =	stream.linear.gather [hbm4b:s1+s25], $0x3380, $0x38;
	[tilespmem:$0x1DF80] =	vst v63  }
0x37: {  	_ =	swait.ge [sflag:s18], $0x3380  }
0x38: {  	[sflag:s18] =	ssyncset.done $0x0  }
0x39: {  	[sflag:s18] =	ssyncadd.s32 $0xFFFFCC80  }
.LBB2_6:
0x3a: {  	[tilespmem:$0x19B80] =	vst v3  }
0x3b: {  	[tilespmem:$0x19C80] =	vst v1  }
0x3c: {  	[tilespmem:$0x19B90] =	vst v3  }
0x3d: {  	[tilespmem:$0x19C90] =	vst v1  }
0x3e: {  	[tilespmem:$0x19BA0] =	vst v3  }
0x3f: {  	[tilespmem:$0x19CA0] =	vst v1  }
0x40: {  	[tilespmem:$0x19BB0] =	vst v3  }
0x41: {  	[tilespmem:$0x19CB0] =	vst v1  }
0x42: {  	[tilespmem:$0x19BC0] =	vst v3  }
0x43: {  	[tilespmem:$0x19CC0] =	vst v1  }
0x44: {  	[tilespmem:$0x19BD0] =	vst v3  }
0x45: {  	[tilespmem:$0x19CD0] =	vst v1  }
0x46: {  	[tilespmem:$0x19BE0] =	vst v3  }
0x47: {  	[tilespmem:$0x19CE0] =	vst v1  }
0x48: {  	[tilespmem:$0x19BF0] =	vst v3  }
0x49: {  	[tilespmem:$0x19CF0] =	vst v1  }
0x4a: {  	[tilespmem:$0x19C00] =	vst v3  }
0x4b: {  	[tilespmem:$0x19D00] =	vst v1  }
0x4c: {  	[tilespmem:$0x19C10] =	vst v3  }
0x4d: {  	[tilespmem:$0x19D10] =	vst v1  }
0x4e: {  	[tilespmem:$0x19C20] =	vst v3  }
0x4f: {  	[tilespmem:$0x19D20] =	vst v1  }
0x50: {  	[tilespmem:$0x19C30] =	vst v3  }
0x51: {  	[tilespmem:$0x19D30] =	vst v1  }
0x52: {  	[tilespmem:$0x19C40] =	vst v3  }
0x53: {  	[tilespmem:$0x19D40] =	vst v1  }
0x54: {  	[tilespmem:$0x19C50] =	vst v3  }
0x55: {  	[tilespmem:$0x19D50] =	vst v1  }
0x56: {  	[tilespmem:$0x19C60] =	vst v3  }
0x57: {  	[tilespmem:$0x19D60] =	vst v1  }
0x58: {  	[tilespmem:$0x19C70] =	vst v3  }
0x59: {  	[tilespmem:$0x19D70] =	vst v1;
	s3 =	simm.s32 $0x7F;
	s1 =	simm.s32 $0x0  }
0x5a: {  	s4 =	simm.s32 $0x1;
	s5 =	simm.s32 $0x0;
	s7 =	sand.u32 $0x3FF0, s1;
	v6 =	vld [tilespmem:s3+$0x0]  }
.LBB2_7:
0x5b: {  	p2 =	sne.s32 s4, $0x337;
	v7 =	vld [tilespmem:s7+$0x80];
	_ =	sdelay $0x4  }
0x5c: {  	v6 =	vshra.s32 v6, $0xE;
	v7 =	vshra.s32 v7, $0xE  }
0x5d: {  	vm1 =	vne.s32 v7, v6  }
0x5e: {  	vm2 =	vmor vm1, vm0;
	_ =	sdelay $0x2  }
.Ltmp5:
0x5f: {  	(pc) =	sbr.rel @p2 .LBB2_7-.Ltmp5, $4  }
0x60: {  	v6 =	vmov s1;
	s1 =	smov.u32 s4  }
0x61: {  	[tilespmem:v7+s28+$0x0] =	vst.idx.msk vm1, v6  }
0x62: {  	s3 =	sadd.s32 $0x10, s3;
	s5 =	sadd.s32 $0x10, s5;
	[tilespmem:v7+s29+$0x0] =	vst.idx.msk vm2, v6  }
0x63: {  	s7 =	sand.u32 $0x3FF0, s5;
	s4 =	sadd.s32 $0x1, s4;
	v6 =	vld [tilespmem:s3+$0x0]  }
0x64: {  	v7 =	vld [tilespmem:s7+$0x80];
	_ =	sdelay $0x4  }
0x65: {  	v6 =	vshra.s32 v6, $0xE;
	v7 =	vshra.s32 v7, $0xE  }
0x66: {  	vm1 =	vne.s32 v7, v6  }
0x67: {  	vm2 =	vmor vm1, vm0;
	_ =	sdelay $0x3  }
0x68: {  	v6 =	vmov s1  }
0x69: {  	[tilespmem:v7+s28+$0x0] =	vst.idx.msk vm1, v6  }
0x6a: {  	[tilespmem:v7+s29+$0x0] =	vst.idx.msk vm2, v6  }
0x6b: {  	v6 =	vld.idx.msk [tilespmem:v4+s25+$0x0], $0xffff  }
0x6c: {  	v7 =	vld.idx.msk [tilespmem:v5+s25+$0x0], $0xffff;
	_ =	sdelay $0x3  }
0x6d: {  	v6 =	vxor.u32 $0x80000000, v6  }
0x6e: {  	(xrf0) =	vmax.scan.msk.u32 $0xffff, v6;
	v6 =	vxor.u32 $0x80000000, v7  }
0x6f: {  	(xrf0) =	vmax.scan.msk.u32 $0xffff, v6;
	_ =	sdelay $0x4  }
0x70: {  	v6, _, _ =	vpop (xrf0)  }
0x71: {  	(v2sf) =	vpush v6, $0xF;
	v6, _, _ =	vpop (xrf0)  }
0x72: {  	(v2sf) =	vpush v6, $0xF;
	_ =	sdelay $0xd  }
0x73: {  	s22 =	spop (v2sf)  }
0x74: {  	s3 =	sshra.s32 s22, $0xE;
	s23 =	spop (v2sf)  }
0x75: {  	s15 =	sxor.u32 $0xFFFE0000, s3;
	s3 =	sshra.s32 s23, $0xE  }
0x76: {  	s3 =	sxor.u32 $0xFFFE0000, s3  }
0x77: {  	s8 =	ssub.s32 s3, s15  }
0x78: {  	p2 =	slt.s32 s8, $0x1  }
.Ltmp6:
0x79: {  	_ = 	snop;
	(pc) =	sbr.rel @p2 .LBB2_14-.Ltmp6, $4  }
0x7a: {  	s4 =	sshll.u32 s15, $0xB  }
0x7b: {  	s1 =	sand.u32 $0xC000, s22;
	s16 =	sand.u32 $0x1FFFF800, s4  }
0x7c: {  	[dreg:$0x13] =	wrdreg s19;
	s17 =	sor.u32 $0x3480, s1;
	s24 =	sadd.s32 s0, s16  }
0x7d: {  	[tilespmem:s17], [sflag:$0x1] =	stream.linear.gather [hbm4b:s24+s25], $0x4000, $0x38;
	[tilespmem:$0x1DF80] =	vst v63  }
0x7e: {  	s1 =	sadd.s32 $0x1, s15  }
0x7f: {  	s3 =	sshll.u32 s1, $0xE;
	s1 =	sshll.u32 s1, $0xB  }
0x80: {  	s3 =	sand.u32 $0xC000, s3;
	s1 =	sand.u32 $0x1FFFF800, s1  }
0x81: {  	p4 =	seq.s32 s8, $0x1;
	s1 =	sadd.s32 s0, s1;
	s3 =	sor.u32 $0x3480, s3  }
0x82: {  	[tilespmem:s3], [sflag:$0x1] =	stream.linear.gather [hbm4b:s1+s25], $0x4000, $0x38;
	[tilespmem:$0x1DF80] =	vst v63  }
.Ltmp7:
0x83: {  	p3 =	por $0x0, $0x0;
	s1 =	sadd.s32 @!p4 $0x2, s15;
	(pc) =	sbr.rel .LBB2_10-.Ltmp7, $4  }
0x84: {  	s4 =	simm.s32 @!p4 $0x0;
	s3 =	sshll.u32 @!p4 s1, $0xE;
	s1 =	sshll.u32 @!p4 s1, $0xB  }
0x85: {  	p5 =	por @!p4 $0x1, $0x1;
	s3 =	sand.u32 @!p4 $0xC000, s3;
	s1 =	sand.u32 @!p4 $0x1FFFF800, s1  }
0x86: {  	p3 =	por @!p4 p5, p5;
	s1 =	sadd.s32 @!p4 s0, s1;
	s3 =	sor.u32 @!p4 $0x3480, s3  }
0x87: {  	[tilespmem:s3], [sflag:$0x1] =	stream.linear.gather @!p4 [hbm4b:s1+s4], $0x4000, $0x38;
	[tilespmem:$0x1DF80] =	vst v63  }
.LBB2_14:
0x88: {  	p4 =	slt.s32 s8, $0x0  }
.Ltmp8:
0x89: {  	_ = 	snop;
	(pc) =	sbr.rel @p4 .LBB2_15-.Ltmp8, $2  }
0x8a: {  	_ =	sdelay $0x2  }
0x8b: {  	p3 =	por $0x0, $0x0  }
.LBB2_10:
.Ltmp9:
0x8c: {  	(pc) =	sbr.rel .LBB2_11-.Ltmp9, $2  }
0x8d: {  	_ =	sdelay $0x2  }
0x8e: {  	s4 =	sadd.s32 $0x1, s8;
	s1 =	simm.s32 $0x0  }
.LBB2_15:
.Ltmp10:
0x8f: {  	(pc) =	sbr.rel .LBB2_22-.Ltmp10, $2  }
0x90: {  	_ =	sdelay $0x2  }
0x91: {  	p4 =	por $0x1, $0x1  }
.LBB2_13:
0x92: {  	s19 =	smov.u32 s18  }
.LBB2_19:
0x93: {  	v6 =	vld [tilespmem:s5+$0x80];
	_ =	sdelay $0x4  }
0x94: {  	v7 =	vshll.u32 v6, $0x3  }
0x95: {  	v8 =	vshrl.u32 v6, $0x4;
	v6 =	vand.u32 $0xC07F, v6;
	v7 =	vand.u32 $0x3C00, v7  }
0x96: {  	v8 =	vand.u32 $0x380, v8;
	v6 =	vor.u32 v7, v6  }
0x97: {  	v6 =	vor.u32 v8, v6;
	_ =	sdelay $0x4  }
0x98: {  	v6 =	vld.idx.msk [tilespmem:v6+s31+$0x0], $0xffff;
	_ =	sdelay $0x2  }
0x99: {  	s3 =	sadd.s32 @p4 $0x10, s19  }
0x9a: {  	s18 =	smov.u32 @p4 s3  }
0x9b: {  	[tilespmem:s18+$0x0] =	vst v6  }
.LBB2_20:
0x9c: {  	s1 =	sadd.s32 $0x1, s1  }
0x9d: {  	p4 =	sne.s32 s1, s4  }
.Ltmp11:
0x9e: {  	_ = 	snop;
	(pc) =	sbr.rel @!p4 .LBB2_21-.Ltmp11, $1  }
0x9f: {  	_ =	sdelay $0x3  }
.LBB2_11:
0xa0: {  	s3 =	sadd.s32 $0x3, s1  }
0xa1: {  	s5 =	sadd.s32 s15, s1;
	p4 =	sgt.s32 s3, s8  }
0xa2: {  	v6 =	vmov s5;
	s3 =	sadd.s32 @!p4 s15, s3  }
0xa3: {  	s7 =	sshll.u32 @!p4 s3, $0xE;
	s3 =	sshll.u32 @!p4 s3, $0xB  }
0xa4: {  	s7 =	sand.u32 @!p4 $0xC000, s7;
	s3 =	sand.u32 @!p4 $0x1FFFF800, s3  }
0xa5: {  	s18 =	simm.s32 @!p4 $0x0;
	s3 =	sadd.s32 @!p4 s0, s3;
	s7 =	sor.u32 @!p4 $0x3480, s7  }
0xa6: {  	[tilespmem:s7], [sflag:$0x1] =	stream.linear.gather @!p4 [hbm4b:s3+s18], $0x4000, $0x38;
	[tilespmem:$0x1DF80] =	vst v63  }
0xa7: {  	v7 =	vld.idx.msk [tilespmem:v6+s28+$0x0], $0xffff  }
0xa8: {  	v8 =	vld.idx.msk [tilespmem:v6+s29+$0x0], $0xffff;
	_ =	sdelay $0x3  }
0xa9: {  	v7 =	vxor.u32 $0x80000000, v7  }
0xaa: {  	(xrf0) =	vmax.scan.msk.u32 $0xffff, v7;
	v7 =	vxor.u32 $0x80000000, v8  }
0xab: {  	(xrf0) =	vmax.scan.msk.u32 $0xffff, v7;
	_ =	sdelay $0x4  }
0xac: {  	v7, _, _ =	vpop (xrf0)  }
0xad: {  	(v2sf) =	vpush v7, $0xF;
	v7, _, _ =	vpop (xrf0)  }
0xae: {  	(v2sf) =	vpush v7, $0xF;
	_ =	sdelay $0xd  }
0xaf: {  	s24 =	spop (v2sf)  }
0xb0: {  	s7 =	spop (v2sf)  }
0xb1: {  	s18 =	sxor.u32 $0x80000000, s24;
	s3 =	sadd.s32 $0x80000001, s7  }
0xb2: {  	_ =	swait.ge [sflag:s30], $0x4000;
	p4 =	slt.s32 s18, s3  }
0xb3: {  	[sflag:s30] =	ssyncset.done $0x0;
	s3 =	smov.u32 @p4 s18  }
0xb4: {  	[sflag:s30] =	ssyncadd.s32 $0xFFFFC000;
	s19 =	sshll.u32 s3, $0x4  }
0xb5: {  	v7 =	vld [tilespmem:s19+$0x80];
	_ =	sdelay $0x4  }
0xb6: {  	v61 =	vshra.s32 v7, $0xE;
	v9 =	vshll.u32 v7, $0x3  }
0xb7: {  	v10 =	vshrl.u32 v7, $0x4;
	v7 =	vand.u32 $0xC07F, v7;
	v9 =	vand.u32 $0x3C00, v9  }
0xb8: {  	vm1 =	veq.s32 v61, s5;
	v62 =	vand.u32 $0x380, v10;
	v7 =	vor.u32 v9, v7  }
0xb9: {  	v7 =	vor.u32 v62, v7;
	_ =	sdelay $0x3  }
0xba: {  	v63 =	vld [tilespmem:s19+$0x13480]  }
0xbb: {  	v7 =	vld.idx.msk [tilespmem:v7+s31+$0x0], vm1;
	_ =	sdelay $0x3  }
0xbc: {  	s5 =	sxor.u32 $0x80000000, s7  }
0xbd: {  	p4 =	sle.s32 s5, s3;
	v7 =	vsel vm1, v7, v63  }
0xbe: {  	s18 =	sshll.u32 @!p4 s7, $0x4;
	[tilespmem:s19+$0x13480] =	vst v7  }
0xbf: {  	v7 =	vld @!p4 [tilespmem:s18+$0x80];
	_ =	sdelay $0x4  }
0xc0: {  	v8 =	vshra.s32 @!p4 v7, $0xE;
	v9 =	vshll.u32 @!p4 v7, $0x3  }
0xc1: {  	v10 =	vshrl.u32 @!p4 v7, $0x4;
	v7 =	vand.u32 @!p4 $0xC07F, v7;
	v9 =	vand.u32 @!p4 $0x3C00, v9  }
0xc2: {  	vm1 =	veq.s32 @!p4 v8, v6;
	v6 =	vand.u32 @!p4 $0x380, v10;
	v7 =	vor.u32 @!p4 v9, v7  }
0xc3: {  	v6 =	vor.u32 @!p4 v6, v7;
	_ =	sdelay $0x3  }
0xc4: {  	s7 =	simm.s32 @!p4 $0x3480;
	v7 =	vld @!p4 [tilespmem:s18+$0x13480]  }
0xc5: {  	v6 =	vld.idx.msk @!p4 [tilespmem:v6+s7+$0x0], vm1;
	s7 =	sadd.s32 $0x1, s3  }
0xc6: {  	p5 =	sle.s32 s5, s7  }
.Ltmp12:
0xc7: {  	_ = 	snop;
	(pc) =	sbr.rel @p5 .LBB2_20-.Ltmp12, $3  }
0xc8: {  	_ =	sdelay $0x1  }
0xc9: {  	v6 =	vsel @!p4 vm1, v6, v7  }
0xca: {  	[tilespmem:s18+$0x13480] =	vst @!p4 v6  }
0xcb: {  	p4 =	sgt.s32 s5, s7  }
0xcc: {  	s23 =	sxor.u32 $0xFFFFFFFF, s3;
	s7 =	smov.u32 @p4 s5  }
0xcd: {  	s7 =	sadd.s32 s7, s23  }
0xce: {  	p5 =	sne.s32 s7, $0x1  }
.Ltmp13:
0xcf: {  	_ = 	snop;
	(pc) =	sbr.rel @!p5 .LBB2_13-.Ltmp13, $4  }
0xd0: {  	s24 =	sshll.u32 s3, $0x6  }
0xd1: {  	s3 =	sshra.s32 s24, $0x2  }
0xd2: {  	s18 =	sadd.s32 $0x13490, s3;
	s3 =	sadd.s32 $0x10, s19  }
0xd3: {  	p4 =	por $0x0, $0x0;
	s5 =	sand.u32 $0xFFFFFFF0, s3;
	s7 =	sadd.s32 $0xFFFFFFFF, s7  }
0xd4: {  	v6 =	vld [tilespmem:s5+$0x80];
	_ =	sdelay $0x4  }
0xd5: {  	v7 =	vshll.u32 v6, $0x3  }
0xd6: {  	v8 =	vshrl.u32 v6, $0x4;
	v6 =	vand.u32 $0xC07F, v6;
	v7 =	vand.u32 $0x3C00, v7  }
0xd7: {  	v8 =	vand.u32 $0x380, v8;
	v6 =	vor.u32 v7, v6  }
0xd8: {  	v6 =	vor.u32 v8, v6;
	_ =	sdelay $0x4  }
0xd9: {  	p5 =	sne.s32 s7, $0x1;
	v6 =	vld.idx.msk [tilespmem:v6+s31+$0x0], $0xffff  }
.Ltmp14:
0xda: {  	_ = 	snop;
	(pc) =	sbr.rel @!p5 .LBB2_17-.Ltmp14, $3  }
0xdb: {  	_ =	sdelay $0x1  }
0xdc: {  	s3 =	sadd.s32 $0x10, s3;
	s21 =	sadd.s32 $0xFFFFFFFF, s7  }
0xdd: {  	p4 =	por $0x1, $0x1;
	s19 =	smov.u32 s18;
	s5 =	sand.u32 $0xFFFFFFF0, s3;
	[tilespmem:s18+$0x0] =	vst v6  }
.LBB2_18:
0xde: {  	p5 =	sne.s32 s21, $0x1;
	v6 =	vld [tilespmem:s5+$0x80];
	_ =	sdelay $0x4  }
0xdf: {  	v7 =	vshll.u32 v6, $0x3  }
0xe0: {  	v8 =	vshrl.u32 v6, $0x4;
	v6 =	vand.u32 $0xC07F, v6;
	v7 =	vand.u32 $0x3C00, v7  }
0xe1: {  	v8 =	vand.u32 $0x380, v8;
	v6 =	vor.u32 v7, v6  }
0xe2: {  	v6 =	vor.u32 v8, v6;
	_ =	sdelay $0x4  }
0xe3: {  	v6 =	vld.idx.msk [tilespmem:v6+s31+$0x0], $0xffff;
	_ =	sdelay $0x1  }
.Ltmp15:
0xe4: {  	(pc) =	sbr.rel @p5 .LBB2_18-.Ltmp15, $3  }
0xe5: {  	_ =	sdelay $0x1  }
0xe6: {  	s3 =	sadd.s32 $0x10, s3;
	s19 =	sadd.s32 $0x10, s19  }
0xe7: {  	s21 =	sadd.s32 $0xFFFFFFFF, s21;
	s5 =	sand.u32 $0xFFFFFFF0, s3;
	[tilespmem:s19+$0x0] =	vst v6  }
.Ltmp16:
0xe8: {  	_ = 	snop;
	(pc) =	sbr.rel .LBB2_19-.Ltmp16, $1  }
0xe9: {  	_ =	sdelay $0x3  }
.LBB2_17:
.Ltmp17:
0xea: {  	(pc) =	sbr.rel .LBB2_19-.Ltmp17, $2  }
0xeb: {  	_ =	sdelay $0x2  }
0xec: {  	s19 =	smov.u32 s18  }
.LBB2_21:
0xed: {  	p4 =	por $0x0, $0x0  }
.LBB2_22:
0xee: {  	s1 =	rddreg [dreg:$0x9];
	s3 =	simm.s32 $0x400;
	s4 =	simm.s32 $0x13480  }
0xef: {  	[hbm4b:s1+s26] =	stream.strided.scatter [tilespmem:s4], [sflag:$0x2], $0x3380, s3, s26, $0x38;
	[tilespmem:$0x1DF80] =	vst v63  }
0xf0: {  	s1 =	sadd.s32 @!p2 $0x1, s15  }
0xf1: {  	s26 =	sadd.s32 s16, s9;
	s3 =	sshll.u32 @!p2 s1, $0xE;
	s1 =	sshll.u32 @!p2 s1, $0xB  }
0xf2: {  	[tilespmem:s17], [sflag:$0x1] =	stream.linear.gather [hbm4b:s26+s25], $0x4000, $0x38;
	[tilespmem:$0x1DF80] =	vst v63  }
0xf3: {  	s3 =	sand.u32 @!p2 $0xC000, s3;
	s18 =	sand.u32 @!p2 $0x1FFFF800, s1  }
0xf4: {  	s23 =	simm.s32 @!p2 $0x0;
	s1 =	sadd.s32 @!p2 s18, s9;
	s19 =	sor.u32 @!p2 $0x3480, s3  }
0xf5: {  	[tilespmem:s19], [sflag:$0x1] =	stream.linear.gather @!p2 [hbm4b:s1+s23], $0x4000, $0x38;
	[tilespmem:$0x1DF80] =	vst v63  }
.Ltmp18:
0xf6: {  	s1 =	sadd.s32 @p3 $0x2, s15;
	(pc) =	sbr.rel @!p4 .LBB2_23-.Ltmp18, $4  }
0xf7: {  	s3 =	sshll.u32 @p3 s1, $0xE;
	s1 =	sshll.u32 @p3 s1, $0xB  }
0xf8: {  	s3 =	sand.u32 @p3 $0xC000, s3;
	s21 =	sand.u32 @p3 $0x1FFFF800, s1  }
0xf9: {  	s24 =	simm.s32 @p3 $0x0;
	s1 =	sadd.s32 @p3 s21, s9;
	s22 =	sor.u32 @p3 $0x3480, s3  }
0xfa: {  	[tilespmem:s22], [sflag:$0x1] =	stream.linear.gather @p3 [hbm4b:s1+s24], $0x4000, $0x38;
	[tilespmem:$0x1DF80] =	vst v63  }
.LBB2_32:
0xfb: {  	s1 =	rddreg [dreg:$0xc]  }
0xfc: {  	s26 =	simm.s32 $0x80;
	s3 =	simm.s32 $0x400;
	s4 =	simm.s32 $0x16800  }
0xfd: {  	[hbm4b:s1+s26] =	stream.strided.scatter [tilespmem:s4], [sflag:$0x2], $0x3380, s3, s26, $0x38;
	[tilespmem:$0x1DF80] =	vst v63  }
0xfe: {  	s7 =	sadd.s32 s16, s10;
	s25 =	simm.s32 $0x0  }
0xff: {  	[tilespmem:s17], [sflag:$0x1] =	stream.linear.gather [hbm4b:s7+s25], $0x4000, $0x38;
	[tilespmem:$0x1DF80] =	vst v63  }
0x100: {  	s1 =	sadd.s32 @!p2 s18, s10  }
0x101: {  	[tilespmem:s19], [sflag:$0x1] =	stream.linear.gather @!p2 [hbm4b:s1+s23], $0x4000, $0x38;
	[tilespmem:$0x1DF80] =	vst v63  }
.Ltmp19:
0x102: {  	s1 =	sadd.s32 @p3 s21, s10;
	(pc) =	sbr.rel @!p4 .LBB2_33-.Ltmp19, $4  }
0x103: {  	[tilespmem:s22], [sflag:$0x1] =	stream.linear.gather @p3 [hbm4b:s1+s24], $0x4000, $0x38;
	[tilespmem:$0x1DF80] =	vst v63  }
0x104: {  	_ =	swait.ge [sflag:s2], $0x3380  }
0x105: {  	[sflag:s2] =	ssyncset.done $0x0  }
0x106: {  	[sflag:s2] =	ssyncadd.s32 $0xFFFFCC80  }
.LBB2_42:
0x107: {  	s1 =	rddreg [dreg:$0xd];
	s3 =	simm.s32 $0x400;
	s4 =	simm.s32 $0x13480  }
0x108: {  	[hbm4b:s1+s26] =	stream.strided.scatter [tilespmem:s4], [sflag:$0x2], $0x3380, s3, s26, $0x38;
	[tilespmem:$0x1DF80] =	vst v63  }
0x109: {  	s26 =	sadd.s32 s16, s11  }
0x10a: {  	[tilespmem:s17], [sflag:$0x1] =	stream.linear.gather [hbm4b:s26+s25], $0x4000, $0x38;
	[tilespmem:$0x1DF80] =	vst v63  }
0x10b: {  	s23 =	simm.s32 @!p2 $0x0;
	s1 =	sadd.s32 @!p2 s18, s11  }
0x10c: {  	[tilespmem:s19], [sflag:$0x1] =	stream.linear.gather @!p2 [hbm4b:s1+s23], $0x4000, $0x38;
	[tilespmem:$0x1DF80] =	vst v63  }
.Ltmp20:
0x10d: {  	s24 =	simm.s32 @p3 $0x0;
	s1 =	sadd.s32 @p3 s21, s11;
	(pc) =	sbr.rel @!p4 .LBB2_43-.Ltmp20, $4  }
0x10e: {  	[tilespmem:s22], [sflag:$0x1] =	stream.linear.gather @p3 [hbm4b:s1+s24], $0x4000, $0x38;
	[tilespmem:$0x1DF80] =	vst v63  }
0x10f: {  	_ =	swait.ge [sflag:s2], $0x3380  }
0x110: {  	[sflag:s2] =	ssyncset.done $0x0  }
0x111: {  	[sflag:s2] =	ssyncadd.s32 $0xFFFFCC80  }
.LBB2_52:
0x112: {  	s1 =	rddreg [dreg:$0xe]  }
0x113: {  	s26 =	simm.s32 $0x80;
	s3 =	simm.s32 $0x400;
	s4 =	simm.s32 $0x16800  }
0x114: {  	[hbm4b:s1+s26] =	stream.strided.scatter [tilespmem:s4], [sflag:$0x2], $0x3380, s3, s26, $0x38;
	[tilespmem:$0x1DF80] =	vst v63  }
0x115: {  	s7 =	sadd.s32 s16, s12;
	s25 =	simm.s32 $0x0  }
0x116: {  	[tilespmem:s17], [sflag:$0x1] =	stream.linear.gather [hbm4b:s7+s25], $0x4000, $0x38;
	[tilespmem:$0x1DF80] =	vst v63  }
0x117: {  	s1 =	sadd.s32 @!p2 s18, s12  }
0x118: {  	[tilespmem:s19], [sflag:$0x1] =	stream.linear.gather @!p2 [hbm4b:s1+s23], $0x4000, $0x38;
	[tilespmem:$0x1DF80] =	vst v63  }
.Ltmp21:
0x119: {  	s1 =	sadd.s32 @p3 s21, s12;
	(pc) =	sbr.rel @!p4 .LBB2_53-.Ltmp21, $4  }
0x11a: {  	[tilespmem:s22], [sflag:$0x1] =	stream.linear.gather @p3 [hbm4b:s1+s24], $0x4000, $0x38;
	[tilespmem:$0x1DF80] =	vst v63  }
0x11b: {  	_ =	swait.ge [sflag:s2], $0x3380  }
0x11c: {  	[sflag:s2] =	ssyncset.done $0x0  }
0x11d: {  	[sflag:s2] =	ssyncadd.s32 $0xFFFFCC80  }
.LBB2_62:
0x11e: {  	s1 =	rddreg [dreg:$0xf];
	s3 =	simm.s32 $0x400;
	s4 =	simm.s32 $0x13480  }
0x11f: {  	[hbm4b:s1+s26] =	stream.strided.scatter [tilespmem:s4], [sflag:$0x2], $0x3380, s3, s26, $0x38;
	[tilespmem:$0x1DF80] =	vst v63  }
0x120: {  	s26 =	sadd.s32 s16, s13  }
0x121: {  	[tilespmem:s17], [sflag:$0x1] =	stream.linear.gather [hbm4b:s26+s25], $0x4000, $0x38;
	[tilespmem:$0x1DF80] =	vst v63  }
0x122: {  	s23 =	simm.s32 @!p2 $0x0;
	s1 =	sadd.s32 @!p2 s18, s13  }
0x123: {  	[tilespmem:s19], [sflag:$0x1] =	stream.linear.gather @!p2 [hbm4b:s1+s23], $0x4000, $0x38;
	[tilespmem:$0x1DF80] =	vst v63  }
.Ltmp22:
0x124: {  	s24 =	simm.s32 @p3 $0x0;
	s1 =	sadd.s32 @p3 s21, s13;
	(pc) =	sbr.rel @!p4 .LBB2_63-.Ltmp22, $4  }
0x125: {  	[tilespmem:s22], [sflag:$0x1] =	stream.linear.gather @p3 [hbm4b:s1+s24], $0x4000, $0x38;
	[tilespmem:$0x1DF80] =	vst v63  }
0x126: {  	_ =	swait.ge [sflag:s2], $0x3380  }
0x127: {  	[sflag:s2] =	ssyncset.done $0x0  }
0x128: {  	[sflag:s2] =	ssyncadd.s32 $0xFFFFCC80  }
.LBB2_72:
0x129: {  	s1 =	rddreg [dreg:$0x10]  }
0x12a: {  	s26 =	simm.s32 $0x80;
	s3 =	simm.s32 $0x400;
	s4 =	simm.s32 $0x16800  }
0x12b: {  	[hbm4b:s1+s26] =	stream.strided.scatter [tilespmem:s4], [sflag:$0x2], $0x3380, s3, s26, $0x38;
	[tilespmem:$0x1DF80] =	vst v63  }
0x12c: {  	s7 =	sadd.s32 s16, s14;
	s25 =	simm.s32 $0x0  }
0x12d: {  	[tilespmem:s17], [sflag:$0x1] =	stream.linear.gather [hbm4b:s7+s25], $0x4000, $0x38;
	[tilespmem:$0x1DF80] =	vst v63  }
0x12e: {  	s1 =	sadd.s32 @!p2 s18, s14  }
0x12f: {  	[tilespmem:s19], [sflag:$0x1] =	stream.linear.gather @!p2 [hbm4b:s1+s23], $0x4000, $0x38;
	[tilespmem:$0x1DF80] =	vst v63  }
.Ltmp23:
0x130: {  	s1 =	sadd.s32 @p3 s21, s14;
	(pc) =	sbr.rel @!p4 .LBB2_73-.Ltmp23, $4  }
0x131: {  	[tilespmem:s22], [sflag:$0x1] =	stream.linear.gather @p3 [hbm4b:s1+s24], $0x4000, $0x38;
	[tilespmem:$0x1DF80] =	vst v63  }
0x132: {  	_ =	swait.ge [sflag:s2], $0x3380  }
0x133: {  	[sflag:s2] =	ssyncset.done $0x0  }
0x134: {  	[sflag:s2] =	ssyncadd.s32 $0xFFFFCC80  }
.LBB2_82:
0x135: {  	s1 =	rddreg [dreg:$0x11];
	s3 =	simm.s32 $0x400;
	s4 =	simm.s32 $0x13480  }
0x136: {  	[hbm4b:s1+s26] =	stream.strided.scatter [tilespmem:s4], [sflag:$0x2], $0x3380, s3, s26, $0x38;
	[tilespmem:$0x1DF80] =	vst v63  }
0x137: {  	s24 =	sadd.s32 s16, s20  }
0x138: {  	[tilespmem:s17], [sflag:$0x1] =	stream.linear.gather [hbm4b:s24+s25], $0x4000, $0x38;
	[tilespmem:$0x1DF80] =	vst v63  }
0x139: {  	s1 =	sadd.s32 @!p2 s18, s20;
	s3 =	simm.s32 @!p2 $0x0  }
0x13a: {  	[tilespmem:s19], [sflag:$0x1] =	stream.linear.gather @!p2 [hbm4b:s1+s3], $0x4000, $0x38;
	[tilespmem:$0x1DF80] =	vst v63  }
.Ltmp24:
0x13b: {  	s1 =	sadd.s32 @p3 s21, s20;
	s3 =	simm.s32 @p3 $0x0;
	(pc) =	sbr.rel @!p4 .LBB2_83-.Ltmp24, $4  }
0x13c: {  	[tilespmem:s22], [sflag:$0x1] =	stream.linear.gather @p3 [hbm4b:s1+s3], $0x4000, $0x38;
	[tilespmem:$0x1DF80] =	vst v63  }
0x13d: {  	_ =	swait.ge [sflag:s2], $0x3380  }
0x13e: {  	[sflag:s2] =	ssyncset.done $0x0  }
0x13f: {  	s18 =	simm.s32 $0x3;
	s19 =	rddreg [dreg:$0x13];
	[sflag:s2] =	ssyncadd.s32 $0xFFFFCC80  }
.LBB2_92:
0x140: {  	s1 =	rddreg [dreg:$0x12];
	s3 =	simm.s32 $0x400;
	s4 =	simm.s32 $0x16800  }
0x141: {  	[hbm4b:s1+s26] =	stream.strided.scatter [tilespmem:s4], [sflag:$0x2], $0x3380, s3, s26, $0x38;
	[tilespmem:$0x1DF80] =	vst v63  }
0x142: {  	_ =	swait.ge [sflag:s2], $0x3380  }
.Ltmp25:
0x143: {  	[sflag:s2] =	ssyncset.done $0x0;
	(pc) =	sbr.rel @p1 .LBB2_96-.Ltmp25, $4  }
0x144: {  	[sflag:s2] =	ssyncadd.s32 $0xFFFFCC80  }
0x145: {  	_ =	swait.ge [sflag:s2], $0x3380  }
0x146: {  	[sflag:s2] =	ssyncset.done $0x0  }
0x147: {  	[sflag:s2] =	ssyncadd.s32 $0xFFFFCC80  }
0x148: {  	s1 =	simm.s32 $0x0;
	s3 =	rddreg [dreg:$0x3];
	s4 =	simm.s32 $0x1DD80  }
0x149: {  	[tilespmem:s4], [sflag:$0x3] =	stream.linear.gather [hbm4b:s3+s1], $0x100, $0x38;
	[tilespmem:$0x1DF80] =	vst v63  }
0x14a: {  	_ =	swait.ge [sflag:s18], $0x100  }
0x14b: {  	[sflag:s18] =	ssyncset.done $0x0  }
0x14c: {  	[sflag:s18] =	ssyncadd.s32 $0xFFFFFF00  }
0x14d: {  	s24 =	rddreg [dreg:$0x1]  }
0x14e: {  	[tilespmem:s6], [sflag:$0x3] =	stream.linear.gather [hbm4b:s24+s1], $0x4000, $0x38;
	[tilespmem:$0x1DF80] =	vst v63  }
0x14f: {  	_ =	swait.ge [sflag:s18], $0x4000  }
0x150: {  	[sflag:s18] =	ssyncset.done $0x0  }
0x151: {  	s3 =	simm.s32 $0x0;
	[sflag:s18] =	ssyncadd.s32 $0xFFFFC000  }
0x152: {  	v6 =	vld [tilespmem:s3+$0x1DD80];
	_ =	sdelay $0x4  }
0x153: {  	s1 =	simm.s32 $0x10;
	v7 =	vand.u32 $0x7F, v6;
	v6 =	vshll.u32 v6, $0x3  }
0x154: {  	v8 =	vld [tilespmem:s1+$0x1DD80];
	v6 =	vand.u32 $0xFFFFFC00, v6;
	v7 =	vor.u32 v0, v7  }
0x155: {  	v6 =	vor.u32 v6, v7;
	_ =	sdelay $0x3  }
0x156: {  	v9 =	vand.u32 $0x7F, v8;
	v7 =	vshll.u32 v8, $0x3  }
0x157: {  	s5 =	simm.s32 $0xC0;
	s4 =	simm.s32 $0x20;
	v8 =	vor.u32 v0, v9;
	v7 =	vand.u32 $0xFFFFFC00, v7;
	v6 =	vld.idx.msk [tilespmem:v6+s6+$0x0], $0xffff  }
.LBB2_94:
0x158: {  	p2 =	sne.s32 s5, $0x3C0;
	v9 =	vld [tilespmem:s4+$0x1DD80];
	v7 =	vor.u32 v7, v8;
	_ =	sdelay $0x1  }
.Ltmp26:
0x159: {  	(pc) =	sbr.rel @p2 .LBB2_94-.Ltmp26, $4  }
0x15a: {  	_ = 	snop  }
0x15b: {  	[tilespmem:s3+$0x1DE80] =	vst v6;
	s3 =	smov.u32 s1;
	s1 =	smov.u32 s4  }
0x15c: {  	v8 =	vand.u32 $0x7F, v9;
	v9 =	vshll.u32 v9, $0x3;
	v6 =	vld.idx.msk [tilespmem:v7+s6+$0x0], $0xffff  }
0x15d: {  	s4 =	sshra.s32 s5, $0x2;
	s5 =	sadd.s32 $0x40, s5;
	v7 =	vand.u32 $0xFFFFFC00, v9;
	v8 =	vor.u32 v0, v8  }
0x15e: {  	v9 =	vld [tilespmem:s4+$0x1DD80]  }
0x15f: {  	v7 =	vor.u32 v7, v8;
	_ =	sdelay $0x3  }
0x160: {  	[tilespmem:s3+$0x1DE80] =	vst v6;
	v6 =	vand.u32 $0x7F, v9;
	v63 =	vshll.u32 v9, $0x3  }
0x161: {  	v7 =	vld.idx.msk [tilespmem:v7+s6+$0x0], $0xffff;
	v8 =	vand.u32 $0xFFFFFC00, v63;
	v6 =	vor.u32 v0, v6  }
0x162: {  	v6 =	vor.u32 v8, v6;
	_ =	sdelay $0x3  }
0x163: {  	[tilespmem:s1+$0x1DE80] =	vst v7  }
0x164: {  	v6 =	vld.idx.msk [tilespmem:v6+s6+$0x0], $0xffff;
	_ =	sdelay $0x3  }
0x165: {  	s22 =	rddreg [dreg:$0xa]  }
.Ltmp27:
0x166: {  	s23 =	simm.s32 $0x400;
	s24 =	simm.s32 $0x1DE80;
	[tilespmem:s4+$0x1DE80] =	vst v6;
	(pc) =	sbr.rel .LBB2_96-.Ltmp27, $4  }
0x167: {  	[hbm4b:s22+s26] =	stream.strided.scatter [tilespmem:s24], [sflag:$0x3], $0x100, s23, s26, $0x38;
	[tilespmem:$0x1DF80] =	vst v63  }
0x168: {  	_ =	swait.ge [sflag:s18], $0x100  }
0x169: {  	[sflag:s18] =	ssyncset.done $0x0  }
0x16a: {  	[sflag:s18] =	ssyncadd.s32 $0xFFFFFF00  }
.LBB2_23:
.Ltmp28:
0x16b: {  	(pc) =	sbr.rel .LBB2_24-.Ltmp28, $2  }
0x16c: {  	_ =	sdelay $0x2  }
0x16d: {  	s4 =	sadd.s32 $0x1, s8;
	s1 =	simm.s32 $0x0  }
.LBB2_33:
.Ltmp29:
0x16e: {  	(pc) =	sbr.rel .LBB2_34-.Ltmp29, $2  }
0x16f: {  	_ =	sdelay $0x2  }
0x170: {  	s4 =	sadd.s32 $0x1, s8;
	s1 =	simm.s32 $0x0  }
.LBB2_43:
.Ltmp30:
0x171: {  	(pc) =	sbr.rel .LBB2_44-.Ltmp30, $2  }
0x172: {  	_ =	sdelay $0x2  }
0x173: {  	s4 =	sadd.s32 $0x1, s8;
	s1 =	simm.s32 $0x0  }
.LBB2_53:
.Ltmp31:
0x174: {  	(pc) =	sbr.rel .LBB2_54-.Ltmp31, $2  }
0x175: {  	_ =	sdelay $0x2  }
0x176: {  	s4 =	sadd.s32 $0x1, s8;
	s1 =	simm.s32 $0x0  }
.LBB2_63:
.Ltmp32:
0x177: {  	(pc) =	sbr.rel .LBB2_64-.Ltmp32, $2  }
0x178: {  	_ =	sdelay $0x2  }
0x179: {  	s4 =	sadd.s32 $0x1, s8;
	s1 =	simm.s32 $0x0  }
.LBB2_73:
.Ltmp33:
0x17a: {  	(pc) =	sbr.rel .LBB2_74-.Ltmp33, $2  }
0x17b: {  	_ =	sdelay $0x2  }
0x17c: {  	s4 =	sadd.s32 $0x1, s8;
	s1 =	simm.s32 $0x0  }
.LBB2_83:
.Ltmp34:
0x17d: {  	(pc) =	sbr.rel .LBB2_84-.Ltmp34, $2  }
0x17e: {  	_ =	sdelay $0x2  }
0x17f: {  	s4 =	sadd.s32 $0x1, s8;
	s1 =	simm.s32 $0x0  }
.LBB2_26:
0x180: {  	s26 =	smov.u32 s3  }
.LBB2_30:
0x181: {  	v6 =	vld [tilespmem:s7+$0x80];
	_ =	sdelay $0x4  }
0x182: {  	v7 =	vshll.u32 v6, $0x3  }
0x183: {  	v8 =	vshrl.u32 v6, $0x4;
	v6 =	vand.u32 $0xC07F, v6;
	v7 =	vand.u32 $0x3C00, v7  }
0x184: {  	v8 =	vand.u32 $0x380, v8;
	v6 =	vor.u32 v7, v6  }
0x185: {  	v6 =	vor.u32 v8, v6;
	_ =	sdelay $0x4  }
0x186: {  	v6 =	vld.idx.msk [tilespmem:v6+s31+$0x0], $0xffff;
	_ =	sdelay $0x2  }
0x187: {  	s5 =	sadd.s32 @p5 $0x10, s26  }
0x188: {  	s3 =	smov.u32 @p5 s5  }
0x189: {  	[tilespmem:s3+$0x0] =	vst v6  }
.LBB2_31:
0x18a: {  	s1 =	sadd.s32 $0x1, s1  }
0x18b: {  	p5 =	sne.s32 s1, s4  }
.Ltmp35:
0x18c: {  	_ = 	snop;
	(pc) =	sbr.rel @!p5 .LBB2_32-.Ltmp35, $1  }
0x18d: {  	_ =	sdelay $0x3  }
.LBB2_24:
0x18e: {  	s3 =	sadd.s32 $0x3, s1  }
0x18f: {  	s5 =	sadd.s32 s15, s1;
	p5 =	sgt.s32 s3, s8  }
0x190: {  	v6 =	vmov s5;
	s3 =	sadd.s32 @!p5 s15, s3  }
0x191: {  	s7 =	sshll.u32 @!p5 s3, $0xE;
	s3 =	sshll.u32 @!p5 s3, $0xB  }
0x192: {  	s7 =	sand.u32 @!p5 $0xC000, s7;
	s3 =	sand.u32 @!p5 $0x1FFFF800, s3  }
0x193: {  	s25 =	simm.s32 @!p5 $0x0;
	s3 =	sadd.s32 @!p5 s9, s3;
	s7 =	sor.u32 @!p5 $0x3480, s7  }
0x194: {  	[tilespmem:s7], [sflag:$0x1] =	stream.linear.gather @!p5 [hbm4b:s3+s25], $0x4000, $0x38;
	[tilespmem:$0x1DF80] =	vst v63  }
0x195: {  	v7 =	vld.idx.msk [tilespmem:v6+s28+$0x0], $0xffff  }
0x196: {  	v8 =	vld.idx.msk [tilespmem:v6+s29+$0x0], $0xffff;
	_ =	sdelay $0x3  }
0x197: {  	v7 =	vxor.u32 $0x80000000, v7  }
0x198: {  	(xrf0) =	vmax.scan.msk.u32 $0xffff, v7;
	v7 =	vxor.u32 $0x80000000, v8  }
0x199: {  	(xrf0) =	vmax.scan.msk.u32 $0xffff, v7;
	_ =	sdelay $0x4  }
0x19a: {  	v7, _, _ =	vpop (xrf0)  }
0x19b: {  	(v2sf) =	vpush v7, $0xF;
	v7, _, _ =	vpop (xrf0)  }
0x19c: {  	(v2sf) =	vpush v7, $0xF;
	_ =	sdelay $0xd  }
0x19d: {  	s26 =	spop (v2sf)  }
0x19e: {  	s7 =	spop (v2sf)  }
0x19f: {  	s25 =	sxor.u32 $0x80000000, s26;
	s3 =	sadd.s32 $0x80000001, s7  }
0x1a0: {  	_ =	swait.ge [sflag:s30], $0x4000;
	p5 =	slt.s32 s25, s3  }
0x1a1: {  	[sflag:s30] =	ssyncset.done $0x0;
	s3 =	smov.u32 @p5 s25  }
0x1a2: {  	[sflag:s30] =	ssyncadd.s32 $0xFFFFC000;
	s26 =	sshll.u32 s3, $0x4  }
0x1a3: {  	v7 =	vld [tilespmem:s26+$0x80];
	_ =	sdelay $0x4  }
0x1a4: {  	v61 =	vshra.s32 v7, $0xE;
	v9 =	vshll.u32 v7, $0x3  }
0x1a5: {  	v10 =	vshrl.u32 v7, $0x4;
	v7 =	vand.u32 $0xC07F, v7;
	v9 =	vand.u32 $0x3C00, v9  }
0x1a6: {  	vm1 =	veq.s32 v61, s5;
	v62 =	vand.u32 $0x380, v10;
	v7 =	vor.u32 v9, v7  }
0x1a7: {  	v7 =	vor.u32 v62, v7;
	_ =	sdelay $0x3  }
0x1a8: {  	v63 =	vld [tilespmem:s26+$0x16800]  }
0x1a9: {  	v7 =	vld.idx.msk [tilespmem:v7+s31+$0x0], vm1;
	_ =	sdelay $0x3  }
0x1aa: {  	s5 =	sxor.u32 $0x80000000, s7  }
0x1ab: {  	p5 =	sle.s32 s5, s3;
	v7 =	vsel vm1, v7, v63  }
0x1ac: {  	s25 =	sshll.u32 @!p5 s7, $0x4;
	[tilespmem:s26+$0x16800] =	vst v7  }
0x1ad: {  	v7 =	vld @!p5 [tilespmem:s25+$0x80];
	_ =	sdelay $0x4  }
0x1ae: {  	v8 =	vshra.s32 @!p5 v7, $0xE;
	v9 =	vshll.u32 @!p5 v7, $0x3  }
0x1af: {  	v10 =	vshrl.u32 @!p5 v7, $0x4;
	v7 =	vand.u32 @!p5 $0xC07F, v7;
	v9 =	vand.u32 @!p5 $0x3C00, v9  }
0x1b0: {  	vm1 =	veq.s32 @!p5 v8, v6;
	v6 =	vand.u32 @!p5 $0x380, v10;
	v7 =	vor.u32 @!p5 v9, v7  }
0x1b1: {  	v6 =	vor.u32 @!p5 v6, v7;
	_ =	sdelay $0x3  }
0x1b2: {  	s7 =	simm.s32 @!p5 $0x3480;
	v7 =	vld @!p5 [tilespmem:s25+$0x16800]  }
0x1b3: {  	v6 =	vld.idx.msk @!p5 [tilespmem:v6+s7+$0x0], vm1;
	s7 =	sadd.s32 $0x1, s3  }
0x1b4: {  	p6 =	sle.s32 s5, s7  }
.Ltmp36:
0x1b5: {  	_ = 	snop;
	(pc) =	sbr.rel @p6 .LBB2_31-.Ltmp36, $3  }
0x1b6: {  	_ =	sdelay $0x1  }
0x1b7: {  	v6 =	vsel @!p5 vm1, v6, v7  }
0x1b8: {  	[tilespmem:s25+$0x16800] =	vst @!p5 v6  }
0x1b9: {  	p5 =	sgt.s32 s5, s7  }
0x1ba: {  	s25 =	sxor.u32 $0xFFFFFFFF, s3;
	s7 =	smov.u32 @p5 s5  }
0x1bb: {  	s25 =	sadd.s32 s7, s25  }
0x1bc: {  	p6 =	sne.s32 s25, $0x1  }
.Ltmp37:
0x1bd: {  	_ = 	snop;
	(pc) =	sbr.rel @!p6 .LBB2_26-.Ltmp37, $4  }
0x1be: {  	_ = 	snop  }
0x1bf: {  	s3 =	sshll.u32 s3, $0x6  }
0x1c0: {  	s3 =	sshra.s32 s3, $0x2;
	s5 =	sadd.s32 $0x10, s26;
	p5 =	por $0x0, $0x0  }
0x1c1: {  	s3 =	sadd.s32 $0x16810, s3;
	s7 =	sand.u32 $0xFFFFFFF0, s5;
	s26 =	sadd.s32 $0xFFFFFFFF, s25  }
0x1c2: {  	v6 =	vld [tilespmem:s7+$0x80];
	_ =	sdelay $0x4  }
0x1c3: {  	v7 =	vshll.u32 v6, $0x3  }
0x1c4: {  	v8 =	vshrl.u32 v6, $0x4;
	v6 =	vand.u32 $0xC07F, v6;
	v7 =	vand.u32 $0x3C00, v7  }
0x1c5: {  	v8 =	vand.u32 $0x380, v8;
	v6 =	vor.u32 v7, v6  }
0x1c6: {  	v6 =	vor.u32 v8, v6;
	_ =	sdelay $0x4  }
0x1c7: {  	p6 =	sne.s32 s26, $0x1;
	v6 =	vld.idx.msk [tilespmem:v6+s31+$0x0], $0xffff  }
.Ltmp38:
0x1c8: {  	_ = 	snop;
	(pc) =	sbr.rel @!p6 .LBB2_28-.Ltmp38, $3  }
0x1c9: {  	_ =	sdelay $0x1  }
0x1ca: {  	s25 =	sadd.s32 $0x10, s5;
	s5 =	sadd.s32 $0xFFFFFFFF, s26  }
0x1cb: {  	p5 =	por $0x1, $0x1;
	s26 =	smov.u32 s3;
	s7 =	sand.u32 $0xFFFFFFF0, s25;
	[tilespmem:s3+$0x0] =	vst v6  }
.LBB2_29:
0x1cc: {  	p6 =	sne.s32 s5, $0x1;
	v6 =	vld [tilespmem:s7+$0x80];
	_ =	sdelay $0x4  }
0x1cd: {  	v7 =	vshll.u32 v6, $0x3  }
0x1ce: {  	v8 =	vshrl.u32 v6, $0x4;
	v6 =	vand.u32 $0xC07F, v6;
	v7 =	vand.u32 $0x3C00, v7  }
0x1cf: {  	v8 =	vand.u32 $0x380, v8;
	v6 =	vor.u32 v7, v6  }
0x1d0: {  	v6 =	vor.u32 v8, v6;
	_ =	sdelay $0x4  }
0x1d1: {  	v6 =	vld.idx.msk [tilespmem:v6+s31+$0x0], $0xffff;
	_ =	sdelay $0x1  }
.Ltmp39:
0x1d2: {  	(pc) =	sbr.rel @p6 .LBB2_29-.Ltmp39, $3  }
0x1d3: {  	_ =	sdelay $0x1  }
0x1d4: {  	s25 =	sadd.s32 $0x10, s25;
	s26 =	sadd.s32 $0x10, s26  }
0x1d5: {  	s5 =	sadd.s32 $0xFFFFFFFF, s5;
	s7 =	sand.u32 $0xFFFFFFF0, s25;
	[tilespmem:s26+$0x0] =	vst v6  }
.Ltmp40:
0x1d6: {  	_ = 	snop;
	(pc) =	sbr.rel .LBB2_30-.Ltmp40, $1  }
0x1d7: {  	_ =	sdelay $0x3  }
.LBB2_28:
.Ltmp41:
0x1d8: {  	(pc) =	sbr.rel .LBB2_30-.Ltmp41, $2  }
0x1d9: {  	_ =	sdelay $0x2  }
0x1da: {  	s26 =	smov.u32 s3  }
.LBB2_36:
0x1db: {  	s3 =	smov.u32 s23  }
.LBB2_40:
0x1dc: {  	v6 =	vld [tilespmem:s7+$0x80];
	_ =	sdelay $0x4  }
0x1dd: {  	v7 =	vshll.u32 v6, $0x3  }
0x1de: {  	v8 =	vshrl.u32 v6, $0x4;
	v6 =	vand.u32 $0xC07F, v6;
	v7 =	vand.u32 $0x3C00, v7  }
0x1df: {  	v8 =	vand.u32 $0x380, v8;
	v6 =	vor.u32 v7, v6  }
0x1e0: {  	v6 =	vor.u32 v8, v6;
	_ =	sdelay $0x4  }
0x1e1: {  	v6 =	vld.idx.msk [tilespmem:v6+s31+$0x0], $0xffff;
	_ =	sdelay $0x2  }
0x1e2: {  	s3 =	sadd.s32 @p5 $0x10, s3  }
0x1e3: {  	s23 =	smov.u32 @p5 s3  }
0x1e4: {  	[tilespmem:s23+$0x0] =	vst v6  }
.LBB2_41:
0x1e5: {  	s1 =	sadd.s32 $0x1, s1  }
0x1e6: {  	p5 =	sne.s32 s1, s4  }
.Ltmp42:
0x1e7: {  	_ = 	snop;
	(pc) =	sbr.rel @!p5 .LBB2_42-.Ltmp42, $1  }
0x1e8: {  	_ =	sdelay $0x3  }
.LBB2_34:
0x1e9: {  	s3 =	sadd.s32 $0x3, s1  }
0x1ea: {  	s5 =	sadd.s32 s15, s1;
	p5 =	sgt.s32 s3, s8  }
0x1eb: {  	v6 =	vmov s5;
	s3 =	sadd.s32 @!p5 s15, s3  }
0x1ec: {  	s7 =	sshll.u32 @!p5 s3, $0xE;
	s3 =	sshll.u32 @!p5 s3, $0xB  }
0x1ed: {  	s7 =	sand.u32 @!p5 $0xC000, s7;
	s3 =	sand.u32 @!p5 $0x1FFFF800, s3  }
0x1ee: {  	s23 =	simm.s32 @!p5 $0x0;
	s3 =	sadd.s32 @!p5 s10, s3;
	s7 =	sor.u32 @!p5 $0x3480, s7  }
0x1ef: {  	[tilespmem:s7], [sflag:$0x1] =	stream.linear.gather @!p5 [hbm4b:s3+s23], $0x4000, $0x38;
	[tilespmem:$0x1DF80] =	vst v63  }
0x1f0: {  	v7 =	vld.idx.msk [tilespmem:v6+s28+$0x0], $0xffff  }
0x1f1: {  	v8 =	vld.idx.msk [tilespmem:v6+s29+$0x0], $0xffff;
	_ =	sdelay $0x3  }
0x1f2: {  	v7 =	vxor.u32 $0x80000000, v7  }
0x1f3: {  	(xrf0) =	vmax.scan.msk.u32 $0xffff, v7;
	v7 =	vxor.u32 $0x80000000, v8  }
0x1f4: {  	(xrf0) =	vmax.scan.msk.u32 $0xffff, v7;
	_ =	sdelay $0x4  }
0x1f5: {  	v7, _, _ =	vpop (xrf0)  }
0x1f6: {  	(v2sf) =	vpush v7, $0xF;
	v7, _, _ =	vpop (xrf0)  }
0x1f7: {  	(v2sf) =	vpush v7, $0xF;
	_ =	sdelay $0xd  }
0x1f8: {  	s24 =	spop (v2sf)  }
0x1f9: {  	s7 =	spop (v2sf)  }
0x1fa: {  	s23 =	sxor.u32 $0x80000000, s24;
	s3 =	sadd.s32 $0x80000001, s7  }
0x1fb: {  	_ =	swait.ge [sflag:s30], $0x4000;
	p5 =	slt.s32 s23, s3  }
0x1fc: {  	[sflag:s30] =	ssyncset.done $0x0;
	s3 =	smov.u32 @p5 s23  }
0x1fd: {  	[sflag:s30] =	ssyncadd.s32 $0xFFFFC000;
	s24 =	sshll.u32 s3, $0x4  }
0x1fe: {  	v7 =	vld [tilespmem:s24+$0x80];
	_ =	sdelay $0x4  }
0x1ff: {  	v61 =	vshra.s32 v7, $0xE;
	v9 =	vshll.u32 v7, $0x3  }
0x200: {  	v10 =	vshrl.u32 v7, $0x4;
	v7 =	vand.u32 $0xC07F, v7;
	v9 =	vand.u32 $0x3C00, v9  }
0x201: {  	vm1 =	veq.s32 v61, s5;
	v62 =	vand.u32 $0x380, v10;
	v7 =	vor.u32 v9, v7  }
0x202: {  	v7 =	vor.u32 v62, v7;
	_ =	sdelay $0x3  }
0x203: {  	v63 =	vld [tilespmem:s24+$0x13480]  }
0x204: {  	v7 =	vld.idx.msk [tilespmem:v7+s31+$0x0], vm1;
	_ =	sdelay $0x3  }
0x205: {  	s5 =	sxor.u32 $0x80000000, s7  }
0x206: {  	p5 =	sle.s32 s5, s3;
	v7 =	vsel vm1, v7, v63  }
0x207: {  	s23 =	sshll.u32 @!p5 s7, $0x4;
	[tilespmem:s24+$0x13480] =	vst v7  }
0x208: {  	v7 =	vld @!p5 [tilespmem:s23+$0x80];
	_ =	sdelay $0x4  }
0x209: {  	v8 =	vshra.s32 @!p5 v7, $0xE;
	v9 =	vshll.u32 @!p5 v7, $0x3  }
0x20a: {  	v10 =	vshrl.u32 @!p5 v7, $0x4;
	v7 =	vand.u32 @!p5 $0xC07F, v7;
	v9 =	vand.u32 @!p5 $0x3C00, v9  }
0x20b: {  	vm1 =	veq.s32 @!p5 v8, v6;
	v6 =	vand.u32 @!p5 $0x380, v10;
	v7 =	vor.u32 @!p5 v9, v7  }
0x20c: {  	v6 =	vor.u32 @!p5 v6, v7;
	_ =	sdelay $0x3  }
0x20d: {  	s7 =	simm.s32 @!p5 $0x3480;
	v7 =	vld @!p5 [tilespmem:s23+$0x13480]  }
0x20e: {  	v6 =	vld.idx.msk @!p5 [tilespmem:v6+s7+$0x0], vm1;
	s7 =	sadd.s32 $0x1, s3  }
0x20f: {  	p6 =	sle.s32 s5, s7  }
.Ltmp43:
0x210: {  	_ = 	snop;
	(pc) =	sbr.rel @p6 .LBB2_41-.Ltmp43, $3  }
0x211: {  	_ =	sdelay $0x1  }
0x212: {  	v6 =	vsel @!p5 vm1, v6, v7  }
0x213: {  	[tilespmem:s23+$0x13480] =	vst @!p5 v6  }
0x214: {  	p5 =	sgt.s32 s5, s7  }
0x215: {  	s7 =	smov.u32 @p5 s5;
	s5 =	sxor.u32 $0xFFFFFFFF, s3  }
0x216: {  	s5 =	sadd.s32 s7, s5  }
0x217: {  	p6 =	sne.s32 s5, $0x1  }
.Ltmp44:
0x218: {  	_ = 	snop;
	(pc) =	sbr.rel @!p6 .LBB2_36-.Ltmp44, $4  }
0x219: {  	s23 =	sshll.u32 s3, $0x6  }
0x21a: {  	s3 =	sshra.s32 s23, $0x2  }
0x21b: {  	s23 =	sadd.s32 $0x13490, s3;
	s3 =	sadd.s32 $0x10, s24  }
0x21c: {  	p5 =	por $0x0, $0x0;
	s7 =	sand.u32 $0xFFFFFFF0, s3;
	s5 =	sadd.s32 $0xFFFFFFFF, s5  }
0x21d: {  	v6 =	vld [tilespmem:s7+$0x80];
	_ =	sdelay $0x4  }
0x21e: {  	v7 =	vshll.u32 v6, $0x3  }
0x21f: {  	v8 =	vshrl.u32 v6, $0x4;
	v6 =	vand.u32 $0xC07F, v6;
	v7 =	vand.u32 $0x3C00, v7  }
0x220: {  	v8 =	vand.u32 $0x380, v8;
	v6 =	vor.u32 v7, v6  }
0x221: {  	v6 =	vor.u32 v8, v6;
	_ =	sdelay $0x4  }
0x222: {  	p6 =	sne.s32 s5, $0x1;
	v6 =	vld.idx.msk [tilespmem:v6+s31+$0x0], $0xffff  }
.Ltmp45:
0x223: {  	_ = 	snop;
	(pc) =	sbr.rel @!p6 .LBB2_38-.Ltmp45, $3  }
0x224: {  	_ =	sdelay $0x1  }
0x225: {  	s24 =	sadd.s32 $0x10, s3;
	s5 =	sadd.s32 $0xFFFFFFFF, s5  }
0x226: {  	p5 =	por $0x1, $0x1;
	s3 =	smov.u32 s23;
	s7 =	sand.u32 $0xFFFFFFF0, s24;
	[tilespmem:s23+$0x0] =	vst v6  }
.LBB2_39:
0x227: {  	p6 =	sne.s32 s5, $0x1;
	v6 =	vld [tilespmem:s7+$0x80];
	_ =	sdelay $0x4  }
0x228: {  	v7 =	vshll.u32 v6, $0x3  }
0x229: {  	v8 =	vshrl.u32 v6, $0x4;
	v6 =	vand.u32 $0xC07F, v6;
	v7 =	vand.u32 $0x3C00, v7  }
0x22a: {  	v8 =	vand.u32 $0x380, v8;
	v6 =	vor.u32 v7, v6  }
0x22b: {  	v6 =	vor.u32 v8, v6;
	_ =	sdelay $0x4  }
0x22c: {  	v6 =	vld.idx.msk [tilespmem:v6+s31+$0x0], $0xffff;
	_ =	sdelay $0x1  }
.Ltmp46:
0x22d: {  	(pc) =	sbr.rel @p6 .LBB2_39-.Ltmp46, $3  }
0x22e: {  	_ =	sdelay $0x1  }
0x22f: {  	s24 =	sadd.s32 $0x10, s24;
	s3 =	sadd.s32 $0x10, s3  }
0x230: {  	s5 =	sadd.s32 $0xFFFFFFFF, s5;
	s7 =	sand.u32 $0xFFFFFFF0, s24;
	[tilespmem:s3+$0x0] =	vst v6  }
.Ltmp47:
0x231: {  	_ = 	snop;
	(pc) =	sbr.rel .LBB2_40-.Ltmp47, $1  }
0x232: {  	_ =	sdelay $0x3  }
.LBB2_38:
.Ltmp48:
0x233: {  	(pc) =	sbr.rel .LBB2_40-.Ltmp48, $2  }
0x234: {  	_ =	sdelay $0x2  }
0x235: {  	s3 =	smov.u32 s23  }
.LBB2_46:
0x236: {  	s3 =	smov.u32 s26  }
.LBB2_50:
0x237: {  	v6 =	vld [tilespmem:s7+$0x80];
	_ =	sdelay $0x4  }
0x238: {  	v7 =	vshll.u32 v6, $0x3  }
0x239: {  	v8 =	vshrl.u32 v6, $0x4;
	v6 =	vand.u32 $0xC07F, v6;
	v7 =	vand.u32 $0x3C00, v7  }
0x23a: {  	v8 =	vand.u32 $0x380, v8;
	v6 =	vor.u32 v7, v6  }
0x23b: {  	v6 =	vor.u32 v8, v6;
	_ =	sdelay $0x4  }
0x23c: {  	v6 =	vld.idx.msk [tilespmem:v6+s31+$0x0], $0xffff;
	_ =	sdelay $0x2  }
0x23d: {  	s3 =	sadd.s32 @p5 $0x10, s3  }
0x23e: {  	s26 =	smov.u32 @p5 s3  }
0x23f: {  	[tilespmem:s26+$0x0] =	vst v6  }
.LBB2_51:
0x240: {  	s1 =	sadd.s32 $0x1, s1  }
0x241: {  	p5 =	sne.s32 s1, s4  }
.Ltmp49:
0x242: {  	_ = 	snop;
	(pc) =	sbr.rel @!p5 .LBB2_52-.Ltmp49, $1  }
0x243: {  	_ =	sdelay $0x3  }
.LBB2_44:
0x244: {  	s3 =	sadd.s32 $0x3, s1  }
0x245: {  	s5 =	sadd.s32 s15, s1;
	p5 =	sgt.s32 s3, s8  }
0x246: {  	v6 =	vmov s5;
	s3 =	sadd.s32 @!p5 s15, s3  }
0x247: {  	s7 =	sshll.u32 @!p5 s3, $0xE;
	s3 =	sshll.u32 @!p5 s3, $0xB  }
0x248: {  	s7 =	sand.u32 @!p5 $0xC000, s7;
	s3 =	sand.u32 @!p5 $0x1FFFF800, s3  }
0x249: {  	s25 =	simm.s32 @!p5 $0x0;
	s3 =	sadd.s32 @!p5 s11, s3;
	s7 =	sor.u32 @!p5 $0x3480, s7  }
0x24a: {  	[tilespmem:s7], [sflag:$0x1] =	stream.linear.gather @!p5 [hbm4b:s3+s25], $0x4000, $0x38;
	[tilespmem:$0x1DF80] =	vst v63  }
0x24b: {  	v7 =	vld.idx.msk [tilespmem:v6+s28+$0x0], $0xffff  }
0x24c: {  	v8 =	vld.idx.msk [tilespmem:v6+s29+$0x0], $0xffff;
	_ =	sdelay $0x3  }
0x24d: {  	v7 =	vxor.u32 $0x80000000, v7  }
0x24e: {  	(xrf0) =	vmax.scan.msk.u32 $0xffff, v7;
	v7 =	vxor.u32 $0x80000000, v8  }
0x24f: {  	(xrf0) =	vmax.scan.msk.u32 $0xffff, v7;
	_ =	sdelay $0x4  }
0x250: {  	v7, _, _ =	vpop (xrf0)  }
0x251: {  	(v2sf) =	vpush v7, $0xF;
	v7, _, _ =	vpop (xrf0)  }
0x252: {  	(v2sf) =	vpush v7, $0xF;
	_ =	sdelay $0xd  }
0x253: {  	s26 =	spop (v2sf)  }
0x254: {  	s7 =	spop (v2sf)  }
0x255: {  	s25 =	sxor.u32 $0x80000000, s26;
	s3 =	sadd.s32 $0x80000001, s7  }
0x256: {  	_ =	swait.ge [sflag:s30], $0x4000;
	p5 =	slt.s32 s25, s3  }
0x257: {  	[sflag:s30] =	ssyncset.done $0x0;
	s3 =	smov.u32 @p5 s25  }
0x258: {  	[sflag:s30] =	ssyncadd.s32 $0xFFFFC000;
	s25 =	sshll.u32 s3, $0x4  }
0x259: {  	v7 =	vld [tilespmem:s25+$0x80];
	_ =	sdelay $0x4  }
0x25a: {  	v61 =	vshra.s32 v7, $0xE;
	v9 =	vshll.u32 v7, $0x3  }
0x25b: {  	v10 =	vshrl.u32 v7, $0x4;
	v7 =	vand.u32 $0xC07F, v7;
	v9 =	vand.u32 $0x3C00, v9  }
0x25c: {  	vm1 =	veq.s32 v61, s5;
	v62 =	vand.u32 $0x380, v10;
	v7 =	vor.u32 v9, v7  }
0x25d: {  	v7 =	vor.u32 v62, v7;
	_ =	sdelay $0x3  }
0x25e: {  	v63 =	vld [tilespmem:s25+$0x16800]  }
0x25f: {  	v7 =	vld.idx.msk [tilespmem:v7+s31+$0x0], vm1;
	_ =	sdelay $0x3  }
0x260: {  	s5 =	sxor.u32 $0x80000000, s7  }
0x261: {  	p5 =	sle.s32 s5, s3;
	v7 =	vsel vm1, v7, v63  }
0x262: {  	s26 =	sshll.u32 @!p5 s7, $0x4;
	[tilespmem:s25+$0x16800] =	vst v7  }
0x263: {  	v7 =	vld @!p5 [tilespmem:s26+$0x80];
	_ =	sdelay $0x4  }
0x264: {  	v8 =	vshra.s32 @!p5 v7, $0xE;
	v9 =	vshll.u32 @!p5 v7, $0x3  }
0x265: {  	v10 =	vshrl.u32 @!p5 v7, $0x4;
	v7 =	vand.u32 @!p5 $0xC07F, v7;
	v9 =	vand.u32 @!p5 $0x3C00, v9  }
0x266: {  	vm1 =	veq.s32 @!p5 v8, v6;
	v6 =	vand.u32 @!p5 $0x380, v10;
	v7 =	vor.u32 @!p5 v9, v7  }
0x267: {  	v6 =	vor.u32 @!p5 v6, v7;
	_ =	sdelay $0x3  }
0x268: {  	s7 =	simm.s32 @!p5 $0x3480;
	v7 =	vld @!p5 [tilespmem:s26+$0x16800]  }
0x269: {  	v6 =	vld.idx.msk @!p5 [tilespmem:v6+s7+$0x0], vm1;
	s7 =	sadd.s32 $0x1, s3  }
0x26a: {  	p6 =	sle.s32 s5, s7  }
.Ltmp50:
0x26b: {  	_ = 	snop;
	(pc) =	sbr.rel @p6 .LBB2_51-.Ltmp50, $3  }
0x26c: {  	_ =	sdelay $0x1  }
0x26d: {  	v6 =	vsel @!p5 vm1, v6, v7  }
0x26e: {  	[tilespmem:s26+$0x16800] =	vst @!p5 v6  }
0x26f: {  	p5 =	sgt.s32 s5, s7  }
0x270: {  	s7 =	smov.u32 @p5 s5;
	s5 =	sxor.u32 $0xFFFFFFFF, s3  }
0x271: {  	s5 =	sadd.s32 s7, s5  }
0x272: {  	p6 =	sne.s32 s5, $0x1  }
.Ltmp51:
0x273: {  	_ = 	snop;
	(pc) =	sbr.rel @!p6 .LBB2_46-.Ltmp51, $4  }
0x274: {  	s26 =	sshll.u32 s3, $0x6  }
0x275: {  	s3 =	sshra.s32 s26, $0x2  }
0x276: {  	s26 =	sadd.s32 $0x16810, s3;
	s3 =	sadd.s32 $0x10, s25  }
0x277: {  	p5 =	por $0x0, $0x0;
	s7 =	sand.u32 $0xFFFFFFF0, s3;
	s5 =	sadd.s32 $0xFFFFFFFF, s5  }
0x278: {  	v6 =	vld [tilespmem:s7+$0x80];
	_ =	sdelay $0x4  }
0x279: {  	v7 =	vshll.u32 v6, $0x3  }
0x27a: {  	v8 =	vshrl.u32 v6, $0x4;
	v6 =	vand.u32 $0xC07F, v6;
	v7 =	vand.u32 $0x3C00, v7  }
0x27b: {  	v8 =	vand.u32 $0x380, v8;
	v6 =	vor.u32 v7, v6  }
0x27c: {  	v6 =	vor.u32 v8, v6;
	_ =	sdelay $0x4  }
0x27d: {  	p6 =	sne.s32 s5, $0x1;
	v6 =	vld.idx.msk [tilespmem:v6+s31+$0x0], $0xffff  }
.Ltmp52:
0x27e: {  	_ = 	snop;
	(pc) =	sbr.rel @!p6 .LBB2_48-.Ltmp52, $3  }
0x27f: {  	_ =	sdelay $0x1  }
0x280: {  	s25 =	sadd.s32 $0x10, s3;
	s5 =	sadd.s32 $0xFFFFFFFF, s5  }
0x281: {  	p5 =	por $0x1, $0x1;
	s3 =	smov.u32 s26;
	s7 =	sand.u32 $0xFFFFFFF0, s25;
	[tilespmem:s26+$0x0] =	vst v6  }
.LBB2_49:
0x282: {  	p6 =	sne.s32 s5, $0x1;
	v6 =	vld [tilespmem:s7+$0x80];
	_ =	sdelay $0x4  }
0x283: {  	v7 =	vshll.u32 v6, $0x3  }
0x284: {  	v8 =	vshrl.u32 v6, $0x4;
	v6 =	vand.u32 $0xC07F, v6;
	v7 =	vand.u32 $0x3C00, v7  }
0x285: {  	v8 =	vand.u32 $0x380, v8;
	v6 =	vor.u32 v7, v6  }
0x286: {  	v6 =	vor.u32 v8, v6;
	_ =	sdelay $0x4  }
0x287: {  	v6 =	vld.idx.msk [tilespmem:v6+s31+$0x0], $0xffff;
	_ =	sdelay $0x1  }
.Ltmp53:
0x288: {  	(pc) =	sbr.rel @p6 .LBB2_49-.Ltmp53, $3  }
0x289: {  	_ =	sdelay $0x1  }
0x28a: {  	s25 =	sadd.s32 $0x10, s25;
	s3 =	sadd.s32 $0x10, s3  }
0x28b: {  	s5 =	sadd.s32 $0xFFFFFFFF, s5;
	s7 =	sand.u32 $0xFFFFFFF0, s25;
	[tilespmem:s3+$0x0] =	vst v6  }
.Ltmp54:
0x28c: {  	_ = 	snop;
	(pc) =	sbr.rel .LBB2_50-.Ltmp54, $1  }
0x28d: {  	_ =	sdelay $0x3  }
.LBB2_48:
.Ltmp55:
0x28e: {  	(pc) =	sbr.rel .LBB2_50-.Ltmp55, $2  }
0x28f: {  	_ =	sdelay $0x2  }
0x290: {  	s3 =	smov.u32 s26  }
.LBB2_56:
0x291: {  	s3 =	smov.u32 s23  }
.LBB2_60:
0x292: {  	v6 =	vld [tilespmem:s7+$0x80];
	_ =	sdelay $0x4  }
0x293: {  	v7 =	vshll.u32 v6, $0x3  }
0x294: {  	v8 =	vshrl.u32 v6, $0x4;
	v6 =	vand.u32 $0xC07F, v6;
	v7 =	vand.u32 $0x3C00, v7  }
0x295: {  	v8 =	vand.u32 $0x380, v8;
	v6 =	vor.u32 v7, v6  }
0x296: {  	v6 =	vor.u32 v8, v6;
	_ =	sdelay $0x4  }
0x297: {  	v6 =	vld.idx.msk [tilespmem:v6+s31+$0x0], $0xffff;
	_ =	sdelay $0x2  }
0x298: {  	s3 =	sadd.s32 @p5 $0x10, s3  }
0x299: {  	s23 =	smov.u32 @p5 s3  }
0x29a: {  	[tilespmem:s23+$0x0] =	vst v6  }
.LBB2_61:
0x29b: {  	s1 =	sadd.s32 $0x1, s1  }
0x29c: {  	p5 =	sne.s32 s1, s4  }
.Ltmp56:
0x29d: {  	_ = 	snop;
	(pc) =	sbr.rel @!p5 .LBB2_62-.Ltmp56, $1  }
0x29e: {  	_ =	sdelay $0x3  }
.LBB2_54:
0x29f: {  	s3 =	sadd.s32 $0x3, s1  }
0x2a0: {  	s5 =	sadd.s32 s15, s1;
	p5 =	sgt.s32 s3, s8  }
0x2a1: {  	v6 =	vmov s5;
	s3 =	sadd.s32 @!p5 s15, s3  }
0x2a2: {  	s7 =	sshll.u32 @!p5 s3, $0xE;
	s3 =	sshll.u32 @!p5 s3, $0xB  }
0x2a3: {  	s7 =	sand.u32 @!p5 $0xC000, s7;
	s3 =	sand.u32 @!p5 $0x1FFFF800, s3  }
0x2a4: {  	s23 =	simm.s32 @!p5 $0x0;
	s3 =	sadd.s32 @!p5 s12, s3;
	s7 =	sor.u32 @!p5 $0x3480, s7  }
0x2a5: {  	[tilespmem:s7], [sflag:$0x1] =	stream.linear.gather @!p5 [hbm4b:s3+s23], $0x4000, $0x38;
	[tilespmem:$0x1DF80] =	vst v63  }
0x2a6: {  	v7 =	vld.idx.msk [tilespmem:v6+s28+$0x0], $0xffff  }
0x2a7: {  	v8 =	vld.idx.msk [tilespmem:v6+s29+$0x0], $0xffff;
	_ =	sdelay $0x3  }
0x2a8: {  	v7 =	vxor.u32 $0x80000000, v7  }
0x2a9: {  	(xrf0) =	vmax.scan.msk.u32 $0xffff, v7;
	v7 =	vxor.u32 $0x80000000, v8  }
0x2aa: {  	(xrf0) =	vmax.scan.msk.u32 $0xffff, v7;
	_ =	sdelay $0x4  }
0x2ab: {  	v7, _, _ =	vpop (xrf0)  }
0x2ac: {  	(v2sf) =	vpush v7, $0xF;
	v7, _, _ =	vpop (xrf0)  }
0x2ad: {  	(v2sf) =	vpush v7, $0xF;
	_ =	sdelay $0xd  }
0x2ae: {  	s24 =	spop (v2sf)  }
0x2af: {  	s7 =	spop (v2sf)  }
0x2b0: {  	s23 =	sxor.u32 $0x80000000, s24;
	s3 =	sadd.s32 $0x80000001, s7  }
0x2b1: {  	_ =	swait.ge [sflag:s30], $0x4000;
	p5 =	slt.s32 s23, s3  }
0x2b2: {  	[sflag:s30] =	ssyncset.done $0x0;
	s3 =	smov.u32 @p5 s23  }
0x2b3: {  	[sflag:s30] =	ssyncadd.s32 $0xFFFFC000;
	s24 =	sshll.u32 s3, $0x4  }
0x2b4: {  	v7 =	vld [tilespmem:s24+$0x80];
	_ =	sdelay $0x4  }
0x2b5: {  	v61 =	vshra.s32 v7, $0xE;
	v9 =	vshll.u32 v7, $0x3  }
0x2b6: {  	v10 =	vshrl.u32 v7, $0x4;
	v7 =	vand.u32 $0xC07F, v7;
	v9 =	vand.u32 $0x3C00, v9  }
0x2b7: {  	vm1 =	veq.s32 v61, s5;
	v62 =	vand.u32 $0x380, v10;
	v7 =	vor.u32 v9, v7  }
0x2b8: {  	v7 =	vor.u32 v62, v7;
	_ =	sdelay $0x3  }
0x2b9: {  	v63 =	vld [tilespmem:s24+$0x13480]  }
0x2ba: {  	v7 =	vld.idx.msk [tilespmem:v7+s31+$0x0], vm1;
	_ =	sdelay $0x3  }
0x2bb: {  	s5 =	sxor.u32 $0x80000000, s7  }
0x2bc: {  	p5 =	sle.s32 s5, s3;
	v7 =	vsel vm1, v7, v63  }
0x2bd: {  	s23 =	sshll.u32 @!p5 s7, $0x4;
	[tilespmem:s24+$0x13480] =	vst v7  }
0x2be: {  	v7 =	vld @!p5 [tilespmem:s23+$0x80];
	_ =	sdelay $0x4  }
0x2bf: {  	v8 =	vshra.s32 @!p5 v7, $0xE;
	v9 =	vshll.u32 @!p5 v7, $0x3  }
0x2c0: {  	v10 =	vshrl.u32 @!p5 v7, $0x4;
	v7 =	vand.u32 @!p5 $0xC07F, v7;
	v9 =	vand.u32 @!p5 $0x3C00, v9  }
0x2c1: {  	vm1 =	veq.s32 @!p5 v8, v6;
	v6 =	vand.u32 @!p5 $0x380, v10;
	v7 =	vor.u32 @!p5 v9, v7  }
0x2c2: {  	v6 =	vor.u32 @!p5 v6, v7;
	_ =	sdelay $0x3  }
0x2c3: {  	s7 =	simm.s32 @!p5 $0x3480;
	v7 =	vld @!p5 [tilespmem:s23+$0x13480]  }
0x2c4: {  	v6 =	vld.idx.msk @!p5 [tilespmem:v6+s7+$0x0], vm1;
	s7 =	sadd.s32 $0x1, s3  }
0x2c5: {  	p6 =	sle.s32 s5, s7  }
.Ltmp57:
0x2c6: {  	_ = 	snop;
	(pc) =	sbr.rel @p6 .LBB2_61-.Ltmp57, $3  }
0x2c7: {  	_ =	sdelay $0x1  }
0x2c8: {  	v6 =	vsel @!p5 vm1, v6, v7  }
0x2c9: {  	[tilespmem:s23+$0x13480] =	vst @!p5 v6  }
0x2ca: {  	p5 =	sgt.s32 s5, s7  }
0x2cb: {  	s7 =	smov.u32 @p5 s5;
	s5 =	sxor.u32 $0xFFFFFFFF, s3  }
0x2cc: {  	s5 =	sadd.s32 s7, s5  }
0x2cd: {  	p6 =	sne.s32 s5, $0x1  }
.Ltmp58:
0x2ce: {  	_ = 	snop;
	(pc) =	sbr.rel @!p6 .LBB2_56-.Ltmp58, $4  }
0x2cf: {  	s23 =	sshll.u32 s3, $0x6  }
0x2d0: {  	s3 =	sshra.s32 s23, $0x2  }
0x2d1: {  	s23 =	sadd.s32 $0x13490, s3;
	s3 =	sadd.s32 $0x10, s24  }
0x2d2: {  	p5 =	por $0x0, $0x0;
	s7 =	sand.u32 $0xFFFFFFF0, s3;
	s5 =	sadd.s32 $0xFFFFFFFF, s5  }
0x2d3: {  	v6 =	vld [tilespmem:s7+$0x80];
	_ =	sdelay $0x4  }
0x2d4: {  	v7 =	vshll.u32 v6, $0x3  }
0x2d5: {  	v8 =	vshrl.u32 v6, $0x4;
	v6 =	vand.u32 $0xC07F, v6;
	v7 =	vand.u32 $0x3C00, v7  }
0x2d6: {  	v8 =	vand.u32 $0x380, v8;
	v6 =	vor.u32 v7, v6  }
0x2d7: {  	v6 =	vor.u32 v8, v6;
	_ =	sdelay $0x4  }
0x2d8: {  	p6 =	sne.s32 s5, $0x1;
	v6 =	vld.idx.msk [tilespmem:v6+s31+$0x0], $0xffff  }
.Ltmp59:
0x2d9: {  	_ = 	snop;
	(pc) =	sbr.rel @!p6 .LBB2_58-.Ltmp59, $3  }
0x2da: {  	_ =	sdelay $0x1  }
0x2db: {  	s24 =	sadd.s32 $0x10, s3;
	s5 =	sadd.s32 $0xFFFFFFFF, s5  }
0x2dc: {  	p5 =	por $0x1, $0x1;
	s3 =	smov.u32 s23;
	s7 =	sand.u32 $0xFFFFFFF0, s24;
	[tilespmem:s23+$0x0] =	vst v6  }
.LBB2_59:
0x2dd: {  	p6 =	sne.s32 s5, $0x1;
	v6 =	vld [tilespmem:s7+$0x80];
	_ =	sdelay $0x4  }
0x2de: {  	v7 =	vshll.u32 v6, $0x3  }
0x2df: {  	v8 =	vshrl.u32 v6, $0x4;
	v6 =	vand.u32 $0xC07F, v6;
	v7 =	vand.u32 $0x3C00, v7  }
0x2e0: {  	v8 =	vand.u32 $0x380, v8;
	v6 =	vor.u32 v7, v6  }
0x2e1: {  	v6 =	vor.u32 v8, v6;
	_ =	sdelay $0x4  }
0x2e2: {  	v6 =	vld.idx.msk [tilespmem:v6+s31+$0x0], $0xffff;
	_ =	sdelay $0x1  }
.Ltmp60:
0x2e3: {  	(pc) =	sbr.rel @p6 .LBB2_59-.Ltmp60, $3  }
0x2e4: {  	_ =	sdelay $0x1  }
0x2e5: {  	s24 =	sadd.s32 $0x10, s24;
	s3 =	sadd.s32 $0x10, s3  }
0x2e6: {  	s5 =	sadd.s32 $0xFFFFFFFF, s5;
	s7 =	sand.u32 $0xFFFFFFF0, s24;
	[tilespmem:s3+$0x0] =	vst v6  }
.Ltmp61:
0x2e7: {  	_ = 	snop;
	(pc) =	sbr.rel .LBB2_60-.Ltmp61, $1  }
0x2e8: {  	_ =	sdelay $0x3  }
.LBB2_58:
.Ltmp62:
0x2e9: {  	(pc) =	sbr.rel .LBB2_60-.Ltmp62, $2  }
0x2ea: {  	_ =	sdelay $0x2  }
0x2eb: {  	s3 =	smov.u32 s23  }
.LBB2_66:
0x2ec: {  	s3 =	smov.u32 s26  }
.LBB2_70:
0x2ed: {  	v6 =	vld [tilespmem:s7+$0x80];
	_ =	sdelay $0x4  }
0x2ee: {  	v7 =	vshll.u32 v6, $0x3  }
0x2ef: {  	v8 =	vshrl.u32 v6, $0x4;
	v6 =	vand.u32 $0xC07F, v6;
	v7 =	vand.u32 $0x3C00, v7  }
0x2f0: {  	v8 =	vand.u32 $0x380, v8;
	v6 =	vor.u32 v7, v6  }
0x2f1: {  	v6 =	vor.u32 v8, v6;
	_ =	sdelay $0x4  }
0x2f2: {  	v6 =	vld.idx.msk [tilespmem:v6+s31+$0x0], $0xffff;
	_ =	sdelay $0x2  }
0x2f3: {  	s3 =	sadd.s32 @p5 $0x10, s3  }
0x2f4: {  	s26 =	smov.u32 @p5 s3  }
0x2f5: {  	[tilespmem:s26+$0x0] =	vst v6  }
.LBB2_71:
0x2f6: {  	s1 =	sadd.s32 $0x1, s1  }
0x2f7: {  	p5 =	sne.s32 s1, s4  }
.Ltmp63:
0x2f8: {  	_ = 	snop;
	(pc) =	sbr.rel @!p5 .LBB2_72-.Ltmp63, $1  }
0x2f9: {  	_ =	sdelay $0x3  }
.LBB2_64:
0x2fa: {  	s3 =	sadd.s32 $0x3, s1  }
0x2fb: {  	s5 =	sadd.s32 s15, s1;
	p5 =	sgt.s32 s3, s8  }
0x2fc: {  	v6 =	vmov s5;
	s3 =	sadd.s32 @!p5 s15, s3  }
0x2fd: {  	s7 =	sshll.u32 @!p5 s3, $0xE;
	s3 =	sshll.u32 @!p5 s3, $0xB  }
0x2fe: {  	s7 =	sand.u32 @!p5 $0xC000, s7;
	s3 =	sand.u32 @!p5 $0x1FFFF800, s3  }
0x2ff: {  	s25 =	simm.s32 @!p5 $0x0;
	s3 =	sadd.s32 @!p5 s13, s3;
	s7 =	sor.u32 @!p5 $0x3480, s7  }
0x300: {  	[tilespmem:s7], [sflag:$0x1] =	stream.linear.gather @!p5 [hbm4b:s3+s25], $0x4000, $0x38;
	[tilespmem:$0x1DF80] =	vst v63  }
0x301: {  	v7 =	vld.idx.msk [tilespmem:v6+s28+$0x0], $0xffff  }
0x302: {  	v8 =	vld.idx.msk [tilespmem:v6+s29+$0x0], $0xffff;
	_ =	sdelay $0x3  }
0x303: {  	v7 =	vxor.u32 $0x80000000, v7  }
0x304: {  	(xrf0) =	vmax.scan.msk.u32 $0xffff, v7;
	v7 =	vxor.u32 $0x80000000, v8  }
0x305: {  	(xrf0) =	vmax.scan.msk.u32 $0xffff, v7;
	_ =	sdelay $0x4  }
0x306: {  	v7, _, _ =	vpop (xrf0)  }
0x307: {  	(v2sf) =	vpush v7, $0xF;
	v7, _, _ =	vpop (xrf0)  }
0x308: {  	(v2sf) =	vpush v7, $0xF;
	_ =	sdelay $0xd  }
0x309: {  	s26 =	spop (v2sf)  }
0x30a: {  	s7 =	spop (v2sf)  }
0x30b: {  	s25 =	sxor.u32 $0x80000000, s26;
	s3 =	sadd.s32 $0x80000001, s7  }
0x30c: {  	_ =	swait.ge [sflag:s30], $0x4000;
	p5 =	slt.s32 s25, s3  }
0x30d: {  	[sflag:s30] =	ssyncset.done $0x0;
	s3 =	smov.u32 @p5 s25  }
0x30e: {  	[sflag:s30] =	ssyncadd.s32 $0xFFFFC000;
	s25 =	sshll.u32 s3, $0x4  }
0x30f: {  	v7 =	vld [tilespmem:s25+$0x80];
	_ =	sdelay $0x4  }
0x310: {  	v61 =	vshra.s32 v7, $0xE;
	v9 =	vshll.u32 v7, $0x3  }
0x311: {  	v10 =	vshrl.u32 v7, $0x4;
	v7 =	vand.u32 $0xC07F, v7;
	v9 =	vand.u32 $0x3C00, v9  }
0x312: {  	vm1 =	veq.s32 v61, s5;
	v62 =	vand.u32 $0x380, v10;
	v7 =	vor.u32 v9, v7  }
0x313: {  	v7 =	vor.u32 v62, v7;
	_ =	sdelay $0x3  }
0x314: {  	v63 =	vld [tilespmem:s25+$0x16800]  }
0x315: {  	v7 =	vld.idx.msk [tilespmem:v7+s31+$0x0], vm1;
	_ =	sdelay $0x3  }
0x316: {  	s5 =	sxor.u32 $0x80000000, s7  }
0x317: {  	p5 =	sle.s32 s5, s3;
	v7 =	vsel vm1, v7, v63  }
0x318: {  	s26 =	sshll.u32 @!p5 s7, $0x4;
	[tilespmem:s25+$0x16800] =	vst v7  }
0x319: {  	v7 =	vld @!p5 [tilespmem:s26+$0x80];
	_ =	sdelay $0x4  }
0x31a: {  	v8 =	vshra.s32 @!p5 v7, $0xE;
	v9 =	vshll.u32 @!p5 v7, $0x3  }
0x31b: {  	v10 =	vshrl.u32 @!p5 v7, $0x4;
	v7 =	vand.u32 @!p5 $0xC07F, v7;
	v9 =	vand.u32 @!p5 $0x3C00, v9  }
0x31c: {  	vm1 =	veq.s32 @!p5 v8, v6;
	v6 =	vand.u32 @!p5 $0x380, v10;
	v7 =	vor.u32 @!p5 v9, v7  }
0x31d: {  	v6 =	vor.u32 @!p5 v6, v7;
	_ =	sdelay $0x3  }
0x31e: {  	s7 =	simm.s32 @!p5 $0x3480;
	v7 =	vld @!p5 [tilespmem:s26+$0x16800]  }
0x31f: {  	v6 =	vld.idx.msk @!p5 [tilespmem:v6+s7+$0x0], vm1;
	s7 =	sadd.s32 $0x1, s3  }
0x320: {  	p6 =	sle.s32 s5, s7  }
.Ltmp64:
0x321: {  	_ = 	snop;
	(pc) =	sbr.rel @p6 .LBB2_71-.Ltmp64, $3  }
0x322: {  	_ =	sdelay $0x1  }
0x323: {  	v6 =	vsel @!p5 vm1, v6, v7  }
0x324: {  	[tilespmem:s26+$0x16800] =	vst @!p5 v6  }
0x325: {  	p5 =	sgt.s32 s5, s7  }
0x326: {  	s7 =	smov.u32 @p5 s5;
	s5 =	sxor.u32 $0xFFFFFFFF, s3  }
0x327: {  	s5 =	sadd.s32 s7, s5  }
0x328: {  	p6 =	sne.s32 s5, $0x1  }
.Ltmp65:
0x329: {  	_ = 	snop;
	(pc) =	sbr.rel @!p6 .LBB2_66-.Ltmp65, $4  }
0x32a: {  	s26 =	sshll.u32 s3, $0x6  }
0x32b: {  	s3 =	sshra.s32 s26, $0x2  }
0x32c: {  	s26 =	sadd.s32 $0x16810, s3;
	s3 =	sadd.s32 $0x10, s25  }
0x32d: {  	p5 =	por $0x0, $0x0;
	s7 =	sand.u32 $0xFFFFFFF0, s3;
	s5 =	sadd.s32 $0xFFFFFFFF, s5  }
0x32e: {  	v6 =	vld [tilespmem:s7+$0x80];
	_ =	sdelay $0x4  }
0x32f: {  	v7 =	vshll.u32 v6, $0x3  }
0x330: {  	v8 =	vshrl.u32 v6, $0x4;
	v6 =	vand.u32 $0xC07F, v6;
	v7 =	vand.u32 $0x3C00, v7  }
0x331: {  	v8 =	vand.u32 $0x380, v8;
	v6 =	vor.u32 v7, v6  }
0x332: {  	v6 =	vor.u32 v8, v6;
	_ =	sdelay $0x4  }
0x333: {  	p6 =	sne.s32 s5, $0x1;
	v6 =	vld.idx.msk [tilespmem:v6+s31+$0x0], $0xffff  }
.Ltmp66:
0x334: {  	_ = 	snop;
	(pc) =	sbr.rel @!p6 .LBB2_68-.Ltmp66, $3  }
0x335: {  	_ =	sdelay $0x1  }
0x336: {  	s25 =	sadd.s32 $0x10, s3;
	s5 =	sadd.s32 $0xFFFFFFFF, s5  }
0x337: {  	p5 =	por $0x1, $0x1;
	s3 =	smov.u32 s26;
	s7 =	sand.u32 $0xFFFFFFF0, s25;
	[tilespmem:s26+$0x0] =	vst v6  }
.LBB2_69:
0x338: {  	p6 =	sne.s32 s5, $0x1;
	v6 =	vld [tilespmem:s7+$0x80];
	_ =	sdelay $0x4  }
0x339: {  	v7 =	vshll.u32 v6, $0x3  }
0x33a: {  	v8 =	vshrl.u32 v6, $0x4;
	v6 =	vand.u32 $0xC07F, v6;
	v7 =	vand.u32 $0x3C00, v7  }
0x33b: {  	v8 =	vand.u32 $0x380, v8;
	v6 =	vor.u32 v7, v6  }
0x33c: {  	v6 =	vor.u32 v8, v6;
	_ =	sdelay $0x4  }
0x33d: {  	v6 =	vld.idx.msk [tilespmem:v6+s31+$0x0], $0xffff;
	_ =	sdelay $0x1  }
.Ltmp67:
0x33e: {  	(pc) =	sbr.rel @p6 .LBB2_69-.Ltmp67, $3  }
0x33f: {  	_ =	sdelay $0x1  }
0x340: {  	s25 =	sadd.s32 $0x10, s25;
	s3 =	sadd.s32 $0x10, s3  }
0x341: {  	s5 =	sadd.s32 $0xFFFFFFFF, s5;
	s7 =	sand.u32 $0xFFFFFFF0, s25;
	[tilespmem:s3+$0x0] =	vst v6  }
.Ltmp68:
0x342: {  	_ = 	snop;
	(pc) =	sbr.rel .LBB2_70-.Ltmp68, $1  }
0x343: {  	_ =	sdelay $0x3  }
.LBB2_68:
.Ltmp69:
0x344: {  	(pc) =	sbr.rel .LBB2_70-.Ltmp69, $2  }
0x345: {  	_ =	sdelay $0x2  }
0x346: {  	s3 =	smov.u32 s26  }
.LBB2_76:
0x347: {  	s3 =	smov.u32 s23  }
.LBB2_80:
0x348: {  	v6 =	vld [tilespmem:s7+$0x80];
	_ =	sdelay $0x4  }
0x349: {  	v7 =	vshll.u32 v6, $0x3  }
0x34a: {  	v8 =	vshrl.u32 v6, $0x4;
	v6 =	vand.u32 $0xC07F, v6;
	v7 =	vand.u32 $0x3C00, v7  }
0x34b: {  	v8 =	vand.u32 $0x380, v8;
	v6 =	vor.u32 v7, v6  }
0x34c: {  	v6 =	vor.u32 v8, v6;
	_ =	sdelay $0x4  }
0x34d: {  	v6 =	vld.idx.msk [tilespmem:v6+s31+$0x0], $0xffff;
	_ =	sdelay $0x2  }
0x34e: {  	s3 =	sadd.s32 @p5 $0x10, s3  }
0x34f: {  	s23 =	smov.u32 @p5 s3  }
0x350: {  	[tilespmem:s23+$0x0] =	vst v6  }
.LBB2_81:
0x351: {  	s1 =	sadd.s32 $0x1, s1  }
0x352: {  	p5 =	sne.s32 s1, s4  }
.Ltmp70:
0x353: {  	_ = 	snop;
	(pc) =	sbr.rel @!p5 .LBB2_82-.Ltmp70, $1  }
0x354: {  	_ =	sdelay $0x3  }
.LBB2_74:
0x355: {  	s3 =	sadd.s32 $0x3, s1  }
0x356: {  	s5 =	sadd.s32 s15, s1;
	p5 =	sgt.s32 s3, s8  }
0x357: {  	v6 =	vmov s5;
	s3 =	sadd.s32 @!p5 s15, s3  }
0x358: {  	s7 =	sshll.u32 @!p5 s3, $0xE;
	s3 =	sshll.u32 @!p5 s3, $0xB  }
0x359: {  	s7 =	sand.u32 @!p5 $0xC000, s7;
	s3 =	sand.u32 @!p5 $0x1FFFF800, s3  }
0x35a: {  	s23 =	simm.s32 @!p5 $0x0;
	s3 =	sadd.s32 @!p5 s14, s3;
	s7 =	sor.u32 @!p5 $0x3480, s7  }
0x35b: {  	[tilespmem:s7], [sflag:$0x1] =	stream.linear.gather @!p5 [hbm4b:s3+s23], $0x4000, $0x38;
	[tilespmem:$0x1DF80] =	vst v63  }
0x35c: {  	v7 =	vld.idx.msk [tilespmem:v6+s28+$0x0], $0xffff  }
0x35d: {  	v8 =	vld.idx.msk [tilespmem:v6+s29+$0x0], $0xffff;
	_ =	sdelay $0x3  }
0x35e: {  	v7 =	vxor.u32 $0x80000000, v7  }
0x35f: {  	(xrf0) =	vmax.scan.msk.u32 $0xffff, v7;
	v7 =	vxor.u32 $0x80000000, v8  }
0x360: {  	(xrf0) =	vmax.scan.msk.u32 $0xffff, v7;
	_ =	sdelay $0x4  }
0x361: {  	v7, _, _ =	vpop (xrf0)  }
0x362: {  	(v2sf) =	vpush v7, $0xF;
	v7, _, _ =	vpop (xrf0)  }
0x363: {  	(v2sf) =	vpush v7, $0xF;
	_ =	sdelay $0xd  }
0x364: {  	s24 =	spop (v2sf)  }
0x365: {  	s7 =	spop (v2sf)  }
0x366: {  	s23 =	sxor.u32 $0x80000000, s24;
	s3 =	sadd.s32 $0x80000001, s7  }
0x367: {  	_ =	swait.ge [sflag:s30], $0x4000;
	p5 =	slt.s32 s23, s3  }
0x368: {  	[sflag:s30] =	ssyncset.done $0x0;
	s3 =	smov.u32 @p5 s23  }
0x369: {  	[sflag:s30] =	ssyncadd.s32 $0xFFFFC000;
	s24 =	sshll.u32 s3, $0x4  }
0x36a: {  	v7 =	vld [tilespmem:s24+$0x80];
	_ =	sdelay $0x4  }
0x36b: {  	v61 =	vshra.s32 v7, $0xE;
	v9 =	vshll.u32 v7, $0x3  }
0x36c: {  	v10 =	vshrl.u32 v7, $0x4;
	v7 =	vand.u32 $0xC07F, v7;
	v9 =	vand.u32 $0x3C00, v9  }
0x36d: {  	vm1 =	veq.s32 v61, s5;
	v62 =	vand.u32 $0x380, v10;
	v7 =	vor.u32 v9, v7  }
0x36e: {  	v7 =	vor.u32 v62, v7;
	_ =	sdelay $0x3  }
0x36f: {  	v63 =	vld [tilespmem:s24+$0x13480]  }
0x370: {  	v7 =	vld.idx.msk [tilespmem:v7+s31+$0x0], vm1;
	_ =	sdelay $0x3  }
0x371: {  	s5 =	sxor.u32 $0x80000000, s7  }
0x372: {  	p5 =	sle.s32 s5, s3;
	v7 =	vsel vm1, v7, v63  }
0x373: {  	s23 =	sshll.u32 @!p5 s7, $0x4;
	[tilespmem:s24+$0x13480] =	vst v7  }
0x374: {  	v7 =	vld @!p5 [tilespmem:s23+$0x80];
	_ =	sdelay $0x4  }
0x375: {  	v8 =	vshra.s32 @!p5 v7, $0xE;
	v9 =	vshll.u32 @!p5 v7, $0x3  }
0x376: {  	v10 =	vshrl.u32 @!p5 v7, $0x4;
	v7 =	vand.u32 @!p5 $0xC07F, v7;
	v9 =	vand.u32 @!p5 $0x3C00, v9  }
0x377: {  	vm1 =	veq.s32 @!p5 v8, v6;
	v6 =	vand.u32 @!p5 $0x380, v10;
	v7 =	vor.u32 @!p5 v9, v7  }
0x378: {  	v6 =	vor.u32 @!p5 v6, v7;
	_ =	sdelay $0x3  }
0x379: {  	s7 =	simm.s32 @!p5 $0x3480;
	v7 =	vld @!p5 [tilespmem:s23+$0x13480]  }
0x37a: {  	v6 =	vld.idx.msk @!p5 [tilespmem:v6+s7+$0x0], vm1;
	s7 =	sadd.s32 $0x1, s3  }
0x37b: {  	p6 =	sle.s32 s5, s7  }
.Ltmp71:
0x37c: {  	_ = 	snop;
	(pc) =	sbr.rel @p6 .LBB2_81-.Ltmp71, $3  }
0x37d: {  	_ =	sdelay $0x1  }
0x37e: {  	v6 =	vsel @!p5 vm1, v6, v7  }
0x37f: {  	[tilespmem:s23+$0x13480] =	vst @!p5 v6  }
0x380: {  	p5 =	sgt.s32 s5, s7  }
0x381: {  	s7 =	smov.u32 @p5 s5;
	s5 =	sxor.u32 $0xFFFFFFFF, s3  }
0x382: {  	s5 =	sadd.s32 s7, s5  }
0x383: {  	p6 =	sne.s32 s5, $0x1  }
.Ltmp72:
0x384: {  	_ = 	snop;
	(pc) =	sbr.rel @!p6 .LBB2_76-.Ltmp72, $4  }
0x385: {  	s23 =	sshll.u32 s3, $0x6  }
0x386: {  	s3 =	sshra.s32 s23, $0x2  }
0x387: {  	s23 =	sadd.s32 $0x13490, s3;
	s3 =	sadd.s32 $0x10, s24  }
0x388: {  	p5 =	por $0x0, $0x0;
	s7 =	sand.u32 $0xFFFFFFF0, s3;
	s5 =	sadd.s32 $0xFFFFFFFF, s5  }
0x389: {  	v6 =	vld [tilespmem:s7+$0x80];
	_ =	sdelay $0x4  }
0x38a: {  	v7 =	vshll.u32 v6, $0x3  }
0x38b: {  	v8 =	vshrl.u32 v6, $0x4;
	v6 =	vand.u32 $0xC07F, v6;
	v7 =	vand.u32 $0x3C00, v7  }
0x38c: {  	v8 =	vand.u32 $0x380, v8;
	v6 =	vor.u32 v7, v6  }
0x38d: {  	v6 =	vor.u32 v8, v6;
	_ =	sdelay $0x4  }
0x38e: {  	p6 =	sne.s32 s5, $0x1;
	v6 =	vld.idx.msk [tilespmem:v6+s31+$0x0], $0xffff  }
.Ltmp73:
0x38f: {  	_ = 	snop;
	(pc) =	sbr.rel @!p6 .LBB2_78-.Ltmp73, $3  }
0x390: {  	_ =	sdelay $0x1  }
0x391: {  	s24 =	sadd.s32 $0x10, s3;
	s5 =	sadd.s32 $0xFFFFFFFF, s5  }
0x392: {  	p5 =	por $0x1, $0x1;
	s3 =	smov.u32 s23;
	s7 =	sand.u32 $0xFFFFFFF0, s24;
	[tilespmem:s23+$0x0] =	vst v6  }
.LBB2_79:
0x393: {  	p6 =	sne.s32 s5, $0x1;
	v6 =	vld [tilespmem:s7+$0x80];
	_ =	sdelay $0x4  }
0x394: {  	v7 =	vshll.u32 v6, $0x3  }
0x395: {  	v8 =	vshrl.u32 v6, $0x4;
	v6 =	vand.u32 $0xC07F, v6;
	v7 =	vand.u32 $0x3C00, v7  }
0x396: {  	v8 =	vand.u32 $0x380, v8;
	v6 =	vor.u32 v7, v6  }
0x397: {  	v6 =	vor.u32 v8, v6;
	_ =	sdelay $0x4  }
0x398: {  	v6 =	vld.idx.msk [tilespmem:v6+s31+$0x0], $0xffff;
	_ =	sdelay $0x1  }
.Ltmp74:
0x399: {  	(pc) =	sbr.rel @p6 .LBB2_79-.Ltmp74, $3  }
0x39a: {  	_ =	sdelay $0x1  }
0x39b: {  	s24 =	sadd.s32 $0x10, s24;
	s3 =	sadd.s32 $0x10, s3  }
0x39c: {  	s5 =	sadd.s32 $0xFFFFFFFF, s5;
	s7 =	sand.u32 $0xFFFFFFF0, s24;
	[tilespmem:s3+$0x0] =	vst v6  }
.Ltmp75:
0x39d: {  	_ = 	snop;
	(pc) =	sbr.rel .LBB2_80-.Ltmp75, $1  }
0x39e: {  	_ =	sdelay $0x3  }
.LBB2_78:
.Ltmp76:
0x39f: {  	(pc) =	sbr.rel .LBB2_80-.Ltmp76, $2  }
0x3a0: {  	_ =	sdelay $0x2  }
0x3a1: {  	s3 =	smov.u32 s23  }
.LBB2_86:
0x3a2: {  	s3 =	smov.u32 s16  }
.LBB2_90:
0x3a3: {  	v6 =	vld [tilespmem:s7+$0x80];
	_ =	sdelay $0x4  }
0x3a4: {  	v7 =	vshll.u32 v6, $0x3  }
0x3a5: {  	v8 =	vshrl.u32 v6, $0x4;
	v6 =	vand.u32 $0xC07F, v6;
	v7 =	vand.u32 $0x3C00, v7  }
0x3a6: {  	v8 =	vand.u32 $0x380, v8;
	v6 =	vor.u32 v7, v6  }
0x3a7: {  	v6 =	vor.u32 v8, v6;
	_ =	sdelay $0x4  }
0x3a8: {  	v6 =	vld.idx.msk [tilespmem:v6+s31+$0x0], $0xffff;
	_ =	sdelay $0x2  }
0x3a9: {  	s3 =	sadd.s32 @p2 $0x10, s3  }
0x3aa: {  	s16 =	smov.u32 @p2 s3  }
0x3ab: {  	[tilespmem:s16+$0x0] =	vst v6  }
.LBB2_91:
0x3ac: {  	s1 =	sadd.s32 $0x1, s1  }
0x3ad: {  	p2 =	sne.s32 s1, s4  }
.Ltmp77:
0x3ae: {  	_ = 	snop;
	(pc) =	sbr.rel @!p2 .LBB2_92-.Ltmp77, $1  }
0x3af: {  	_ =	sdelay $0x3  }
.LBB2_84:
0x3b0: {  	s3 =	sadd.s32 $0x3, s1  }
0x3b1: {  	s5 =	sadd.s32 s15, s1;
	p2 =	sgt.s32 s3, s8  }
0x3b2: {  	v6 =	vmov s5;
	s3 =	sadd.s32 @!p2 s15, s3  }
0x3b3: {  	s7 =	sshll.u32 @!p2 s3, $0xE;
	s3 =	sshll.u32 @!p2 s3, $0xB  }
0x3b4: {  	s7 =	sand.u32 @!p2 $0xC000, s7;
	s3 =	sand.u32 @!p2 $0x1FFFF800, s3  }
0x3b5: {  	s16 =	simm.s32 @!p2 $0x0;
	s3 =	sadd.s32 @!p2 s20, s3;
	s7 =	sor.u32 @!p2 $0x3480, s7  }
0x3b6: {  	[tilespmem:s7], [sflag:$0x1] =	stream.linear.gather @!p2 [hbm4b:s3+s16], $0x4000, $0x38;
	[tilespmem:$0x1DF80] =	vst v63  }
0x3b7: {  	v7 =	vld.idx.msk [tilespmem:v6+s28+$0x0], $0xffff  }
0x3b8: {  	v8 =	vld.idx.msk [tilespmem:v6+s29+$0x0], $0xffff;
	_ =	sdelay $0x3  }
0x3b9: {  	v7 =	vxor.u32 $0x80000000, v7  }
0x3ba: {  	(xrf0) =	vmax.scan.msk.u32 $0xffff, v7;
	v7 =	vxor.u32 $0x80000000, v8  }
0x3bb: {  	(xrf0) =	vmax.scan.msk.u32 $0xffff, v7;
	_ =	sdelay $0x4  }
0x3bc: {  	v7, _, _ =	vpop (xrf0)  }
0x3bd: {  	(v2sf) =	vpush v7, $0xF;
	v7, _, _ =	vpop (xrf0)  }
0x3be: {  	(v2sf) =	vpush v7, $0xF;
	_ =	sdelay $0xd  }
0x3bf: {  	s24 =	spop (v2sf)  }
0x3c0: {  	s7 =	spop (v2sf)  }
0x3c1: {  	s16 =	sxor.u32 $0x80000000, s24;
	s3 =	sadd.s32 $0x80000001, s7  }
0x3c2: {  	_ =	swait.ge [sflag:s30], $0x4000;
	p2 =	slt.s32 s16, s3  }
0x3c3: {  	[sflag:s30] =	ssyncset.done $0x0;
	s3 =	smov.u32 @p2 s16  }
0x3c4: {  	[sflag:s30] =	ssyncadd.s32 $0xFFFFC000;
	s17 =	sshll.u32 s3, $0x4  }
0x3c5: {  	v7 =	vld [tilespmem:s17+$0x80];
	_ =	sdelay $0x4  }
0x3c6: {  	v61 =	vshra.s32 v7, $0xE;
	v9 =	vshll.u32 v7, $0x3  }
0x3c7: {  	v10 =	vshrl.u32 v7, $0x4;
	v7 =	vand.u32 $0xC07F, v7;
	v9 =	vand.u32 $0x3C00, v9  }
0x3c8: {  	vm1 =	veq.s32 v61, s5;
	v62 =	vand.u32 $0x380, v10;
	v7 =	vor.u32 v9, v7  }
0x3c9: {  	v7 =	vor.u32 v62, v7;
	_ =	sdelay $0x3  }
0x3ca: {  	v63 =	vld [tilespmem:s17+$0x16800]  }
0x3cb: {  	v7 =	vld.idx.msk [tilespmem:v7+s31+$0x0], vm1;
	_ =	sdelay $0x3  }
0x3cc: {  	s5 =	sxor.u32 $0x80000000, s7  }
0x3cd: {  	p2 =	sle.s32 s5, s3;
	v7 =	vsel vm1, v7, v63  }
0x3ce: {  	s16 =	sshll.u32 @!p2 s7, $0x4;
	[tilespmem:s17+$0x16800] =	vst v7  }
0x3cf: {  	v7 =	vld @!p2 [tilespmem:s16+$0x80];
	_ =	sdelay $0x4  }
0x3d0: {  	v8 =	vshra.s32 @!p2 v7, $0xE;
	v9 =	vshll.u32 @!p2 v7, $0x3  }
0x3d1: {  	v10 =	vshrl.u32 @!p2 v7, $0x4;
	v7 =	vand.u32 @!p2 $0xC07F, v7;
	v9 =	vand.u32 @!p2 $0x3C00, v9  }
0x3d2: {  	vm1 =	veq.s32 @!p2 v8, v6;
	v6 =	vand.u32 @!p2 $0x380, v10;
	v7 =	vor.u32 @!p2 v9, v7  }
0x3d3: {  	v6 =	vor.u32 @!p2 v6, v7;
	_ =	sdelay $0x3  }
0x3d4: {  	s7 =	simm.s32 @!p2 $0x3480;
	v7 =	vld @!p2 [tilespmem:s16+$0x16800]  }
0x3d5: {  	v6 =	vld.idx.msk @!p2 [tilespmem:v6+s7+$0x0], vm1;
	s7 =	sadd.s32 $0x1, s3  }
0x3d6: {  	p3 =	sle.s32 s5, s7  }
.Ltmp78:
0x3d7: {  	_ = 	snop;
	(pc) =	sbr.rel @p3 .LBB2_91-.Ltmp78, $3  }
0x3d8: {  	_ =	sdelay $0x1  }
0x3d9: {  	v6 =	vsel @!p2 vm1, v6, v7  }
0x3da: {  	[tilespmem:s16+$0x16800] =	vst @!p2 v6  }
0x3db: {  	p2 =	sgt.s32 s5, s7  }
0x3dc: {  	s23 =	sxor.u32 $0xFFFFFFFF, s3;
	s7 =	smov.u32 @p2 s5  }
0x3dd: {  	s5 =	sadd.s32 s7, s23  }
0x3de: {  	p3 =	sne.s32 s5, $0x1  }
.Ltmp79:
0x3df: {  	_ = 	snop;
	(pc) =	sbr.rel @!p3 .LBB2_86-.Ltmp79, $4  }
0x3e0: {  	s24 =	sshll.u32 s3, $0x6  }
0x3e1: {  	s3 =	sshra.s32 s24, $0x2  }
0x3e2: {  	s16 =	sadd.s32 $0x16810, s3;
	s3 =	sadd.s32 $0x10, s17  }
0x3e3: {  	p2 =	por $0x0, $0x0;
	s7 =	sand.u32 $0xFFFFFFF0, s3;
	s5 =	sadd.s32 $0xFFFFFFFF, s5  }
0x3e4: {  	v6 =	vld [tilespmem:s7+$0x80];
	_ =	sdelay $0x4  }
0x3e5: {  	v7 =	vshll.u32 v6, $0x3  }
0x3e6: {  	v8 =	vshrl.u32 v6, $0x4;
	v6 =	vand.u32 $0xC07F, v6;
	v7 =	vand.u32 $0x3C00, v7  }
0x3e7: {  	v8 =	vand.u32 $0x380, v8;
	v6 =	vor.u32 v7, v6  }
0x3e8: {  	v6 =	vor.u32 v8, v6;
	_ =	sdelay $0x4  }
0x3e9: {  	p3 =	sne.s32 s5, $0x1;
	v6 =	vld.idx.msk [tilespmem:v6+s31+$0x0], $0xffff  }
.Ltmp80:
0x3ea: {  	_ = 	snop;
	(pc) =	sbr.rel @!p3 .LBB2_88-.Ltmp80, $3  }
0x3eb: {  	_ =	sdelay $0x1  }
0x3ec: {  	s17 =	sadd.s32 $0x10, s3;
	s5 =	sadd.s32 $0xFFFFFFFF, s5  }
0x3ed: {  	p2 =	por $0x1, $0x1;
	s3 =	smov.u32 s16;
	s7 =	sand.u32 $0xFFFFFFF0, s17;
	[tilespmem:s16+$0x0] =	vst v6  }
.LBB2_89:
0x3ee: {  	p3 =	sne.s32 s5, $0x1;
	v6 =	vld [tilespmem:s7+$0x80];
	_ =	sdelay $0x4  }
0x3ef: {  	v7 =	vshll.u32 v6, $0x3  }
0x3f0: {  	v8 =	vshrl.u32 v6, $0x4;
	v6 =	vand.u32 $0xC07F, v6;
	v7 =	vand.u32 $0x3C00, v7  }
0x3f1: {  	v8 =	vand.u32 $0x380, v8;
	v6 =	vor.u32 v7, v6  }
0x3f2: {  	v6 =	vor.u32 v8, v6;
	_ =	sdelay $0x4  }
0x3f3: {  	v6 =	vld.idx.msk [tilespmem:v6+s31+$0x0], $0xffff;
	_ =	sdelay $0x1  }
.Ltmp81:
0x3f4: {  	(pc) =	sbr.rel @p3 .LBB2_89-.Ltmp81, $3  }
0x3f5: {  	_ =	sdelay $0x1  }
0x3f6: {  	s17 =	sadd.s32 $0x10, s17;
	s3 =	sadd.s32 $0x10, s3  }
0x3f7: {  	s5 =	sadd.s32 $0xFFFFFFFF, s5;
	s7 =	sand.u32 $0xFFFFFFF0, s17;
	[tilespmem:s3+$0x0] =	vst v6  }
.Ltmp82:
0x3f8: {  	_ = 	snop;
	(pc) =	sbr.rel .LBB2_90-.Ltmp82, $1  }
0x3f9: {  	_ =	sdelay $0x3  }
.LBB2_88:
.Ltmp83:
0x3fa: {  	(pc) =	sbr.rel .LBB2_90-.Ltmp83, $2  }
0x3fb: {  	_ =	sdelay $0x2  }
0x3fc: {  	s3 =	smov.u32 s16  }
.LBB2_97:
0x3fd: {  	_ =	sfence.sel $0x180000  }
0x3fe: {  	[bflag:$0x0] =	sbarrier.arrive $0xFFFF  }
0x3ff: {  	_ =	strace $0x90000047  }
0x400: {  	s0 =	stileid.u32;
	[bflag:$0x2] =	sbarrier.arrive $0xFFFF  }
0x401: {  	p0 =	sne.s32 s0, $0x0;
	s0 =	rddreg [dreg:$0x6]  }
0x402: {  	s0 =	sadd.s32 @!p0 $0x100000, s0  }
0x403: {  	[sflag:s0] =	ssyncadd.tile.s32 @!p0 $0x1;
	_ =	shalt  }
.Lfunc_end2:
_tile_overlayer_lowered:
.L_overlay_start_2:
0x404: {  	(tag) =	ssettag $0x2  }
0x405: {  	s0 =	rddreg [dreg:$0x0];
	s2 =	stileid.u32  }
0x406: {  	s1 =	rddreg [dreg:$0x1];
	p0 =	sne.s32 s2, $0x0  }
0x407: {  	s3 =	rddreg [dreg:$0x2];
	[bflag:$0x3] =	sbarrier.arrive $0xFFFF;
	s2 =	simm.s32 @!p0 $0x1C03  }
0x408: {  	[timem:s3], [sflag:s2] =	dma.local @!p0 [hbm:s0], s1  }
0x409: {  	s0 =	simm.s32 @!p0 $0x3  }
0x40a: {  	_ =	swait.ge @!p0 [sflag:s0], s1  }
0x40b: {  	s1 =	ssub.s32 @!p0 $0x0, s1;
	[sflag:s0] =	ssyncset.done @!p0 $0x0  }
0x40c: {  	[sflag:s0] =	ssyncadd.s32 @!p0 s1  }
0x40d: {  	[bflag:$0x3] =	sbarrier.arrive $0xFFFF  }
0x40e: {  	_ =	shalt  }

</sc_bundles>
